<compile_context>
chip_gen: v7x
topology: tpu7x:2x2x1
jax: 0.10.2.dev20260603
libtpu: 0.0.44.dev20260713+nightly
codegen_flags: <defaults>
</compile_context>

<pallas_src>
import jax
import jax.numpy as jnp
from jax import lax
from jax.experimental import pallas as pl
from jax.experimental.pallas import tpu as pltpu
from jax.experimental.pallas import tpu_sc as plsc

N = 10000
E = 320000
IN = 128
H = 4
OUT = 32
NEG_SLOPE = 0.2

HD = 144
ED = 16
NC = 2
NS = 16
NW = NC * NS
EPW = E // NW
C = 80
NCHUNK = EPW // C
NPAD = 10240
RPT = NPAD // NS

BT = 1000
GRID = N // BT
BTF = 2048
GRIDF = 5


def _prep_body(x_ref, w_ref, alr_ref, h_ref, lr_ref):
    x = x_ref[...]
    h = jnp.dot(x, w_ref[...], preferred_element_type=jnp.float32)
    elr = jnp.dot(h, alr_ref[...], preferred_element_type=jnp.float32)
    z12 = jnp.zeros((BT, 12), jnp.float32)
    h_ref[...] = jnp.concatenate([h, elr[:, 0:4], z12], axis=1)
    lr_ref[...] = jnp.concatenate([elr[:, 4:8], z12], axis=1)


def _finish_body(n0_ref, n1_ref, d0_ref, d1_ref, x_ref, b_ref, o_ref):
    nsum = n0_ref[:, 0:IN] + n1_ref[:, 0:IN]
    dsum = d0_ref[...] + d1_ref[...]
    inv = 1.0 / jnp.maximum(dsum, 1e-9)
    parts = [nsum[:, h * OUT:(h + 1) * OUT] * inv[:, h:h + 1] for h in range(H)]
    o_ref[...] = jnp.concatenate(parts, axis=1) + x_ref[...] + b_ref[...]


def _edge_body(h_hbm, lr_hbm, idx3_hbm,
               num_hbm, den_hbm,
               hrA, hrB, ldA, ldB, eeA, eeB, idxv,
               num_sp, den_sp, gsemA, gsemB, asem):
    cid = lax.axis_index("c")
    sid = lax.axis_index("s")
    wid = cid * NS + sid
    iota = lax.iota(jnp.int32, 16)
    zero16 = jnp.zeros((16,), jnp.float32)

    def _zb(r, carry):
        for j in range(HD // 16):
            hrA[r, pl.ds(j * 16, 16)] = zero16
        eeA[r, pl.ds(0, 16)] = zero16
        eeB[r, pl.ds(0, 16)] = zero16
        return carry
    lax.fori_loop(0, C, _zb, None)
    rb = sid * RPT
    for t in range(RPT // C):
        pltpu.sync_copy(hrA, num_sp.at[pl.ds(rb + t * C, C)])
        pltpu.sync_copy(eeA, den_sp.at[pl.ds(rb + t * C, C)])
    plsc.subcore_barrier()

    cb = wid * NCHUNK

    def _load_idx(k, b):
        pltpu.sync_copy(idx3_hbm.at[pl.ds(cb + k, 1)], idxv.at[pl.ds(b, 1)])

    def _fire(b, hr, ld, gsem):
        pltpu.async_copy(h_hbm.at[idxv.at[b, 0]], hr, gsem)
        pltpu.async_copy(lr_hbm.at[idxv.at[b, 1]], ld, gsem)

    def _wait(b, hr, ld, gsem):
        pltpu.make_async_copy(h_hbm.at[idxv.at[b, 0]], hr, gsem).wait()
        pltpu.make_async_copy(lr_hbm.at[idxv.at[b, 1]], ld, gsem).wait()

    def _compute(b, hr, ld, ee):
        for kk in range(C * H // 16):
            lane = kk * 16 + iota
            row = lane >> 2
            col = lane & 3
            a = plsc.load_gather(hr, [row, col + IN])
            bb = plsc.load_gather(ld, [row, col])
            x = a + bb
            e = jnp.maximum(x, 0.0) + NEG_SLOPE * jnp.minimum(x, 0.0)
            plsc.store_scatter(ee, [row, col], jnp.exp(e))

        def _scale(c, c2):
            svec = ee[c, pl.ds(0, 16)]
            for h in range(H):
                sc = svec[h]
                for j in range(2):
                    sl = pl.ds(h * OUT + j * 16, 16)
                    hr[c, sl] = hr[c, sl] * sc
            return c2
        lax.fori_loop(0, C // 4, lambda q, c2: [_scale(4 * q + r, c2) for r in range(4)][-1], None)

        a1 = pltpu.async_copy(hr, num_sp.at[idxv.at[b, 1]], asem, add=True)
        a2 = pltpu.async_copy(ee, den_sp.at[idxv.at[b, 1]], asem, add=True)
        a1.wait()
        a2.wait()

    _load_idx(0, 0)
    _load_idx(1, 1)
    _fire(0, hrA, ldA, gsemA)
    _fire(1, hrB, ldB, gsemB)

    def _chunk2(i, carry):
        k = 2 * i
        _wait(0, hrA, ldA, gsemA)
        _compute(0, hrA, ldA, eeA)
        _load_idx(k + 2, 0)
        _fire(0, hrA, ldA, gsemA)
        _wait(1, hrB, ldB, gsemB)
        _compute(1, hrB, ldB, eeB)

        @pl.when(k + 3 < NCHUNK)
        def _():
            _load_idx(k + 3, 1)
            _fire(1, hrB, ldB, gsemB)
        return carry
    lax.fori_loop(0, (NCHUNK - 1) // 2, _chunk2, None)
    _wait(0, hrA, ldA, gsemA)
    _compute(0, hrA, ldA, eeA)
    plsc.subcore_barrier()

    for t in range(RPT // C):
        ro = rb + t * C
        go = cid * NPAD + ro
        pltpu.sync_copy(num_sp.at[pl.ds(ro, C)], hrA)
        pltpu.sync_copy(hrA, num_hbm.at[pl.ds(go, C)])
        pltpu.sync_copy(den_sp.at[pl.ds(ro, C)], eeA)
        pltpu.sync_copy(eeA, den_hbm.at[pl.ds(go, C)])


def kernel(feats, edge_index, W, attn_l, attn_r, bias):
    f32 = jnp.float32
    rows = jnp.arange(IN, dtype=jnp.int32)
    Al = jnp.zeros((IN, H), f32).at[rows, rows // OUT].set(attn_l.reshape(-1))
    Ar = jnp.zeros((IN, H), f32).at[rows, rows // OUT].set(attn_r.reshape(-1))
    Alr = jnp.concatenate([Al, Ar], axis=1)

    h_t, lr_t = pl.pallas_call(
        _prep_body,
        grid=(GRID,),
        in_specs=[
            pl.BlockSpec((BT, IN), lambda i: (i, 0)),
            pl.BlockSpec((IN, IN), lambda i: (0, 0)),
            pl.BlockSpec((IN, 2 * H), lambda i: (0, 0)),
        ],
        out_specs=[
            pl.BlockSpec((BT, HD), lambda i: (i, 0)),
            pl.BlockSpec((BT, ED), lambda i: (i, 0)),
        ],
        out_shape=[
            jax.ShapeDtypeStruct((N, HD), f32),
            jax.ShapeDtypeStruct((N, ED), f32),
        ],
    )(feats, W, Alr)

    idx3 = jnp.stack(
        [edge_index[0].reshape(E // C, C), edge_index[1].reshape(E // C, C)],
        axis=1)

    edge_kernel = pl.kernel(
        _edge_body,
        out_type=[
            jax.ShapeDtypeStruct((2 * NPAD, HD), f32),
            jax.ShapeDtypeStruct((2 * NPAD, ED), f32),
        ],
        mesh=plsc.VectorSubcoreMesh(
            core_axis_name="c", subcore_axis_name="s",
            num_cores=NC, num_subcores=NS),
        compiler_params=pltpu.CompilerParams(
            use_tc_tiling_on_sc=False, needs_layout_passes=False),
        scratch_types=[
            pltpu.VMEM((C, HD), f32),
            pltpu.VMEM((C, HD), f32),
            pltpu.VMEM((C, ED), f32),
            pltpu.VMEM((C, ED), f32),
            pltpu.VMEM((C, ED), f32),
            pltpu.VMEM((C, ED), f32),
            pltpu.VMEM((2, 2, C), jnp.int32),
            pltpu.VMEM_SHARED((NPAD, HD), f32),
            pltpu.VMEM_SHARED((NPAD, ED), f32),
            pltpu.SemaphoreType.DMA,
            pltpu.SemaphoreType.DMA,
            pltpu.SemaphoreType.DMA,
        ],
    )
    num_all, den_all = edge_kernel(h_t, lr_t, idx3)

    half = NPAD // BTF
    out = pl.pallas_call(
        _finish_body,
        grid=(GRIDF,),
        in_specs=[
            pl.BlockSpec((BTF, HD), lambda i: (i, 0)),
            pl.BlockSpec((BTF, HD), lambda i: (i + half, 0)),
            pl.BlockSpec((BTF, ED), lambda i: (i, 0)),
            pl.BlockSpec((BTF, ED), lambda i: (i + half, 0)),
            pl.BlockSpec((BTF, IN), lambda i: (i, 0)),
            pl.BlockSpec((1, IN), lambda i: (0, 0)),
        ],
        out_specs=pl.BlockSpec((BTF, IN), lambda i: (i, 0)),
        out_shape=jax.ShapeDtypeStruct((N, IN), f32),
    )(num_all, num_all, den_all, den_all, feats, bias.reshape(1, IN))
    return out

# --- scband reference (transcript-rebuilt; emitter-appended) ---
"""Pipeline reference for scband-gatlayer-15195594293512 (READ-ONLY COPY).

The authoritative reference and input builder live on the scoring server;
editing this copy changes nothing except your own understanding.
"""

import jax, jax.numpy as jnp
import numpy as np

N = 10000
E = 320000
IN = 128
H = 4
OUT = 32
NEG_SLOPE = 0.2


def setup_inputs(seed: int = 0) -> dict:
    key = jax.random.key(seed)
    k0, k1, k2, k3, k4, k5 = jax.random.split(key, 6)
    feats = jax.random.normal(k0, (N, IN), dtype=jnp.float32)
    edge_index = jax.random.randint(k1, (2, E), 0, N, dtype=jnp.int32)
    W = jax.random.normal(k2, (IN, H * OUT), dtype=jnp.float32) * 0.1
    attn_l = jax.random.normal(k3, (H, OUT), dtype=jnp.float32) * 0.1
    attn_r = jax.random.normal(k4, (H, OUT), dtype=jnp.float32) * 0.1
    bias = jax.random.normal(k5, (H * OUT,), dtype=jnp.float32) * 0.01
    return {"feats": feats, "edge_index": edge_index, "W": W,
            "attn_l": attn_l, "attn_r": attn_r, "bias": bias}


def reference(feats, edge_index, W, attn_l, attn_r, bias):
    src = edge_index[0]
    dst = edge_index[1]
    # GATConv: linear projection (feat_drop/attn_drop = 0 -> identity)
    h = feats @ W                       # [N, H*OUT]
    h3 = h.reshape(N, H, OUT)           # [N, H, OUT]
    el = (h3 * attn_l[None, :, :]).sum(-1)   # [N, H]
    er = (h3 * attn_r[None, :, :]).sum(-1)   # [N, H]
    e = el[src] + er[dst]               # [E, H]
    e = jax.nn.leaky_relu(e, NEG_SLOPE)
    # edge softmax over incoming edges of each dst node
    emax = jax.ops.segment_max(e, dst, num_segments=N)  # [N, H]
    emax = jnp.where(jnp.isfinite(emax), emax, 0.0)
    ee = jnp.exp(e - emax[dst])                          # [E, H]
    denom = jax.ops.segment_sum(ee, dst, num_segments=N)  # [N, H]
    a = ee / jnp.maximum(denom[dst], 1e-9)               # [E, H]
    # message passing: weighted sum of source features
    msg = h3[src] * a[:, :, None]                        # [E, H, OUT]
    rst = jax.ops.segment_sum(msg, dst, num_segments=N)  # [N, H, OUT]
    # residual: in_feats == num_heads*out_feats -> identity res_fc
    rst = rst + feats.reshape(N, H, OUT)
    # bias
    rst = rst + bias.reshape(1, H, OUT)
    # agg_modes == 'flatten'
    out = rst.reshape(N, H * OUT)
    return out

if __name__ == "__main__":
    import jax
    _d = setup_inputs()
    print(jax.jit(kernel)(*tuple(_d.values())))

</pallas_src>

<mosaic_0001>
#map = affine_map<(d0, d1) -> (0, 0)>
#map1 = affine_map<(d0, d1) -> (0, 0, 0)>
module attributes {stable_mosaic.version = 14 : i64} {
  func.func @_edge_body(%arg0: i32, %arg1: i32, %arg2: memref<10000x144xf32, #tpu.memory_space<hbm>>, %arg3: memref<10000x16xf32, #tpu.memory_space<hbm>>, %arg4: memref<4000x2x80xi32, #tpu.memory_space<hbm>>, %arg5: memref<20480x144xf32, #tpu.memory_space<hbm>>, %arg6: memref<20480x16xf32, #tpu.memory_space<hbm>>, %arg7: memref<80x144xf32, #tpu.memory_space<vmem>>, %arg8: memref<80x144xf32, #tpu.memory_space<vmem>>, %arg9: memref<80x16xf32, #tpu.memory_space<vmem>>, %arg10: memref<80x16xf32, #tpu.memory_space<vmem>>, %arg11: memref<80x16xf32, #tpu.memory_space<vmem>>, %arg12: memref<80x16xf32, #tpu.memory_space<vmem>>, %arg13: memref<2x2x80xi32, #tpu.memory_space<vmem>>, %arg14: memref<10240x144xf32, #tpu.memory_space<vmem_shared>>, %arg15: memref<10240x16xf32, #tpu.memory_space<vmem_shared>>, %arg16: memref<!tpu.dma_semaphore, #tpu.memory_space<semaphore_mem>>, %arg17: memref<!tpu.dma_semaphore, #tpu.memory_space<semaphore_mem>>, %arg18: memref<!tpu.dma_semaphore, #tpu.memory_space<semaphore_mem>>) attributes {dimension_semantics = [#tpu.dimension_semantics<core_parallel>, #tpu.dimension_semantics<subcore_parallel>], iteration_bounds = array<i64: 2, 16>, scalar_prefetch = 0 : i64, scratch_operands = 12 : i64, tpu.core_type = #tpu.core_type<sc_vector_subcore>, window_params = [{transform_indices = #map}, {transform_indices = #map}, {transform_indices = #map1}, {transform_indices = #map}, {transform_indices = #map}]} {
    %mul3A = arith.constant 16 : i32
    %mul3A_0 = arith.muli %arg0, %mul3A : i32
    %add3A = arith.addi %mul3A_0, %arg1 : i32
    %iota3A = tpu.iota {dimensions = array<i32: 0>} : vector<16xi32>
    %broadcast_in_dim3A = arith.constant 0.000000e+00 : f32
    %broadcast_in_dim3A_1 = vector.broadcast %broadcast_in_dim3A : f32 to vector<16xf32>
    %scan3A = arith.constant 0 : i32
    %scan3A_2 = arith.constant 80 : i32
    %scan3A_3 = arith.addi %scan3A, %scan3A_2 : i32
    %scan3A_4 = arith.constant 1 : i32
    scf.for %scan3A_689 = %scan3A to %scan3A_3 step %scan3A_4  : i32 {
      %swap3A = arith.index_cast %scan3A_689 : i32 to index
      %swap3A_690 = arith.constant 0 : index
      %swap3A_691 = tpu.vector_load %arg7[%swap3A, %swap3A_690] {strides = array<i32>} : memref<80x144xf32, #tpu.memory_space<vmem>>, vector<16xf32>,
      tpu.vector_store %arg7[%swap3A, %swap3A_690], %broadcast_in_dim3A_1 {strides = array<i32>} : memref<80x144xf32, #tpu.memory_space<vmem>>, vector<16xf32>,
      %swap3A_692 = arith.index_cast %scan3A_689 : i32 to index
      %swap3A_693 = arith.constant 16 : index
      %swap3A_694 = tpu.vector_load %arg7[%swap3A_692, %swap3A_693] {strides = array<i32>} : memref<80x144xf32, #tpu.memory_space<vmem>>, vector<16xf32>,
      tpu.vector_store %arg7[%swap3A_692, %swap3A_693], %broadcast_in_dim3A_1 {strides = array<i32>} : memref<80x144xf32, #tpu.memory_space<vmem>>, vector<16xf32>,
      %swap3A_695 = arith.index_cast %scan3A_689 : i32 to index
      %swap3A_696 = arith.constant 32 : index
      %swap3A_697 = tpu.vector_load %arg7[%swap3A_695, %swap3A_696] {strides = array<i32>} : memref<80x144xf32, #tpu.memory_space<vmem>>, vector<16xf32>,
      tpu.vector_store %arg7[%swap3A_695, %swap3A_696], %broadcast_in_dim3A_1 {strides = array<i32>} : memref<80x144xf32, #tpu.memory_space<vmem>>, vector<16xf32>,
      %swap3A_698 = arith.index_cast %scan3A_689 : i32 to index
      %swap3A_699 = arith.constant 48 : index
      %swap3A_700 = tpu.vector_load %arg7[%swap3A_698, %swap3A_699] {strides = array<i32>} : memref<80x144xf32, #tpu.memory_space<vmem>>, vector<16xf32>,
      tpu.vector_store %arg7[%swap3A_698, %swap3A_699], %broadcast_in_dim3A_1 {strides = array<i32>} : memref<80x144xf32, #tpu.memory_space<vmem>>, vector<16xf32>,
      %swap3A_701 = arith.index_cast %scan3A_689 : i32 to index
      %swap3A_702 = arith.constant 64 : index
      %swap3A_703 = tpu.vector_load %arg7[%swap3A_701, %swap3A_702] {strides = array<i32>} : memref<80x144xf32, #tpu.memory_space<vmem>>, vector<16xf32>,
      tpu.vector_store %arg7[%swap3A_701, %swap3A_702], %broadcast_in_dim3A_1 {strides = array<i32>} : memref<80x144xf32, #tpu.memory_space<vmem>>, vector<16xf32>,
      %swap3A_704 = arith.index_cast %scan3A_689 : i32 to index
      %swap3A_705 = arith.constant 80 : index
      %swap3A_706 = tpu.vector_load %arg7[%swap3A_704, %swap3A_705] {strides = array<i32>} : memref<80x144xf32, #tpu.memory_space<vmem>>, vector<16xf32>,
      tpu.vector_store %arg7[%swap3A_704, %swap3A_705], %broadcast_in_dim3A_1 {strides = array<i32>} : memref<80x144xf32, #tpu.memory_space<vmem>>, vector<16xf32>,
      %swap3A_707 = arith.index_cast %scan3A_689 : i32 to index
      %swap3A_708 = arith.constant 96 : index
      %swap3A_709 = tpu.vector_load %arg7[%swap3A_707, %swap3A_708] {strides = array<i32>} : memref<80x144xf32, #tpu.memory_space<vmem>>, vector<16xf32>,
      tpu.vector_store %arg7[%swap3A_707, %swap3A_708], %broadcast_in_dim3A_1 {strides = array<i32>} : memref<80x144xf32, #tpu.memory_space<vmem>>, vector<16xf32>,
      %swap3A_710 = arith.index_cast %scan3A_689 : i32 to index
      %swap3A_711 = arith.constant 112 : index
      %swap3A_712 = tpu.vector_load %arg7[%swap3A_710, %swap3A_711] {strides = array<i32>} : memref<80x144xf32, #tpu.memory_space<vmem>>, vector<16xf32>,
      tpu.vector_store %arg7[%swap3A_710, %swap3A_711], %broadcast_in_dim3A_1 {strides = array<i32>} : memref<80x144xf32, #tpu.memory_space<vmem>>, vector<16xf32>,
      %swap3A_713 = arith.index_cast %scan3A_689 : i32 to index
      %swap3A_714 = arith.constant 128 : index
      %swap3A_715 = tpu.vector_load %arg7[%swap3A_713, %swap3A_714] {strides = array<i32>} : memref<80x144xf32, #tpu.memory_space<vmem>>, vector<16xf32>,
      tpu.vector_store %arg7[%swap3A_713, %swap3A_714], %broadcast_in_dim3A_1 {strides = array<i32>} : memref<80x144xf32, #tpu.memory_space<vmem>>, vector<16xf32>,
      %swap3A_716 = arith.index_cast %scan3A_689 : i32 to index
      %swap3A_717 = arith.constant 0 : index
      %swap3A_718 = tpu.vector_load %arg11[%swap3A_716, %swap3A_717] {strides = array<i32>} : memref<80x16xf32, #tpu.memory_space<vmem>>, vector<16xf32>,
      tpu.vector_store %arg11[%swap3A_716, %swap3A_717], %broadcast_in_dim3A_1 {strides = array<i32>} : memref<80x16xf32, #tpu.memory_space<vmem>>, vector<16xf32>,
      %swap3A_719 = arith.index_cast %scan3A_689 : i32 to index
      %swap3A_720 = arith.constant 0 : index
      %swap3A_721 = tpu.vector_load %arg12[%swap3A_719, %swap3A_720] {strides = array<i32>} : memref<80x16xf32, #tpu.memory_space<vmem>>, vector<16xf32>,
      tpu.vector_store %arg12[%swap3A_719, %swap3A_720], %broadcast_in_dim3A_1 {strides = array<i32>} : memref<80x16xf32, #tpu.memory_space<vmem>>, vector<16xf32>,
    }
    %scan3A_5 = arith.constant 80 : i32
    %mul3A_6 = arith.constant 640 : i32
    %mul3A_7 = arith.muli %arg1, %mul3A_6 : i32
    %add3A_8 = arith.constant 0 : i32
    %add3A_9 = arith.addi %mul3A_7, %add3A_8 : i32
    "tpu.region"() ({
      %run_scoped3A = tpu.sem_alloc : memref<!tpu.dma_semaphore, #tpu.memory_space<semaphore_mem>>
      %dma_start3A_689 = arith.constant 0 : i32
      %dma_start3A_690 = tpu.memref_slice %arg14[%add3A_9, %dma_start3A_689] : memref<10240x144xf32, #tpu.memory_space<vmem_shared>> -> memref<80x144xf32, #tpu.memory_space<vmem_shared>>
      %dma_start3A_691 = arith.constant 0 : i32
      %dma_start3A_692 = tpu.memref_slice %arg14[%add3A_9, %dma_start3A_691] : memref<10240x144xf32, #tpu.memory_space<vmem_shared>> -> memref<80x144xf32, #tpu.memory_space<vmem_shared>>
      tpu.enqueue_dma source(%arg7 : memref<80x144xf32, #tpu.memory_space<vmem>>) target(%dma_start3A_692 : memref<80x144xf32, #tpu.memory_space<vmem_shared>>) target_semaphore(%run_scoped3A : memref<!tpu.dma_semaphore, #tpu.memory_space<semaphore_mem>>)
      %dma_wait3A_693 = arith.constant 0 : i32
      %dma_wait3A_694 = tpu.memref_slice %arg14[%add3A_9, %dma_wait3A_693] : memref<10240x144xf32, #tpu.memory_space<vmem_shared>> -> memref<80x144xf32, #tpu.memory_space<vmem_shared>>
      %dma_wait3A_695 = arith.constant 0 : i32
      %dma_wait3A_696 = tpu.memref_slice %arg14[%add3A_9, %dma_wait3A_695] : memref<10240x144xf32, #tpu.memory_space<vmem_shared>> -> memref<80x144xf32, #tpu.memory_space<vmem_shared>>
      tpu.wait_dma2 semaphore(%run_scoped3A : memref<!tpu.dma_semaphore, #tpu.memory_space<semaphore_mem>>) src(%arg7 : memref<80x144xf32, #tpu.memory_space<vmem>>) dst(%dma_wait3A_696 : memref<80x144xf32, #tpu.memory_space<vmem_shared>>)
      tpu.yield
    }) : () -> ()
    %add3A_10 = arith.constant 0 : i32
    %add3A_11 = arith.addi %mul3A_7, %add3A_10 : i32
    "tpu.region"() ({
      %run_scoped3A = tpu.sem_alloc : memref<!tpu.dma_semaphore, #tpu.memory_space<semaphore_mem>>
      %dma_start3A_689 = arith.constant 0 : i32
      %dma_start3A_690 = tpu.memref_slice %arg15[%add3A_11, %dma_start3A_689] : memref<10240x16xf32, #tpu.memory_space<vmem_shared>> -> memref<80x16xf32, #tpu.memory_space<vmem_shared>>
      %dma_start3A_691 = arith.constant 0 : i32
      %dma_start3A_692 = tpu.memref_slice %arg15[%add3A_11, %dma_start3A_691] : memref<10240x16xf32, #tpu.memory_space<vmem_shared>> -> memref<80x16xf32, #tpu.memory_space<vmem_shared>>
      tpu.enqueue_dma source(%arg11 : memref<80x16xf32, #tpu.memory_space<vmem>>) target(%dma_start3A_692 : memref<80x16xf32, #tpu.memory_space<vmem_shared>>) target_semaphore(%run_scoped3A : memref<!tpu.dma_semaphore, #tpu.memory_space<semaphore_mem>>)
      %dma_wait3A_693 = arith.constant 0 : i32
      %dma_wait3A_694 = tpu.memref_slice %arg15[%add3A_11, %dma_wait3A_693] : memref<10240x16xf32, #tpu.memory_space<vmem_shared>> -> memref<80x16xf32, #tpu.memory_space<vmem_shared>>
      %dma_wait3A_695 = arith.constant 0 : i32
      %dma_wait3A_696 = tpu.memref_slice %arg15[%add3A_11, %dma_wait3A_695] : memref<10240x16xf32, #tpu.memory_space<vmem_shared>> -> memref<80x16xf32, #tpu.memory_space<vmem_shared>>
      tpu.wait_dma2 semaphore(%run_scoped3A : memref<!tpu.dma_semaphore, #tpu.memory_space<semaphore_mem>>) src(%arg11 : memref<80x16xf32, #tpu.memory_space<vmem>>) dst(%dma_wait3A_696 : memref<80x16xf32, #tpu.memory_space<vmem_shared>>)
      tpu.yield
    }) : () -> ()
    %add3A_12 = arith.constant 80 : i32
    %add3A_13 = arith.addi %mul3A_7, %add3A_12 : i32
    "tpu.region"() ({
      %run_scoped3A = tpu.sem_alloc : memref<!tpu.dma_semaphore, #tpu.memory_space<semaphore_mem>>
      %dma_start3A_689 = arith.constant 0 : i32
      %dma_start3A_690 = tpu.memref_slice %arg14[%add3A_13, %dma_start3A_689] : memref<10240x144xf32, #tpu.memory_space<vmem_shared>> -> memref<80x144xf32, #tpu.memory_space<vmem_shared>>
      %dma_start3A_691 = arith.constant 0 : i32
      %dma_start3A_692 = tpu.memref_slice %arg14[%add3A_13, %dma_start3A_691] : memref<10240x144xf32, #tpu.memory_space<vmem_shared>> -> memref<80x144xf32, #tpu.memory_space<vmem_shared>>
      tpu.enqueue_dma source(%arg7 : memref<80x144xf32, #tpu.memory_space<vmem>>) target(%dma_start3A_692 : memref<80x144xf32, #tpu.memory_space<vmem_shared>>) target_semaphore(%run_scoped3A : memref<!tpu.dma_semaphore, #tpu.memory_space<semaphore_mem>>)
      %dma_wait3A_693 = arith.constant 0 : i32
      %dma_wait3A_694 = tpu.memref_slice %arg14[%add3A_13, %dma_wait3A_693] : memref<10240x144xf32, #tpu.memory_space<vmem_shared>> -> memref<80x144xf32, #tpu.memory_space<vmem_shared>>
      %dma_wait3A_695 = arith.constant 0 : i32
      %dma_wait3A_696 = tpu.memref_slice %arg14[%add3A_13, %dma_wait3A_695] : memref<10240x144xf32, #tpu.memory_space<vmem_shared>> -> memref<80x144xf32, #tpu.memory_space<vmem_shared>>
      tpu.wait_dma2 semaphore(%run_scoped3A : memref<!tpu.dma_semaphore, #tpu.memory_space<semaphore_mem>>) src(%arg7 : memref<80x144xf32, #tpu.memory_space<vmem>>) dst(%dma_wait3A_696 : memref<80x144xf32, #tpu.memory_space<vmem_shared>>)
      tpu.yield
    }) : () -> ()
    %add3A_14 = arith.constant 80 : i32
    %add3A_15 = arith.addi %mul3A_7, %add3A_14 : i32
    "tpu.region"() ({
      %run_scoped3A = tpu.sem_alloc : memref<!tpu.dma_semaphore, #tpu.memory_space<semaphore_mem>>
      %dma_start3A_689 = arith.constant 0 : i32
      %dma_start3A_690 = tpu.memref_slice %arg15[%add3A_15, %dma_start3A_689] : memref<10240x16xf32, #tpu.memory_space<vmem_shared>> -> memref<80x16xf32, #tpu.memory_space<vmem_shared>>
      %dma_start3A_691 = arith.constant 0 : i32
      %dma_start3A_692 = tpu.memref_slice %arg15[%add3A_15, %dma_start3A_691] : memref<10240x16xf32, #tpu.memory_space<vmem_shared>> -> memref<80x16xf32, #tpu.memory_space<vmem_shared>>
      tpu.enqueue_dma source(%arg11 : memref<80x16xf32, #tpu.memory_space<vmem>>) target(%dma_start3A_692 : memref<80x16xf32, #tpu.memory_space<vmem_shared>>) target_semaphore(%run_scoped3A : memref<!tpu.dma_semaphore, #tpu.memory_space<semaphore_mem>>)
      %dma_wait3A_693 = arith.constant 0 : i32
      %dma_wait3A_694 = tpu.memref_slice %arg15[%add3A_15, %dma_wait3A_693] : memref<10240x16xf32, #tpu.memory_space<vmem_shared>> -> memref<80x16xf32, #tpu.memory_space<vmem_shared>>
      %dma_wait3A_695 = arith.constant 0 : i32
      %dma_wait3A_696 = tpu.memref_slice %arg15[%add3A_15, %dma_wait3A_695] : memref<10240x16xf32, #tpu.memory_space<vmem_shared>> -> memref<80x16xf32, #tpu.memory_space<vmem_shared>>
      tpu.wait_dma2 semaphore(%run_scoped3A : memref<!tpu.dma_semaphore, #tpu.memory_space<semaphore_mem>>) src(%arg11 : memref<80x16xf32, #tpu.memory_space<vmem>>) dst(%dma_wait3A_696 : memref<80x16xf32, #tpu.memory_space<vmem_shared>>)
      tpu.yield
    }) : () -> ()
    %add3A_16 = arith.constant 160 : i32
    %add3A_17 = arith.addi %mul3A_7, %add3A_16 : i32
    "tpu.region"() ({
      %run_scoped3A = tpu.sem_alloc : memref<!tpu.dma_semaphore, #tpu.memory_space<semaphore_mem>>
      %dma_start3A_689 = arith.constant 0 : i32
      %dma_start3A_690 = tpu.memref_slice %arg14[%add3A_17, %dma_start3A_689] : memref<10240x144xf32, #tpu.memory_space<vmem_shared>> -> memref<80x144xf32, #tpu.memory_space<vmem_shared>>
      %dma_start3A_691 = arith.constant 0 : i32
      %dma_start3A_692 = tpu.memref_slice %arg14[%add3A_17, %dma_start3A_691] : memref<10240x144xf32, #tpu.memory_space<vmem_shared>> -> memref<80x144xf32, #tpu.memory_space<vmem_shared>>
      tpu.enqueue_dma source(%arg7 : memref<80x144xf32, #tpu.memory_space<vmem>>) target(%dma_start3A_692 : memref<80x144xf32, #tpu.memory_space<vmem_shared>>) target_semaphore(%run_scoped3A : memref<!tpu.dma_semaphore, #tpu.memory_space<semaphore_mem>>)
      %dma_wait3A_693 = arith.constant 0 : i32
      %dma_wait3A_694 = tpu.memref_slice %arg14[%add3A_17, %dma_wait3A_693] : memref<10240x144xf32, #tpu.memory_space<vmem_shared>> -> memref<80x144xf32, #tpu.memory_space<vmem_shared>>
      %dma_wait3A_695 = arith.constant 0 : i32
      %dma_wait3A_696 = tpu.memref_slice %arg14[%add3A_17, %dma_wait3A_695] : memref<10240x144xf32, #tpu.memory_space<vmem_shared>> -> memref<80x144xf32, #tpu.memory_space<vmem_shared>>
      tpu.wait_dma2 semaphore(%run_scoped3A : memref<!tpu.dma_semaphore, #tpu.memory_space<semaphore_mem>>) src(%arg7 : memref<80x144xf32, #tpu.memory_space<vmem>>) dst(%dma_wait3A_696 : memref<80x144xf32, #tpu.memory_space<vmem_shared>>)
      tpu.yield
    }) : () -> ()
    %add3A_18 = arith.constant 160 : i32
    %add3A_19 = arith.addi %mul3A_7, %add3A_18 : i32
    "tpu.region"() ({
      %run_scoped3A = tpu.sem_alloc : memref<!tpu.dma_semaphore, #tpu.memory_space<semaphore_mem>>
      %dma_start3A_689 = arith.constant 0 : i32
      %dma_start3A_690 = tpu.memref_slice %arg15[%add3A_19, %dma_start3A_689] : memref<10240x16xf32, #tpu.memory_space<vmem_shared>> -> memref<80x16xf32, #tpu.memory_space<vmem_shared>>
      %dma_start3A_691 = arith.constant 0 : i32
      %dma_start3A_692 = tpu.memref_slice %arg15[%add3A_19, %dma_start3A_691] : memref<10240x16xf32, #tpu.memory_space<vmem_shared>> -> memref<80x16xf32, #tpu.memory_space<vmem_shared>>
      tpu.enqueue_dma source(%arg11 : memref<80x16xf32, #tpu.memory_space<vmem>>) target(%dma_start3A_692 : memref<80x16xf32, #tpu.memory_space<vmem_shared>>) target_semaphore(%run_scoped3A : memref<!tpu.dma_semaphore, #tpu.memory_space<semaphore_mem>>)
      %dma_wait3A_693 = arith.constant 0 : i32
      %dma_wait3A_694 = tpu.memref_slice %arg15[%add3A_19, %dma_wait3A_693] : memref<10240x16xf32, #tpu.memory_space<vmem_shared>> -> memref<80x16xf32, #tpu.memory_space<vmem_shared>>
      %dma_wait3A_695 = arith.constant 0 : i32
      %dma_wait3A_696 = tpu.memref_slice %arg15[%add3A_19, %dma_wait3A_695] : memref<10240x16xf32, #tpu.memory_space<vmem_shared>> -> memref<80x16xf32, #tpu.memory_space<vmem_shared>>
      tpu.wait_dma2 semaphore(%run_scoped3A : memref<!tpu.dma_semaphore, #tpu.memory_space<semaphore_mem>>) src(%arg11 : memref<80x16xf32, #tpu.memory_space<vmem>>) dst(%dma_wait3A_696 : memref<80x16xf32, #tpu.memory_space<vmem_shared>>)
      tpu.yield
    }) : () -> ()
    %add3A_20 = arith.constant 240 : i32
    %add3A_21 = arith.addi %mul3A_7, %add3A_20 : i32
    "tpu.region"() ({
      %run_scoped3A = tpu.sem_alloc : memref<!tpu.dma_semaphore, #tpu.memory_space<semaphore_mem>>
      %dma_start3A_689 = arith.constant 0 : i32
      %dma_start3A_690 = tpu.memref_slice %arg14[%add3A_21, %dma_start3A_689] : memref<10240x144xf32, #tpu.memory_space<vmem_shared>> -> memref<80x144xf32, #tpu.memory_space<vmem_shared>>
      %dma_start3A_691 = arith.constant 0 : i32
      %dma_start3A_692 = tpu.memref_slice %arg14[%add3A_21, %dma_start3A_691] : memref<10240x144xf32, #tpu.memory_space<vmem_shared>> -> memref<80x144xf32, #tpu.memory_space<vmem_shared>>
      tpu.enqueue_dma source(%arg7 : memref<80x144xf32, #tpu.memory_space<vmem>>) target(%dma_start3A_692 : memref<80x144xf32, #tpu.memory_space<vmem_shared>>) target_semaphore(%run_scoped3A : memref<!tpu.dma_semaphore, #tpu.memory_space<semaphore_mem>>)
      %dma_wait3A_693 = arith.constant 0 : i32
      %dma_wait3A_694 = tpu.memref_slice %arg14[%add3A_21, %dma_wait3A_693] : memref<10240x144xf32, #tpu.memory_space<vmem_shared>> -> memref<80x144xf32, #tpu.memory_space<vmem_shared>>
      %dma_wait3A_695 = arith.constant 0 : i32
      %dma_wait3A_696 = tpu.memref_slice %arg14[%add3A_21, %dma_wait3A_695] : memref<10240x144xf32, #tpu.memory_space<vmem_shared>> -> memref<80x144xf32, #tpu.memory_space<vmem_shared>>
      tpu.wait_dma2 semaphore(%run_scoped3A : memref<!tpu.dma_semaphore, #tpu.memory_space<semaphore_mem>>) src(%arg7 : memref<80x144xf32, #tpu.memory_space<vmem>>) dst(%dma_wait3A_696 : memref<80x144xf32, #tpu.memory_space<vmem_shared>>)
      tpu.yield
    }) : () -> ()
    %add3A_22 = arith.constant 240 : i32
    %add3A_23 = arith.addi %mul3A_7, %add3A_22 : i32
    "tpu.region"() ({
      %run_scoped3A = tpu.sem_alloc : memref<!tpu.dma_semaphore, #tpu.memory_space<semaphore_mem>>
      %dma_start3A_689 = arith.constant 0 : i32
      %dma_start3A_690 = tpu.memref_slice %arg15[%add3A_23, %dma_start3A_689] : memref<10240x16xf32, #tpu.memory_space<vmem_shared>> -> memref<80x16xf32, #tpu.memory_space<vmem_shared>>
      %dma_start3A_691 = arith.constant 0 : i32
      %dma_start3A_692 = tpu.memref_slice %arg15[%add3A_23, %dma_start3A_691] : memref<10240x16xf32, #tpu.memory_space<vmem_shared>> -> memref<80x16xf32, #tpu.memory_space<vmem_shared>>
      tpu.enqueue_dma source(%arg11 : memref<80x16xf32, #tpu.memory_space<vmem>>) target(%dma_start3A_692 : memref<80x16xf32, #tpu.memory_space<vmem_shared>>) target_semaphore(%run_scoped3A : memref<!tpu.dma_semaphore, #tpu.memory_space<semaphore_mem>>)
      %dma_wait3A_693 = arith.constant 0 : i32
      %dma_wait3A_694 = tpu.memref_slice %arg15[%add3A_23, %dma_wait3A_693] : memref<10240x16xf32, #tpu.memory_space<vmem_shared>> -> memref<80x16xf32, #tpu.memory_space<vmem_shared>>
      %dma_wait3A_695 = arith.constant 0 : i32
      %dma_wait3A_696 = tpu.memref_slice %arg15[%add3A_23, %dma_wait3A_695] : memref<10240x16xf32, #tpu.memory_space<vmem_shared>> -> memref<80x16xf32, #tpu.memory_space<vmem_shared>>
      tpu.wait_dma2 semaphore(%run_scoped3A : memref<!tpu.dma_semaphore, #tpu.memory_space<semaphore_mem>>) src(%arg11 : memref<80x16xf32, #tpu.memory_space<vmem>>) dst(%dma_wait3A_696 : memref<80x16xf32, #tpu.memory_space<vmem_shared>>)
      tpu.yield
    }) : () -> ()
    %add3A_24 = arith.constant 320 : i32
    %add3A_25 = arith.addi %mul3A_7, %add3A_24 : i32
    "tpu.region"() ({
      %run_scoped3A = tpu.sem_alloc : memref<!tpu.dma_semaphore, #tpu.memory_space<semaphore_mem>>
      %dma_start3A_689 = arith.constant 0 : i32
      %dma_start3A_690 = tpu.memref_slice %arg14[%add3A_25, %dma_start3A_689] : memref<10240x144xf32, #tpu.memory_space<vmem_shared>> -> memref<80x144xf32, #tpu.memory_space<vmem_shared>>
      %dma_start3A_691 = arith.constant 0 : i32
      %dma_start3A_692 = tpu.memref_slice %arg14[%add3A_25, %dma_start3A_691] : memref<10240x144xf32, #tpu.memory_space<vmem_shared>> -> memref<80x144xf32, #tpu.memory_space<vmem_shared>>
      tpu.enqueue_dma source(%arg7 : memref<80x144xf32, #tpu.memory_space<vmem>>) target(%dma_start3A_692 : memref<80x144xf32, #tpu.memory_space<vmem_shared>>) target_semaphore(%run_scoped3A : memref<!tpu.dma_semaphore, #tpu.memory_space<semaphore_mem>>)
      %dma_wait3A_693 = arith.constant 0 : i32
      %dma_wait3A_694 = tpu.memref_slice %arg14[%add3A_25, %dma_wait3A_693] : memref<10240x144xf32, #tpu.memory_space<vmem_shared>> -> memref<80x144xf32, #tpu.memory_space<vmem_shared>>
      %dma_wait3A_695 = arith.constant 0 : i32
      %dma_wait3A_696 = tpu.memref_slice %arg14[%add3A_25, %dma_wait3A_695] : memref<10240x144xf32, #tpu.memory_space<vmem_shared>> -> memref<80x144xf32, #tpu.memory_space<vmem_shared>>
      tpu.wait_dma2 semaphore(%run_scoped3A : memref<!tpu.dma_semaphore, #tpu.memory_space<semaphore_mem>>) src(%arg7 : memref<80x144xf32, #tpu.memory_space<vmem>>) dst(%dma_wait3A_696 : memref<80x144xf32, #tpu.memory_space<vmem_shared>>)
      tpu.yield
    }) : () -> ()
    %add3A_26 = arith.constant 320 : i32
    %add3A_27 = arith.addi %mul3A_7, %add3A_26 : i32
    "tpu.region"() ({
      %run_scoped3A = tpu.sem_alloc : memref<!tpu.dma_semaphore, #tpu.memory_space<semaphore_mem>>
      %dma_start3A_689 = arith.constant 0 : i32
      %dma_start3A_690 = tpu.memref_slice %arg15[%add3A_27, %dma_start3A_689] : memref<10240x16xf32, #tpu.memory_space<vmem_shared>> -> memref<80x16xf32, #tpu.memory_space<vmem_shared>>
      %dma_start3A_691 = arith.constant 0 : i32
      %dma_start3A_692 = tpu.memref_slice %arg15[%add3A_27, %dma_start3A_691] : memref<10240x16xf32, #tpu.memory_space<vmem_shared>> -> memref<80x16xf32, #tpu.memory_space<vmem_shared>>
      tpu.enqueue_dma source(%arg11 : memref<80x16xf32, #tpu.memory_space<vmem>>) target(%dma_start3A_692 : memref<80x16xf32, #tpu.memory_space<vmem_shared>>) target_semaphore(%run_scoped3A : memref<!tpu.dma_semaphore, #tpu.memory_space<semaphore_mem>>)
      %dma_wait3A_693 = arith.constant 0 : i32
      %dma_wait3A_694 = tpu.memref_slice %arg15[%add3A_27, %dma_wait3A_693] : memref<10240x16xf32, #tpu.memory_space<vmem_shared>> -> memref<80x16xf32, #tpu.memory_space<vmem_shared>>
      %dma_wait3A_695 = arith.constant 0 : i32
      %dma_wait3A_696 = tpu.memref_slice %arg15[%add3A_27, %dma_wait3A_695] : memref<10240x16xf32, #tpu.memory_space<vmem_shared>> -> memref<80x16xf32, #tpu.memory_space<vmem_shared>>
      tpu.wait_dma2 semaphore(%run_scoped3A : memref<!tpu.dma_semaphore, #tpu.memory_space<semaphore_mem>>) src(%arg11 : memref<80x16xf32, #tpu.memory_space<vmem>>) dst(%dma_wait3A_696 : memref<80x16xf32, #tpu.memory_space<vmem_shared>>)
      tpu.yield
    }) : () -> ()
    %add3A_28 = arith.constant 400 : i32
    %add3A_29 = arith.addi %mul3A_7, %add3A_28 : i32
    "tpu.region"() ({
      %run_scoped3A = tpu.sem_alloc : memref<!tpu.dma_semaphore, #tpu.memory_space<semaphore_mem>>
      %dma_start3A_689 = arith.constant 0 : i32
      %dma_start3A_690 = tpu.memref_slice %arg14[%add3A_29, %dma_start3A_689] : memref<10240x144xf32, #tpu.memory_space<vmem_shared>> -> memref<80x144xf32, #tpu.memory_space<vmem_shared>>
      %dma_start3A_691 = arith.constant 0 : i32
      %dma_start3A_692 = tpu.memref_slice %arg14[%add3A_29, %dma_start3A_691] : memref<10240x144xf32, #tpu.memory_space<vmem_shared>> -> memref<80x144xf32, #tpu.memory_space<vmem_shared>>
      tpu.enqueue_dma source(%arg7 : memref<80x144xf32, #tpu.memory_space<vmem>>) target(%dma_start3A_692 : memref<80x144xf32, #tpu.memory_space<vmem_shared>>) target_semaphore(%run_scoped3A : memref<!tpu.dma_semaphore, #tpu.memory_space<semaphore_mem>>)
      %dma_wait3A_693 = arith.constant 0 : i32
      %dma_wait3A_694 = tpu.memref_slice %arg14[%add3A_29, %dma_wait3A_693] : memref<10240x144xf32, #tpu.memory_space<vmem_shared>> -> memref<80x144xf32, #tpu.memory_space<vmem_shared>>
      %dma_wait3A_695 = arith.constant 0 : i32
      %dma_wait3A_696 = tpu.memref_slice %arg14[%add3A_29, %dma_wait3A_695] : memref<10240x144xf32, #tpu.memory_space<vmem_shared>> -> memref<80x144xf32, #tpu.memory_space<vmem_shared>>
      tpu.wait_dma2 semaphore(%run_scoped3A : memref<!tpu.dma_semaphore, #tpu.memory_space<semaphore_mem>>) src(%arg7 : memref<80x144xf32, #tpu.memory_space<vmem>>) dst(%dma_wait3A_696 : memref<80x144xf32, #tpu.memory_space<vmem_shared>>)
      tpu.yield
    }) : () -> ()
    %add3A_30 = arith.constant 400 : i32
    %add3A_31 = arith.addi %mul3A_7, %add3A_30 : i32
    "tpu.region"() ({
      %run_scoped3A = tpu.sem_alloc : memref<!tpu.dma_semaphore, #tpu.memory_space<semaphore_mem>>
      %dma_start3A_689 = arith.constant 0 : i32
      %dma_start3A_690 = tpu.memref_slice %arg15[%add3A_31, %dma_start3A_689] : memref<10240x16xf32, #tpu.memory_space<vmem_shared>> -> memref<80x16xf32, #tpu.memory_space<vmem_shared>>
      %dma_start3A_691 = arith.constant 0 : i32
      %dma_start3A_692 = tpu.memref_slice %arg15[%add3A_31, %dma_start3A_691] : memref<10240x16xf32, #tpu.memory_space<vmem_shared>> -> memref<80x16xf32, #tpu.memory_space<vmem_shared>>
      tpu.enqueue_dma source(%arg11 : memref<80x16xf32, #tpu.memory_space<vmem>>) target(%dma_start3A_692 : memref<80x16xf32, #tpu.memory_space<vmem_shared>>) target_semaphore(%run_scoped3A : memref<!tpu.dma_semaphore, #tpu.memory_space<semaphore_mem>>)
      %dma_wait3A_693 = arith.constant 0 : i32
      %dma_wait3A_694 = tpu.memref_slice %arg15[%add3A_31, %dma_wait3A_693] : memref<10240x16xf32, #tpu.memory_space<vmem_shared>> -> memref<80x16xf32, #tpu.memory_space<vmem_shared>>
      %dma_wait3A_695 = arith.constant 0 : i32
      %dma_wait3A_696 = tpu.memref_slice %arg15[%add3A_31, %dma_wait3A_695] : memref<10240x16xf32, #tpu.memory_space<vmem_shared>> -> memref<80x16xf32, #tpu.memory_space<vmem_shared>>
      tpu.wait_dma2 semaphore(%run_scoped3A : memref<!tpu.dma_semaphore, #tpu.memory_space<semaphore_mem>>) src(%arg11 : memref<80x16xf32, #tpu.memory_space<vmem>>) dst(%dma_wait3A_696 : memref<80x16xf32, #tpu.memory_space<vmem_shared>>)
      tpu.yield
    }) : () -> ()
    %add3A_32 = arith.constant 480 : i32
    %add3A_33 = arith.addi %mul3A_7, %add3A_32 : i32
    "tpu.region"() ({
      %run_scoped3A = tpu.sem_alloc : memref<!tpu.dma_semaphore, #tpu.memory_space<semaphore_mem>>
      %dma_start3A_689 = arith.constant 0 : i32
      %dma_start3A_690 = tpu.memref_slice %arg14[%add3A_33, %dma_start3A_689] : memref<10240x144xf32, #tpu.memory_space<vmem_shared>> -> memref<80x144xf32, #tpu.memory_space<vmem_shared>>
      %dma_start3A_691 = arith.constant 0 : i32
      %dma_start3A_692 = tpu.memref_slice %arg14[%add3A_33, %dma_start3A_691] : memref<10240x144xf32, #tpu.memory_space<vmem_shared>> -> memref<80x144xf32, #tpu.memory_space<vmem_shared>>
      tpu.enqueue_dma source(%arg7 : memref<80x144xf32, #tpu.memory_space<vmem>>) target(%dma_start3A_692 : memref<80x144xf32, #tpu.memory_space<vmem_shared>>) target_semaphore(%run_scoped3A : memref<!tpu.dma_semaphore, #tpu.memory_space<semaphore_mem>>)
      %dma_wait3A_693 = arith.constant 0 : i32
      %dma_wait3A_694 = tpu.memref_slice %arg14[%add3A_33, %dma_wait3A_693] : memref<10240x144xf32, #tpu.memory_space<vmem_shared>> -> memref<80x144xf32, #tpu.memory_space<vmem_shared>>
      %dma_wait3A_695 = arith.constant 0 : i32
      %dma_wait3A_696 = tpu.memref_slice %arg14[%add3A_33, %dma_wait3A_695] : memref<10240x144xf32, #tpu.memory_space<vmem_shared>> -> memref<80x144xf32, #tpu.memory_space<vmem_shared>>
      tpu.wait_dma2 semaphore(%run_scoped3A : memref<!tpu.dma_semaphore, #tpu.memory_space<semaphore_mem>>) src(%arg7 : memref<80x144xf32, #tpu.memory_space<vmem>>) dst(%dma_wait3A_696 : memref<80x144xf32, #tpu.memory_space<vmem_shared>>)
      tpu.yield
    }) : () -> ()
    %add3A_34 = arith.constant 480 : i32
    %add3A_35 = arith.addi %mul3A_7, %add3A_34 : i32
    "tpu.region"() ({
      %run_scoped3A = tpu.sem_alloc : memref<!tpu.dma_semaphore, #tpu.memory_space<semaphore_mem>>
      %dma_start3A_689 = arith.constant 0 : i32
      %dma_start3A_690 = tpu.memref_slice %arg15[%add3A_35, %dma_start3A_689] : memref<10240x16xf32, #tpu.memory_space<vmem_shared>> -> memref<80x16xf32, #tpu.memory_space<vmem_shared>>
      %dma_start3A_691 = arith.constant 0 : i32
      %dma_start3A_692 = tpu.memref_slice %arg15[%add3A_35, %dma_start3A_691] : memref<10240x16xf32, #tpu.memory_space<vmem_shared>> -> memref<80x16xf32, #tpu.memory_space<vmem_shared>>
      tpu.enqueue_dma source(%arg11 : memref<80x16xf32, #tpu.memory_space<vmem>>) target(%dma_start3A_692 : memref<80x16xf32, #tpu.memory_space<vmem_shared>>) target_semaphore(%run_scoped3A : memref<!tpu.dma_semaphore, #tpu.memory_space<semaphore_mem>>)
      %dma_wait3A_693 = arith.constant 0 : i32
      %dma_wait3A_694 = tpu.memref_slice %arg15[%add3A_35, %dma_wait3A_693] : memref<10240x16xf32, #tpu.memory_space<vmem_shared>> -> memref<80x16xf32, #tpu.memory_space<vmem_shared>>
      %dma_wait3A_695 = arith.constant 0 : i32
      %dma_wait3A_696 = tpu.memref_slice %arg15[%add3A_35, %dma_wait3A_695] : memref<10240x16xf32, #tpu.memory_space<vmem_shared>> -> memref<80x16xf32, #tpu.memory_space<vmem_shared>>
      tpu.wait_dma2 semaphore(%run_scoped3A : memref<!tpu.dma_semaphore, #tpu.memory_space<semaphore_mem>>) src(%arg11 : memref<80x16xf32, #tpu.memory_space<vmem>>) dst(%dma_wait3A_696 : memref<80x16xf32, #tpu.memory_space<vmem_shared>>)
      tpu.yield
    }) : () -> ()
    %add3A_36 = arith.constant 560 : i32
    %add3A_37 = arith.addi %mul3A_7, %add3A_36 : i32
    "tpu.region"() ({
      %run_scoped3A = tpu.sem_alloc : memref<!tpu.dma_semaphore, #tpu.memory_space<semaphore_mem>>
      %dma_start3A_689 = arith.constant 0 : i32
      %dma_start3A_690 = tpu.memref_slice %arg14[%add3A_37, %dma_start3A_689] : memref<10240x144xf32, #tpu.memory_space<vmem_shared>> -> memref<80x144xf32, #tpu.memory_space<vmem_shared>>
      %dma_start3A_691 = arith.constant 0 : i32
      %dma_start3A_692 = tpu.memref_slice %arg14[%add3A_37, %dma_start3A_691] : memref<10240x144xf32, #tpu.memory_space<vmem_shared>> -> memref<80x144xf32, #tpu.memory_space<vmem_shared>>
      tpu.enqueue_dma source(%arg7 : memref<80x144xf32, #tpu.memory_space<vmem>>) target(%dma_start3A_692 : memref<80x144xf32, #tpu.memory_space<vmem_shared>>) target_semaphore(%run_scoped3A : memref<!tpu.dma_semaphore, #tpu.memory_space<semaphore_mem>>)
      %dma_wait3A_693 = arith.constant 0 : i32
      %dma_wait3A_694 = tpu.memref_slice %arg14[%add3A_37, %dma_wait3A_693] : memref<10240x144xf32, #tpu.memory_space<vmem_shared>> -> memref<80x144xf32, #tpu.memory_space<vmem_shared>>
      %dma_wait3A_695 = arith.constant 0 : i32
      %dma_wait3A_696 = tpu.memref_slice %arg14[%add3A_37, %dma_wait3A_695] : memref<10240x144xf32, #tpu.memory_space<vmem_shared>> -> memref<80x144xf32, #tpu.memory_space<vmem_shared>>
      tpu.wait_dma2 semaphore(%run_scoped3A : memref<!tpu.dma_semaphore, #tpu.memory_space<semaphore_mem>>) src(%arg7 : memref<80x144xf32, #tpu.memory_space<vmem>>) dst(%dma_wait3A_696 : memref<80x144xf32, #tpu.memory_space<vmem_shared>>)
      tpu.yield
    }) : () -> ()
    %add3A_38 = arith.constant 560 : i32
    %add3A_39 = arith.addi %mul3A_7, %add3A_38 : i32
    "tpu.region"() ({
      %run_scoped3A = tpu.sem_alloc : memref<!tpu.dma_semaphore, #tpu.memory_space<semaphore_mem>>
      %dma_start3A_689 = arith.constant 0 : i32
      %dma_start3A_690 = tpu.memref_slice %arg15[%add3A_39, %dma_start3A_689] : memref<10240x16xf32, #tpu.memory_space<vmem_shared>> -> memref<80x16xf32, #tpu.memory_space<vmem_shared>>
      %dma_start3A_691 = arith.constant 0 : i32
      %dma_start3A_692 = tpu.memref_slice %arg15[%add3A_39, %dma_start3A_691] : memref<10240x16xf32, #tpu.memory_space<vmem_shared>> -> memref<80x16xf32, #tpu.memory_space<vmem_shared>>
      tpu.enqueue_dma source(%arg11 : memref<80x16xf32, #tpu.memory_space<vmem>>) target(%dma_start3A_692 : memref<80x16xf32, #tpu.memory_space<vmem_shared>>) target_semaphore(%run_scoped3A : memref<!tpu.dma_semaphore, #tpu.memory_space<semaphore_mem>>)
      %dma_wait3A_693 = arith.constant 0 : i32
      %dma_wait3A_694 = tpu.memref_slice %arg15[%add3A_39, %dma_wait3A_693] : memref<10240x16xf32, #tpu.memory_space<vmem_shared>> -> memref<80x16xf32, #tpu.memory_space<vmem_shared>>
      %dma_wait3A_695 = arith.constant 0 : i32
      %dma_wait3A_696 = tpu.memref_slice %arg15[%add3A_39, %dma_wait3A_695] : memref<10240x16xf32, #tpu.memory_space<vmem_shared>> -> memref<80x16xf32, #tpu.memory_space<vmem_shared>>
      tpu.wait_dma2 semaphore(%run_scoped3A : memref<!tpu.dma_semaphore, #tpu.memory_space<semaphore_mem>>) src(%arg11 : memref<80x16xf32, #tpu.memory_space<vmem>>) dst(%dma_wait3A_696 : memref<80x16xf32, #tpu.memory_space<vmem_shared>>)
      tpu.yield
    }) : () -> ()
    %barrier3A = arith.constant 0 : index
    tpu.barrier barrier_id(%barrier3A)
    %mul3A_40 = arith.constant 125 : i32
    %mul3A_41 = arith.muli %add3A, %mul3A_40 : i32
    %add3A_42 = arith.constant 0 : i32
    %add3A_43 = arith.addi %mul3A_41, %add3A_42 : i32
    "tpu.region"() ({
      %run_scoped3A = tpu.sem_alloc : memref<!tpu.dma_semaphore, #tpu.memory_space<semaphore_mem>>
      %dma_start3A_689 = arith.constant 0 : i32
      %dma_start3A_690 = arith.constant 0 : i32
      %dma_start3A_691 = arith.constant 0 : i32
      %dma_start3A_692 = tpu.memref_slice %arg13[%dma_start3A_689, %dma_start3A_690, %dma_start3A_691] : memref<2x2x80xi32, #tpu.memory_space<vmem>> -> memref<1x2x80xi32, #tpu.memory_space<vmem>>
      %dma_start3A_693 = arith.constant 0 : i32
      %dma_start3A_694 = arith.constant 0 : i32
      %dma_start3A_695 = tpu.memref_slice %arg4[%add3A_43, %dma_start3A_693, %dma_start3A_694] : memref<4000x2x80xi32, #tpu.memory_space<hbm>> -> memref<1x2x80xi32, #tpu.memory_space<hbm>>
      %dma_start3A_696 = arith.constant 0 : i32
      %dma_start3A_697 = arith.constant 0 : i32
      %dma_start3A_698 = arith.constant 0 : i32
      %dma_start3A_699 = tpu.memref_slice %arg13[%dma_start3A_696, %dma_start3A_697, %dma_start3A_698] : memref<2x2x80xi32, #tpu.memory_space<vmem>> -> memref<1x2x80xi32, #tpu.memory_space<vmem>>
      %dma_start3A_700 = arith.constant 0 : i32
      %dma_start3A_701 = arith.constant 0 : i32
      %dma_start3A_702 = tpu.memref_slice %arg4[%add3A_43, %dma_start3A_700, %dma_start3A_701] : memref<4000x2x80xi32, #tpu.memory_space<hbm>> -> memref<1x2x80xi32, #tpu.memory_space<hbm>>
      tpu.enqueue_dma source(%dma_start3A_702 : memref<1x2x80xi32, #tpu.memory_space<hbm>>) target(%dma_start3A_699 : memref<1x2x80xi32, #tpu.memory_space<vmem>>) target_semaphore(%run_scoped3A : memref<!tpu.dma_semaphore, #tpu.memory_space<semaphore_mem>>)
      %dma_wait3A_703 = arith.constant 0 : i32
      %dma_wait3A_704 = arith.constant 0 : i32
      %dma_wait3A_705 = arith.constant 0 : i32
      %dma_wait3A_706 = tpu.memref_slice %arg13[%dma_wait3A_703, %dma_wait3A_704, %dma_wait3A_705] : memref<2x2x80xi32, #tpu.memory_space<vmem>> -> memref<1x2x80xi32, #tpu.memory_space<vmem>>
      %dma_wait3A_707 = arith.constant 0 : i32
      %dma_wait3A_708 = arith.constant 0 : i32
      %dma_wait3A_709 = tpu.memref_slice %arg4[%add3A_43, %dma_wait3A_707, %dma_wait3A_708] : memref<4000x2x80xi32, #tpu.memory_space<hbm>> -> memref<1x2x80xi32, #tpu.memory_space<hbm>>
      %dma_wait3A_710 = arith.constant 0 : i32
      %dma_wait3A_711 = arith.constant 0 : i32
      %dma_wait3A_712 = arith.constant 0 : i32
      %dma_wait3A_713 = tpu.memref_slice %arg13[%dma_wait3A_710, %dma_wait3A_711, %dma_wait3A_712] : memref<2x2x80xi32, #tpu.memory_space<vmem>> -> memref<1x2x80xi32, #tpu.memory_space<vmem>>
      %dma_wait3A_714 = arith.constant 0 : i32
      %dma_wait3A_715 = arith.constant 0 : i32
      %dma_wait3A_716 = tpu.memref_slice %arg4[%add3A_43, %dma_wait3A_714, %dma_wait3A_715] : memref<4000x2x80xi32, #tpu.memory_space<hbm>> -> memref<1x2x80xi32, #tpu.memory_space<hbm>>
      tpu.wait_dma2 semaphore(%run_scoped3A : memref<!tpu.dma_semaphore, #tpu.memory_space<semaphore_mem>>) src(%dma_wait3A_716 : memref<1x2x80xi32, #tpu.memory_space<hbm>>) dst(%dma_wait3A_713 : memref<1x2x80xi32, #tpu.memory_space<vmem>>)
      tpu.yield
    }) : () -> ()
    %add3A_44 = arith.constant 1 : i32
    %add3A_45 = arith.addi %mul3A_41, %add3A_44 : i32
    "tpu.region"() ({
      %run_scoped3A = tpu.sem_alloc : memref<!tpu.dma_semaphore, #tpu.memory_space<semaphore_mem>>
      %dma_start3A_689 = arith.constant 1 : i32
      %dma_start3A_690 = arith.constant 0 : i32
      %dma_start3A_691 = arith.constant 0 : i32
      %dma_start3A_692 = tpu.memref_slice %arg13[%dma_start3A_689, %dma_start3A_690, %dma_start3A_691] : memref<2x2x80xi32, #tpu.memory_space<vmem>> -> memref<1x2x80xi32, #tpu.memory_space<vmem>>
      %dma_start3A_693 = arith.constant 0 : i32
      %dma_start3A_694 = arith.constant 0 : i32
      %dma_start3A_695 = tpu.memref_slice %arg4[%add3A_45, %dma_start3A_693, %dma_start3A_694] : memref<4000x2x80xi32, #tpu.memory_space<hbm>> -> memref<1x2x80xi32, #tpu.memory_space<hbm>>
      %dma_start3A_696 = arith.constant 1 : i32
      %dma_start3A_697 = arith.constant 0 : i32
      %dma_start3A_698 = arith.constant 0 : i32
      %dma_start3A_699 = tpu.memref_slice %arg13[%dma_start3A_696, %dma_start3A_697, %dma_start3A_698] : memref<2x2x80xi32, #tpu.memory_space<vmem>> -> memref<1x2x80xi32, #tpu.memory_space<vmem>>
      %dma_start3A_700 = arith.constant 0 : i32
      %dma_start3A_701 = arith.constant 0 : i32
      %dma_start3A_702 = tpu.memref_slice %arg4[%add3A_45, %dma_start3A_700, %dma_start3A_701] : memref<4000x2x80xi32, #tpu.memory_space<hbm>> -> memref<1x2x80xi32, #tpu.memory_space<hbm>>
      tpu.enqueue_dma source(%dma_start3A_702 : memref<1x2x80xi32, #tpu.memory_space<hbm>>) target(%dma_start3A_699 : memref<1x2x80xi32, #tpu.memory_space<vmem>>) target_semaphore(%run_scoped3A : memref<!tpu.dma_semaphore, #tpu.memory_space<semaphore_mem>>)
      %dma_wait3A_703 = arith.constant 1 : i32
      %dma_wait3A_704 = arith.constant 0 : i32
      %dma_wait3A_705 = arith.constant 0 : i32
      %dma_wait3A_706 = tpu.memref_slice %arg13[%dma_wait3A_703, %dma_wait3A_704, %dma_wait3A_705] : memref<2x2x80xi32, #tpu.memory_space<vmem>> -> memref<1x2x80xi32, #tpu.memory_space<vmem>>
      %dma_wait3A_707 = arith.constant 0 : i32
      %dma_wait3A_708 = arith.constant 0 : i32
      %dma_wait3A_709 = tpu.memref_slice %arg4[%add3A_45, %dma_wait3A_707, %dma_wait3A_708] : memref<4000x2x80xi32, #tpu.memory_space<hbm>> -> memref<1x2x80xi32, #tpu.memory_space<hbm>>
      %dma_wait3A_710 = arith.constant 1 : i32
      %dma_wait3A_711 = arith.constant 0 : i32
      %dma_wait3A_712 = arith.constant 0 : i32
      %dma_wait3A_713 = tpu.memref_slice %arg13[%dma_wait3A_710, %dma_wait3A_711, %dma_wait3A_712] : memref<2x2x80xi32, #tpu.memory_space<vmem>> -> memref<1x2x80xi32, #tpu.memory_space<vmem>>
      %dma_wait3A_714 = arith.constant 0 : i32
      %dma_wait3A_715 = arith.constant 0 : i32
      %dma_wait3A_716 = tpu.memref_slice %arg4[%add3A_45, %dma_wait3A_714, %dma_wait3A_715] : memref<4000x2x80xi32, #tpu.memory_space<hbm>> -> memref<1x2x80xi32, #tpu.memory_space<hbm>>
      tpu.wait_dma2 semaphore(%run_scoped3A : memref<!tpu.dma_semaphore, #tpu.memory_space<semaphore_mem>>) src(%dma_wait3A_716 : memref<1x2x80xi32, #tpu.memory_space<hbm>>) dst(%dma_wait3A_713 : memref<1x2x80xi32, #tpu.memory_space<vmem>>)
      tpu.yield
    }) : () -> ()
    %dma_start3A = arith.constant 0 : i32
    %dma_start3A_46 = arith.constant 0 : i32
    %dma_start3A_47 = arith.constant 0 : i32
    %dma_start3A_48 = tpu.memref_slice %arg13[%dma_start3A, %dma_start3A_46, %dma_start3A_47] : memref<2x2x80xi32, #tpu.memory_space<vmem>> -> memref<1x1x80xi32, #tpu.memory_space<vmem>>
    %dma_start3A_49 = tpu.memref_squeeze %dma_start3A_48 : memref<1x1x80xi32, #tpu.memory_space<vmem>> -> memref<80xi32, #tpu.memory_space<vmem>>
    %dma_start3A_50 = arith.constant 0 : i32
    %dma_start3A_51 = arith.constant 0 : i32
    %dma_start3A_52 = tpu.memref_slice %arg2[%dma_start3A_50, %dma_start3A_51] : memref<10000x144xf32, #tpu.memory_space<hbm>> -> memref<10000x144xf32, #tpu.memory_space<hbm>>
    tpu.enqueue_indirect_dma source(%dma_start3A_52 : memref<10000x144xf32, #tpu.memory_space<hbm>>) target(%arg7 : memref<80x144xf32, #tpu.memory_space<vmem>>) offsets(%dma_start3A_49 : memref<80xi32, #tpu.memory_space<vmem>>) semaphore(%arg16 : memref<!tpu.dma_semaphore, #tpu.memory_space<semaphore_mem>>)
    %dma_start3A_53 = arith.constant 0 : i32
    %dma_start3A_54 = arith.constant 1 : i32
    %dma_start3A_55 = arith.constant 0 : i32
    %dma_start3A_56 = tpu.memref_slice %arg13[%dma_start3A_53, %dma_start3A_54, %dma_start3A_55] : memref<2x2x80xi32, #tpu.memory_space<vmem>> -> memref<1x1x80xi32, #tpu.memory_space<vmem>>
    %dma_start3A_57 = tpu.memref_squeeze %dma_start3A_56 : memref<1x1x80xi32, #tpu.memory_space<vmem>> -> memref<80xi32, #tpu.memory_space<vmem>>
    %dma_start3A_58 = arith.constant 0 : i32
    %dma_start3A_59 = arith.constant 0 : i32
    %dma_start3A_60 = tpu.memref_slice %arg3[%dma_start3A_58, %dma_start3A_59] : memref<10000x16xf32, #tpu.memory_space<hbm>> -> memref<10000x16xf32, #tpu.memory_space<hbm>>
    tpu.enqueue_indirect_dma source(%dma_start3A_60 : memref<10000x16xf32, #tpu.memory_space<hbm>>) target(%arg9 : memref<80x16xf32, #tpu.memory_space<vmem>>) offsets(%dma_start3A_57 : memref<80xi32, #tpu.memory_space<vmem>>) semaphore(%arg16 : memref<!tpu.dma_semaphore, #tpu.memory_space<semaphore_mem>>)
    %dma_start3A_61 = arith.constant 1 : i32
    %dma_start3A_62 = arith.constant 0 : i32
    %dma_start3A_63 = arith.constant 0 : i32
    %dma_start3A_64 = tpu.memref_slice %arg13[%dma_start3A_61, %dma_start3A_62, %dma_start3A_63] : memref<2x2x80xi32, #tpu.memory_space<vmem>> -> memref<1x1x80xi32, #tpu.memory_space<vmem>>
    %dma_start3A_65 = tpu.memref_squeeze %dma_start3A_64 : memref<1x1x80xi32, #tpu.memory_space<vmem>> -> memref<80xi32, #tpu.memory_space<vmem>>
    %dma_start3A_66 = arith.constant 0 : i32
    %dma_start3A_67 = arith.constant 0 : i32
    %dma_start3A_68 = tpu.memref_slice %arg2[%dma_start3A_66, %dma_start3A_67] : memref<10000x144xf32, #tpu.memory_space<hbm>> -> memref<10000x144xf32, #tpu.memory_space<hbm>>
    tpu.enqueue_indirect_dma source(%dma_start3A_68 : memref<10000x144xf32, #tpu.memory_space<hbm>>) target(%arg8 : memref<80x144xf32, #tpu.memory_space<vmem>>) offsets(%dma_start3A_65 : memref<80xi32, #tpu.memory_space<vmem>>) semaphore(%arg17 : memref<!tpu.dma_semaphore, #tpu.memory_space<semaphore_mem>>)
    %dma_start3A_69 = arith.constant 1 : i32
    %dma_start3A_70 = arith.constant 1 : i32
    %dma_start3A_71 = arith.constant 0 : i32
    %dma_start3A_72 = tpu.memref_slice %arg13[%dma_start3A_69, %dma_start3A_70, %dma_start3A_71] : memref<2x2x80xi32, #tpu.memory_space<vmem>> -> memref<1x1x80xi32, #tpu.memory_space<vmem>>
    %dma_start3A_73 = tpu.memref_squeeze %dma_start3A_72 : memref<1x1x80xi32, #tpu.memory_space<vmem>> -> memref<80xi32, #tpu.memory_space<vmem>>
    %dma_start3A_74 = arith.constant 0 : i32
    %dma_start3A_75 = arith.constant 0 : i32
    %dma_start3A_76 = tpu.memref_slice %arg3[%dma_start3A_74, %dma_start3A_75] : memref<10000x16xf32, #tpu.memory_space<hbm>> -> memref<10000x16xf32, #tpu.memory_space<hbm>>
    tpu.enqueue_indirect_dma source(%dma_start3A_76 : memref<10000x16xf32, #tpu.memory_space<hbm>>) target(%arg10 : memref<80x16xf32, #tpu.memory_space<vmem>>) offsets(%dma_start3A_73 : memref<80xi32, #tpu.memory_space<vmem>>) semaphore(%arg17 : memref<!tpu.dma_semaphore, #tpu.memory_space<semaphore_mem>>)
    %scan3A_77 = arith.constant 0 : i32
    %scan3A_78 = arith.constant 62 : i32
    %scan3A_79 = arith.addi %scan3A_77, %scan3A_78 : i32
    %scan3A_80 = arith.constant 1 : i32
    scf.for %scan3A_689 = %scan3A_77 to %scan3A_79 step %scan3A_80  : i32 {
      %mul3A_690 = arith.constant 2 : i32
      %mul3A_691 = arith.muli %mul3A_690, %scan3A_689 : i32
      %dma_wait3A_692 = arith.constant 0 : i32
      %dma_wait3A_693 = arith.constant 0 : i32
      %dma_wait3A_694 = arith.constant 0 : i32
      %dma_wait3A_695 = tpu.memref_slice %arg13[%dma_wait3A_692, %dma_wait3A_693, %dma_wait3A_694] : memref<2x2x80xi32, #tpu.memory_space<vmem>> -> memref<1x1x80xi32, #tpu.memory_space<vmem>>
      %dma_wait3A_696 = tpu.memref_squeeze %dma_wait3A_695 : memref<1x1x80xi32, #tpu.memory_space<vmem>> -> memref<80xi32, #tpu.memory_space<vmem>>
      %dma_wait3A_697 = arith.constant 0 : i32
      %dma_wait3A_698 = arith.constant 0 : i32
      %dma_wait3A_699 = tpu.memref_slice %arg2[%dma_wait3A_697, %dma_wait3A_698] : memref<10000x144xf32, #tpu.memory_space<hbm>> -> memref<10000x144xf32, #tpu.memory_space<hbm>>
      tpu.wait_indirect_dma semaphore(%arg16 : memref<!tpu.dma_semaphore, #tpu.memory_space<semaphore_mem>>) src(%dma_wait3A_699 : memref<10000x144xf32, #tpu.memory_space<hbm>>) dst(%arg7 : memref<80x144xf32, #tpu.memory_space<vmem>>)
      %dma_wait3A_700 = arith.constant 0 : i32
      %dma_wait3A_701 = arith.constant 1 : i32
      %dma_wait3A_702 = arith.constant 0 : i32
      %dma_wait3A_703 = tpu.memref_slice %arg13[%dma_wait3A_700, %dma_wait3A_701, %dma_wait3A_702] : memref<2x2x80xi32, #tpu.memory_space<vmem>> -> memref<1x1x80xi32, #tpu.memory_space<vmem>>
      %dma_wait3A_704 = tpu.memref_squeeze %dma_wait3A_703 : memref<1x1x80xi32, #tpu.memory_space<vmem>> -> memref<80xi32, #tpu.memory_space<vmem>>
      %dma_wait3A_705 = arith.constant 0 : i32
      %dma_wait3A_706 = arith.constant 0 : i32
      %dma_wait3A_707 = tpu.memref_slice %arg3[%dma_wait3A_705, %dma_wait3A_706] : memref<10000x16xf32, #tpu.memory_space<hbm>> -> memref<10000x16xf32, #tpu.memory_space<hbm>>
      tpu.wait_indirect_dma semaphore(%arg16 : memref<!tpu.dma_semaphore, #tpu.memory_space<semaphore_mem>>) src(%dma_wait3A_707 : memref<10000x16xf32, #tpu.memory_space<hbm>>) dst(%arg9 : memref<80x16xf32, #tpu.memory_space<vmem>>)
      %add3A_708 = arith.constant 0 : i32
      %add3A_709 = vector.broadcast %add3A_708 : i32 to vector<16xi32>
      %add3A_710 = arith.addi %add3A_709, %iota3A : vector<16xi32>
      %shift_right_arithmetic3A_711 = arith.constant 2 : i32
      %shift_right_arithmetic3A_712 = vector.broadcast %shift_right_arithmetic3A_711 : i32 to vector<16xi32>
      %shift_right_arithmetic3A_713 = arith.shrsi %add3A_710, %shift_right_arithmetic3A_712 : vector<16xi32>
      %and3A_714 = arith.constant 3 : i32
      %and3A_715 = vector.broadcast %and3A_714 : i32 to vector<16xi32>
      %and3A_716 = arith.andi %add3A_710, %and3A_715 : vector<16xi32>
      %add3A_717 = arith.constant 128 : i32
      %add3A_718 = vector.broadcast %add3A_717 : i32 to vector<16xi32>
      %add3A_719 = arith.addi %and3A_716, %add3A_718 : vector<16xi32>
      %gather3A_720 = tpu.vector_load_idx %arg7[%shift_right_arithmetic3A_713, %add3A_719] : memref<80x144xf32, #tpu.memory_space<vmem>>[vector<16xi32>, vector<16xi32>], vector<16xf32>,
      %gather3A_721 = tpu.vector_load_idx %arg9[%shift_right_arithmetic3A_713, %and3A_716] : memref<80x16xf32, #tpu.memory_space<vmem>>[vector<16xi32>, vector<16xi32>], vector<16xf32>,
      %add3A_722 = arith.addf %gather3A_720, %gather3A_721 : vector<16xf32>
      %max3A_723 = arith.constant 0.000000e+00 : f32
      %max3A_724 = vector.broadcast %max3A_723 : f32 to vector<16xf32>
      %max3A_725 = arith.maximumf %add3A_722, %max3A_724 : vector<16xf32>
      %min3A_726 = arith.constant 0.000000e+00 : f32
      %min3A_727 = vector.broadcast %min3A_726 : f32 to vector<16xf32>
      %min3A_728 = arith.minimumf %add3A_722, %min3A_727 : vector<16xf32>
      %mul3A_729 = arith.constant 2.000000e-01 : f32
      %mul3A_730 = vector.broadcast %mul3A_729 : f32 to vector<16xf32>
      %mul3A_731 = arith.mulf %mul3A_730, %min3A_728 : vector<16xf32>
      %add3A_732 = arith.addf %max3A_725, %mul3A_731 : vector<16xf32>
      %exp3A_733 = math.exp %add3A_732 : vector<16xf32>
      tpu.vector_store_idx %arg11[%shift_right_arithmetic3A_713, %and3A_716], %exp3A_733 : memref<80x16xf32, #tpu.memory_space<vmem>>[vector<16xi32>, vector<16xi32>], vector<16xf32>,
      %add3A_734 = arith.constant 16 : i32
      %add3A_735 = vector.broadcast %add3A_734 : i32 to vector<16xi32>
      %add3A_736 = arith.addi %add3A_735, %iota3A : vector<16xi32>
      %shift_right_arithmetic3A_737 = arith.constant 2 : i32
      %shift_right_arithmetic3A_738 = vector.broadcast %shift_right_arithmetic3A_737 : i32 to vector<16xi32>
      %shift_right_arithmetic3A_739 = arith.shrsi %add3A_736, %shift_right_arithmetic3A_738 : vector<16xi32>
      %and3A_740 = arith.constant 3 : i32
      %and3A_741 = vector.broadcast %and3A_740 : i32 to vector<16xi32>
      %and3A_742 = arith.andi %add3A_736, %and3A_741 : vector<16xi32>
      %add3A_743 = arith.constant 128 : i32
      %add3A_744 = vector.broadcast %add3A_743 : i32 to vector<16xi32>
      %add3A_745 = arith.addi %and3A_742, %add3A_744 : vector<16xi32>
      %gather3A_746 = tpu.vector_load_idx %arg7[%shift_right_arithmetic3A_739, %add3A_745] : memref<80x144xf32, #tpu.memory_space<vmem>>[vector<16xi32>, vector<16xi32>], vector<16xf32>,
      %gather3A_747 = tpu.vector_load_idx %arg9[%shift_right_arithmetic3A_739, %and3A_742] : memref<80x16xf32, #tpu.memory_space<vmem>>[vector<16xi32>, vector<16xi32>], vector<16xf32>,
      %add3A_748 = arith.addf %gather3A_746, %gather3A_747 : vector<16xf32>
      %max3A_749 = arith.constant 0.000000e+00 : f32
      %max3A_750 = vector.broadcast %max3A_749 : f32 to vector<16xf32>
      %max3A_751 = arith.maximumf %add3A_748, %max3A_750 : vector<16xf32>
      %min3A_752 = arith.constant 0.000000e+00 : f32
      %min3A_753 = vector.broadcast %min3A_752 : f32 to vector<16xf32>
      %min3A_754 = arith.minimumf %add3A_748, %min3A_753 : vector<16xf32>
      %mul3A_755 = arith.constant 2.000000e-01 : f32
      %mul3A_756 = vector.broadcast %mul3A_755 : f32 to vector<16xf32>
      %mul3A_757 = arith.mulf %mul3A_756, %min3A_754 : vector<16xf32>
      %add3A_758 = arith.addf %max3A_751, %mul3A_757 : vector<16xf32>
      %exp3A_759 = math.exp %add3A_758 : vector<16xf32>
      tpu.vector_store_idx %arg11[%shift_right_arithmetic3A_739, %and3A_742], %exp3A_759 : memref<80x16xf32, #tpu.memory_space<vmem>>[vector<16xi32>, vector<16xi32>], vector<16xf32>,
      %add3A_760 = arith.constant 32 : i32
      %add3A_761 = vector.broadcast %add3A_760 : i32 to vector<16xi32>
      %add3A_762 = arith.addi %add3A_761, %iota3A : vector<16xi32>
      %shift_right_arithmetic3A_763 = arith.constant 2 : i32
      %shift_right_arithmetic3A_764 = vector.broadcast %shift_right_arithmetic3A_763 : i32 to vector<16xi32>
      %shift_right_arithmetic3A_765 = arith.shrsi %add3A_762, %shift_right_arithmetic3A_764 : vector<16xi32>
      %and3A_766 = arith.constant 3 : i32
      %and3A_767 = vector.broadcast %and3A_766 : i32 to vector<16xi32>
      %and3A_768 = arith.andi %add3A_762, %and3A_767 : vector<16xi32>
      %add3A_769 = arith.constant 128 : i32
      %add3A_770 = vector.broadcast %add3A_769 : i32 to vector<16xi32>
      %add3A_771 = arith.addi %and3A_768, %add3A_770 : vector<16xi32>
      %gather3A_772 = tpu.vector_load_idx %arg7[%shift_right_arithmetic3A_765, %add3A_771] : memref<80x144xf32, #tpu.memory_space<vmem>>[vector<16xi32>, vector<16xi32>], vector<16xf32>,
      %gather3A_773 = tpu.vector_load_idx %arg9[%shift_right_arithmetic3A_765, %and3A_768] : memref<80x16xf32, #tpu.memory_space<vmem>>[vector<16xi32>, vector<16xi32>], vector<16xf32>,
      %add3A_774 = arith.addf %gather3A_772, %gather3A_773 : vector<16xf32>
      %max3A_775 = arith.constant 0.000000e+00 : f32
      %max3A_776 = vector.broadcast %max3A_775 : f32 to vector<16xf32>
      %max3A_777 = arith.maximumf %add3A_774, %max3A_776 : vector<16xf32>
      %min3A_778 = arith.constant 0.000000e+00 : f32
      %min3A_779 = vector.broadcast %min3A_778 : f32 to vector<16xf32>
      %min3A_780 = arith.minimumf %add3A_774, %min3A_779 : vector<16xf32>
      %mul3A_781 = arith.constant 2.000000e-01 : f32
      %mul3A_782 = vector.broadcast %mul3A_781 : f32 to vector<16xf32>
      %mul3A_783 = arith.mulf %mul3A_782, %min3A_780 : vector<16xf32>
      %add3A_784 = arith.addf %max3A_777, %mul3A_783 : vector<16xf32>
      %exp3A_785 = math.exp %add3A_784 : vector<16xf32>
      tpu.vector_store_idx %arg11[%shift_right_arithmetic3A_765, %and3A_768], %exp3A_785 : memref<80x16xf32, #tpu.memory_space<vmem>>[vector<16xi32>, vector<16xi32>], vector<16xf32>,
      %add3A_786 = arith.constant 48 : i32
      %add3A_787 = vector.broadcast %add3A_786 : i32 to vector<16xi32>
      %add3A_788 = arith.addi %add3A_787, %iota3A : vector<16xi32>
      %shift_right_arithmetic3A_789 = arith.constant 2 : i32
      %shift_right_arithmetic3A_790 = vector.broadcast %shift_right_arithmetic3A_789 : i32 to vector<16xi32>
      %shift_right_arithmetic3A_791 = arith.shrsi %add3A_788, %shift_right_arithmetic3A_790 : vector<16xi32>
      %and3A_792 = arith.constant 3 : i32
      %and3A_793 = vector.broadcast %and3A_792 : i32 to vector<16xi32>
      %and3A_794 = arith.andi %add3A_788, %and3A_793 : vector<16xi32>
      %add3A_795 = arith.constant 128 : i32
      %add3A_796 = vector.broadcast %add3A_795 : i32 to vector<16xi32>
      %add3A_797 = arith.addi %and3A_794, %add3A_796 : vector<16xi32>
      %gather3A_798 = tpu.vector_load_idx %arg7[%shift_right_arithmetic3A_791, %add3A_797] : memref<80x144xf32, #tpu.memory_space<vmem>>[vector<16xi32>, vector<16xi32>], vector<16xf32>,
      %gather3A_799 = tpu.vector_load_idx %arg9[%shift_right_arithmetic3A_791, %and3A_794] : memref<80x16xf32, #tpu.memory_space<vmem>>[vector<16xi32>, vector<16xi32>], vector<16xf32>,
      %add3A_800 = arith.addf %gather3A_798, %gather3A_799 : vector<16xf32>
      %max3A_801 = arith.constant 0.000000e+00 : f32
      %max3A_802 = vector.broadcast %max3A_801 : f32 to vector<16xf32>
      %max3A_803 = arith.maximumf %add3A_800, %max3A_802 : vector<16xf32>
      %min3A_804 = arith.constant 0.000000e+00 : f32
      %min3A_805 = vector.broadcast %min3A_804 : f32 to vector<16xf32>
      %min3A_806 = arith.minimumf %add3A_800, %min3A_805 : vector<16xf32>
      %mul3A_807 = arith.constant 2.000000e-01 : f32
      %mul3A_808 = vector.broadcast %mul3A_807 : f32 to vector<16xf32>
      %mul3A_809 = arith.mulf %mul3A_808, %min3A_806 : vector<16xf32>
      %add3A_810 = arith.addf %max3A_803, %mul3A_809 : vector<16xf32>
      %exp3A_811 = math.exp %add3A_810 : vector<16xf32>
      tpu.vector_store_idx %arg11[%shift_right_arithmetic3A_791, %and3A_794], %exp3A_811 : memref<80x16xf32, #tpu.memory_space<vmem>>[vector<16xi32>, vector<16xi32>], vector<16xf32>,
      %add3A_812 = arith.constant 64 : i32
      %add3A_813 = vector.broadcast %add3A_812 : i32 to vector<16xi32>
      %add3A_814 = arith.addi %add3A_813, %iota3A : vector<16xi32>
      %shift_right_arithmetic3A_815 = arith.constant 2 : i32
      %shift_right_arithmetic3A_816 = vector.broadcast %shift_right_arithmetic3A_815 : i32 to vector<16xi32>
      %shift_right_arithmetic3A_817 = arith.shrsi %add3A_814, %shift_right_arithmetic3A_816 : vector<16xi32>
      %and3A_818 = arith.constant 3 : i32
      %and3A_819 = vector.broadcast %and3A_818 : i32 to vector<16xi32>
      %and3A_820 = arith.andi %add3A_814, %and3A_819 : vector<16xi32>
      %add3A_821 = arith.constant 128 : i32
      %add3A_822 = vector.broadcast %add3A_821 : i32 to vector<16xi32>
      %add3A_823 = arith.addi %and3A_820, %add3A_822 : vector<16xi32>
      %gather3A_824 = tpu.vector_load_idx %arg7[%shift_right_arithmetic3A_817, %add3A_823] : memref<80x144xf32, #tpu.memory_space<vmem>>[vector<16xi32>, vector<16xi32>], vector<16xf32>,
      %gather3A_825 = tpu.vector_load_idx %arg9[%shift_right_arithmetic3A_817, %and3A_820] : memref<80x16xf32, #tpu.memory_space<vmem>>[vector<16xi32>, vector<16xi32>], vector<16xf32>,
      %add3A_826 = arith.addf %gather3A_824, %gather3A_825 : vector<16xf32>
      %max3A_827 = arith.constant 0.000000e+00 : f32
      %max3A_828 = vector.broadcast %max3A_827 : f32 to vector<16xf32>
      %max3A_829 = arith.maximumf %add3A_826, %max3A_828 : vector<16xf32>
      %min3A_830 = arith.constant 0.000000e+00 : f32
      %min3A_831 = vector.broadcast %min3A_830 : f32 to vector<16xf32>
      %min3A_832 = arith.minimumf %add3A_826, %min3A_831 : vector<16xf32>
      %mul3A_833 = arith.constant 2.000000e-01 : f32
      %mul3A_834 = vector.broadcast %mul3A_833 : f32 to vector<16xf32>
      %mul3A_835 = arith.mulf %mul3A_834, %min3A_832 : vector<16xf32>
      %add3A_836 = arith.addf %max3A_829, %mul3A_835 : vector<16xf32>
      %exp3A_837 = math.exp %add3A_836 : vector<16xf32>
      tpu.vector_store_idx %arg11[%shift_right_arithmetic3A_817, %and3A_820], %exp3A_837 : memref<80x16xf32, #tpu.memory_space<vmem>>[vector<16xi32>, vector<16xi32>], vector<16xf32>,
      %add3A_838 = arith.constant 80 : i32
      %add3A_839 = vector.broadcast %add3A_838 : i32 to vector<16xi32>
      %add3A_840 = arith.addi %add3A_839, %iota3A : vector<16xi32>
      %shift_right_arithmetic3A_841 = arith.constant 2 : i32
      %shift_right_arithmetic3A_842 = vector.broadcast %shift_right_arithmetic3A_841 : i32 to vector<16xi32>
      %shift_right_arithmetic3A_843 = arith.shrsi %add3A_840, %shift_right_arithmetic3A_842 : vector<16xi32>
      %and3A_844 = arith.constant 3 : i32
      %and3A_845 = vector.broadcast %and3A_844 : i32 to vector<16xi32>
      %and3A_846 = arith.andi %add3A_840, %and3A_845 : vector<16xi32>
      %add3A_847 = arith.constant 128 : i32
      %add3A_848 = vector.broadcast %add3A_847 : i32 to vector<16xi32>
      %add3A_849 = arith.addi %and3A_846, %add3A_848 : vector<16xi32>
      %gather3A_850 = tpu.vector_load_idx %arg7[%shift_right_arithmetic3A_843, %add3A_849] : memref<80x144xf32, #tpu.memory_space<vmem>>[vector<16xi32>, vector<16xi32>], vector<16xf32>,
      %gather3A_851 = tpu.vector_load_idx %arg9[%shift_right_arithmetic3A_843, %and3A_846] : memref<80x16xf32, #tpu.memory_space<vmem>>[vector<16xi32>, vector<16xi32>], vector<16xf32>,
      %add3A_852 = arith.addf %gather3A_850, %gather3A_851 : vector<16xf32>
      %max3A_853 = arith.constant 0.000000e+00 : f32
      %max3A_854 = vector.broadcast %max3A_853 : f32 to vector<16xf32>
      %max3A_855 = arith.maximumf %add3A_852, %max3A_854 : vector<16xf32>
      %min3A_856 = arith.constant 0.000000e+00 : f32
      %min3A_857 = vector.broadcast %min3A_856 : f32 to vector<16xf32>
      %min3A_858 = arith.minimumf %add3A_852, %min3A_857 : vector<16xf32>
      %mul3A_859 = arith.constant 2.000000e-01 : f32
      %mul3A_860 = vector.broadcast %mul3A_859 : f32 to vector<16xf32>
      %mul3A_861 = arith.mulf %mul3A_860, %min3A_858 : vector<16xf32>
      %add3A_862 = arith.addf %max3A_855, %mul3A_861 : vector<16xf32>
      %exp3A_863 = math.exp %add3A_862 : vector<16xf32>
      tpu.vector_store_idx %arg11[%shift_right_arithmetic3A_843, %and3A_846], %exp3A_863 : memref<80x16xf32, #tpu.memory_space<vmem>>[vector<16xi32>, vector<16xi32>], vector<16xf32>,
      %add3A_864 = arith.constant 96 : i32
      %add3A_865 = vector.broadcast %add3A_864 : i32 to vector<16xi32>
      %add3A_866 = arith.addi %add3A_865, %iota3A : vector<16xi32>
      %shift_right_arithmetic3A_867 = arith.constant 2 : i32
      %shift_right_arithmetic3A_868 = vector.broadcast %shift_right_arithmetic3A_867 : i32 to vector<16xi32>
      %shift_right_arithmetic3A_869 = arith.shrsi %add3A_866, %shift_right_arithmetic3A_868 : vector<16xi32>
      %and3A_870 = arith.constant 3 : i32
      %and3A_871 = vector.broadcast %and3A_870 : i32 to vector<16xi32>
      %and3A_872 = arith.andi %add3A_866, %and3A_871 : vector<16xi32>
      %add3A_873 = arith.constant 128 : i32
      %add3A_874 = vector.broadcast %add3A_873 : i32 to vector<16xi32>
      %add3A_875 = arith.addi %and3A_872, %add3A_874 : vector<16xi32>
      %gather3A_876 = tpu.vector_load_idx %arg7[%shift_right_arithmetic3A_869, %add3A_875] : memref<80x144xf32, #tpu.memory_space<vmem>>[vector<16xi32>, vector<16xi32>], vector<16xf32>,
      %gather3A_877 = tpu.vector_load_idx %arg9[%shift_right_arithmetic3A_869, %and3A_872] : memref<80x16xf32, #tpu.memory_space<vmem>>[vector<16xi32>, vector<16xi32>], vector<16xf32>,
      %add3A_878 = arith.addf %gather3A_876, %gather3A_877 : vector<16xf32>
      %max3A_879 = arith.constant 0.000000e+00 : f32
      %max3A_880 = vector.broadcast %max3A_879 : f32 to vector<16xf32>
      %max3A_881 = arith.maximumf %add3A_878, %max3A_880 : vector<16xf32>
      %min3A_882 = arith.constant 0.000000e+00 : f32
      %min3A_883 = vector.broadcast %min3A_882 : f32 to vector<16xf32>
      %min3A_884 = arith.minimumf %add3A_878, %min3A_883 : vector<16xf32>
      %mul3A_885 = arith.constant 2.000000e-01 : f32
      %mul3A_886 = vector.broadcast %mul3A_885 : f32 to vector<16xf32>
      %mul3A_887 = arith.mulf %mul3A_886, %min3A_884 : vector<16xf32>
      %add3A_888 = arith.addf %max3A_881, %mul3A_887 : vector<16xf32>
      %exp3A_889 = math.exp %add3A_888 : vector<16xf32>
      tpu.vector_store_idx %arg11[%shift_right_arithmetic3A_869, %and3A_872], %exp3A_889 : memref<80x16xf32, #tpu.memory_space<vmem>>[vector<16xi32>, vector<16xi32>], vector<16xf32>,
      %add3A_890 = arith.constant 112 : i32
      %add3A_891 = vector.broadcast %add3A_890 : i32 to vector<16xi32>
      %add3A_892 = arith.addi %add3A_891, %iota3A : vector<16xi32>
      %shift_right_arithmetic3A_893 = arith.constant 2 : i32
      %shift_right_arithmetic3A_894 = vector.broadcast %shift_right_arithmetic3A_893 : i32 to vector<16xi32>
      %shift_right_arithmetic3A_895 = arith.shrsi %add3A_892, %shift_right_arithmetic3A_894 : vector<16xi32>
      %and3A_896 = arith.constant 3 : i32
      %and3A_897 = vector.broadcast %and3A_896 : i32 to vector<16xi32>
      %and3A_898 = arith.andi %add3A_892, %and3A_897 : vector<16xi32>
      %add3A_899 = arith.constant 128 : i32
      %add3A_900 = vector.broadcast %add3A_899 : i32 to vector<16xi32>
      %add3A_901 = arith.addi %and3A_898, %add3A_900 : vector<16xi32>
      %gather3A_902 = tpu.vector_load_idx %arg7[%shift_right_arithmetic3A_895, %add3A_901] : memref<80x144xf32, #tpu.memory_space<vmem>>[vector<16xi32>, vector<16xi32>], vector<16xf32>,
      %gather3A_903 = tpu.vector_load_idx %arg9[%shift_right_arithmetic3A_895, %and3A_898] : memref<80x16xf32, #tpu.memory_space<vmem>>[vector<16xi32>, vector<16xi32>], vector<16xf32>,
      %add3A_904 = arith.addf %gather3A_902, %gather3A_903 : vector<16xf32>
      %max3A_905 = arith.constant 0.000000e+00 : f32
      %max3A_906 = vector.broadcast %max3A_905 : f32 to vector<16xf32>
      %max3A_907 = arith.maximumf %add3A_904, %max3A_906 : vector<16xf32>
      %min3A_908 = arith.constant 0.000000e+00 : f32
      %min3A_909 = vector.broadcast %min3A_908 : f32 to vector<16xf32>
      %min3A_910 = arith.minimumf %add3A_904, %min3A_909 : vector<16xf32>
      %mul3A_911 = arith.constant 2.000000e-01 : f32
      %mul3A_912 = vector.broadcast %mul3A_911 : f32 to vector<16xf32>
      %mul3A_913 = arith.mulf %mul3A_912, %min3A_910 : vector<16xf32>
      %add3A_914 = arith.addf %max3A_907, %mul3A_913 : vector<16xf32>
      %exp3A_915 = math.exp %add3A_914 : vector<16xf32>
      tpu.vector_store_idx %arg11[%shift_right_arithmetic3A_895, %and3A_898], %exp3A_915 : memref<80x16xf32, #tpu.memory_space<vmem>>[vector<16xi32>, vector<16xi32>], vector<16xf32>,
      %add3A_916 = arith.constant 128 : i32
      %add3A_917 = vector.broadcast %add3A_916 : i32 to vector<16xi32>
      %add3A_918 = arith.addi %add3A_917, %iota3A : vector<16xi32>
      %shift_right_arithmetic3A_919 = arith.constant 2 : i32
      %shift_right_arithmetic3A_920 = vector.broadcast %shift_right_arithmetic3A_919 : i32 to vector<16xi32>
      %shift_right_arithmetic3A_921 = arith.shrsi %add3A_918, %shift_right_arithmetic3A_920 : vector<16xi32>
      %and3A_922 = arith.constant 3 : i32
      %and3A_923 = vector.broadcast %and3A_922 : i32 to vector<16xi32>
      %and3A_924 = arith.andi %add3A_918, %and3A_923 : vector<16xi32>
      %add3A_925 = arith.constant 128 : i32
      %add3A_926 = vector.broadcast %add3A_925 : i32 to vector<16xi32>
      %add3A_927 = arith.addi %and3A_924, %add3A_926 : vector<16xi32>
      %gather3A_928 = tpu.vector_load_idx %arg7[%shift_right_arithmetic3A_921, %add3A_927] : memref<80x144xf32, #tpu.memory_space<vmem>>[vector<16xi32>, vector<16xi32>], vector<16xf32>,
      %gather3A_929 = tpu.vector_load_idx %arg9[%shift_right_arithmetic3A_921, %and3A_924] : memref<80x16xf32, #tpu.memory_space<vmem>>[vector<16xi32>, vector<16xi32>], vector<16xf32>,
      %add3A_930 = arith.addf %gather3A_928, %gather3A_929 : vector<16xf32>
      %max3A_931 = arith.constant 0.000000e+00 : f32
      %max3A_932 = vector.broadcast %max3A_931 : f32 to vector<16xf32>
      %max3A_933 = arith.maximumf %add3A_930, %max3A_932 : vector<16xf32>
      %min3A_934 = arith.constant 0.000000e+00 : f32
      %min3A_935 = vector.broadcast %min3A_934 : f32 to vector<16xf32>
      %min3A_936 = arith.minimumf %add3A_930, %min3A_935 : vector<16xf32>
      %mul3A_937 = arith.constant 2.000000e-01 : f32
      %mul3A_938 = vector.broadcast %mul3A_937 : f32 to vector<16xf32>
      %mul3A_939 = arith.mulf %mul3A_938, %min3A_936 : vector<16xf32>
      %add3A_940 = arith.addf %max3A_933, %mul3A_939 : vector<16xf32>
      %exp3A_941 = math.exp %add3A_940 : vector<16xf32>
      tpu.vector_store_idx %arg11[%shift_right_arithmetic3A_921, %and3A_924], %exp3A_941 : memref<80x16xf32, #tpu.memory_space<vmem>>[vector<16xi32>, vector<16xi32>], vector<16xf32>,
      %add3A_942 = arith.constant 144 : i32
      %add3A_943 = vector.broadcast %add3A_942 : i32 to vector<16xi32>
      %add3A_944 = arith.addi %add3A_943, %iota3A : vector<16xi32>
      %shift_right_arithmetic3A_945 = arith.constant 2 : i32
      %shift_right_arithmetic3A_946 = vector.broadcast %shift_right_arithmetic3A_945 : i32 to vector<16xi32>
      %shift_right_arithmetic3A_947 = arith.shrsi %add3A_944, %shift_right_arithmetic3A_946 : vector<16xi32>
      %and3A_948 = arith.constant 3 : i32
      %and3A_949 = vector.broadcast %and3A_948 : i32 to vector<16xi32>
      %and3A_950 = arith.andi %add3A_944, %and3A_949 : vector<16xi32>
      %add3A_951 = arith.constant 128 : i32
      %add3A_952 = vector.broadcast %add3A_951 : i32 to vector<16xi32>
      %add3A_953 = arith.addi %and3A_950, %add3A_952 : vector<16xi32>
      %gather3A_954 = tpu.vector_load_idx %arg7[%shift_right_arithmetic3A_947, %add3A_953] : memref<80x144xf32, #tpu.memory_space<vmem>>[vector<16xi32>, vector<16xi32>], vector<16xf32>,
      %gather3A_955 = tpu.vector_load_idx %arg9[%shift_right_arithmetic3A_947, %and3A_950] : memref<80x16xf32, #tpu.memory_space<vmem>>[vector<16xi32>, vector<16xi32>], vector<16xf32>,
      %add3A_956 = arith.addf %gather3A_954, %gather3A_955 : vector<16xf32>
      %max3A_957 = arith.constant 0.000000e+00 : f32
      %max3A_958 = vector.broadcast %max3A_957 : f32 to vector<16xf32>
      %max3A_959 = arith.maximumf %add3A_956, %max3A_958 : vector<16xf32>
      %min3A_960 = arith.constant 0.000000e+00 : f32
      %min3A_961 = vector.broadcast %min3A_960 : f32 to vector<16xf32>
      %min3A_962 = arith.minimumf %add3A_956, %min3A_961 : vector<16xf32>
      %mul3A_963 = arith.constant 2.000000e-01 : f32
      %mul3A_964 = vector.broadcast %mul3A_963 : f32 to vector<16xf32>
      %mul3A_965 = arith.mulf %mul3A_964, %min3A_962 : vector<16xf32>
      %add3A_966 = arith.addf %max3A_959, %mul3A_965 : vector<16xf32>
      %exp3A_967 = math.exp %add3A_966 : vector<16xf32>
      tpu.vector_store_idx %arg11[%shift_right_arithmetic3A_947, %and3A_950], %exp3A_967 : memref<80x16xf32, #tpu.memory_space<vmem>>[vector<16xi32>, vector<16xi32>], vector<16xf32>,
      %add3A_968 = arith.constant 160 : i32
      %add3A_969 = vector.broadcast %add3A_968 : i32 to vector<16xi32>
      %add3A_970 = arith.addi %add3A_969, %iota3A : vector<16xi32>
      %shift_right_arithmetic3A_971 = arith.constant 2 : i32
      %shift_right_arithmetic3A_972 = vector.broadcast %shift_right_arithmetic3A_971 : i32 to vector<16xi32>
      %shift_right_arithmetic3A_973 = arith.shrsi %add3A_970, %shift_right_arithmetic3A_972 : vector<16xi32>
      %and3A_974 = arith.constant 3 : i32
      %and3A_975 = vector.broadcast %and3A_974 : i32 to vector<16xi32>
      %and3A_976 = arith.andi %add3A_970, %and3A_975 : vector<16xi32>
      %add3A_977 = arith.constant 128 : i32
      %add3A_978 = vector.broadcast %add3A_977 : i32 to vector<16xi32>
      %add3A_979 = arith.addi %and3A_976, %add3A_978 : vector<16xi32>
      %gather3A_980 = tpu.vector_load_idx %arg7[%shift_right_arithmetic3A_973, %add3A_979] : memref<80x144xf32, #tpu.memory_space<vmem>>[vector<16xi32>, vector<16xi32>], vector<16xf32>,
      %gather3A_981 = tpu.vector_load_idx %arg9[%shift_right_arithmetic3A_973, %and3A_976] : memref<80x16xf32, #tpu.memory_space<vmem>>[vector<16xi32>, vector<16xi32>], vector<16xf32>,
      %add3A_982 = arith.addf %gather3A_980, %gather3A_981 : vector<16xf32>
      %max3A_983 = arith.constant 0.000000e+00 : f32
      %max3A_984 = vector.broadcast %max3A_983 : f32 to vector<16xf32>
      %max3A_985 = arith.maximumf %add3A_982, %max3A_984 : vector<16xf32>
      %min3A_986 = arith.constant 0.000000e+00 : f32
      %min3A_987 = vector.broadcast %min3A_986 : f32 to vector<16xf32>
      %min3A_988 = arith.minimumf %add3A_982, %min3A_987 : vector<16xf32>
      %mul3A_989 = arith.constant 2.000000e-01 : f32
      %mul3A_990 = vector.broadcast %mul3A_989 : f32 to vector<16xf32>
      %mul3A_991 = arith.mulf %mul3A_990, %min3A_988 : vector<16xf32>
      %add3A_992 = arith.addf %max3A_985, %mul3A_991 : vector<16xf32>
      %exp3A_993 = math.exp %add3A_992 : vector<16xf32>
      tpu.vector_store_idx %arg11[%shift_right_arithmetic3A_973, %and3A_976], %exp3A_993 : memref<80x16xf32, #tpu.memory_space<vmem>>[vector<16xi32>, vector<16xi32>], vector<16xf32>,
      %add3A_994 = arith.constant 176 : i32
      %add3A_995 = vector.broadcast %add3A_994 : i32 to vector<16xi32>
      %add3A_996 = arith.addi %add3A_995, %iota3A : vector<16xi32>
      %shift_right_arithmetic3A_997 = arith.constant 2 : i32
      %shift_right_arithmetic3A_998 = vector.broadcast %shift_right_arithmetic3A_997 : i32 to vector<16xi32>
      %shift_right_arithmetic3A_999 = arith.shrsi %add3A_996, %shift_right_arithmetic3A_998 : vector<16xi32>
      %and3A_1000 = arith.constant 3 : i32
      %and3A_1001 = vector.broadcast %and3A_1000 : i32 to vector<16xi32>
      %and3A_1002 = arith.andi %add3A_996, %and3A_1001 : vector<16xi32>
      %add3A_1003 = arith.constant 128 : i32
      %add3A_1004 = vector.broadcast %add3A_1003 : i32 to vector<16xi32>
      %add3A_1005 = arith.addi %and3A_1002, %add3A_1004 : vector<16xi32>
      %gather3A_1006 = tpu.vector_load_idx %arg7[%shift_right_arithmetic3A_999, %add3A_1005] : memref<80x144xf32, #tpu.memory_space<vmem>>[vector<16xi32>, vector<16xi32>], vector<16xf32>,
      %gather3A_1007 = tpu.vector_load_idx %arg9[%shift_right_arithmetic3A_999, %and3A_1002] : memref<80x16xf32, #tpu.memory_space<vmem>>[vector<16xi32>, vector<16xi32>], vector<16xf32>,
      %add3A_1008 = arith.addf %gather3A_1006, %gather3A_1007 : vector<16xf32>
      %max3A_1009 = arith.constant 0.000000e+00 : f32
      %max3A_1010 = vector.broadcast %max3A_1009 : f32 to vector<16xf32>
      %max3A_1011 = arith.maximumf %add3A_1008, %max3A_1010 : vector<16xf32>
      %min3A_1012 = arith.constant 0.000000e+00 : f32
      %min3A_1013 = vector.broadcast %min3A_1012 : f32 to vector<16xf32>
      %min3A_1014 = arith.minimumf %add3A_1008, %min3A_1013 : vector<16xf32>
      %mul3A_1015 = arith.constant 2.000000e-01 : f32
      %mul3A_1016 = vector.broadcast %mul3A_1015 : f32 to vector<16xf32>
      %mul3A_1017 = arith.mulf %mul3A_1016, %min3A_1014 : vector<16xf32>
      %add3A_1018 = arith.addf %max3A_1011, %mul3A_1017 : vector<16xf32>
      %exp3A_1019 = math.exp %add3A_1018 : vector<16xf32>
      tpu.vector_store_idx %arg11[%shift_right_arithmetic3A_999, %and3A_1002], %exp3A_1019 : memref<80x16xf32, #tpu.memory_space<vmem>>[vector<16xi32>, vector<16xi32>], vector<16xf32>,
      %add3A_1020 = arith.constant 192 : i32
      %add3A_1021 = vector.broadcast %add3A_1020 : i32 to vector<16xi32>
      %add3A_1022 = arith.addi %add3A_1021, %iota3A : vector<16xi32>
      %shift_right_arithmetic3A_1023 = arith.constant 2 : i32
      %shift_right_arithmetic3A_1024 = vector.broadcast %shift_right_arithmetic3A_1023 : i32 to vector<16xi32>
      %shift_right_arithmetic3A_1025 = arith.shrsi %add3A_1022, %shift_right_arithmetic3A_1024 : vector<16xi32>
      %and3A_1026 = arith.constant 3 : i32
      %and3A_1027 = vector.broadcast %and3A_1026 : i32 to vector<16xi32>
      %and3A_1028 = arith.andi %add3A_1022, %and3A_1027 : vector<16xi32>
      %add3A_1029 = arith.constant 128 : i32
      %add3A_1030 = vector.broadcast %add3A_1029 : i32 to vector<16xi32>
      %add3A_1031 = arith.addi %and3A_1028, %add3A_1030 : vector<16xi32>
      %gather3A_1032 = tpu.vector_load_idx %arg7[%shift_right_arithmetic3A_1025, %add3A_1031] : memref<80x144xf32, #tpu.memory_space<vmem>>[vector<16xi32>, vector<16xi32>], vector<16xf32>,
      %gather3A_1033 = tpu.vector_load_idx %arg9[%shift_right_arithmetic3A_1025, %and3A_1028] : memref<80x16xf32, #tpu.memory_space<vmem>>[vector<16xi32>, vector<16xi32>], vector<16xf32>,
      %add3A_1034 = arith.addf %gather3A_1032, %gather3A_1033 : vector<16xf32>
      %max3A_1035 = arith.constant 0.000000e+00 : f32
      %max3A_1036 = vector.broadcast %max3A_1035 : f32 to vector<16xf32>
      %max3A_1037 = arith.maximumf %add3A_1034, %max3A_1036 : vector<16xf32>
      %min3A_1038 = arith.constant 0.000000e+00 : f32
      %min3A_1039 = vector.broadcast %min3A_1038 : f32 to vector<16xf32>
      %min3A_1040 = arith.minimumf %add3A_1034, %min3A_1039 : vector<16xf32>
      %mul3A_1041 = arith.constant 2.000000e-01 : f32
      %mul3A_1042 = vector.broadcast %mul3A_1041 : f32 to vector<16xf32>
      %mul3A_1043 = arith.mulf %mul3A_1042, %min3A_1040 : vector<16xf32>
      %add3A_1044 = arith.addf %max3A_1037, %mul3A_1043 : vector<16xf32>
      %exp3A_1045 = math.exp %add3A_1044 : vector<16xf32>
      tpu.vector_store_idx %arg11[%shift_right_arithmetic3A_1025, %and3A_1028], %exp3A_1045 : memref<80x16xf32, #tpu.memory_space<vmem>>[vector<16xi32>, vector<16xi32>], vector<16xf32>,
      %add3A_1046 = arith.constant 208 : i32
      %add3A_1047 = vector.broadcast %add3A_1046 : i32 to vector<16xi32>
      %add3A_1048 = arith.addi %add3A_1047, %iota3A : vector<16xi32>
      %shift_right_arithmetic3A_1049 = arith.constant 2 : i32
      %shift_right_arithmetic3A_1050 = vector.broadcast %shift_right_arithmetic3A_1049 : i32 to vector<16xi32>
      %shift_right_arithmetic3A_1051 = arith.shrsi %add3A_1048, %shift_right_arithmetic3A_1050 : vector<16xi32>
      %and3A_1052 = arith.constant 3 : i32
      %and3A_1053 = vector.broadcast %and3A_1052 : i32 to vector<16xi32>
      %and3A_1054 = arith.andi %add3A_1048, %and3A_1053 : vector<16xi32>
      %add3A_1055 = arith.constant 128 : i32
      %add3A_1056 = vector.broadcast %add3A_1055 : i32 to vector<16xi32>
      %add3A_1057 = arith.addi %and3A_1054, %add3A_1056 : vector<16xi32>
      %gather3A_1058 = tpu.vector_load_idx %arg7[%shift_right_arithmetic3A_1051, %add3A_1057] : memref<80x144xf32, #tpu.memory_space<vmem>>[vector<16xi32>, vector<16xi32>], vector<16xf32>,
      %gather3A_1059 = tpu.vector_load_idx %arg9[%shift_right_arithmetic3A_1051, %and3A_1054] : memref<80x16xf32, #tpu.memory_space<vmem>>[vector<16xi32>, vector<16xi32>], vector<16xf32>,
      %add3A_1060 = arith.addf %gather3A_1058, %gather3A_1059 : vector<16xf32>
      %max3A_1061 = arith.constant 0.000000e+00 : f32
      %max3A_1062 = vector.broadcast %max3A_1061 : f32 to vector<16xf32>
      %max3A_1063 = arith.maximumf %add3A_1060, %max3A_1062 : vector<16xf32>
      %min3A_1064 = arith.constant 0.000000e+00 : f32
      %min3A_1065 = vector.broadcast %min3A_1064 : f32 to vector<16xf32>
      %min3A_1066 = arith.minimumf %add3A_1060, %min3A_1065 : vector<16xf32>
      %mul3A_1067 = arith.constant 2.000000e-01 : f32
      %mul3A_1068 = vector.broadcast %mul3A_1067 : f32 to vector<16xf32>
      %mul3A_1069 = arith.mulf %mul3A_1068, %min3A_1066 : vector<16xf32>
      %add3A_1070 = arith.addf %max3A_1063, %mul3A_1069 : vector<16xf32>
      %exp3A_1071 = math.exp %add3A_1070 : vector<16xf32>
      tpu.vector_store_idx %arg11[%shift_right_arithmetic3A_1051, %and3A_1054], %exp3A_1071 : memref<80x16xf32, #tpu.memory_space<vmem>>[vector<16xi32>, vector<16xi32>], vector<16xf32>,
      %add3A_1072 = arith.constant 224 : i32
      %add3A_1073 = vector.broadcast %add3A_1072 : i32 to vector<16xi32>
      %add3A_1074 = arith.addi %add3A_1073, %iota3A : vector<16xi32>
      %shift_right_arithmetic3A_1075 = arith.constant 2 : i32
      %shift_right_arithmetic3A_1076 = vector.broadcast %shift_right_arithmetic3A_1075 : i32 to vector<16xi32>
      %shift_right_arithmetic3A_1077 = arith.shrsi %add3A_1074, %shift_right_arithmetic3A_1076 : vector<16xi32>
      %and3A_1078 = arith.constant 3 : i32
      %and3A_1079 = vector.broadcast %and3A_1078 : i32 to vector<16xi32>
      %and3A_1080 = arith.andi %add3A_1074, %and3A_1079 : vector<16xi32>
      %add3A_1081 = arith.constant 128 : i32
      %add3A_1082 = vector.broadcast %add3A_1081 : i32 to vector<16xi32>
      %add3A_1083 = arith.addi %and3A_1080, %add3A_1082 : vector<16xi32>
      %gather3A_1084 = tpu.vector_load_idx %arg7[%shift_right_arithmetic3A_1077, %add3A_1083] : memref<80x144xf32, #tpu.memory_space<vmem>>[vector<16xi32>, vector<16xi32>], vector<16xf32>,
      %gather3A_1085 = tpu.vector_load_idx %arg9[%shift_right_arithmetic3A_1077, %and3A_1080] : memref<80x16xf32, #tpu.memory_space<vmem>>[vector<16xi32>, vector<16xi32>], vector<16xf32>,
      %add3A_1086 = arith.addf %gather3A_1084, %gather3A_1085 : vector<16xf32>
      %max3A_1087 = arith.constant 0.000000e+00 : f32
      %max3A_1088 = vector.broadcast %max3A_1087 : f32 to vector<16xf32>
      %max3A_1089 = arith.maximumf %add3A_1086, %max3A_1088 : vector<16xf32>
      %min3A_1090 = arith.constant 0.000000e+00 : f32
      %min3A_1091 = vector.broadcast %min3A_1090 : f32 to vector<16xf32>
      %min3A_1092 = arith.minimumf %add3A_1086, %min3A_1091 : vector<16xf32>
      %mul3A_1093 = arith.constant 2.000000e-01 : f32
      %mul3A_1094 = vector.broadcast %mul3A_1093 : f32 to vector<16xf32>
      %mul3A_1095 = arith.mulf %mul3A_1094, %min3A_1092 : vector<16xf32>
      %add3A_1096 = arith.addf %max3A_1089, %mul3A_1095 : vector<16xf32>
      %exp3A_1097 = math.exp %add3A_1096 : vector<16xf32>
      tpu.vector_store_idx %arg11[%shift_right_arithmetic3A_1077, %and3A_1080], %exp3A_1097 : memref<80x16xf32, #tpu.memory_space<vmem>>[vector<16xi32>, vector<16xi32>], vector<16xf32>,
      %add3A_1098 = arith.constant 240 : i32
      %add3A_1099 = vector.broadcast %add3A_1098 : i32 to vector<16xi32>
      %add3A_1100 = arith.addi %add3A_1099, %iota3A : vector<16xi32>
      %shift_right_arithmetic3A_1101 = arith.constant 2 : i32
      %shift_right_arithmetic3A_1102 = vector.broadcast %shift_right_arithmetic3A_1101 : i32 to vector<16xi32>
      %shift_right_arithmetic3A_1103 = arith.shrsi %add3A_1100, %shift_right_arithmetic3A_1102 : vector<16xi32>
      %and3A_1104 = arith.constant 3 : i32
      %and3A_1105 = vector.broadcast %and3A_1104 : i32 to vector<16xi32>
      %and3A_1106 = arith.andi %add3A_1100, %and3A_1105 : vector<16xi32>
      %add3A_1107 = arith.constant 128 : i32
      %add3A_1108 = vector.broadcast %add3A_1107 : i32 to vector<16xi32>
      %add3A_1109 = arith.addi %and3A_1106, %add3A_1108 : vector<16xi32>
      %gather3A_1110 = tpu.vector_load_idx %arg7[%shift_right_arithmetic3A_1103, %add3A_1109] : memref<80x144xf32, #tpu.memory_space<vmem>>[vector<16xi32>, vector<16xi32>], vector<16xf32>,
      %gather3A_1111 = tpu.vector_load_idx %arg9[%shift_right_arithmetic3A_1103, %and3A_1106] : memref<80x16xf32, #tpu.memory_space<vmem>>[vector<16xi32>, vector<16xi32>], vector<16xf32>,
      %add3A_1112 = arith.addf %gather3A_1110, %gather3A_1111 : vector<16xf32>
      %max3A_1113 = arith.constant 0.000000e+00 : f32
      %max3A_1114 = vector.broadcast %max3A_1113 : f32 to vector<16xf32>
      %max3A_1115 = arith.maximumf %add3A_1112, %max3A_1114 : vector<16xf32>
      %min3A_1116 = arith.constant 0.000000e+00 : f32
      %min3A_1117 = vector.broadcast %min3A_1116 : f32 to vector<16xf32>
      %min3A_1118 = arith.minimumf %add3A_1112, %min3A_1117 : vector<16xf32>
      %mul3A_1119 = arith.constant 2.000000e-01 : f32
      %mul3A_1120 = vector.broadcast %mul3A_1119 : f32 to vector<16xf32>
      %mul3A_1121 = arith.mulf %mul3A_1120, %min3A_1118 : vector<16xf32>
      %add3A_1122 = arith.addf %max3A_1115, %mul3A_1121 : vector<16xf32>
      %exp3A_1123 = math.exp %add3A_1122 : vector<16xf32>
      tpu.vector_store_idx %arg11[%shift_right_arithmetic3A_1103, %and3A_1106], %exp3A_1123 : memref<80x16xf32, #tpu.memory_space<vmem>>[vector<16xi32>, vector<16xi32>], vector<16xf32>,
      %add3A_1124 = arith.constant 256 : i32
      %add3A_1125 = vector.broadcast %add3A_1124 : i32 to vector<16xi32>
      %add3A_1126 = arith.addi %add3A_1125, %iota3A : vector<16xi32>
      %shift_right_arithmetic3A_1127 = arith.constant 2 : i32
      %shift_right_arithmetic3A_1128 = vector.broadcast %shift_right_arithmetic3A_1127 : i32 to vector<16xi32>
      %shift_right_arithmetic3A_1129 = arith.shrsi %add3A_1126, %shift_right_arithmetic3A_1128 : vector<16xi32>
      %and3A_1130 = arith.constant 3 : i32
      %and3A_1131 = vector.broadcast %and3A_1130 : i32 to vector<16xi32>
      %and3A_1132 = arith.andi %add3A_1126, %and3A_1131 : vector<16xi32>
      %add3A_1133 = arith.constant 128 : i32
      %add3A_1134 = vector.broadcast %add3A_1133 : i32 to vector<16xi32>
      %add3A_1135 = arith.addi %and3A_1132, %add3A_1134 : vector<16xi32>
      %gather3A_1136 = tpu.vector_load_idx %arg7[%shift_right_arithmetic3A_1129, %add3A_1135] : memref<80x144xf32, #tpu.memory_space<vmem>>[vector<16xi32>, vector<16xi32>], vector<16xf32>,
      %gather3A_1137 = tpu.vector_load_idx %arg9[%shift_right_arithmetic3A_1129, %and3A_1132] : memref<80x16xf32, #tpu.memory_space<vmem>>[vector<16xi32>, vector<16xi32>], vector<16xf32>,
      %add3A_1138 = arith.addf %gather3A_1136, %gather3A_1137 : vector<16xf32>
      %max3A_1139 = arith.constant 0.000000e+00 : f32
      %max3A_1140 = vector.broadcast %max3A_1139 : f32 to vector<16xf32>
      %max3A_1141 = arith.maximumf %add3A_1138, %max3A_1140 : vector<16xf32>
      %min3A_1142 = arith.constant 0.000000e+00 : f32
      %min3A_1143 = vector.broadcast %min3A_1142 : f32 to vector<16xf32>
      %min3A_1144 = arith.minimumf %add3A_1138, %min3A_1143 : vector<16xf32>
      %mul3A_1145 = arith.constant 2.000000e-01 : f32
      %mul3A_1146 = vector.broadcast %mul3A_1145 : f32 to vector<16xf32>
      %mul3A_1147 = arith.mulf %mul3A_1146, %min3A_1144 : vector<16xf32>
      %add3A_1148 = arith.addf %max3A_1141, %mul3A_1147 : vector<16xf32>
      %exp3A_1149 = math.exp %add3A_1148 : vector<16xf32>
      tpu.vector_store_idx %arg11[%shift_right_arithmetic3A_1129, %and3A_1132], %exp3A_1149 : memref<80x16xf32, #tpu.memory_space<vmem>>[vector<16xi32>, vector<16xi32>], vector<16xf32>,
      %add3A_1150 = arith.constant 272 : i32
      %add3A_1151 = vector.broadcast %add3A_1150 : i32 to vector<16xi32>
      %add3A_1152 = arith.addi %add3A_1151, %iota3A : vector<16xi32>
      %shift_right_arithmetic3A_1153 = arith.constant 2 : i32
      %shift_right_arithmetic3A_1154 = vector.broadcast %shift_right_arithmetic3A_1153 : i32 to vector<16xi32>
      %shift_right_arithmetic3A_1155 = arith.shrsi %add3A_1152, %shift_right_arithmetic3A_1154 : vector<16xi32>
      %and3A_1156 = arith.constant 3 : i32
      %and3A_1157 = vector.broadcast %and3A_1156 : i32 to vector<16xi32>
      %and3A_1158 = arith.andi %add3A_1152, %and3A_1157 : vector<16xi32>
      %add3A_1159 = arith.constant 128 : i32
      %add3A_1160 = vector.broadcast %add3A_1159 : i32 to vector<16xi32>
      %add3A_1161 = arith.addi %and3A_1158, %add3A_1160 : vector<16xi32>
      %gather3A_1162 = tpu.vector_load_idx %arg7[%shift_right_arithmetic3A_1155, %add3A_1161] : memref<80x144xf32, #tpu.memory_space<vmem>>[vector<16xi32>, vector<16xi32>], vector<16xf32>,
      %gather3A_1163 = tpu.vector_load_idx %arg9[%shift_right_arithmetic3A_1155, %and3A_1158] : memref<80x16xf32, #tpu.memory_space<vmem>>[vector<16xi32>, vector<16xi32>], vector<16xf32>,
      %add3A_1164 = arith.addf %gather3A_1162, %gather3A_1163 : vector<16xf32>
      %max3A_1165 = arith.constant 0.000000e+00 : f32
      %max3A_1166 = vector.broadcast %max3A_1165 : f32 to vector<16xf32>
      %max3A_1167 = arith.maximumf %add3A_1164, %max3A_1166 : vector<16xf32>
      %min3A_1168 = arith.constant 0.000000e+00 : f32
      %min3A_1169 = vector.broadcast %min3A_1168 : f32 to vector<16xf32>
      %min3A_1170 = arith.minimumf %add3A_1164, %min3A_1169 : vector<16xf32>
      %mul3A_1171 = arith.constant 2.000000e-01 : f32
      %mul3A_1172 = vector.broadcast %mul3A_1171 : f32 to vector<16xf32>
      %mul3A_1173 = arith.mulf %mul3A_1172, %min3A_1170 : vector<16xf32>
      %add3A_1174 = arith.addf %max3A_1167, %mul3A_1173 : vector<16xf32>
      %exp3A_1175 = math.exp %add3A_1174 : vector<16xf32>
      tpu.vector_store_idx %arg11[%shift_right_arithmetic3A_1155, %and3A_1158], %exp3A_1175 : memref<80x16xf32, #tpu.memory_space<vmem>>[vector<16xi32>, vector<16xi32>], vector<16xf32>,
      %add3A_1176 = arith.constant 288 : i32
      %add3A_1177 = vector.broadcast %add3A_1176 : i32 to vector<16xi32>
      %add3A_1178 = arith.addi %add3A_1177, %iota3A : vector<16xi32>
      %shift_right_arithmetic3A_1179 = arith.constant 2 : i32
      %shift_right_arithmetic3A_1180 = vector.broadcast %shift_right_arithmetic3A_1179 : i32 to vector<16xi32>
      %shift_right_arithmetic3A_1181 = arith.shrsi %add3A_1178, %shift_right_arithmetic3A_1180 : vector<16xi32>
      %and3A_1182 = arith.constant 3 : i32
      %and3A_1183 = vector.broadcast %and3A_1182 : i32 to vector<16xi32>
      %and3A_1184 = arith.andi %add3A_1178, %and3A_1183 : vector<16xi32>
      %add3A_1185 = arith.constant 128 : i32
      %add3A_1186 = vector.broadcast %add3A_1185 : i32 to vector<16xi32>
      %add3A_1187 = arith.addi %and3A_1184, %add3A_1186 : vector<16xi32>
      %gather3A_1188 = tpu.vector_load_idx %arg7[%shift_right_arithmetic3A_1181, %add3A_1187] : memref<80x144xf32, #tpu.memory_space<vmem>>[vector<16xi32>, vector<16xi32>], vector<16xf32>,
      %gather3A_1189 = tpu.vector_load_idx %arg9[%shift_right_arithmetic3A_1181, %and3A_1184] : memref<80x16xf32, #tpu.memory_space<vmem>>[vector<16xi32>, vector<16xi32>], vector<16xf32>,
      %add3A_1190 = arith.addf %gather3A_1188, %gather3A_1189 : vector<16xf32>
      %max3A_1191 = arith.constant 0.000000e+00 : f32
      %max3A_1192 = vector.broadcast %max3A_1191 : f32 to vector<16xf32>
      %max3A_1193 = arith.maximumf %add3A_1190, %max3A_1192 : vector<16xf32>
      %min3A_1194 = arith.constant 0.000000e+00 : f32
      %min3A_1195 = vector.broadcast %min3A_1194 : f32 to vector<16xf32>
      %min3A_1196 = arith.minimumf %add3A_1190, %min3A_1195 : vector<16xf32>
      %mul3A_1197 = arith.constant 2.000000e-01 : f32
      %mul3A_1198 = vector.broadcast %mul3A_1197 : f32 to vector<16xf32>
      %mul3A_1199 = arith.mulf %mul3A_1198, %min3A_1196 : vector<16xf32>
      %add3A_1200 = arith.addf %max3A_1193, %mul3A_1199 : vector<16xf32>
      %exp3A_1201 = math.exp %add3A_1200 : vector<16xf32>
      tpu.vector_store_idx %arg11[%shift_right_arithmetic3A_1181, %and3A_1184], %exp3A_1201 : memref<80x16xf32, #tpu.memory_space<vmem>>[vector<16xi32>, vector<16xi32>], vector<16xf32>,
      %add3A_1202 = arith.constant 304 : i32
      %add3A_1203 = vector.broadcast %add3A_1202 : i32 to vector<16xi32>
      %add3A_1204 = arith.addi %add3A_1203, %iota3A : vector<16xi32>
      %shift_right_arithmetic3A_1205 = arith.constant 2 : i32
      %shift_right_arithmetic3A_1206 = vector.broadcast %shift_right_arithmetic3A_1205 : i32 to vector<16xi32>
      %shift_right_arithmetic3A_1207 = arith.shrsi %add3A_1204, %shift_right_arithmetic3A_1206 : vector<16xi32>
      %and3A_1208 = arith.constant 3 : i32
      %and3A_1209 = vector.broadcast %and3A_1208 : i32 to vector<16xi32>
      %and3A_1210 = arith.andi %add3A_1204, %and3A_1209 : vector<16xi32>
      %add3A_1211 = arith.constant 128 : i32
      %add3A_1212 = vector.broadcast %add3A_1211 : i32 to vector<16xi32>
      %add3A_1213 = arith.addi %and3A_1210, %add3A_1212 : vector<16xi32>
      %gather3A_1214 = tpu.vector_load_idx %arg7[%shift_right_arithmetic3A_1207, %add3A_1213] : memref<80x144xf32, #tpu.memory_space<vmem>>[vector<16xi32>, vector<16xi32>], vector<16xf32>,
      %gather3A_1215 = tpu.vector_load_idx %arg9[%shift_right_arithmetic3A_1207, %and3A_1210] : memref<80x16xf32, #tpu.memory_space<vmem>>[vector<16xi32>, vector<16xi32>], vector<16xf32>,
      %add3A_1216 = arith.addf %gather3A_1214, %gather3A_1215 : vector<16xf32>
      %max3A_1217 = arith.constant 0.000000e+00 : f32
      %max3A_1218 = vector.broadcast %max3A_1217 : f32 to vector<16xf32>
      %max3A_1219 = arith.maximumf %add3A_1216, %max3A_1218 : vector<16xf32>
      %min3A_1220 = arith.constant 0.000000e+00 : f32
      %min3A_1221 = vector.broadcast %min3A_1220 : f32 to vector<16xf32>
      %min3A_1222 = arith.minimumf %add3A_1216, %min3A_1221 : vector<16xf32>
      %mul3A_1223 = arith.constant 2.000000e-01 : f32
      %mul3A_1224 = vector.broadcast %mul3A_1223 : f32 to vector<16xf32>
      %mul3A_1225 = arith.mulf %mul3A_1224, %min3A_1222 : vector<16xf32>
      %add3A_1226 = arith.addf %max3A_1219, %mul3A_1225 : vector<16xf32>
      %exp3A_1227 = math.exp %add3A_1226 : vector<16xf32>
      tpu.vector_store_idx %arg11[%shift_right_arithmetic3A_1207, %and3A_1210], %exp3A_1227 : memref<80x16xf32, #tpu.memory_space<vmem>>[vector<16xi32>, vector<16xi32>], vector<16xf32>,
      %scan3A_1228 = arith.constant 0 : i32
      %scan3A_1229 = arith.constant 20 : i32
      %scan3A_1230 = arith.addi %scan3A_1228, %scan3A_1229 : i32
      %scan3A_1231 = arith.constant 1 : i32
      scf.for %scan3A_1861 = %scan3A_1228 to %scan3A_1230 step %scan3A_1231  : i32 {
        %mul3A_1862 = arith.constant 4 : i32
        %mul3A_1863 = arith.muli %mul3A_1862, %scan3A_1861 : i32
        %add3A_1864 = arith.constant 0 : i32
        %add3A_1865 = arith.addi %mul3A_1863, %add3A_1864 : i32
        %get3A = arith.index_cast %add3A_1865 : i32 to index
        %get3A_1866 = arith.constant 0 : index
        %get3A_1867 = tpu.vector_load %arg11[%get3A, %get3A_1866] {strides = array<i32>} : memref<80x16xf32, #tpu.memory_space<vmem>>, vector<16xf32>,
        %slice3A = vector.extract_strided_slice %get3A_1867 {offsets = [0], sizes = [1], strides = [1]} : vector<16xf32> to vector<1xf32>
        %squeeze3A = vector.extract %slice3A[0] : f32 from vector<1xf32>
        %get3A_1868 = arith.index_cast %add3A_1865 : i32 to index
        %get3A_1869 = arith.constant 0 : index
        %get3A_1870 = tpu.vector_load %arg7[%get3A_1868, %get3A_1869] {strides = array<i32>} : memref<80x144xf32, #tpu.memory_space<vmem>>, vector<16xf32>,
        %mul3A_1871 = vector.broadcast %squeeze3A : f32 to vector<16xf32>
        %mul3A_1872 = arith.mulf %get3A_1870, %mul3A_1871 : vector<16xf32>
        %swap3A = arith.index_cast %add3A_1865 : i32 to index
        %swap3A_1873 = arith.constant 0 : index
        %swap3A_1874 = tpu.vector_load %arg7[%swap3A, %swap3A_1873] {strides = array<i32>} : memref<80x144xf32, #tpu.memory_space<vmem>>, vector<16xf32>,
        tpu.vector_store %arg7[%swap3A, %swap3A_1873], %mul3A_1872 {strides = array<i32>} : memref<80x144xf32, #tpu.memory_space<vmem>>, vector<16xf32>,
        %get3A_1875 = arith.index_cast %add3A_1865 : i32 to index
        %get3A_1876 = arith.constant 16 : index
        %get3A_1877 = tpu.vector_load %arg7[%get3A_1875, %get3A_1876] {strides = array<i32>} : memref<80x144xf32, #tpu.memory_space<vmem>>, vector<16xf32>,
        %mul3A_1878 = vector.broadcast %squeeze3A : f32 to vector<16xf32>
        %mul3A_1879 = arith.mulf %get3A_1877, %mul3A_1878 : vector<16xf32>
        %swap3A_1880 = arith.index_cast %add3A_1865 : i32 to index
        %swap3A_1881 = arith.constant 16 : index
        %swap3A_1882 = tpu.vector_load %arg7[%swap3A_1880, %swap3A_1881] {strides = array<i32>} : memref<80x144xf32, #tpu.memory_space<vmem>>, vector<16xf32>,
        tpu.vector_store %arg7[%swap3A_1880, %swap3A_1881], %mul3A_1879 {strides = array<i32>} : memref<80x144xf32, #tpu.memory_space<vmem>>, vector<16xf32>,
        %slice3A_1883 = vector.extract_strided_slice %get3A_1867 {offsets = [1], sizes = [1], strides = [1]} : vector<16xf32> to vector<1xf32>
        %squeeze3A_1884 = vector.extract %slice3A_1883[0] : f32 from vector<1xf32>
        %get3A_1885 = arith.index_cast %add3A_1865 : i32 to index
        %get3A_1886 = arith.constant 32 : index
        %get3A_1887 = tpu.vector_load %arg7[%get3A_1885, %get3A_1886] {strides = array<i32>} : memref<80x144xf32, #tpu.memory_space<vmem>>, vector<16xf32>,
        %mul3A_1888 = vector.broadcast %squeeze3A_1884 : f32 to vector<16xf32>
        %mul3A_1889 = arith.mulf %get3A_1887, %mul3A_1888 : vector<16xf32>
        %swap3A_1890 = arith.index_cast %add3A_1865 : i32 to index
        %swap3A_1891 = arith.constant 32 : index
        %swap3A_1892 = tpu.vector_load %arg7[%swap3A_1890, %swap3A_1891] {strides = array<i32>} : memref<80x144xf32, #tpu.memory_space<vmem>>, vector<16xf32>,
        tpu.vector_store %arg7[%swap3A_1890, %swap3A_1891], %mul3A_1889 {strides = array<i32>} : memref<80x144xf32, #tpu.memory_space<vmem>>, vector<16xf32>,
        %get3A_1893 = arith.index_cast %add3A_1865 : i32 to index
        %get3A_1894 = arith.constant 48 : index
        %get3A_1895 = tpu.vector_load %arg7[%get3A_1893, %get3A_1894] {strides = array<i32>} : memref<80x144xf32, #tpu.memory_space<vmem>>, vector<16xf32>,
        %mul3A_1896 = vector.broadcast %squeeze3A_1884 : f32 to vector<16xf32>
        %mul3A_1897 = arith.mulf %get3A_1895, %mul3A_1896 : vector<16xf32>
        %swap3A_1898 = arith.index_cast %add3A_1865 : i32 to index
        %swap3A_1899 = arith.constant 48 : index
        %swap3A_1900 = tpu.vector_load %arg7[%swap3A_1898, %swap3A_1899] {strides = array<i32>} : memref<80x144xf32, #tpu.memory_space<vmem>>, vector<16xf32>,
        tpu.vector_store %arg7[%swap3A_1898, %swap3A_1899], %mul3A_1897 {strides = array<i32>} : memref<80x144xf32, #tpu.memory_space<vmem>>, vector<16xf32>,
        %slice3A_1901 = vector.extract_strided_slice %get3A_1867 {offsets = [2], sizes = [1], strides = [1]} : vector<16xf32> to vector<1xf32>
        %squeeze3A_1902 = vector.extract %slice3A_1901[0] : f32 from vector<1xf32>
        %get3A_1903 = arith.index_cast %add3A_1865 : i32 to index
        %get3A_1904 = arith.constant 64 : index
        %get3A_1905 = tpu.vector_load %arg7[%get3A_1903, %get3A_1904] {strides = array<i32>} : memref<80x144xf32, #tpu.memory_space<vmem>>, vector<16xf32>,
        %mul3A_1906 = vector.broadcast %squeeze3A_1902 : f32 to vector<16xf32>
        %mul3A_1907 = arith.mulf %get3A_1905, %mul3A_1906 : vector<16xf32>
        %swap3A_1908 = arith.index_cast %add3A_1865 : i32 to index
        %swap3A_1909 = arith.constant 64 : index
        %swap3A_1910 = tpu.vector_load %arg7[%swap3A_1908, %swap3A_1909] {strides = array<i32>} : memref<80x144xf32, #tpu.memory_space<vmem>>, vector<16xf32>,
        tpu.vector_store %arg7[%swap3A_1908, %swap3A_1909], %mul3A_1907 {strides = array<i32>} : memref<80x144xf32, #tpu.memory_space<vmem>>, vector<16xf32>,
        %get3A_1911 = arith.index_cast %add3A_1865 : i32 to index
        %get3A_1912 = arith.constant 80 : index
        %get3A_1913 = tpu.vector_load %arg7[%get3A_1911, %get3A_1912] {strides = array<i32>} : memref<80x144xf32, #tpu.memory_space<vmem>>, vector<16xf32>,
        %mul3A_1914 = vector.broadcast %squeeze3A_1902 : f32 to vector<16xf32>
        %mul3A_1915 = arith.mulf %get3A_1913, %mul3A_1914 : vector<16xf32>
        %swap3A_1916 = arith.index_cast %add3A_1865 : i32 to index
        %swap3A_1917 = arith.constant 80 : index
        %swap3A_1918 = tpu.vector_load %arg7[%swap3A_1916, %swap3A_1917] {strides = array<i32>} : memref<80x144xf32, #tpu.memory_space<vmem>>, vector<16xf32>,
        tpu.vector_store %arg7[%swap3A_1916, %swap3A_1917], %mul3A_1915 {strides = array<i32>} : memref<80x144xf32, #tpu.memory_space<vmem>>, vector<16xf32>,
        %slice3A_1919 = vector.extract_strided_slice %get3A_1867 {offsets = [3], sizes = [1], strides = [1]} : vector<16xf32> to vector<1xf32>
        %squeeze3A_1920 = vector.extract %slice3A_1919[0] : f32 from vector<1xf32>
        %get3A_1921 = arith.index_cast %add3A_1865 : i32 to index
        %get3A_1922 = arith.constant 96 : index
        %get3A_1923 = tpu.vector_load %arg7[%get3A_1921, %get3A_1922] {strides = array<i32>} : memref<80x144xf32, #tpu.memory_space<vmem>>, vector<16xf32>,
        %mul3A_1924 = vector.broadcast %squeeze3A_1920 : f32 to vector<16xf32>
        %mul3A_1925 = arith.mulf %get3A_1923, %mul3A_1924 : vector<16xf32>
        %swap3A_1926 = arith.index_cast %add3A_1865 : i32 to index
        %swap3A_1927 = arith.constant 96 : index
        %swap3A_1928 = tpu.vector_load %arg7[%swap3A_1926, %swap3A_1927] {strides = array<i32>} : memref<80x144xf32, #tpu.memory_space<vmem>>, vector<16xf32>,
        tpu.vector_store %arg7[%swap3A_1926, %swap3A_1927], %mul3A_1925 {strides = array<i32>} : memref<80x144xf32, #tpu.memory_space<vmem>>, vector<16xf32>,
        %get3A_1929 = arith.index_cast %add3A_1865 : i32 to index
        %get3A_1930 = arith.constant 112 : index
        %get3A_1931 = tpu.vector_load %arg7[%get3A_1929, %get3A_1930] {strides = array<i32>} : memref<80x144xf32, #tpu.memory_space<vmem>>, vector<16xf32>,
        %mul3A_1932 = vector.broadcast %squeeze3A_1920 : f32 to vector<16xf32>
        %mul3A_1933 = arith.mulf %get3A_1931, %mul3A_1932 : vector<16xf32>
        %swap3A_1934 = arith.index_cast %add3A_1865 : i32 to index
        %swap3A_1935 = arith.constant 112 : index
        %swap3A_1936 = tpu.vector_load %arg7[%swap3A_1934, %swap3A_1935] {strides = array<i32>} : memref<80x144xf32, #tpu.memory_space<vmem>>, vector<16xf32>,
        tpu.vector_store %arg7[%swap3A_1934, %swap3A_1935], %mul3A_1933 {strides = array<i32>} : memref<80x144xf32, #tpu.memory_space<vmem>>, vector<16xf32>,
        %mul3A_1937 = arith.constant 4 : i32
        %mul3A_1938 = arith.muli %mul3A_1937, %scan3A_1861 : i32
        %add3A_1939 = arith.constant 1 : i32
        %add3A_1940 = arith.addi %mul3A_1938, %add3A_1939 : i32
        %get3A_1941 = arith.index_cast %add3A_1940 : i32 to index
        %get3A_1942 = arith.constant 0 : index
        %get3A_1943 = tpu.vector_load %arg11[%get3A_1941, %get3A_1942] {strides = array<i32>} : memref<80x16xf32, #tpu.memory_space<vmem>>, vector<16xf32>,
        %slice3A_1944 = vector.extract_strided_slice %get3A_1943 {offsets = [0], sizes = [1], strides = [1]} : vector<16xf32> to vector<1xf32>
        %squeeze3A_1945 = vector.extract %slice3A_1944[0] : f32 from vector<1xf32>
        %get3A_1946 = arith.index_cast %add3A_1940 : i32 to index
        %get3A_1947 = arith.constant 0 : index
        %get3A_1948 = tpu.vector_load %arg7[%get3A_1946, %get3A_1947] {strides = array<i32>} : memref<80x144xf32, #tpu.memory_space<vmem>>, vector<16xf32>,
        %mul3A_1949 = vector.broadcast %squeeze3A_1945 : f32 to vector<16xf32>
        %mul3A_1950 = arith.mulf %get3A_1948, %mul3A_1949 : vector<16xf32>
        %swap3A_1951 = arith.index_cast %add3A_1940 : i32 to index
        %swap3A_1952 = arith.constant 0 : index
        %swap3A_1953 = tpu.vector_load %arg7[%swap3A_1951, %swap3A_1952] {strides = array<i32>} : memref<80x144xf32, #tpu.memory_space<vmem>>, vector<16xf32>,
        tpu.vector_store %arg7[%swap3A_1951, %swap3A_1952], %mul3A_1950 {strides = array<i32>} : memref<80x144xf32, #tpu.memory_space<vmem>>, vector<16xf32>,
        %get3A_1954 = arith.index_cast %add3A_1940 : i32 to index
        %get3A_1955 = arith.constant 16 : index
        %get3A_1956 = tpu.vector_load %arg7[%get3A_1954, %get3A_1955] {strides = array<i32>} : memref<80x144xf32, #tpu.memory_space<vmem>>, vector<16xf32>,
        %mul3A_1957 = vector.broadcast %squeeze3A_1945 : f32 to vector<16xf32>
        %mul3A_1958 = arith.mulf %get3A_1956, %mul3A_1957 : vector<16xf32>
        %swap3A_1959 = arith.index_cast %add3A_1940 : i32 to index
        %swap3A_1960 = arith.constant 16 : index
        %swap3A_1961 = tpu.vector_load %arg7[%swap3A_1959, %swap3A_1960] {strides = array<i32>} : memref<80x144xf32, #tpu.memory_space<vmem>>, vector<16xf32>,
        tpu.vector_store %arg7[%swap3A_1959, %swap3A_1960], %mul3A_1958 {strides = array<i32>} : memref<80x144xf32, #tpu.memory_space<vmem>>, vector<16xf32>,
        %slice3A_1962 = vector.extract_strided_slice %get3A_1943 {offsets = [1], sizes = [1], strides = [1]} : vector<16xf32> to vector<1xf32>
        %squeeze3A_1963 = vector.extract %slice3A_1962[0] : f32 from vector<1xf32>
        %get3A_1964 = arith.index_cast %add3A_1940 : i32 to index
        %get3A_1965 = arith.constant 32 : index
        %get3A_1966 = tpu.vector_load %arg7[%get3A_1964, %get3A_1965] {strides = array<i32>} : memref<80x144xf32, #tpu.memory_space<vmem>>, vector<16xf32>,
        %mul3A_1967 = vector.broadcast %squeeze3A_1963 : f32 to vector<16xf32>
        %mul3A_1968 = arith.mulf %get3A_1966, %mul3A_1967 : vector<16xf32>
        %swap3A_1969 = arith.index_cast %add3A_1940 : i32 to index
        %swap3A_1970 = arith.constant 32 : index
        %swap3A_1971 = tpu.vector_load %arg7[%swap3A_1969, %swap3A_1970] {strides = array<i32>} : memref<80x144xf32, #tpu.memory_space<vmem>>, vector<16xf32>,
        tpu.vector_store %arg7[%swap3A_1969, %swap3A_1970], %mul3A_1968 {strides = array<i32>} : memref<80x144xf32, #tpu.memory_space<vmem>>, vector<16xf32>,
        %get3A_1972 = arith.index_cast %add3A_1940 : i32 to index
        %get3A_1973 = arith.constant 48 : index
        %get3A_1974 = tpu.vector_load %arg7[%get3A_1972, %get3A_1973] {strides = array<i32>} : memref<80x144xf32, #tpu.memory_space<vmem>>, vector<16xf32>,
        %mul3A_1975 = vector.broadcast %squeeze3A_1963 : f32 to vector<16xf32>
        %mul3A_1976 = arith.mulf %get3A_1974, %mul3A_1975 : vector<16xf32>
        %swap3A_1977 = arith.index_cast %add3A_1940 : i32 to index
        %swap3A_1978 = arith.constant 48 : index
        %swap3A_1979 = tpu.vector_load %arg7[%swap3A_1977, %swap3A_1978] {strides = array<i32>} : memref<80x144xf32, #tpu.memory_space<vmem>>, vector<16xf32>,
        tpu.vector_store %arg7[%swap3A_1977, %swap3A_1978], %mul3A_1976 {strides = array<i32>} : memref<80x144xf32, #tpu.memory_space<vmem>>, vector<16xf32>,
        %slice3A_1980 = vector.extract_strided_slice %get3A_1943 {offsets = [2], sizes = [1], strides = [1]} : vector<16xf32> to vector<1xf32>
        %squeeze3A_1981 = vector.extract %slice3A_1980[0] : f32 from vector<1xf32>
        %get3A_1982 = arith.index_cast %add3A_1940 : i32 to index
        %get3A_1983 = arith.constant 64 : index
        %get3A_1984 = tpu.vector_load %arg7[%get3A_1982, %get3A_1983] {strides = array<i32>} : memref<80x144xf32, #tpu.memory_space<vmem>>, vector<16xf32>,
        %mul3A_1985 = vector.broadcast %squeeze3A_1981 : f32 to vector<16xf32>
        %mul3A_1986 = arith.mulf %get3A_1984, %mul3A_1985 : vector<16xf32>
        %swap3A_1987 = arith.index_cast %add3A_1940 : i32 to index
        %swap3A_1988 = arith.constant 64 : index
        %swap3A_1989 = tpu.vector_load %arg7[%swap3A_1987, %swap3A_1988] {strides = array<i32>} : memref<80x144xf32, #tpu.memory_space<vmem>>, vector<16xf32>,
        tpu.vector_store %arg7[%swap3A_1987, %swap3A_1988], %mul3A_1986 {strides = array<i32>} : memref<80x144xf32, #tpu.memory_space<vmem>>, vector<16xf32>,
        %get3A_1990 = arith.index_cast %add3A_1940 : i32 to index
        %get3A_1991 = arith.constant 80 : index
        %get3A_1992 = tpu.vector_load %arg7[%get3A_1990, %get3A_1991] {strides = array<i32>} : memref<80x144xf32, #tpu.memory_space<vmem>>, vector<16xf32>,
        %mul3A_1993 = vector.broadcast %squeeze3A_1981 : f32 to vector<16xf32>
        %mul3A_1994 = arith.mulf %get3A_1992, %mul3A_1993 : vector<16xf32>
        %swap3A_1995 = arith.index_cast %add3A_1940 : i32 to index
        %swap3A_1996 = arith.constant 80 : index
        %swap3A_1997 = tpu.vector_load %arg7[%swap3A_1995, %swap3A_1996] {strides = array<i32>} : memref<80x144xf32, #tpu.memory_space<vmem>>, vector<16xf32>,
        tpu.vector_store %arg7[%swap3A_1995, %swap3A_1996], %mul3A_1994 {strides = array<i32>} : memref<80x144xf32, #tpu.memory_space<vmem>>, vector<16xf32>,
        %slice3A_1998 = vector.extract_strided_slice %get3A_1943 {offsets = [3], sizes = [1], strides = [1]} : vector<16xf32> to vector<1xf32>
        %squeeze3A_1999 = vector.extract %slice3A_1998[0] : f32 from vector<1xf32>
        %get3A_2000 = arith.index_cast %add3A_1940 : i32 to index
        %get3A_2001 = arith.constant 96 : index
        %get3A_2002 = tpu.vector_load %arg7[%get3A_2000, %get3A_2001] {strides = array<i32>} : memref<80x144xf32, #tpu.memory_space<vmem>>, vector<16xf32>,
        %mul3A_2003 = vector.broadcast %squeeze3A_1999 : f32 to vector<16xf32>
        %mul3A_2004 = arith.mulf %get3A_2002, %mul3A_2003 : vector<16xf32>
        %swap3A_2005 = arith.index_cast %add3A_1940 : i32 to index
        %swap3A_2006 = arith.constant 96 : index
        %swap3A_2007 = tpu.vector_load %arg7[%swap3A_2005, %swap3A_2006] {strides = array<i32>} : memref<80x144xf32, #tpu.memory_space<vmem>>, vector<16xf32>,
        tpu.vector_store %arg7[%swap3A_2005, %swap3A_2006], %mul3A_2004 {strides = array<i32>} : memref<80x144xf32, #tpu.memory_space<vmem>>, vector<16xf32>,
        %get3A_2008 = arith.index_cast %add3A_1940 : i32 to index
        %get3A_2009 = arith.constant 112 : index
        %get3A_2010 = tpu.vector_load %arg7[%get3A_2008, %get3A_2009] {strides = array<i32>} : memref<80x144xf32, #tpu.memory_space<vmem>>, vector<16xf32>,
        %mul3A_2011 = vector.broadcast %squeeze3A_1999 : f32 to vector<16xf32>
        %mul3A_2012 = arith.mulf %get3A_2010, %mul3A_2011 : vector<16xf32>
        %swap3A_2013 = arith.index_cast %add3A_1940 : i32 to index
        %swap3A_2014 = arith.constant 112 : index
        %swap3A_2015 = tpu.vector_load %arg7[%swap3A_2013, %swap3A_2014] {strides = array<i32>} : memref<80x144xf32, #tpu.memory_space<vmem>>, vector<16xf32>,
        tpu.vector_store %arg7[%swap3A_2013, %swap3A_2014], %mul3A_2012 {strides = array<i32>} : memref<80x144xf32, #tpu.memory_space<vmem>>, vector<16xf32>,
        %mul3A_2016 = arith.constant 4 : i32
        %mul3A_2017 = arith.muli %mul3A_2016, %scan3A_1861 : i32
        %add3A_2018 = arith.constant 2 : i32
        %add3A_2019 = arith.addi %mul3A_2017, %add3A_2018 : i32
        %get3A_2020 = arith.index_cast %add3A_2019 : i32 to index
        %get3A_2021 = arith.constant 0 : index
        %get3A_2022 = tpu.vector_load %arg11[%get3A_2020, %get3A_2021] {strides = array<i32>} : memref<80x16xf32, #tpu.memory_space<vmem>>, vector<16xf32>,
        %slice3A_2023 = vector.extract_strided_slice %get3A_2022 {offsets = [0], sizes = [1], strides = [1]} : vector<16xf32> to vector<1xf32>
        %squeeze3A_2024 = vector.extract %slice3A_2023[0] : f32 from vector<1xf32>
        %get3A_2025 = arith.index_cast %add3A_2019 : i32 to index
        %get3A_2026 = arith.constant 0 : index
        %get3A_2027 = tpu.vector_load %arg7[%get3A_2025, %get3A_2026] {strides = array<i32>} : memref<80x144xf32, #tpu.memory_space<vmem>>, vector<16xf32>,
        %mul3A_2028 = vector.broadcast %squeeze3A_2024 : f32 to vector<16xf32>
        %mul3A_2029 = arith.mulf %get3A_2027, %mul3A_2028 : vector<16xf32>
        %swap3A_2030 = arith.index_cast %add3A_2019 : i32 to index
        %swap3A_2031 = arith.constant 0 : index
        %swap3A_2032 = tpu.vector_load %arg7[%swap3A_2030, %swap3A_2031] {strides = array<i32>} : memref<80x144xf32, #tpu.memory_space<vmem>>, vector<16xf32>,
        tpu.vector_store %arg7[%swap3A_2030, %swap3A_2031], %mul3A_2029 {strides = array<i32>} : memref<80x144xf32, #tpu.memory_space<vmem>>, vector<16xf32>,
        %get3A_2033 = arith.index_cast %add3A_2019 : i32 to index
        %get3A_2034 = arith.constant 16 : index
        %get3A_2035 = tpu.vector_load %arg7[%get3A_2033, %get3A_2034] {strides = array<i32>} : memref<80x144xf32, #tpu.memory_space<vmem>>, vector<16xf32>,
        %mul3A_2036 = vector.broadcast %squeeze3A_2024 : f32 to vector<16xf32>
        %mul3A_2037 = arith.mulf %get3A_2035, %mul3A_2036 : vector<16xf32>
        %swap3A_2038 = arith.index_cast %add3A_2019 : i32 to index
        %swap3A_2039 = arith.constant 16 : index
        %swap3A_2040 = tpu.vector_load %arg7[%swap3A_2038, %swap3A_2039] {strides = array<i32>} : memref<80x144xf32, #tpu.memory_space<vmem>>, vector<16xf32>,
        tpu.vector_store %arg7[%swap3A_2038, %swap3A_2039], %mul3A_2037 {strides = array<i32>} : memref<80x144xf32, #tpu.memory_space<vmem>>, vector<16xf32>,
        %slice3A_2041 = vector.extract_strided_slice %get3A_2022 {offsets = [1], sizes = [1], strides = [1]} : vector<16xf32> to vector<1xf32>
        %squeeze3A_2042 = vector.extract %slice3A_2041[0] : f32 from vector<1xf32>
        %get3A_2043 = arith.index_cast %add3A_2019 : i32 to index
        %get3A_2044 = arith.constant 32 : index
        %get3A_2045 = tpu.vector_load %arg7[%get3A_2043, %get3A_2044] {strides = array<i32>} : memref<80x144xf32, #tpu.memory_space<vmem>>, vector<16xf32>,
        %mul3A_2046 = vector.broadcast %squeeze3A_2042 : f32 to vector<16xf32>
        %mul3A_2047 = arith.mulf %get3A_2045, %mul3A_2046 : vector<16xf32>
        %swap3A_2048 = arith.index_cast %add3A_2019 : i32 to index
        %swap3A_2049 = arith.constant 32 : index
        %swap3A_2050 = tpu.vector_load %arg7[%swap3A_2048, %swap3A_2049] {strides = array<i32>} : memref<80x144xf32, #tpu.memory_space<vmem>>, vector<16xf32>,
        tpu.vector_store %arg7[%swap3A_2048, %swap3A_2049], %mul3A_2047 {strides = array<i32>} : memref<80x144xf32, #tpu.memory_space<vmem>>, vector<16xf32>,
        %get3A_2051 = arith.index_cast %add3A_2019 : i32 to index
        %get3A_2052 = arith.constant 48 : index
        %get3A_2053 = tpu.vector_load %arg7[%get3A_2051, %get3A_2052] {strides = array<i32>} : memref<80x144xf32, #tpu.memory_space<vmem>>, vector<16xf32>,
        %mul3A_2054 = vector.broadcast %squeeze3A_2042 : f32 to vector<16xf32>
        %mul3A_2055 = arith.mulf %get3A_2053, %mul3A_2054 : vector<16xf32>
        %swap3A_2056 = arith.index_cast %add3A_2019 : i32 to index
        %swap3A_2057 = arith.constant 48 : index
        %swap3A_2058 = tpu.vector_load %arg7[%swap3A_2056, %swap3A_2057] {strides = array<i32>} : memref<80x144xf32, #tpu.memory_space<vmem>>, vector<16xf32>,
        tpu.vector_store %arg7[%swap3A_2056, %swap3A_2057], %mul3A_2055 {strides = array<i32>} : memref<80x144xf32, #tpu.memory_space<vmem>>, vector<16xf32>,
        %slice3A_2059 = vector.extract_strided_slice %get3A_2022 {offsets = [2], sizes = [1], strides = [1]} : vector<16xf32> to vector<1xf32>
        %squeeze3A_2060 = vector.extract %slice3A_2059[0] : f32 from vector<1xf32>
        %get3A_2061 = arith.index_cast %add3A_2019 : i32 to index
        %get3A_2062 = arith.constant 64 : index
        %get3A_2063 = tpu.vector_load %arg7[%get3A_2061, %get3A_2062] {strides = array<i32>} : memref<80x144xf32, #tpu.memory_space<vmem>>, vector<16xf32>,
        %mul3A_2064 = vector.broadcast %squeeze3A_2060 : f32 to vector<16xf32>
        %mul3A_2065 = arith.mulf %get3A_2063, %mul3A_2064 : vector<16xf32>
        %swap3A_2066 = arith.index_cast %add3A_2019 : i32 to index
        %swap3A_2067 = arith.constant 64 : index
        %swap3A_2068 = tpu.vector_load %arg7[%swap3A_2066, %swap3A_2067] {strides = array<i32>} : memref<80x144xf32, #tpu.memory_space<vmem>>, vector<16xf32>,
        tpu.vector_store %arg7[%swap3A_2066, %swap3A_2067], %mul3A_2065 {strides = array<i32>} : memref<80x144xf32, #tpu.memory_space<vmem>>, vector<16xf32>,
        %get3A_2069 = arith.index_cast %add3A_2019 : i32 to index
        %get3A_2070 = arith.constant 80 : index
        %get3A_2071 = tpu.vector_load %arg7[%get3A_2069, %get3A_2070] {strides = array<i32>} : memref<80x144xf32, #tpu.memory_space<vmem>>, vector<16xf32>,
        %mul3A_2072 = vector.broadcast %squeeze3A_2060 : f32 to vector<16xf32>
        %mul3A_2073 = arith.mulf %get3A_2071, %mul3A_2072 : vector<16xf32>
        %swap3A_2074 = arith.index_cast %add3A_2019 : i32 to index
        %swap3A_2075 = arith.constant 80 : index
        %swap3A_2076 = tpu.vector_load %arg7[%swap3A_2074, %swap3A_2075] {strides = array<i32>} : memref<80x144xf32, #tpu.memory_space<vmem>>, vector<16xf32>,
        tpu.vector_store %arg7[%swap3A_2074, %swap3A_2075], %mul3A_2073 {strides = array<i32>} : memref<80x144xf32, #tpu.memory_space<vmem>>, vector<16xf32>,
        %slice3A_2077 = vector.extract_strided_slice %get3A_2022 {offsets = [3], sizes = [1], strides = [1]} : vector<16xf32> to vector<1xf32>
        %squeeze3A_2078 = vector.extract %slice3A_2077[0] : f32 from vector<1xf32>
        %get3A_2079 = arith.index_cast %add3A_2019 : i32 to index
        %get3A_2080 = arith.constant 96 : index
        %get3A_2081 = tpu.vector_load %arg7[%get3A_2079, %get3A_2080] {strides = array<i32>} : memref<80x144xf32, #tpu.memory_space<vmem>>, vector<16xf32>,
        %mul3A_2082 = vector.broadcast %squeeze3A_2078 : f32 to vector<16xf32>
        %mul3A_2083 = arith.mulf %get3A_2081, %mul3A_2082 : vector<16xf32>
        %swap3A_2084 = arith.index_cast %add3A_2019 : i32 to index
        %swap3A_2085 = arith.constant 96 : index
        %swap3A_2086 = tpu.vector_load %arg7[%swap3A_2084, %swap3A_2085] {strides = array<i32>} : memref<80x144xf32, #tpu.memory_space<vmem>>, vector<16xf32>,
        tpu.vector_store %arg7[%swap3A_2084, %swap3A_2085], %mul3A_2083 {strides = array<i32>} : memref<80x144xf32, #tpu.memory_space<vmem>>, vector<16xf32>,
        %get3A_2087 = arith.index_cast %add3A_2019 : i32 to index
        %get3A_2088 = arith.constant 112 : index
        %get3A_2089 = tpu.vector_load %arg7[%get3A_2087, %get3A_2088] {strides = array<i32>} : memref<80x144xf32, #tpu.memory_space<vmem>>, vector<16xf32>,
        %mul3A_2090 = vector.broadcast %squeeze3A_2078 : f32 to vector<16xf32>
        %mul3A_2091 = arith.mulf %get3A_2089, %mul3A_2090 : vector<16xf32>
        %swap3A_2092 = arith.index_cast %add3A_2019 : i32 to index
        %swap3A_2093 = arith.constant 112 : index
        %swap3A_2094 = tpu.vector_load %arg7[%swap3A_2092, %swap3A_2093] {strides = array<i32>} : memref<80x144xf32, #tpu.memory_space<vmem>>, vector<16xf32>,
        tpu.vector_store %arg7[%swap3A_2092, %swap3A_2093], %mul3A_2091 {strides = array<i32>} : memref<80x144xf32, #tpu.memory_space<vmem>>, vector<16xf32>,
        %mul3A_2095 = arith.constant 4 : i32
        %mul3A_2096 = arith.muli %mul3A_2095, %scan3A_1861 : i32
        %add3A_2097 = arith.constant 3 : i32
        %add3A_2098 = arith.addi %mul3A_2096, %add3A_2097 : i32
        %get3A_2099 = arith.index_cast %add3A_2098 : i32 to index
        %get3A_2100 = arith.constant 0 : index
        %get3A_2101 = tpu.vector_load %arg11[%get3A_2099, %get3A_2100] {strides = array<i32>} : memref<80x16xf32, #tpu.memory_space<vmem>>, vector<16xf32>,
        %slice3A_2102 = vector.extract_strided_slice %get3A_2101 {offsets = [0], sizes = [1], strides = [1]} : vector<16xf32> to vector<1xf32>
        %squeeze3A_2103 = vector.extract %slice3A_2102[0] : f32 from vector<1xf32>
        %get3A_2104 = arith.index_cast %add3A_2098 : i32 to index
        %get3A_2105 = arith.constant 0 : index
        %get3A_2106 = tpu.vector_load %arg7[%get3A_2104, %get3A_2105] {strides = array<i32>} : memref<80x144xf32, #tpu.memory_space<vmem>>, vector<16xf32>,
        %mul3A_2107 = vector.broadcast %squeeze3A_2103 : f32 to vector<16xf32>
        %mul3A_2108 = arith.mulf %get3A_2106, %mul3A_2107 : vector<16xf32>
        %swap3A_2109 = arith.index_cast %add3A_2098 : i32 to index
        %swap3A_2110 = arith.constant 0 : index
        %swap3A_2111 = tpu.vector_load %arg7[%swap3A_2109, %swap3A_2110] {strides = array<i32>} : memref<80x144xf32, #tpu.memory_space<vmem>>, vector<16xf32>,
        tpu.vector_store %arg7[%swap3A_2109, %swap3A_2110], %mul3A_2108 {strides = array<i32>} : memref<80x144xf32, #tpu.memory_space<vmem>>, vector<16xf32>,
        %get3A_2112 = arith.index_cast %add3A_2098 : i32 to index
        %get3A_2113 = arith.constant 16 : index
        %get3A_2114 = tpu.vector_load %arg7[%get3A_2112, %get3A_2113] {strides = array<i32>} : memref<80x144xf32, #tpu.memory_space<vmem>>, vector<16xf32>,
        %mul3A_2115 = vector.broadcast %squeeze3A_2103 : f32 to vector<16xf32>
        %mul3A_2116 = arith.mulf %get3A_2114, %mul3A_2115 : vector<16xf32>
        %swap3A_2117 = arith.index_cast %add3A_2098 : i32 to index
        %swap3A_2118 = arith.constant 16 : index
        %swap3A_2119 = tpu.vector_load %arg7[%swap3A_2117, %swap3A_2118] {strides = array<i32>} : memref<80x144xf32, #tpu.memory_space<vmem>>, vector<16xf32>,
        tpu.vector_store %arg7[%swap3A_2117, %swap3A_2118], %mul3A_2116 {strides = array<i32>} : memref<80x144xf32, #tpu.memory_space<vmem>>, vector<16xf32>,
        %slice3A_2120 = vector.extract_strided_slice %get3A_2101 {offsets = [1], sizes = [1], strides = [1]} : vector<16xf32> to vector<1xf32>
        %squeeze3A_2121 = vector.extract %slice3A_2120[0] : f32 from vector<1xf32>
        %get3A_2122 = arith.index_cast %add3A_2098 : i32 to index
        %get3A_2123 = arith.constant 32 : index
        %get3A_2124 = tpu.vector_load %arg7[%get3A_2122, %get3A_2123] {strides = array<i32>} : memref<80x144xf32, #tpu.memory_space<vmem>>, vector<16xf32>,
        %mul3A_2125 = vector.broadcast %squeeze3A_2121 : f32 to vector<16xf32>
        %mul3A_2126 = arith.mulf %get3A_2124, %mul3A_2125 : vector<16xf32>
        %swap3A_2127 = arith.index_cast %add3A_2098 : i32 to index
        %swap3A_2128 = arith.constant 32 : index
        %swap3A_2129 = tpu.vector_load %arg7[%swap3A_2127, %swap3A_2128] {strides = array<i32>} : memref<80x144xf32, #tpu.memory_space<vmem>>, vector<16xf32>,
        tpu.vector_store %arg7[%swap3A_2127, %swap3A_2128], %mul3A_2126 {strides = array<i32>} : memref<80x144xf32, #tpu.memory_space<vmem>>, vector<16xf32>,
        %get3A_2130 = arith.index_cast %add3A_2098 : i32 to index
        %get3A_2131 = arith.constant 48 : index
        %get3A_2132 = tpu.vector_load %arg7[%get3A_2130, %get3A_2131] {strides = array<i32>} : memref<80x144xf32, #tpu.memory_space<vmem>>, vector<16xf32>,
        %mul3A_2133 = vector.broadcast %squeeze3A_2121 : f32 to vector<16xf32>
        %mul3A_2134 = arith.mulf %get3A_2132, %mul3A_2133 : vector<16xf32>
        %swap3A_2135 = arith.index_cast %add3A_2098 : i32 to index
        %swap3A_2136 = arith.constant 48 : index
        %swap3A_2137 = tpu.vector_load %arg7[%swap3A_2135, %swap3A_2136] {strides = array<i32>} : memref<80x144xf32, #tpu.memory_space<vmem>>, vector<16xf32>,
        tpu.vector_store %arg7[%swap3A_2135, %swap3A_2136], %mul3A_2134 {strides = array<i32>} : memref<80x144xf32, #tpu.memory_space<vmem>>, vector<16xf32>,
        %slice3A_2138 = vector.extract_strided_slice %get3A_2101 {offsets = [2], sizes = [1], strides = [1]} : vector<16xf32> to vector<1xf32>
        %squeeze3A_2139 = vector.extract %slice3A_2138[0] : f32 from vector<1xf32>
        %get3A_2140 = arith.index_cast %add3A_2098 : i32 to index
        %get3A_2141 = arith.constant 64 : index
        %get3A_2142 = tpu.vector_load %arg7[%get3A_2140, %get3A_2141] {strides = array<i32>} : memref<80x144xf32, #tpu.memory_space<vmem>>, vector<16xf32>,
        %mul3A_2143 = vector.broadcast %squeeze3A_2139 : f32 to vector<16xf32>
        %mul3A_2144 = arith.mulf %get3A_2142, %mul3A_2143 : vector<16xf32>
        %swap3A_2145 = arith.index_cast %add3A_2098 : i32 to index
        %swap3A_2146 = arith.constant 64 : index
        %swap3A_2147 = tpu.vector_load %arg7[%swap3A_2145, %swap3A_2146] {strides = array<i32>} : memref<80x144xf32, #tpu.memory_space<vmem>>, vector<16xf32>,
        tpu.vector_store %arg7[%swap3A_2145, %swap3A_2146], %mul3A_2144 {strides = array<i32>} : memref<80x144xf32, #tpu.memory_space<vmem>>, vector<16xf32>,
        %get3A_2148 = arith.index_cast %add3A_2098 : i32 to index
        %get3A_2149 = arith.constant 80 : index
        %get3A_2150 = tpu.vector_load %arg7[%get3A_2148, %get3A_2149] {strides = array<i32>} : memref<80x144xf32, #tpu.memory_space<vmem>>, vector<16xf32>,
        %mul3A_2151 = vector.broadcast %squeeze3A_2139 : f32 to vector<16xf32>
        %mul3A_2152 = arith.mulf %get3A_2150, %mul3A_2151 : vector<16xf32>
        %swap3A_2153 = arith.index_cast %add3A_2098 : i32 to index
        %swap3A_2154 = arith.constant 80 : index
        %swap3A_2155 = tpu.vector_load %arg7[%swap3A_2153, %swap3A_2154] {strides = array<i32>} : memref<80x144xf32, #tpu.memory_space<vmem>>, vector<16xf32>,
        tpu.vector_store %arg7[%swap3A_2153, %swap3A_2154], %mul3A_2152 {strides = array<i32>} : memref<80x144xf32, #tpu.memory_space<vmem>>, vector<16xf32>,
        %slice3A_2156 = vector.extract_strided_slice %get3A_2101 {offsets = [3], sizes = [1], strides = [1]} : vector<16xf32> to vector<1xf32>
        %squeeze3A_2157 = vector.extract %slice3A_2156[0] : f32 from vector<1xf32>
        %get3A_2158 = arith.index_cast %add3A_2098 : i32 to index
        %get3A_2159 = arith.constant 96 : index
        %get3A_2160 = tpu.vector_load %arg7[%get3A_2158, %get3A_2159] {strides = array<i32>} : memref<80x144xf32, #tpu.memory_space<vmem>>, vector<16xf32>,
        %mul3A_2161 = vector.broadcast %squeeze3A_2157 : f32 to vector<16xf32>
        %mul3A_2162 = arith.mulf %get3A_2160, %mul3A_2161 : vector<16xf32>
        %swap3A_2163 = arith.index_cast %add3A_2098 : i32 to index
        %swap3A_2164 = arith.constant 96 : index
        %swap3A_2165 = tpu.vector_load %arg7[%swap3A_2163, %swap3A_2164] {strides = array<i32>} : memref<80x144xf32, #tpu.memory_space<vmem>>, vector<16xf32>,
        tpu.vector_store %arg7[%swap3A_2163, %swap3A_2164], %mul3A_2162 {strides = array<i32>} : memref<80x144xf32, #tpu.memory_space<vmem>>, vector<16xf32>,
        %get3A_2166 = arith.index_cast %add3A_2098 : i32 to index
        %get3A_2167 = arith.constant 112 : index
        %get3A_2168 = tpu.vector_load %arg7[%get3A_2166, %get3A_2167] {strides = array<i32>} : memref<80x144xf32, #tpu.memory_space<vmem>>, vector<16xf32>,
        %mul3A_2169 = vector.broadcast %squeeze3A_2157 : f32 to vector<16xf32>
        %mul3A_2170 = arith.mulf %get3A_2168, %mul3A_2169 : vector<16xf32>
        %swap3A_2171 = arith.index_cast %add3A_2098 : i32 to index
        %swap3A_2172 = arith.constant 112 : index
        %swap3A_2173 = tpu.vector_load %arg7[%swap3A_2171, %swap3A_2172] {strides = array<i32>} : memref<80x144xf32, #tpu.memory_space<vmem>>, vector<16xf32>,
        tpu.vector_store %arg7[%swap3A_2171, %swap3A_2172], %mul3A_2170 {strides = array<i32>} : memref<80x144xf32, #tpu.memory_space<vmem>>, vector<16xf32>,
      }
      %scan3A_1232 = arith.constant 20 : i32
      %dma_start3A_1233 = arith.constant 0 : i32
      %dma_start3A_1234 = arith.constant 1 : i32
      %dma_start3A_1235 = arith.constant 0 : i32
      %dma_start3A_1236 = tpu.memref_slice %arg13[%dma_start3A_1233, %dma_start3A_1234, %dma_start3A_1235] : memref<2x2x80xi32, #tpu.memory_space<vmem>> -> memref<1x1x80xi32, #tpu.memory_space<vmem>>
      %dma_start3A_1237 = tpu.memref_squeeze %dma_start3A_1236 : memref<1x1x80xi32, #tpu.memory_space<vmem>> -> memref<80xi32, #tpu.memory_space<vmem>>
      %dma_start3A_1238 = arith.constant 0 : i32
      %dma_start3A_1239 = arith.constant 0 : i32
      %dma_start3A_1240 = tpu.memref_slice %arg14[%dma_start3A_1238, %dma_start3A_1239] : memref<10240x144xf32, #tpu.memory_space<vmem_shared>> -> memref<10240x144xf32, #tpu.memory_space<vmem_shared>>
      tpu.enqueue_indirect_dma source(%arg7 : memref<80x144xf32, #tpu.memory_space<vmem>>) target(%dma_start3A_1240 : memref<10240x144xf32, #tpu.memory_space<vmem_shared>>) offsets(%dma_start3A_1237 : memref<80xi32, #tpu.memory_space<vmem>>) semaphore(%arg18 : memref<!tpu.dma_semaphore, #tpu.memory_space<semaphore_mem>>) {add = true}
      %dma_start3A_1241 = arith.constant 0 : i32
      %dma_start3A_1242 = arith.constant 1 : i32
      %dma_start3A_1243 = arith.constant 0 : i32
      %dma_start3A_1244 = tpu.memref_slice %arg13[%dma_start3A_1241, %dma_start3A_1242, %dma_start3A_1243] : memref<2x2x80xi32, #tpu.memory_space<vmem>> -> memref<1x1x80xi32, #tpu.memory_space<vmem>>
      %dma_start3A_1245 = tpu.memref_squeeze %dma_start3A_1244 : memref<1x1x80xi32, #tpu.memory_space<vmem>> -> memref<80xi32, #tpu.memory_space<vmem>>
      %dma_start3A_1246 = arith.constant 0 : i32
      %dma_start3A_1247 = arith.constant 0 : i32
      %dma_start3A_1248 = tpu.memref_slice %arg15[%dma_start3A_1246, %dma_start3A_1247] : memref<10240x16xf32, #tpu.memory_space<vmem_shared>> -> memref<10240x16xf32, #tpu.memory_space<vmem_shared>>
      tpu.enqueue_indirect_dma source(%arg11 : memref<80x16xf32, #tpu.memory_space<vmem>>) target(%dma_start3A_1248 : memref<10240x16xf32, #tpu.memory_space<vmem_shared>>) offsets(%dma_start3A_1245 : memref<80xi32, #tpu.memory_space<vmem>>) semaphore(%arg18 : memref<!tpu.dma_semaphore, #tpu.memory_space<semaphore_mem>>) {add = true}
      %dma_wait3A_1249 = arith.constant 0 : i32
      %dma_wait3A_1250 = arith.constant 1 : i32
      %dma_wait3A_1251 = arith.constant 0 : i32
      %dma_wait3A_1252 = tpu.memref_slice %arg13[%dma_wait3A_1249, %dma_wait3A_1250, %dma_wait3A_1251] : memref<2x2x80xi32, #tpu.memory_space<vmem>> -> memref<1x1x80xi32, #tpu.memory_space<vmem>>
      %dma_wait3A_1253 = tpu.memref_squeeze %dma_wait3A_1252 : memref<1x1x80xi32, #tpu.memory_space<vmem>> -> memref<80xi32, #tpu.memory_space<vmem>>
      %dma_wait3A_1254 = arith.constant 0 : i32
      %dma_wait3A_1255 = arith.constant 0 : i32
      %dma_wait3A_1256 = tpu.memref_slice %arg14[%dma_wait3A_1254, %dma_wait3A_1255] : memref<10240x144xf32, #tpu.memory_space<vmem_shared>> -> memref<10240x144xf32, #tpu.memory_space<vmem_shared>>
      tpu.wait_indirect_dma semaphore(%arg18 : memref<!tpu.dma_semaphore, #tpu.memory_space<semaphore_mem>>) src(%arg7 : memref<80x144xf32, #tpu.memory_space<vmem>>) dst(%dma_wait3A_1256 : memref<10240x144xf32, #tpu.memory_space<vmem_shared>>)
      %dma_wait3A_1257 = arith.constant 0 : i32
      %dma_wait3A_1258 = arith.constant 1 : i32
      %dma_wait3A_1259 = arith.constant 0 : i32
      %dma_wait3A_1260 = tpu.memref_slice %arg13[%dma_wait3A_1257, %dma_wait3A_1258, %dma_wait3A_1259] : memref<2x2x80xi32, #tpu.memory_space<vmem>> -> memref<1x1x80xi32, #tpu.memory_space<vmem>>
      %dma_wait3A_1261 = tpu.memref_squeeze %dma_wait3A_1260 : memref<1x1x80xi32, #tpu.memory_space<vmem>> -> memref<80xi32, #tpu.memory_space<vmem>>
      %dma_wait3A_1262 = arith.constant 0 : i32
      %dma_wait3A_1263 = arith.constant 0 : i32
      %dma_wait3A_1264 = tpu.memref_slice %arg15[%dma_wait3A_1262, %dma_wait3A_1263] : memref<10240x16xf32, #tpu.memory_space<vmem_shared>> -> memref<10240x16xf32, #tpu.memory_space<vmem_shared>>
      tpu.wait_indirect_dma semaphore(%arg18 : memref<!tpu.dma_semaphore, #tpu.memory_space<semaphore_mem>>) src(%arg11 : memref<80x16xf32, #tpu.memory_space<vmem>>) dst(%dma_wait3A_1264 : memref<10240x16xf32, #tpu.memory_space<vmem_shared>>)
      %add3A_1265 = arith.constant 2 : i32
      %add3A_1266 = arith.addi %mul3A_691, %add3A_1265 : i32
      %add3A_1267 = arith.addi %mul3A_41, %add3A_1266 : i32
      "tpu.region"() ({
        %run_scoped3A = tpu.sem_alloc : memref<!tpu.dma_semaphore, #tpu.memory_space<semaphore_mem>>
        %dma_start3A_1861 = arith.constant 0 : i32
        %dma_start3A_1862 = arith.constant 0 : i32
        %dma_start3A_1863 = arith.constant 0 : i32
        %dma_start3A_1864 = tpu.memref_slice %arg13[%dma_start3A_1861, %dma_start3A_1862, %dma_start3A_1863] : memref<2x2x80xi32, #tpu.memory_space<vmem>> -> memref<1x2x80xi32, #tpu.memory_space<vmem>>
        %dma_start3A_1865 = arith.constant 0 : i32
        %dma_start3A_1866 = arith.constant 0 : i32
        %dma_start3A_1867 = tpu.memref_slice %arg4[%add3A_1267, %dma_start3A_1865, %dma_start3A_1866] : memref<4000x2x80xi32, #tpu.memory_space<hbm>> -> memref<1x2x80xi32, #tpu.memory_space<hbm>>
        %dma_start3A_1868 = arith.constant 0 : i32
        %dma_start3A_1869 = arith.constant 0 : i32
        %dma_start3A_1870 = arith.constant 0 : i32
        %dma_start3A_1871 = tpu.memref_slice %arg13[%dma_start3A_1868, %dma_start3A_1869, %dma_start3A_1870] : memref<2x2x80xi32, #tpu.memory_space<vmem>> -> memref<1x2x80xi32, #tpu.memory_space<vmem>>
        %dma_start3A_1872 = arith.constant 0 : i32
        %dma_start3A_1873 = arith.constant 0 : i32
        %dma_start3A_1874 = tpu.memref_slice %arg4[%add3A_1267, %dma_start3A_1872, %dma_start3A_1873] : memref<4000x2x80xi32, #tpu.memory_space<hbm>> -> memref<1x2x80xi32, #tpu.memory_space<hbm>>
        tpu.enqueue_dma source(%dma_start3A_1874 : memref<1x2x80xi32, #tpu.memory_space<hbm>>) target(%dma_start3A_1871 : memref<1x2x80xi32, #tpu.memory_space<vmem>>) target_semaphore(%run_scoped3A : memref<!tpu.dma_semaphore, #tpu.memory_space<semaphore_mem>>)
        %dma_wait3A_1875 = arith.constant 0 : i32
        %dma_wait3A_1876 = arith.constant 0 : i32
        %dma_wait3A_1877 = arith.constant 0 : i32
        %dma_wait3A_1878 = tpu.memref_slice %arg13[%dma_wait3A_1875, %dma_wait3A_1876, %dma_wait3A_1877] : memref<2x2x80xi32, #tpu.memory_space<vmem>> -> memref<1x2x80xi32, #tpu.memory_space<vmem>>
        %dma_wait3A_1879 = arith.constant 0 : i32
        %dma_wait3A_1880 = arith.constant 0 : i32
        %dma_wait3A_1881 = tpu.memref_slice %arg4[%add3A_1267, %dma_wait3A_1879, %dma_wait3A_1880] : memref<4000x2x80xi32, #tpu.memory_space<hbm>> -> memref<1x2x80xi32, #tpu.memory_space<hbm>>
        %dma_wait3A_1882 = arith.constant 0 : i32
        %dma_wait3A_1883 = arith.constant 0 : i32
        %dma_wait3A_1884 = arith.constant 0 : i32
        %dma_wait3A_1885 = tpu.memref_slice %arg13[%dma_wait3A_1882, %dma_wait3A_1883, %dma_wait3A_1884] : memref<2x2x80xi32, #tpu.memory_space<vmem>> -> memref<1x2x80xi32, #tpu.memory_space<vmem>>
        %dma_wait3A_1886 = arith.constant 0 : i32
        %dma_wait3A_1887 = arith.constant 0 : i32
        %dma_wait3A_1888 = tpu.memref_slice %arg4[%add3A_1267, %dma_wait3A_1886, %dma_wait3A_1887] : memref<4000x2x80xi32, #tpu.memory_space<hbm>> -> memref<1x2x80xi32, #tpu.memory_space<hbm>>
        tpu.wait_dma2 semaphore(%run_scoped3A : memref<!tpu.dma_semaphore, #tpu.memory_space<semaphore_mem>>) src(%dma_wait3A_1888 : memref<1x2x80xi32, #tpu.memory_space<hbm>>) dst(%dma_wait3A_1885 : memref<1x2x80xi32, #tpu.memory_space<vmem>>)
        tpu.yield
      }) : () -> ()
      %dma_start3A_1268 = arith.constant 0 : i32
      %dma_start3A_1269 = arith.constant 0 : i32
      %dma_start3A_1270 = arith.constant 0 : i32
      %dma_start3A_1271 = tpu.memref_slice %arg13[%dma_start3A_1268, %dma_start3A_1269, %dma_start3A_1270] : memref<2x2x80xi32, #tpu.memory_space<vmem>> -> memref<1x1x80xi32, #tpu.memory_space<vmem>>
      %dma_start3A_1272 = tpu.memref_squeeze %dma_start3A_1271 : memref<1x1x80xi32, #tpu.memory_space<vmem>> -> memref<80xi32, #tpu.memory_space<vmem>>
      %dma_start3A_1273 = arith.constant 0 : i32
      %dma_start3A_1274 = arith.constant 0 : i32
      %dma_start3A_1275 = tpu.memref_slice %arg2[%dma_start3A_1273, %dma_start3A_1274] : memref<10000x144xf32, #tpu.memory_space<hbm>> -> memref<10000x144xf32, #tpu.memory_space<hbm>>
      tpu.enqueue_indirect_dma source(%dma_start3A_1275 : memref<10000x144xf32, #tpu.memory_space<hbm>>) target(%arg7 : memref<80x144xf32, #tpu.memory_space<vmem>>) offsets(%dma_start3A_1272 : memref<80xi32, #tpu.memory_space<vmem>>) semaphore(%arg16 : memref<!tpu.dma_semaphore, #tpu.memory_space<semaphore_mem>>)
      %dma_start3A_1276 = arith.constant 0 : i32
      %dma_start3A_1277 = arith.constant 1 : i32
      %dma_start3A_1278 = arith.constant 0 : i32
      %dma_start3A_1279 = tpu.memref_slice %arg13[%dma_start3A_1276, %dma_start3A_1277, %dma_start3A_1278] : memref<2x2x80xi32, #tpu.memory_space<vmem>> -> memref<1x1x80xi32, #tpu.memory_space<vmem>>
      %dma_start3A_1280 = tpu.memref_squeeze %dma_start3A_1279 : memref<1x1x80xi32, #tpu.memory_space<vmem>> -> memref<80xi32, #tpu.memory_space<vmem>>
      %dma_start3A_1281 = arith.constant 0 : i32
      %dma_start3A_1282 = arith.constant 0 : i32
      %dma_start3A_1283 = tpu.memref_slice %arg3[%dma_start3A_1281, %dma_start3A_1282] : memref<10000x16xf32, #tpu.memory_space<hbm>> -> memref<10000x16xf32, #tpu.memory_space<hbm>>
      tpu.enqueue_indirect_dma source(%dma_start3A_1283 : memref<10000x16xf32, #tpu.memory_space<hbm>>) target(%arg9 : memref<80x16xf32, #tpu.memory_space<vmem>>) offsets(%dma_start3A_1280 : memref<80xi32, #tpu.memory_space<vmem>>) semaphore(%arg16 : memref<!tpu.dma_semaphore, #tpu.memory_space<semaphore_mem>>)
      %dma_wait3A_1284 = arith.constant 1 : i32
      %dma_wait3A_1285 = arith.constant 0 : i32
      %dma_wait3A_1286 = arith.constant 0 : i32
      %dma_wait3A_1287 = tpu.memref_slice %arg13[%dma_wait3A_1284, %dma_wait3A_1285, %dma_wait3A_1286] : memref<2x2x80xi32, #tpu.memory_space<vmem>> -> memref<1x1x80xi32, #tpu.memory_space<vmem>>
      %dma_wait3A_1288 = tpu.memref_squeeze %dma_wait3A_1287 : memref<1x1x80xi32, #tpu.memory_space<vmem>> -> memref<80xi32, #tpu.memory_space<vmem>>
      %dma_wait3A_1289 = arith.constant 0 : i32
      %dma_wait3A_1290 = arith.constant 0 : i32
      %dma_wait3A_1291 = tpu.memref_slice %arg2[%dma_wait3A_1289, %dma_wait3A_1290] : memref<10000x144xf32, #tpu.memory_space<hbm>> -> memref<10000x144xf32, #tpu.memory_space<hbm>>
      tpu.wait_indirect_dma semaphore(%arg17 : memref<!tpu.dma_semaphore, #tpu.memory_space<semaphore_mem>>) src(%dma_wait3A_1291 : memref<10000x144xf32, #tpu.memory_space<hbm>>) dst(%arg8 : memref<80x144xf32, #tpu.memory_space<vmem>>)
      %dma_wait3A_1292 = arith.constant 1 : i32
      %dma_wait3A_1293 = arith.constant 1 : i32
      %dma_wait3A_1294 = arith.constant 0 : i32
      %dma_wait3A_1295 = tpu.memref_slice %arg13[%dma_wait3A_1292, %dma_wait3A_1293, %dma_wait3A_1294] : memref<2x2x80xi32, #tpu.memory_space<vmem>> -> memref<1x1x80xi32, #tpu.memory_space<vmem>>
      %dma_wait3A_1296 = tpu.memref_squeeze %dma_wait3A_1295 : memref<1x1x80xi32, #tpu.memory_space<vmem>> -> memref<80xi32, #tpu.memory_space<vmem>>
      %dma_wait3A_1297 = arith.constant 0 : i32
      %dma_wait3A_1298 = arith.constant 0 : i32
      %dma_wait3A_1299 = tpu.memref_slice %arg3[%dma_wait3A_1297, %dma_wait3A_1298] : memref<10000x16xf32, #tpu.memory_space<hbm>> -> memref<10000x16xf32, #tpu.memory_space<hbm>>
      tpu.wait_indirect_dma semaphore(%arg17 : memref<!tpu.dma_semaphore, #tpu.memory_space<semaphore_mem>>) src(%dma_wait3A_1299 : memref<10000x16xf32, #tpu.memory_space<hbm>>) dst(%arg10 : memref<80x16xf32, #tpu.memory_space<vmem>>)
      %add3A_1300 = arith.constant 0 : i32
      %add3A_1301 = vector.broadcast %add3A_1300 : i32 to vector<16xi32>
      %add3A_1302 = arith.addi %add3A_1301, %iota3A : vector<16xi32>
      %shift_right_arithmetic3A_1303 = arith.constant 2 : i32
      %shift_right_arithmetic3A_1304 = vector.broadcast %shift_right_arithmetic3A_1303 : i32 to vector<16xi32>
      %shift_right_arithmetic3A_1305 = arith.shrsi %add3A_1302, %shift_right_arithmetic3A_1304 : vector<16xi32>
      %and3A_1306 = arith.constant 3 : i32
      %and3A_1307 = vector.broadcast %and3A_1306 : i32 to vector<16xi32>
      %and3A_1308 = arith.andi %add3A_1302, %and3A_1307 : vector<16xi32>
      %add3A_1309 = arith.constant 128 : i32
      %add3A_1310 = vector.broadcast %add3A_1309 : i32 to vector<16xi32>
      %add3A_1311 = arith.addi %and3A_1308, %add3A_1310 : vector<16xi32>
      %gather3A_1312 = tpu.vector_load_idx %arg8[%shift_right_arithmetic3A_1305, %add3A_1311] : memref<80x144xf32, #tpu.memory_space<vmem>>[vector<16xi32>, vector<16xi32>], vector<16xf32>,
      %gather3A_1313 = tpu.vector_load_idx %arg10[%shift_right_arithmetic3A_1305, %and3A_1308] : memref<80x16xf32, #tpu.memory_space<vmem>>[vector<16xi32>, vector<16xi32>], vector<16xf32>,
      %add3A_1314 = arith.addf %gather3A_1312, %gather3A_1313 : vector<16xf32>
      %max3A_1315 = arith.constant 0.000000e+00 : f32
      %max3A_1316 = vector.broadcast %max3A_1315 : f32 to vector<16xf32>
      %max3A_1317 = arith.maximumf %add3A_1314, %max3A_1316 : vector<16xf32>
      %min3A_1318 = arith.constant 0.000000e+00 : f32
      %min3A_1319 = vector.broadcast %min3A_1318 : f32 to vector<16xf32>
      %min3A_1320 = arith.minimumf %add3A_1314, %min3A_1319 : vector<16xf32>
      %mul3A_1321 = arith.constant 2.000000e-01 : f32
      %mul3A_1322 = vector.broadcast %mul3A_1321 : f32 to vector<16xf32>
      %mul3A_1323 = arith.mulf %mul3A_1322, %min3A_1320 : vector<16xf32>
      %add3A_1324 = arith.addf %max3A_1317, %mul3A_1323 : vector<16xf32>
      %exp3A_1325 = math.exp %add3A_1324 : vector<16xf32>
      tpu.vector_store_idx %arg12[%shift_right_arithmetic3A_1305, %and3A_1308], %exp3A_1325 : memref<80x16xf32, #tpu.memory_space<vmem>>[vector<16xi32>, vector<16xi32>], vector<16xf32>,
      %add3A_1326 = arith.constant 16 : i32
      %add3A_1327 = vector.broadcast %add3A_1326 : i32 to vector<16xi32>
      %add3A_1328 = arith.addi %add3A_1327, %iota3A : vector<16xi32>
      %shift_right_arithmetic3A_1329 = arith.constant 2 : i32
      %shift_right_arithmetic3A_1330 = vector.broadcast %shift_right_arithmetic3A_1329 : i32 to vector<16xi32>
      %shift_right_arithmetic3A_1331 = arith.shrsi %add3A_1328, %shift_right_arithmetic3A_1330 : vector<16xi32>
      %and3A_1332 = arith.constant 3 : i32
      %and3A_1333 = vector.broadcast %and3A_1332 : i32 to vector<16xi32>
      %and3A_1334 = arith.andi %add3A_1328, %and3A_1333 : vector<16xi32>
      %add3A_1335 = arith.constant 128 : i32
      %add3A_1336 = vector.broadcast %add3A_1335 : i32 to vector<16xi32>
      %add3A_1337 = arith.addi %and3A_1334, %add3A_1336 : vector<16xi32>
      %gather3A_1338 = tpu.vector_load_idx %arg8[%shift_right_arithmetic3A_1331, %add3A_1337] : memref<80x144xf32, #tpu.memory_space<vmem>>[vector<16xi32>, vector<16xi32>], vector<16xf32>,
      %gather3A_1339 = tpu.vector_load_idx %arg10[%shift_right_arithmetic3A_1331, %and3A_1334] : memref<80x16xf32, #tpu.memory_space<vmem>>[vector<16xi32>, vector<16xi32>], vector<16xf32>,
      %add3A_1340 = arith.addf %gather3A_1338, %gather3A_1339 : vector<16xf32>
      %max3A_1341 = arith.constant 0.000000e+00 : f32
      %max3A_1342 = vector.broadcast %max3A_1341 : f32 to vector<16xf32>
      %max3A_1343 = arith.maximumf %add3A_1340, %max3A_1342 : vector<16xf32>
      %min3A_1344 = arith.constant 0.000000e+00 : f32
      %min3A_1345 = vector.broadcast %min3A_1344 : f32 to vector<16xf32>
      %min3A_1346 = arith.minimumf %add3A_1340, %min3A_1345 : vector<16xf32>
      %mul3A_1347 = arith.constant 2.000000e-01 : f32
      %mul3A_1348 = vector.broadcast %mul3A_1347 : f32 to vector<16xf32>
      %mul3A_1349 = arith.mulf %mul3A_1348, %min3A_1346 : vector<16xf32>
      %add3A_1350 = arith.addf %max3A_1343, %mul3A_1349 : vector<16xf32>
      %exp3A_1351 = math.exp %add3A_1350 : vector<16xf32>
      tpu.vector_store_idx %arg12[%shift_right_arithmetic3A_1331, %and3A_1334], %exp3A_1351 : memref<80x16xf32, #tpu.memory_space<vmem>>[vector<16xi32>, vector<16xi32>], vector<16xf32>,
      %add3A_1352 = arith.constant 32 : i32
      %add3A_1353 = vector.broadcast %add3A_1352 : i32 to vector<16xi32>
      %add3A_1354 = arith.addi %add3A_1353, %iota3A : vector<16xi32>
      %shift_right_arithmetic3A_1355 = arith.constant 2 : i32
      %shift_right_arithmetic3A_1356 = vector.broadcast %shift_right_arithmetic3A_1355 : i32 to vector<16xi32>
      %shift_right_arithmetic3A_1357 = arith.shrsi %add3A_1354, %shift_right_arithmetic3A_1356 : vector<16xi32>
      %and3A_1358 = arith.constant 3 : i32
      %and3A_1359 = vector.broadcast %and3A_1358 : i32 to vector<16xi32>
      %and3A_1360 = arith.andi %add3A_1354, %and3A_1359 : vector<16xi32>
      %add3A_1361 = arith.constant 128 : i32
      %add3A_1362 = vector.broadcast %add3A_1361 : i32 to vector<16xi32>
      %add3A_1363 = arith.addi %and3A_1360, %add3A_1362 : vector<16xi32>
      %gather3A_1364 = tpu.vector_load_idx %arg8[%shift_right_arithmetic3A_1357, %add3A_1363] : memref<80x144xf32, #tpu.memory_space<vmem>>[vector<16xi32>, vector<16xi32>], vector<16xf32>,
      %gather3A_1365 = tpu.vector_load_idx %arg10[%shift_right_arithmetic3A_1357, %and3A_1360] : memref<80x16xf32, #tpu.memory_space<vmem>>[vector<16xi32>, vector<16xi32>], vector<16xf32>,
      %add3A_1366 = arith.addf %gather3A_1364, %gather3A_1365 : vector<16xf32>
      %max3A_1367 = arith.constant 0.000000e+00 : f32
      %max3A_1368 = vector.broadcast %max3A_1367 : f32 to vector<16xf32>
      %max3A_1369 = arith.maximumf %add3A_1366, %max3A_1368 : vector<16xf32>
      %min3A_1370 = arith.constant 0.000000e+00 : f32
      %min3A_1371 = vector.broadcast %min3A_1370 : f32 to vector<16xf32>
      %min3A_1372 = arith.minimumf %add3A_1366, %min3A_1371 : vector<16xf32>
      %mul3A_1373 = arith.constant 2.000000e-01 : f32
      %mul3A_1374 = vector.broadcast %mul3A_1373 : f32 to vector<16xf32>
      %mul3A_1375 = arith.mulf %mul3A_1374, %min3A_1372 : vector<16xf32>
      %add3A_1376 = arith.addf %max3A_1369, %mul3A_1375 : vector<16xf32>
      %exp3A_1377 = math.exp %add3A_1376 : vector<16xf32>
      tpu.vector_store_idx %arg12[%shift_right_arithmetic3A_1357, %and3A_1360], %exp3A_1377 : memref<80x16xf32, #tpu.memory_space<vmem>>[vector<16xi32>, vector<16xi32>], vector<16xf32>,
      %add3A_1378 = arith.constant 48 : i32
      %add3A_1379 = vector.broadcast %add3A_1378 : i32 to vector<16xi32>
      %add3A_1380 = arith.addi %add3A_1379, %iota3A : vector<16xi32>
      %shift_right_arithmetic3A_1381 = arith.constant 2 : i32
      %shift_right_arithmetic3A_1382 = vector.broadcast %shift_right_arithmetic3A_1381 : i32 to vector<16xi32>
      %shift_right_arithmetic3A_1383 = arith.shrsi %add3A_1380, %shift_right_arithmetic3A_1382 : vector<16xi32>
      %and3A_1384 = arith.constant 3 : i32
      %and3A_1385 = vector.broadcast %and3A_1384 : i32 to vector<16xi32>
      %and3A_1386 = arith.andi %add3A_1380, %and3A_1385 : vector<16xi32>
      %add3A_1387 = arith.constant 128 : i32
      %add3A_1388 = vector.broadcast %add3A_1387 : i32 to vector<16xi32>
      %add3A_1389 = arith.addi %and3A_1386, %add3A_1388 : vector<16xi32>
      %gather3A_1390 = tpu.vector_load_idx %arg8[%shift_right_arithmetic3A_1383, %add3A_1389] : memref<80x144xf32, #tpu.memory_space<vmem>>[vector<16xi32>, vector<16xi32>], vector<16xf32>,
      %gather3A_1391 = tpu.vector_load_idx %arg10[%shift_right_arithmetic3A_1383, %and3A_1386] : memref<80x16xf32, #tpu.memory_space<vmem>>[vector<16xi32>, vector<16xi32>], vector<16xf32>,
      %add3A_1392 = arith.addf %gather3A_1390, %gather3A_1391 : vector<16xf32>
      %max3A_1393 = arith.constant 0.000000e+00 : f32
      %max3A_1394 = vector.broadcast %max3A_1393 : f32 to vector<16xf32>
      %max3A_1395 = arith.maximumf %add3A_1392, %max3A_1394 : vector<16xf32>
      %min3A_1396 = arith.constant 0.000000e+00 : f32
      %min3A_1397 = vector.broadcast %min3A_1396 : f32 to vector<16xf32>
      %min3A_1398 = arith.minimumf %add3A_1392, %min3A_1397 : vector<16xf32>
      %mul3A_1399 = arith.constant 2.000000e-01 : f32
      %mul3A_1400 = vector.broadcast %mul3A_1399 : f32 to vector<16xf32>
      %mul3A_1401 = arith.mulf %mul3A_1400, %min3A_1398 : vector<16xf32>
      %add3A_1402 = arith.addf %max3A_1395, %mul3A_1401 : vector<16xf32>
      %exp3A_1403 = math.exp %add3A_1402 : vector<16xf32>
      tpu.vector_store_idx %arg12[%shift_right_arithmetic3A_1383, %and3A_1386], %exp3A_1403 : memref<80x16xf32, #tpu.memory_space<vmem>>[vector<16xi32>, vector<16xi32>], vector<16xf32>,
      %add3A_1404 = arith.constant 64 : i32
      %add3A_1405 = vector.broadcast %add3A_1404 : i32 to vector<16xi32>
      %add3A_1406 = arith.addi %add3A_1405, %iota3A : vector<16xi32>
      %shift_right_arithmetic3A_1407 = arith.constant 2 : i32
      %shift_right_arithmetic3A_1408 = vector.broadcast %shift_right_arithmetic3A_1407 : i32 to vector<16xi32>
      %shift_right_arithmetic3A_1409 = arith.shrsi %add3A_1406, %shift_right_arithmetic3A_1408 : vector<16xi32>
      %and3A_1410 = arith.constant 3 : i32
      %and3A_1411 = vector.broadcast %and3A_1410 : i32 to vector<16xi32>
      %and3A_1412 = arith.andi %add3A_1406, %and3A_1411 : vector<16xi32>
      %add3A_1413 = arith.constant 128 : i32
      %add3A_1414 = vector.broadcast %add3A_1413 : i32 to vector<16xi32>
      %add3A_1415 = arith.addi %and3A_1412, %add3A_1414 : vector<16xi32>
      %gather3A_1416 = tpu.vector_load_idx %arg8[%shift_right_arithmetic3A_1409, %add3A_1415] : memref<80x144xf32, #tpu.memory_space<vmem>>[vector<16xi32>, vector<16xi32>], vector<16xf32>,
      %gather3A_1417 = tpu.vector_load_idx %arg10[%shift_right_arithmetic3A_1409, %and3A_1412] : memref<80x16xf32, #tpu.memory_space<vmem>>[vector<16xi32>, vector<16xi32>], vector<16xf32>,
      %add3A_1418 = arith.addf %gather3A_1416, %gather3A_1417 : vector<16xf32>
      %max3A_1419 = arith.constant 0.000000e+00 : f32
      %max3A_1420 = vector.broadcast %max3A_1419 : f32 to vector<16xf32>
      %max3A_1421 = arith.maximumf %add3A_1418, %max3A_1420 : vector<16xf32>
      %min3A_1422 = arith.constant 0.000000e+00 : f32
      %min3A_1423 = vector.broadcast %min3A_1422 : f32 to vector<16xf32>
      %min3A_1424 = arith.minimumf %add3A_1418, %min3A_1423 : vector<16xf32>
      %mul3A_1425 = arith.constant 2.000000e-01 : f32
      %mul3A_1426 = vector.broadcast %mul3A_1425 : f32 to vector<16xf32>
      %mul3A_1427 = arith.mulf %mul3A_1426, %min3A_1424 : vector<16xf32>
      %add3A_1428 = arith.addf %max3A_1421, %mul3A_1427 : vector<16xf32>
      %exp3A_1429 = math.exp %add3A_1428 : vector<16xf32>
      tpu.vector_store_idx %arg12[%shift_right_arithmetic3A_1409, %and3A_1412], %exp3A_1429 : memref<80x16xf32, #tpu.memory_space<vmem>>[vector<16xi32>, vector<16xi32>], vector<16xf32>,
      %add3A_1430 = arith.constant 80 : i32
      %add3A_1431 = vector.broadcast %add3A_1430 : i32 to vector<16xi32>
      %add3A_1432 = arith.addi %add3A_1431, %iota3A : vector<16xi32>
      %shift_right_arithmetic3A_1433 = arith.constant 2 : i32
      %shift_right_arithmetic3A_1434 = vector.broadcast %shift_right_arithmetic3A_1433 : i32 to vector<16xi32>
      %shift_right_arithmetic3A_1435 = arith.shrsi %add3A_1432, %shift_right_arithmetic3A_1434 : vector<16xi32>
      %and3A_1436 = arith.constant 3 : i32
      %and3A_1437 = vector.broadcast %and3A_1436 : i32 to vector<16xi32>
      %and3A_1438 = arith.andi %add3A_1432, %and3A_1437 : vector<16xi32>
      %add3A_1439 = arith.constant 128 : i32
      %add3A_1440 = vector.broadcast %add3A_1439 : i32 to vector<16xi32>
      %add3A_1441 = arith.addi %and3A_1438, %add3A_1440 : vector<16xi32>
      %gather3A_1442 = tpu.vector_load_idx %arg8[%shift_right_arithmetic3A_1435, %add3A_1441] : memref<80x144xf32, #tpu.memory_space<vmem>>[vector<16xi32>, vector<16xi32>], vector<16xf32>,
      %gather3A_1443 = tpu.vector_load_idx %arg10[%shift_right_arithmetic3A_1435, %and3A_1438] : memref<80x16xf32, #tpu.memory_space<vmem>>[vector<16xi32>, vector<16xi32>], vector<16xf32>,
      %add3A_1444 = arith.addf %gather3A_1442, %gather3A_1443 : vector<16xf32>
      %max3A_1445 = arith.constant 0.000000e+00 : f32
      %max3A_1446 = vector.broadcast %max3A_1445 : f32 to vector<16xf32>
      %max3A_1447 = arith.maximumf %add3A_1444, %max3A_1446 : vector<16xf32>
      %min3A_1448 = arith.constant 0.000000e+00 : f32
      %min3A_1449 = vector.broadcast %min3A_1448 : f32 to vector<16xf32>
      %min3A_1450 = arith.minimumf %add3A_1444, %min3A_1449 : vector<16xf32>
      %mul3A_1451 = arith.constant 2.000000e-01 : f32
      %mul3A_1452 = vector.broadcast %mul3A_1451 : f32 to vector<16xf32>
      %mul3A_1453 = arith.mulf %mul3A_1452, %min3A_1450 : vector<16xf32>
      %add3A_1454 = arith.addf %max3A_1447, %mul3A_1453 : vector<16xf32>
      %exp3A_1455 = math.exp %add3A_1454 : vector<16xf32>
      tpu.vector_store_idx %arg12[%shift_right_arithmetic3A_1435, %and3A_1438], %exp3A_1455 : memref<80x16xf32, #tpu.memory_space<vmem>>[vector<16xi32>, vector<16xi32>], vector<16xf32>,
      %add3A_1456 = arith.constant 96 : i32
      %add3A_1457 = vector.broadcast %add3A_1456 : i32 to vector<16xi32>
      %add3A_1458 = arith.addi %add3A_1457, %iota3A : vector<16xi32>
      %shift_right_arithmetic3A_1459 = arith.constant 2 : i32
      %shift_right_arithmetic3A_1460 = vector.broadcast %shift_right_arithmetic3A_1459 : i32 to vector<16xi32>
      %shift_right_arithmetic3A_1461 = arith.shrsi %add3A_1458, %shift_right_arithmetic3A_1460 : vector<16xi32>
      %and3A_1462 = arith.constant 3 : i32
      %and3A_1463 = vector.broadcast %and3A_1462 : i32 to vector<16xi32>
      %and3A_1464 = arith.andi %add3A_1458, %and3A_1463 : vector<16xi32>
      %add3A_1465 = arith.constant 128 : i32
      %add3A_1466 = vector.broadcast %add3A_1465 : i32 to vector<16xi32>
      %add3A_1467 = arith.addi %and3A_1464, %add3A_1466 : vector<16xi32>
      %gather3A_1468 = tpu.vector_load_idx %arg8[%shift_right_arithmetic3A_1461, %add3A_1467] : memref<80x144xf32, #tpu.memory_space<vmem>>[vector<16xi32>, vector<16xi32>], vector<16xf32>,
      %gather3A_1469 = tpu.vector_load_idx %arg10[%shift_right_arithmetic3A_1461, %and3A_1464] : memref<80x16xf32, #tpu.memory_space<vmem>>[vector<16xi32>, vector<16xi32>], vector<16xf32>,
      %add3A_1470 = arith.addf %gather3A_1468, %gather3A_1469 : vector<16xf32>
      %max3A_1471 = arith.constant 0.000000e+00 : f32
      %max3A_1472 = vector.broadcast %max3A_1471 : f32 to vector<16xf32>
      %max3A_1473 = arith.maximumf %add3A_1470, %max3A_1472 : vector<16xf32>
      %min3A_1474 = arith.constant 0.000000e+00 : f32
      %min3A_1475 = vector.broadcast %min3A_1474 : f32 to vector<16xf32>
      %min3A_1476 = arith.minimumf %add3A_1470, %min3A_1475 : vector<16xf32>
      %mul3A_1477 = arith.constant 2.000000e-01 : f32
      %mul3A_1478 = vector.broadcast %mul3A_1477 : f32 to vector<16xf32>
      %mul3A_1479 = arith.mulf %mul3A_1478, %min3A_1476 : vector<16xf32>
      %add3A_1480 = arith.addf %max3A_1473, %mul3A_1479 : vector<16xf32>
      %exp3A_1481 = math.exp %add3A_1480 : vector<16xf32>
      tpu.vector_store_idx %arg12[%shift_right_arithmetic3A_1461, %and3A_1464], %exp3A_1481 : memref<80x16xf32, #tpu.memory_space<vmem>>[vector<16xi32>, vector<16xi32>], vector<16xf32>,
      %add3A_1482 = arith.constant 112 : i32
      %add3A_1483 = vector.broadcast %add3A_1482 : i32 to vector<16xi32>
      %add3A_1484 = arith.addi %add3A_1483, %iota3A : vector<16xi32>
      %shift_right_arithmetic3A_1485 = arith.constant 2 : i32
      %shift_right_arithmetic3A_1486 = vector.broadcast %shift_right_arithmetic3A_1485 : i32 to vector<16xi32>
      %shift_right_arithmetic3A_1487 = arith.shrsi %add3A_1484, %shift_right_arithmetic3A_1486 : vector<16xi32>
      %and3A_1488 = arith.constant 3 : i32
      %and3A_1489 = vector.broadcast %and3A_1488 : i32 to vector<16xi32>
      %and3A_1490 = arith.andi %add3A_1484, %and3A_1489 : vector<16xi32>
      %add3A_1491 = arith.constant 128 : i32
      %add3A_1492 = vector.broadcast %add3A_1491 : i32 to vector<16xi32>
      %add3A_1493 = arith.addi %and3A_1490, %add3A_1492 : vector<16xi32>
      %gather3A_1494 = tpu.vector_load_idx %arg8[%shift_right_arithmetic3A_1487, %add3A_1493] : memref<80x144xf32, #tpu.memory_space<vmem>>[vector<16xi32>, vector<16xi32>], vector<16xf32>,
      %gather3A_1495 = tpu.vector_load_idx %arg10[%shift_right_arithmetic3A_1487, %and3A_1490] : memref<80x16xf32, #tpu.memory_space<vmem>>[vector<16xi32>, vector<16xi32>], vector<16xf32>,
      %add3A_1496 = arith.addf %gather3A_1494, %gather3A_1495 : vector<16xf32>
      %max3A_1497 = arith.constant 0.000000e+00 : f32
      %max3A_1498 = vector.broadcast %max3A_1497 : f32 to vector<16xf32>
      %max3A_1499 = arith.maximumf %add3A_1496, %max3A_1498 : vector<16xf32>
      %min3A_1500 = arith.constant 0.000000e+00 : f32
      %min3A_1501 = vector.broadcast %min3A_1500 : f32 to vector<16xf32>
      %min3A_1502 = arith.minimumf %add3A_1496, %min3A_1501 : vector<16xf32>
      %mul3A_1503 = arith.constant 2.000000e-01 : f32
      %mul3A_1504 = vector.broadcast %mul3A_1503 : f32 to vector<16xf32>
      %mul3A_1505 = arith.mulf %mul3A_1504, %min3A_1502 : vector<16xf32>
      %add3A_1506 = arith.addf %max3A_1499, %mul3A_1505 : vector<16xf32>
      %exp3A_1507 = math.exp %add3A_1506 : vector<16xf32>
      tpu.vector_store_idx %arg12[%shift_right_arithmetic3A_1487, %and3A_1490], %exp3A_1507 : memref<80x16xf32, #tpu.memory_space<vmem>>[vector<16xi32>, vector<16xi32>], vector<16xf32>,
      %add3A_1508 = arith.constant 128 : i32
      %add3A_1509 = vector.broadcast %add3A_1508 : i32 to vector<16xi32>
      %add3A_1510 = arith.addi %add3A_1509, %iota3A : vector<16xi32>
      %shift_right_arithmetic3A_1511 = arith.constant 2 : i32
      %shift_right_arithmetic3A_1512 = vector.broadcast %shift_right_arithmetic3A_1511 : i32 to vector<16xi32>
      %shift_right_arithmetic3A_1513 = arith.shrsi %add3A_1510, %shift_right_arithmetic3A_1512 : vector<16xi32>
      %and3A_1514 = arith.constant 3 : i32
      %and3A_1515 = vector.broadcast %and3A_1514 : i32 to vector<16xi32>
      %and3A_1516 = arith.andi %add3A_1510, %and3A_1515 : vector<16xi32>
      %add3A_1517 = arith.constant 128 : i32
      %add3A_1518 = vector.broadcast %add3A_1517 : i32 to vector<16xi32>
      %add3A_1519 = arith.addi %and3A_1516, %add3A_1518 : vector<16xi32>
      %gather3A_1520 = tpu.vector_load_idx %arg8[%shift_right_arithmetic3A_1513, %add3A_1519] : memref<80x144xf32, #tpu.memory_space<vmem>>[vector<16xi32>, vector<16xi32>], vector<16xf32>,
      %gather3A_1521 = tpu.vector_load_idx %arg10[%shift_right_arithmetic3A_1513, %and3A_1516] : memref<80x16xf32, #tpu.memory_space<vmem>>[vector<16xi32>, vector<16xi32>], vector<16xf32>,
      %add3A_1522 = arith.addf %gather3A_1520, %gather3A_1521 : vector<16xf32>
      %max3A_1523 = arith.constant 0.000000e+00 : f32
      %max3A_1524 = vector.broadcast %max3A_1523 : f32 to vector<16xf32>
      %max3A_1525 = arith.maximumf %add3A_1522, %max3A_1524 : vector<16xf32>
      %min3A_1526 = arith.constant 0.000000e+00 : f32
      %min3A_1527 = vector.broadcast %min3A_1526 : f32 to vector<16xf32>
      %min3A_1528 = arith.minimumf %add3A_1522, %min3A_1527 : vector<16xf32>
      %mul3A_1529 = arith.constant 2.000000e-01 : f32
      %mul3A_1530 = vector.broadcast %mul3A_1529 : f32 to vector<16xf32>
      %mul3A_1531 = arith.mulf %mul3A_1530, %min3A_1528 : vector<16xf32>
      %add3A_1532 = arith.addf %max3A_1525, %mul3A_1531 : vector<16xf32>
      %exp3A_1533 = math.exp %add3A_1532 : vector<16xf32>
      tpu.vector_store_idx %arg12[%shift_right_arithmetic3A_1513, %and3A_1516], %exp3A_1533 : memref<80x16xf32, #tpu.memory_space<vmem>>[vector<16xi32>, vector<16xi32>], vector<16xf32>,
      %add3A_1534 = arith.constant 144 : i32
      %add3A_1535 = vector.broadcast %add3A_1534 : i32 to vector<16xi32>
      %add3A_1536 = arith.addi %add3A_1535, %iota3A : vector<16xi32>
      %shift_right_arithmetic3A_1537 = arith.constant 2 : i32
      %shift_right_arithmetic3A_1538 = vector.broadcast %shift_right_arithmetic3A_1537 : i32 to vector<16xi32>
      %shift_right_arithmetic3A_1539 = arith.shrsi %add3A_1536, %shift_right_arithmetic3A_1538 : vector<16xi32>
      %and3A_1540 = arith.constant 3 : i32
      %and3A_1541 = vector.broadcast %and3A_1540 : i32 to vector<16xi32>
      %and3A_1542 = arith.andi %add3A_1536, %and3A_1541 : vector<16xi32>
      %add3A_1543 = arith.constant 128 : i32
      %add3A_1544 = vector.broadcast %add3A_1543 : i32 to vector<16xi32>
      %add3A_1545 = arith.addi %and3A_1542, %add3A_1544 : vector<16xi32>
      %gather3A_1546 = tpu.vector_load_idx %arg8[%shift_right_arithmetic3A_1539, %add3A_1545] : memref<80x144xf32, #tpu.memory_space<vmem>>[vector<16xi32>, vector<16xi32>], vector<16xf32>,
      %gather3A_1547 = tpu.vector_load_idx %arg10[%shift_right_arithmetic3A_1539, %and3A_1542] : memref<80x16xf32, #tpu.memory_space<vmem>>[vector<16xi32>, vector<16xi32>], vector<16xf32>,
      %add3A_1548 = arith.addf %gather3A_1546, %gather3A_1547 : vector<16xf32>
      %max3A_1549 = arith.constant 0.000000e+00 : f32
      %max3A_1550 = vector.broadcast %max3A_1549 : f32 to vector<16xf32>
      %max3A_1551 = arith.maximumf %add3A_1548, %max3A_1550 : vector<16xf32>
      %min3A_1552 = arith.constant 0.000000e+00 : f32
      %min3A_1553 = vector.broadcast %min3A_1552 : f32 to vector<16xf32>
      %min3A_1554 = arith.minimumf %add3A_1548, %min3A_1553 : vector<16xf32>
      %mul3A_1555 = arith.constant 2.000000e-01 : f32
      %mul3A_1556 = vector.broadcast %mul3A_1555 : f32 to vector<16xf32>
      %mul3A_1557 = arith.mulf %mul3A_1556, %min3A_1554 : vector<16xf32>
      %add3A_1558 = arith.addf %max3A_1551, %mul3A_1557 : vector<16xf32>
      %exp3A_1559 = math.exp %add3A_1558 : vector<16xf32>
      tpu.vector_store_idx %arg12[%shift_right_arithmetic3A_1539, %and3A_1542], %exp3A_1559 : memref<80x16xf32, #tpu.memory_space<vmem>>[vector<16xi32>, vector<16xi32>], vector<16xf32>,
      %add3A_1560 = arith.constant 160 : i32
      %add3A_1561 = vector.broadcast %add3A_1560 : i32 to vector<16xi32>
      %add3A_1562 = arith.addi %add3A_1561, %iota3A : vector<16xi32>
      %shift_right_arithmetic3A_1563 = arith.constant 2 : i32
      %shift_right_arithmetic3A_1564 = vector.broadcast %shift_right_arithmetic3A_1563 : i32 to vector<16xi32>
      %shift_right_arithmetic3A_1565 = arith.shrsi %add3A_1562, %shift_right_arithmetic3A_1564 : vector<16xi32>
      %and3A_1566 = arith.constant 3 : i32
      %and3A_1567 = vector.broadcast %and3A_1566 : i32 to vector<16xi32>
      %and3A_1568 = arith.andi %add3A_1562, %and3A_1567 : vector<16xi32>
      %add3A_1569 = arith.constant 128 : i32
      %add3A_1570 = vector.broadcast %add3A_1569 : i32 to vector<16xi32>
      %add3A_1571 = arith.addi %and3A_1568, %add3A_1570 : vector<16xi32>
      %gather3A_1572 = tpu.vector_load_idx %arg8[%shift_right_arithmetic3A_1565, %add3A_1571] : memref<80x144xf32, #tpu.memory_space<vmem>>[vector<16xi32>, vector<16xi32>], vector<16xf32>,
      %gather3A_1573 = tpu.vector_load_idx %arg10[%shift_right_arithmetic3A_1565, %and3A_1568] : memref<80x16xf32, #tpu.memory_space<vmem>>[vector<16xi32>, vector<16xi32>], vector<16xf32>,
      %add3A_1574 = arith.addf %gather3A_1572, %gather3A_1573 : vector<16xf32>
      %max3A_1575 = arith.constant 0.000000e+00 : f32
      %max3A_1576 = vector.broadcast %max3A_1575 : f32 to vector<16xf32>
      %max3A_1577 = arith.maximumf %add3A_1574, %max3A_1576 : vector<16xf32>
      %min3A_1578 = arith.constant 0.000000e+00 : f32
      %min3A_1579 = vector.broadcast %min3A_1578 : f32 to vector<16xf32>
      %min3A_1580 = arith.minimumf %add3A_1574, %min3A_1579 : vector<16xf32>
      %mul3A_1581 = arith.constant 2.000000e-01 : f32
      %mul3A_1582 = vector.broadcast %mul3A_1581 : f32 to vector<16xf32>
      %mul3A_1583 = arith.mulf %mul3A_1582, %min3A_1580 : vector<16xf32>
      %add3A_1584 = arith.addf %max3A_1577, %mul3A_1583 : vector<16xf32>
      %exp3A_1585 = math.exp %add3A_1584 : vector<16xf32>
      tpu.vector_store_idx %arg12[%shift_right_arithmetic3A_1565, %and3A_1568], %exp3A_1585 : memref<80x16xf32, #tpu.memory_space<vmem>>[vector<16xi32>, vector<16xi32>], vector<16xf32>,
      %add3A_1586 = arith.constant 176 : i32
      %add3A_1587 = vector.broadcast %add3A_1586 : i32 to vector<16xi32>
      %add3A_1588 = arith.addi %add3A_1587, %iota3A : vector<16xi32>
      %shift_right_arithmetic3A_1589 = arith.constant 2 : i32
      %shift_right_arithmetic3A_1590 = vector.broadcast %shift_right_arithmetic3A_1589 : i32 to vector<16xi32>
      %shift_right_arithmetic3A_1591 = arith.shrsi %add3A_1588, %shift_right_arithmetic3A_1590 : vector<16xi32>
      %and3A_1592 = arith.constant 3 : i32
      %and3A_1593 = vector.broadcast %and3A_1592 : i32 to vector<16xi32>
      %and3A_1594 = arith.andi %add3A_1588, %and3A_1593 : vector<16xi32>
      %add3A_1595 = arith.constant 128 : i32
      %add3A_1596 = vector.broadcast %add3A_1595 : i32 to vector<16xi32>
      %add3A_1597 = arith.addi %and3A_1594, %add3A_1596 : vector<16xi32>
      %gather3A_1598 = tpu.vector_load_idx %arg8[%shift_right_arithmetic3A_1591, %add3A_1597] : memref<80x144xf32, #tpu.memory_space<vmem>>[vector<16xi32>, vector<16xi32>], vector<16xf32>,
      %gather3A_1599 = tpu.vector_load_idx %arg10[%shift_right_arithmetic3A_1591, %and3A_1594] : memref<80x16xf32, #tpu.memory_space<vmem>>[vector<16xi32>, vector<16xi32>], vector<16xf32>,
      %add3A_1600 = arith.addf %gather3A_1598, %gather3A_1599 : vector<16xf32>
      %max3A_1601 = arith.constant 0.000000e+00 : f32
      %max3A_1602 = vector.broadcast %max3A_1601 : f32 to vector<16xf32>
      %max3A_1603 = arith.maximumf %add3A_1600, %max3A_1602 : vector<16xf32>
      %min3A_1604 = arith.constant 0.000000e+00 : f32
      %min3A_1605 = vector.broadcast %min3A_1604 : f32 to vector<16xf32>
      %min3A_1606 = arith.minimumf %add3A_1600, %min3A_1605 : vector<16xf32>
      %mul3A_1607 = arith.constant 2.000000e-01 : f32
      %mul3A_1608 = vector.broadcast %mul3A_1607 : f32 to vector<16xf32>
      %mul3A_1609 = arith.mulf %mul3A_1608, %min3A_1606 : vector<16xf32>
      %add3A_1610 = arith.addf %max3A_1603, %mul3A_1609 : vector<16xf32>
      %exp3A_1611 = math.exp %add3A_1610 : vector<16xf32>
      tpu.vector_store_idx %arg12[%shift_right_arithmetic3A_1591, %and3A_1594], %exp3A_1611 : memref<80x16xf32, #tpu.memory_space<vmem>>[vector<16xi32>, vector<16xi32>], vector<16xf32>,
      %add3A_1612 = arith.constant 192 : i32
      %add3A_1613 = vector.broadcast %add3A_1612 : i32 to vector<16xi32>
      %add3A_1614 = arith.addi %add3A_1613, %iota3A : vector<16xi32>
      %shift_right_arithmetic3A_1615 = arith.constant 2 : i32
      %shift_right_arithmetic3A_1616 = vector.broadcast %shift_right_arithmetic3A_1615 : i32 to vector<16xi32>
      %shift_right_arithmetic3A_1617 = arith.shrsi %add3A_1614, %shift_right_arithmetic3A_1616 : vector<16xi32>
      %and3A_1618 = arith.constant 3 : i32
      %and3A_1619 = vector.broadcast %and3A_1618 : i32 to vector<16xi32>
      %and3A_1620 = arith.andi %add3A_1614, %and3A_1619 : vector<16xi32>
      %add3A_1621 = arith.constant 128 : i32
      %add3A_1622 = vector.broadcast %add3A_1621 : i32 to vector<16xi32>
      %add3A_1623 = arith.addi %and3A_1620, %add3A_1622 : vector<16xi32>
      %gather3A_1624 = tpu.vector_load_idx %arg8[%shift_right_arithmetic3A_1617, %add3A_1623] : memref<80x144xf32, #tpu.memory_space<vmem>>[vector<16xi32>, vector<16xi32>], vector<16xf32>,
      %gather3A_1625 = tpu.vector_load_idx %arg10[%shift_right_arithmetic3A_1617, %and3A_1620] : memref<80x16xf32, #tpu.memory_space<vmem>>[vector<16xi32>, vector<16xi32>], vector<16xf32>,
      %add3A_1626 = arith.addf %gather3A_1624, %gather3A_1625 : vector<16xf32>
      %max3A_1627 = arith.constant 0.000000e+00 : f32
      %max3A_1628 = vector.broadcast %max3A_1627 : f32 to vector<16xf32>
      %max3A_1629 = arith.maximumf %add3A_1626, %max3A_1628 : vector<16xf32>
      %min3A_1630 = arith.constant 0.000000e+00 : f32
      %min3A_1631 = vector.broadcast %min3A_1630 : f32 to vector<16xf32>
      %min3A_1632 = arith.minimumf %add3A_1626, %min3A_1631 : vector<16xf32>
      %mul3A_1633 = arith.constant 2.000000e-01 : f32
      %mul3A_1634 = vector.broadcast %mul3A_1633 : f32 to vector<16xf32>
      %mul3A_1635 = arith.mulf %mul3A_1634, %min3A_1632 : vector<16xf32>
      %add3A_1636 = arith.addf %max3A_1629, %mul3A_1635 : vector<16xf32>
      %exp3A_1637 = math.exp %add3A_1636 : vector<16xf32>
      tpu.vector_store_idx %arg12[%shift_right_arithmetic3A_1617, %and3A_1620], %exp3A_1637 : memref<80x16xf32, #tpu.memory_space<vmem>>[vector<16xi32>, vector<16xi32>], vector<16xf32>,
      %add3A_1638 = arith.constant 208 : i32
      %add3A_1639 = vector.broadcast %add3A_1638 : i32 to vector<16xi32>
      %add3A_1640 = arith.addi %add3A_1639, %iota3A : vector<16xi32>
      %shift_right_arithmetic3A_1641 = arith.constant 2 : i32
      %shift_right_arithmetic3A_1642 = vector.broadcast %shift_right_arithmetic3A_1641 : i32 to vector<16xi32>
      %shift_right_arithmetic3A_1643 = arith.shrsi %add3A_1640, %shift_right_arithmetic3A_1642 : vector<16xi32>
      %and3A_1644 = arith.constant 3 : i32
      %and3A_1645 = vector.broadcast %and3A_1644 : i32 to vector<16xi32>
      %and3A_1646 = arith.andi %add3A_1640, %and3A_1645 : vector<16xi32>
      %add3A_1647 = arith.constant 128 : i32
      %add3A_1648 = vector.broadcast %add3A_1647 : i32 to vector<16xi32>
      %add3A_1649 = arith.addi %and3A_1646, %add3A_1648 : vector<16xi32>
      %gather3A_1650 = tpu.vector_load_idx %arg8[%shift_right_arithmetic3A_1643, %add3A_1649] : memref<80x144xf32, #tpu.memory_space<vmem>>[vector<16xi32>, vector<16xi32>], vector<16xf32>,
      %gather3A_1651 = tpu.vector_load_idx %arg10[%shift_right_arithmetic3A_1643, %and3A_1646] : memref<80x16xf32, #tpu.memory_space<vmem>>[vector<16xi32>, vector<16xi32>], vector<16xf32>,
      %add3A_1652 = arith.addf %gather3A_1650, %gather3A_1651 : vector<16xf32>
      %max3A_1653 = arith.constant 0.000000e+00 : f32
      %max3A_1654 = vector.broadcast %max3A_1653 : f32 to vector<16xf32>
      %max3A_1655 = arith.maximumf %add3A_1652, %max3A_1654 : vector<16xf32>
      %min3A_1656 = arith.constant 0.000000e+00 : f32
      %min3A_1657 = vector.broadcast %min3A_1656 : f32 to vector<16xf32>
      %min3A_1658 = arith.minimumf %add3A_1652, %min3A_1657 : vector<16xf32>
      %mul3A_1659 = arith.constant 2.000000e-01 : f32
      %mul3A_1660 = vector.broadcast %mul3A_1659 : f32 to vector<16xf32>
      %mul3A_1661 = arith.mulf %mul3A_1660, %min3A_1658 : vector<16xf32>
      %add3A_1662 = arith.addf %max3A_1655, %mul3A_1661 : vector<16xf32>
      %exp3A_1663 = math.exp %add3A_1662 : vector<16xf32>
      tpu.vector_store_idx %arg12[%shift_right_arithmetic3A_1643, %and3A_1646], %exp3A_1663 : memref<80x16xf32, #tpu.memory_space<vmem>>[vector<16xi32>, vector<16xi32>], vector<16xf32>,
      %add3A_1664 = arith.constant 224 : i32
      %add3A_1665 = vector.broadcast %add3A_1664 : i32 to vector<16xi32>
      %add3A_1666 = arith.addi %add3A_1665, %iota3A : vector<16xi32>
      %shift_right_arithmetic3A_1667 = arith.constant 2 : i32
      %shift_right_arithmetic3A_1668 = vector.broadcast %shift_right_arithmetic3A_1667 : i32 to vector<16xi32>
      %shift_right_arithmetic3A_1669 = arith.shrsi %add3A_1666, %shift_right_arithmetic3A_1668 : vector<16xi32>
      %and3A_1670 = arith.constant 3 : i32
      %and3A_1671 = vector.broadcast %and3A_1670 : i32 to vector<16xi32>
      %and3A_1672 = arith.andi %add3A_1666, %and3A_1671 : vector<16xi32>
      %add3A_1673 = arith.constant 128 : i32
      %add3A_1674 = vector.broadcast %add3A_1673 : i32 to vector<16xi32>
      %add3A_1675 = arith.addi %and3A_1672, %add3A_1674 : vector<16xi32>
      %gather3A_1676 = tpu.vector_load_idx %arg8[%shift_right_arithmetic3A_1669, %add3A_1675] : memref<80x144xf32, #tpu.memory_space<vmem>>[vector<16xi32>, vector<16xi32>], vector<16xf32>,
      %gather3A_1677 = tpu.vector_load_idx %arg10[%shift_right_arithmetic3A_1669, %and3A_1672] : memref<80x16xf32, #tpu.memory_space<vmem>>[vector<16xi32>, vector<16xi32>], vector<16xf32>,
      %add3A_1678 = arith.addf %gather3A_1676, %gather3A_1677 : vector<16xf32>
      %max3A_1679 = arith.constant 0.000000e+00 : f32
      %max3A_1680 = vector.broadcast %max3A_1679 : f32 to vector<16xf32>
      %max3A_1681 = arith.maximumf %add3A_1678, %max3A_1680 : vector<16xf32>
      %min3A_1682 = arith.constant 0.000000e+00 : f32
      %min3A_1683 = vector.broadcast %min3A_1682 : f32 to vector<16xf32>
      %min3A_1684 = arith.minimumf %add3A_1678, %min3A_1683 : vector<16xf32>
      %mul3A_1685 = arith.constant 2.000000e-01 : f32
      %mul3A_1686 = vector.broadcast %mul3A_1685 : f32 to vector<16xf32>
      %mul3A_1687 = arith.mulf %mul3A_1686, %min3A_1684 : vector<16xf32>
      %add3A_1688 = arith.addf %max3A_1681, %mul3A_1687 : vector<16xf32>
      %exp3A_1689 = math.exp %add3A_1688 : vector<16xf32>
      tpu.vector_store_idx %arg12[%shift_right_arithmetic3A_1669, %and3A_1672], %exp3A_1689 : memref<80x16xf32, #tpu.memory_space<vmem>>[vector<16xi32>, vector<16xi32>], vector<16xf32>,
      %add3A_1690 = arith.constant 240 : i32
      %add3A_1691 = vector.broadcast %add3A_1690 : i32 to vector<16xi32>
      %add3A_1692 = arith.addi %add3A_1691, %iota3A : vector<16xi32>
      %shift_right_arithmetic3A_1693 = arith.constant 2 : i32
      %shift_right_arithmetic3A_1694 = vector.broadcast %shift_right_arithmetic3A_1693 : i32 to vector<16xi32>
      %shift_right_arithmetic3A_1695 = arith.shrsi %add3A_1692, %shift_right_arithmetic3A_1694 : vector<16xi32>
      %and3A_1696 = arith.constant 3 : i32
      %and3A_1697 = vector.broadcast %and3A_1696 : i32 to vector<16xi32>
      %and3A_1698 = arith.andi %add3A_1692, %and3A_1697 : vector<16xi32>
      %add3A_1699 = arith.constant 128 : i32
      %add3A_1700 = vector.broadcast %add3A_1699 : i32 to vector<16xi32>
      %add3A_1701 = arith.addi %and3A_1698, %add3A_1700 : vector<16xi32>
      %gather3A_1702 = tpu.vector_load_idx %arg8[%shift_right_arithmetic3A_1695, %add3A_1701] : memref<80x144xf32, #tpu.memory_space<vmem>>[vector<16xi32>, vector<16xi32>], vector<16xf32>,
      %gather3A_1703 = tpu.vector_load_idx %arg10[%shift_right_arithmetic3A_1695, %and3A_1698] : memref<80x16xf32, #tpu.memory_space<vmem>>[vector<16xi32>, vector<16xi32>], vector<16xf32>,
      %add3A_1704 = arith.addf %gather3A_1702, %gather3A_1703 : vector<16xf32>
      %max3A_1705 = arith.constant 0.000000e+00 : f32
      %max3A_1706 = vector.broadcast %max3A_1705 : f32 to vector<16xf32>
      %max3A_1707 = arith.maximumf %add3A_1704, %max3A_1706 : vector<16xf32>
      %min3A_1708 = arith.constant 0.000000e+00 : f32
      %min3A_1709 = vector.broadcast %min3A_1708 : f32 to vector<16xf32>
      %min3A_1710 = arith.minimumf %add3A_1704, %min3A_1709 : vector<16xf32>
      %mul3A_1711 = arith.constant 2.000000e-01 : f32
      %mul3A_1712 = vector.broadcast %mul3A_1711 : f32 to vector<16xf32>
      %mul3A_1713 = arith.mulf %mul3A_1712, %min3A_1710 : vector<16xf32>
      %add3A_1714 = arith.addf %max3A_1707, %mul3A_1713 : vector<16xf32>
      %exp3A_1715 = math.exp %add3A_1714 : vector<16xf32>
      tpu.vector_store_idx %arg12[%shift_right_arithmetic3A_1695, %and3A_1698], %exp3A_1715 : memref<80x16xf32, #tpu.memory_space<vmem>>[vector<16xi32>, vector<16xi32>], vector<16xf32>,
      %add3A_1716 = arith.constant 256 : i32
      %add3A_1717 = vector.broadcast %add3A_1716 : i32 to vector<16xi32>
      %add3A_1718 = arith.addi %add3A_1717, %iota3A : vector<16xi32>
      %shift_right_arithmetic3A_1719 = arith.constant 2 : i32
      %shift_right_arithmetic3A_1720 = vector.broadcast %shift_right_arithmetic3A_1719 : i32 to vector<16xi32>
      %shift_right_arithmetic3A_1721 = arith.shrsi %add3A_1718, %shift_right_arithmetic3A_1720 : vector<16xi32>
      %and3A_1722 = arith.constant 3 : i32
      %and3A_1723 = vector.broadcast %and3A_1722 : i32 to vector<16xi32>
      %and3A_1724 = arith.andi %add3A_1718, %and3A_1723 : vector<16xi32>
      %add3A_1725 = arith.constant 128 : i32
      %add3A_1726 = vector.broadcast %add3A_1725 : i32 to vector<16xi32>
      %add3A_1727 = arith.addi %and3A_1724, %add3A_1726 : vector<16xi32>
      %gather3A_1728 = tpu.vector_load_idx %arg8[%shift_right_arithmetic3A_1721, %add3A_1727] : memref<80x144xf32, #tpu.memory_space<vmem>>[vector<16xi32>, vector<16xi32>], vector<16xf32>,
      %gather3A_1729 = tpu.vector_load_idx %arg10[%shift_right_arithmetic3A_1721, %and3A_1724] : memref<80x16xf32, #tpu.memory_space<vmem>>[vector<16xi32>, vector<16xi32>], vector<16xf32>,
      %add3A_1730 = arith.addf %gather3A_1728, %gather3A_1729 : vector<16xf32>
      %max3A_1731 = arith.constant 0.000000e+00 : f32
      %max3A_1732 = vector.broadcast %max3A_1731 : f32 to vector<16xf32>
      %max3A_1733 = arith.maximumf %add3A_1730, %max3A_1732 : vector<16xf32>
      %min3A_1734 = arith.constant 0.000000e+00 : f32
      %min3A_1735 = vector.broadcast %min3A_1734 : f32 to vector<16xf32>
      %min3A_1736 = arith.minimumf %add3A_1730, %min3A_1735 : vector<16xf32>
      %mul3A_1737 = arith.constant 2.000000e-01 : f32
      %mul3A_1738 = vector.broadcast %mul3A_1737 : f32 to vector<16xf32>
      %mul3A_1739 = arith.mulf %mul3A_1738, %min3A_1736 : vector<16xf32>
      %add3A_1740 = arith.addf %max3A_1733, %mul3A_1739 : vector<16xf32>
      %exp3A_1741 = math.exp %add3A_1740 : vector<16xf32>
      tpu.vector_store_idx %arg12[%shift_right_arithmetic3A_1721, %and3A_1724], %exp3A_1741 : memref<80x16xf32, #tpu.memory_space<vmem>>[vector<16xi32>, vector<16xi32>], vector<16xf32>,
      %add3A_1742 = arith.constant 272 : i32
      %add3A_1743 = vector.broadcast %add3A_1742 : i32 to vector<16xi32>
      %add3A_1744 = arith.addi %add3A_1743, %iota3A : vector<16xi32>
      %shift_right_arithmetic3A_1745 = arith.constant 2 : i32
      %shift_right_arithmetic3A_1746 = vector.broadcast %shift_right_arithmetic3A_1745 : i32 to vector<16xi32>
      %shift_right_arithmetic3A_1747 = arith.shrsi %add3A_1744, %shift_right_arithmetic3A_1746 : vector<16xi32>
      %and3A_1748 = arith.constant 3 : i32
      %and3A_1749 = vector.broadcast %and3A_1748 : i32 to vector<16xi32>
      %and3A_1750 = arith.andi %add3A_1744, %and3A_1749 : vector<16xi32>
      %add3A_1751 = arith.constant 128 : i32
      %add3A_1752 = vector.broadcast %add3A_1751 : i32 to vector<16xi32>
      %add3A_1753 = arith.addi %and3A_1750, %add3A_1752 : vector<16xi32>
      %gather3A_1754 = tpu.vector_load_idx %arg8[%shift_right_arithmetic3A_1747, %add3A_1753] : memref<80x144xf32, #tpu.memory_space<vmem>>[vector<16xi32>, vector<16xi32>], vector<16xf32>,
      %gather3A_1755 = tpu.vector_load_idx %arg10[%shift_right_arithmetic3A_1747, %and3A_1750] : memref<80x16xf32, #tpu.memory_space<vmem>>[vector<16xi32>, vector<16xi32>], vector<16xf32>,
      %add3A_1756 = arith.addf %gather3A_1754, %gather3A_1755 : vector<16xf32>
      %max3A_1757 = arith.constant 0.000000e+00 : f32
      %max3A_1758 = vector.broadcast %max3A_1757 : f32 to vector<16xf32>
      %max3A_1759 = arith.maximumf %add3A_1756, %max3A_1758 : vector<16xf32>
      %min3A_1760 = arith.constant 0.000000e+00 : f32
      %min3A_1761 = vector.broadcast %min3A_1760 : f32 to vector<16xf32>
      %min3A_1762 = arith.minimumf %add3A_1756, %min3A_1761 : vector<16xf32>
      %mul3A_1763 = arith.constant 2.000000e-01 : f32
      %mul3A_1764 = vector.broadcast %mul3A_1763 : f32 to vector<16xf32>
      %mul3A_1765 = arith.mulf %mul3A_1764, %min3A_1762 : vector<16xf32>
      %add3A_1766 = arith.addf %max3A_1759, %mul3A_1765 : vector<16xf32>
      %exp3A_1767 = math.exp %add3A_1766 : vector<16xf32>
      tpu.vector_store_idx %arg12[%shift_right_arithmetic3A_1747, %and3A_1750], %exp3A_1767 : memref<80x16xf32, #tpu.memory_space<vmem>>[vector<16xi32>, vector<16xi32>], vector<16xf32>,
      %add3A_1768 = arith.constant 288 : i32
      %add3A_1769 = vector.broadcast %add3A_1768 : i32 to vector<16xi32>
      %add3A_1770 = arith.addi %add3A_1769, %iota3A : vector<16xi32>
      %shift_right_arithmetic3A_1771 = arith.constant 2 : i32
      %shift_right_arithmetic3A_1772 = vector.broadcast %shift_right_arithmetic3A_1771 : i32 to vector<16xi32>
      %shift_right_arithmetic3A_1773 = arith.shrsi %add3A_1770, %shift_right_arithmetic3A_1772 : vector<16xi32>
      %and3A_1774 = arith.constant 3 : i32
      %and3A_1775 = vector.broadcast %and3A_1774 : i32 to vector<16xi32>
      %and3A_1776 = arith.andi %add3A_1770, %and3A_1775 : vector<16xi32>
      %add3A_1777 = arith.constant 128 : i32
      %add3A_1778 = vector.broadcast %add3A_1777 : i32 to vector<16xi32>
      %add3A_1779 = arith.addi %and3A_1776, %add3A_1778 : vector<16xi32>
      %gather3A_1780 = tpu.vector_load_idx %arg8[%shift_right_arithmetic3A_1773, %add3A_1779] : memref<80x144xf32, #tpu.memory_space<vmem>>[vector<16xi32>, vector<16xi32>], vector<16xf32>,
      %gather3A_1781 = tpu.vector_load_idx %arg10[%shift_right_arithmetic3A_1773, %and3A_1776] : memref<80x16xf32, #tpu.memory_space<vmem>>[vector<16xi32>, vector<16xi32>], vector<16xf32>,
      %add3A_1782 = arith.addf %gather3A_1780, %gather3A_1781 : vector<16xf32>
      %max3A_1783 = arith.constant 0.000000e+00 : f32
      %max3A_1784 = vector.broadcast %max3A_1783 : f32 to vector<16xf32>
      %max3A_1785 = arith.maximumf %add3A_1782, %max3A_1784 : vector<16xf32>
      %min3A_1786 = arith.constant 0.000000e+00 : f32
      %min3A_1787 = vector.broadcast %min3A_1786 : f32 to vector<16xf32>
      %min3A_1788 = arith.minimumf %add3A_1782, %min3A_1787 : vector<16xf32>
      %mul3A_1789 = arith.constant 2.000000e-01 : f32
      %mul3A_1790 = vector.broadcast %mul3A_1789 : f32 to vector<16xf32>
      %mul3A_1791 = arith.mulf %mul3A_1790, %min3A_1788 : vector<16xf32>
      %add3A_1792 = arith.addf %max3A_1785, %mul3A_1791 : vector<16xf32>
      %exp3A_1793 = math.exp %add3A_1792 : vector<16xf32>
      tpu.vector_store_idx %arg12[%shift_right_arithmetic3A_1773, %and3A_1776], %exp3A_1793 : memref<80x16xf32, #tpu.memory_space<vmem>>[vector<16xi32>, vector<16xi32>], vector<16xf32>,
      %add3A_1794 = arith.constant 304 : i32
      %add3A_1795 = vector.broadcast %add3A_1794 : i32 to vector<16xi32>
      %add3A_1796 = arith.addi %add3A_1795, %iota3A : vector<16xi32>
      %shift_right_arithmetic3A_1797 = arith.constant 2 : i32
      %shift_right_arithmetic3A_1798 = vector.broadcast %shift_right_arithmetic3A_1797 : i32 to vector<16xi32>
      %shift_right_arithmetic3A_1799 = arith.shrsi %add3A_1796, %shift_right_arithmetic3A_1798 : vector<16xi32>
      %and3A_1800 = arith.constant 3 : i32
      %and3A_1801 = vector.broadcast %and3A_1800 : i32 to vector<16xi32>
      %and3A_1802 = arith.andi %add3A_1796, %and3A_1801 : vector<16xi32>
      %add3A_1803 = arith.constant 128 : i32
      %add3A_1804 = vector.broadcast %add3A_1803 : i32 to vector<16xi32>
      %add3A_1805 = arith.addi %and3A_1802, %add3A_1804 : vector<16xi32>
      %gather3A_1806 = tpu.vector_load_idx %arg8[%shift_right_arithmetic3A_1799, %add3A_1805] : memref<80x144xf32, #tpu.memory_space<vmem>>[vector<16xi32>, vector<16xi32>], vector<16xf32>,
      %gather3A_1807 = tpu.vector_load_idx %arg10[%shift_right_arithmetic3A_1799, %and3A_1802] : memref<80x16xf32, #tpu.memory_space<vmem>>[vector<16xi32>, vector<16xi32>], vector<16xf32>,
      %add3A_1808 = arith.addf %gather3A_1806, %gather3A_1807 : vector<16xf32>
      %max3A_1809 = arith.constant 0.000000e+00 : f32
      %max3A_1810 = vector.broadcast %max3A_1809 : f32 to vector<16xf32>
      %max3A_1811 = arith.maximumf %add3A_1808, %max3A_1810 : vector<16xf32>
      %min3A_1812 = arith.constant 0.000000e+00 : f32
      %min3A_1813 = vector.broadcast %min3A_1812 : f32 to vector<16xf32>
      %min3A_1814 = arith.minimumf %add3A_1808, %min3A_1813 : vector<16xf32>
      %mul3A_1815 = arith.constant 2.000000e-01 : f32
      %mul3A_1816 = vector.broadcast %mul3A_1815 : f32 to vector<16xf32>
      %mul3A_1817 = arith.mulf %mul3A_1816, %min3A_1814 : vector<16xf32>
      %add3A_1818 = arith.addf %max3A_1811, %mul3A_1817 : vector<16xf32>
      %exp3A_1819 = math.exp %add3A_1818 : vector<16xf32>
      tpu.vector_store_idx %arg12[%shift_right_arithmetic3A_1799, %and3A_1802], %exp3A_1819 : memref<80x16xf32, #tpu.memory_space<vmem>>[vector<16xi32>, vector<16xi32>], vector<16xf32>,
      %scan3A_1820 = arith.constant 0 : i32
      %scan3A_1821 = arith.constant 20 : i32
      %scan3A_1822 = arith.addi %scan3A_1820, %scan3A_1821 : i32
      %scan3A_1823 = arith.constant 1 : i32
      scf.for %scan3A_1861 = %scan3A_1820 to %scan3A_1822 step %scan3A_1823  : i32 {
        %mul3A_1862 = arith.constant 4 : i32
        %mul3A_1863 = arith.muli %mul3A_1862, %scan3A_1861 : i32
        %add3A_1864 = arith.constant 0 : i32
        %add3A_1865 = arith.addi %mul3A_1863, %add3A_1864 : i32
        %get3A = arith.index_cast %add3A_1865 : i32 to index
        %get3A_1866 = arith.constant 0 : index
        %get3A_1867 = tpu.vector_load %arg12[%get3A, %get3A_1866] {strides = array<i32>} : memref<80x16xf32, #tpu.memory_space<vmem>>, vector<16xf32>,
        %slice3A = vector.extract_strided_slice %get3A_1867 {offsets = [0], sizes = [1], strides = [1]} : vector<16xf32> to vector<1xf32>
        %squeeze3A = vector.extract %slice3A[0] : f32 from vector<1xf32>
        %get3A_1868 = arith.index_cast %add3A_1865 : i32 to index
        %get3A_1869 = arith.constant 0 : index
        %get3A_1870 = tpu.vector_load %arg8[%get3A_1868, %get3A_1869] {strides = array<i32>} : memref<80x144xf32, #tpu.memory_space<vmem>>, vector<16xf32>,
        %mul3A_1871 = vector.broadcast %squeeze3A : f32 to vector<16xf32>
        %mul3A_1872 = arith.mulf %get3A_1870, %mul3A_1871 : vector<16xf32>
        %swap3A = arith.index_cast %add3A_1865 : i32 to index
        %swap3A_1873 = arith.constant 0 : index
        %swap3A_1874 = tpu.vector_load %arg8[%swap3A, %swap3A_1873] {strides = array<i32>} : memref<80x144xf32, #tpu.memory_space<vmem>>, vector<16xf32>,
        tpu.vector_store %arg8[%swap3A, %swap3A_1873], %mul3A_1872 {strides = array<i32>} : memref<80x144xf32, #tpu.memory_space<vmem>>, vector<16xf32>,
        %get3A_1875 = arith.index_cast %add3A_1865 : i32 to index
        %get3A_1876 = arith.constant 16 : index
        %get3A_1877 = tpu.vector_load %arg8[%get3A_1875, %get3A_1876] {strides = array<i32>} : memref<80x144xf32, #tpu.memory_space<vmem>>, vector<16xf32>,
        %mul3A_1878 = vector.broadcast %squeeze3A : f32 to vector<16xf32>
        %mul3A_1879 = arith.mulf %get3A_1877, %mul3A_1878 : vector<16xf32>
        %swap3A_1880 = arith.index_cast %add3A_1865 : i32 to index
        %swap3A_1881 = arith.constant 16 : index
        %swap3A_1882 = tpu.vector_load %arg8[%swap3A_1880, %swap3A_1881] {strides = array<i32>} : memref<80x144xf32, #tpu.memory_space<vmem>>, vector<16xf32>,
        tpu.vector_store %arg8[%swap3A_1880, %swap3A_1881], %mul3A_1879 {strides = array<i32>} : memref<80x144xf32, #tpu.memory_space<vmem>>, vector<16xf32>,
        %slice3A_1883 = vector.extract_strided_slice %get3A_1867 {offsets = [1], sizes = [1], strides = [1]} : vector<16xf32> to vector<1xf32>
        %squeeze3A_1884 = vector.extract %slice3A_1883[0] : f32 from vector<1xf32>
        %get3A_1885 = arith.index_cast %add3A_1865 : i32 to index
        %get3A_1886 = arith.constant 32 : index
        %get3A_1887 = tpu.vector_load %arg8[%get3A_1885, %get3A_1886] {strides = array<i32>} : memref<80x144xf32, #tpu.memory_space<vmem>>, vector<16xf32>,
        %mul3A_1888 = vector.broadcast %squeeze3A_1884 : f32 to vector<16xf32>
        %mul3A_1889 = arith.mulf %get3A_1887, %mul3A_1888 : vector<16xf32>
        %swap3A_1890 = arith.index_cast %add3A_1865 : i32 to index
        %swap3A_1891 = arith.constant 32 : index
        %swap3A_1892 = tpu.vector_load %arg8[%swap3A_1890, %swap3A_1891] {strides = array<i32>} : memref<80x144xf32, #tpu.memory_space<vmem>>, vector<16xf32>,
        tpu.vector_store %arg8[%swap3A_1890, %swap3A_1891], %mul3A_1889 {strides = array<i32>} : memref<80x144xf32, #tpu.memory_space<vmem>>, vector<16xf32>,
        %get3A_1893 = arith.index_cast %add3A_1865 : i32 to index
        %get3A_1894 = arith.constant 48 : index
        %get3A_1895 = tpu.vector_load %arg8[%get3A_1893, %get3A_1894] {strides = array<i32>} : memref<80x144xf32, #tpu.memory_space<vmem>>, vector<16xf32>,
        %mul3A_1896 = vector.broadcast %squeeze3A_1884 : f32 to vector<16xf32>
        %mul3A_1897 = arith.mulf %get3A_1895, %mul3A_1896 : vector<16xf32>
        %swap3A_1898 = arith.index_cast %add3A_1865 : i32 to index
        %swap3A_1899 = arith.constant 48 : index
        %swap3A_1900 = tpu.vector_load %arg8[%swap3A_1898, %swap3A_1899] {strides = array<i32>} : memref<80x144xf32, #tpu.memory_space<vmem>>, vector<16xf32>,
        tpu.vector_store %arg8[%swap3A_1898, %swap3A_1899], %mul3A_1897 {strides = array<i32>} : memref<80x144xf32, #tpu.memory_space<vmem>>, vector<16xf32>,
        %slice3A_1901 = vector.extract_strided_slice %get3A_1867 {offsets = [2], sizes = [1], strides = [1]} : vector<16xf32> to vector<1xf32>
        %squeeze3A_1902 = vector.extract %slice3A_1901[0] : f32 from vector<1xf32>
        %get3A_1903 = arith.index_cast %add3A_1865 : i32 to index
        %get3A_1904 = arith.constant 64 : index
        %get3A_1905 = tpu.vector_load %arg8[%get3A_1903, %get3A_1904] {strides = array<i32>} : memref<80x144xf32, #tpu.memory_space<vmem>>, vector<16xf32>,
        %mul3A_1906 = vector.broadcast %squeeze3A_1902 : f32 to vector<16xf32>
        %mul3A_1907 = arith.mulf %get3A_1905, %mul3A_1906 : vector<16xf32>
        %swap3A_1908 = arith.index_cast %add3A_1865 : i32 to index
        %swap3A_1909 = arith.constant 64 : index
        %swap3A_1910 = tpu.vector_load %arg8[%swap3A_1908, %swap3A_1909] {strides = array<i32>} : memref<80x144xf32, #tpu.memory_space<vmem>>, vector<16xf32>,
        tpu.vector_store %arg8[%swap3A_1908, %swap3A_1909], %mul3A_1907 {strides = array<i32>} : memref<80x144xf32, #tpu.memory_space<vmem>>, vector<16xf32>,
        %get3A_1911 = arith.index_cast %add3A_1865 : i32 to index
        %get3A_1912 = arith.constant 80 : index
        %get3A_1913 = tpu.vector_load %arg8[%get3A_1911, %get3A_1912] {strides = array<i32>} : memref<80x144xf32, #tpu.memory_space<vmem>>, vector<16xf32>,
        %mul3A_1914 = vector.broadcast %squeeze3A_1902 : f32 to vector<16xf32>
        %mul3A_1915 = arith.mulf %get3A_1913, %mul3A_1914 : vector<16xf32>
        %swap3A_1916 = arith.index_cast %add3A_1865 : i32 to index
        %swap3A_1917 = arith.constant 80 : index
        %swap3A_1918 = tpu.vector_load %arg8[%swap3A_1916, %swap3A_1917] {strides = array<i32>} : memref<80x144xf32, #tpu.memory_space<vmem>>, vector<16xf32>,
        tpu.vector_store %arg8[%swap3A_1916, %swap3A_1917], %mul3A_1915 {strides = array<i32>} : memref<80x144xf32, #tpu.memory_space<vmem>>, vector<16xf32>,
        %slice3A_1919 = vector.extract_strided_slice %get3A_1867 {offsets = [3], sizes = [1], strides = [1]} : vector<16xf32> to vector<1xf32>
        %squeeze3A_1920 = vector.extract %slice3A_1919[0] : f32 from vector<1xf32>
        %get3A_1921 = arith.index_cast %add3A_1865 : i32 to index
        %get3A_1922 = arith.constant 96 : index
        %get3A_1923 = tpu.vector_load %arg8[%get3A_1921, %get3A_1922] {strides = array<i32>} : memref<80x144xf32, #tpu.memory_space<vmem>>, vector<16xf32>,
        %mul3A_1924 = vector.broadcast %squeeze3A_1920 : f32 to vector<16xf32>
        %mul3A_1925 = arith.mulf %get3A_1923, %mul3A_1924 : vector<16xf32>
        %swap3A_1926 = arith.index_cast %add3A_1865 : i32 to index
        %swap3A_1927 = arith.constant 96 : index
        %swap3A_1928 = tpu.vector_load %arg8[%swap3A_1926, %swap3A_1927] {strides = array<i32>} : memref<80x144xf32, #tpu.memory_space<vmem>>, vector<16xf32>,
        tpu.vector_store %arg8[%swap3A_1926, %swap3A_1927], %mul3A_1925 {strides = array<i32>} : memref<80x144xf32, #tpu.memory_space<vmem>>, vector<16xf32>,
        %get3A_1929 = arith.index_cast %add3A_1865 : i32 to index
        %get3A_1930 = arith.constant 112 : index
        %get3A_1931 = tpu.vector_load %arg8[%get3A_1929, %get3A_1930] {strides = array<i32>} : memref<80x144xf32, #tpu.memory_space<vmem>>, vector<16xf32>,
        %mul3A_1932 = vector.broadcast %squeeze3A_1920 : f32 to vector<16xf32>
        %mul3A_1933 = arith.mulf %get3A_1931, %mul3A_1932 : vector<16xf32>
        %swap3A_1934 = arith.index_cast %add3A_1865 : i32 to index
        %swap3A_1935 = arith.constant 112 : index
        %swap3A_1936 = tpu.vector_load %arg8[%swap3A_1934, %swap3A_1935] {strides = array<i32>} : memref<80x144xf32, #tpu.memory_space<vmem>>, vector<16xf32>,
        tpu.vector_store %arg8[%swap3A_1934, %swap3A_1935], %mul3A_1933 {strides = array<i32>} : memref<80x144xf32, #tpu.memory_space<vmem>>, vector<16xf32>,
        %mul3A_1937 = arith.constant 4 : i32
        %mul3A_1938 = arith.muli %mul3A_1937, %scan3A_1861 : i32
        %add3A_1939 = arith.constant 1 : i32
        %add3A_1940 = arith.addi %mul3A_1938, %add3A_1939 : i32
        %get3A_1941 = arith.index_cast %add3A_1940 : i32 to index
        %get3A_1942 = arith.constant 0 : index
        %get3A_1943 = tpu.vector_load %arg12[%get3A_1941, %get3A_1942] {strides = array<i32>} : memref<80x16xf32, #tpu.memory_space<vmem>>, vector<16xf32>,
        %slice3A_1944 = vector.extract_strided_slice %get3A_1943 {offsets = [0], sizes = [1], strides = [1]} : vector<16xf32> to vector<1xf32>
        %squeeze3A_1945 = vector.extract %slice3A_1944[0] : f32 from vector<1xf32>
        %get3A_1946 = arith.index_cast %add3A_1940 : i32 to index
        %get3A_1947 = arith.constant 0 : index
        %get3A_1948 = tpu.vector_load %arg8[%get3A_1946, %get3A_1947] {strides = array<i32>} : memref<80x144xf32, #tpu.memory_space<vmem>>, vector<16xf32>,
        %mul3A_1949 = vector.broadcast %squeeze3A_1945 : f32 to vector<16xf32>
        %mul3A_1950 = arith.mulf %get3A_1948, %mul3A_1949 : vector<16xf32>
        %swap3A_1951 = arith.index_cast %add3A_1940 : i32 to index
        %swap3A_1952 = arith.constant 0 : index
        %swap3A_1953 = tpu.vector_load %arg8[%swap3A_1951, %swap3A_1952] {strides = array<i32>} : memref<80x144xf32, #tpu.memory_space<vmem>>, vector<16xf32>,
        tpu.vector_store %arg8[%swap3A_1951, %swap3A_1952], %mul3A_1950 {strides = array<i32>} : memref<80x144xf32, #tpu.memory_space<vmem>>, vector<16xf32>,
        %get3A_1954 = arith.index_cast %add3A_1940 : i32 to index
        %get3A_1955 = arith.constant 16 : index
        %get3A_1956 = tpu.vector_load %arg8[%get3A_1954, %get3A_1955] {strides = array<i32>} : memref<80x144xf32, #tpu.memory_space<vmem>>, vector<16xf32>,
        %mul3A_1957 = vector.broadcast %squeeze3A_1945 : f32 to vector<16xf32>
        %mul3A_1958 = arith.mulf %get3A_1956, %mul3A_1957 : vector<16xf32>
        %swap3A_1959 = arith.index_cast %add3A_1940 : i32 to index
        %swap3A_1960 = arith.constant 16 : index
        %swap3A_1961 = tpu.vector_load %arg8[%swap3A_1959, %swap3A_1960] {strides = array<i32>} : memref<80x144xf32, #tpu.memory_space<vmem>>, vector<16xf32>,
        tpu.vector_store %arg8[%swap3A_1959, %swap3A_1960], %mul3A_1958 {strides = array<i32>} : memref<80x144xf32, #tpu.memory_space<vmem>>, vector<16xf32>,
        %slice3A_1962 = vector.extract_strided_slice %get3A_1943 {offsets = [1], sizes = [1], strides = [1]} : vector<16xf32> to vector<1xf32>
        %squeeze3A_1963 = vector.extract %slice3A_1962[0] : f32 from vector<1xf32>
        %get3A_1964 = arith.index_cast %add3A_1940 : i32 to index
        %get3A_1965 = arith.constant 32 : index
        %get3A_1966 = tpu.vector_load %arg8[%get3A_1964, %get3A_1965] {strides = array<i32>} : memref<80x144xf32, #tpu.memory_space<vmem>>, vector<16xf32>,
        %mul3A_1967 = vector.broadcast %squeeze3A_1963 : f32 to vector<16xf32>
        %mul3A_1968 = arith.mulf %get3A_1966, %mul3A_1967 : vector<16xf32>
        %swap3A_1969 = arith.index_cast %add3A_1940 : i32 to index
        %swap3A_1970 = arith.constant 32 : index
        %swap3A_1971 = tpu.vector_load %arg8[%swap3A_1969, %swap3A_1970] {strides = array<i32>} : memref<80x144xf32, #tpu.memory_space<vmem>>, vector<16xf32>,
        tpu.vector_store %arg8[%swap3A_1969, %swap3A_1970], %mul3A_1968 {strides = array<i32>} : memref<80x144xf32, #tpu.memory_space<vmem>>, vector<16xf32>,
        %get3A_1972 = arith.index_cast %add3A_1940 : i32 to index
        %get3A_1973 = arith.constant 48 : index
        %get3A_1974 = tpu.vector_load %arg8[%get3A_1972, %get3A_1973] {strides = array<i32>} : memref<80x144xf32, #tpu.memory_space<vmem>>, vector<16xf32>,
        %mul3A_1975 = vector.broadcast %squeeze3A_1963 : f32 to vector<16xf32>
        %mul3A_1976 = arith.mulf %get3A_1974, %mul3A_1975 : vector<16xf32>
        %swap3A_1977 = arith.index_cast %add3A_1940 : i32 to index
        %swap3A_1978 = arith.constant 48 : index
        %swap3A_1979 = tpu.vector_load %arg8[%swap3A_1977, %swap3A_1978] {strides = array<i32>} : memref<80x144xf32, #tpu.memory_space<vmem>>, vector<16xf32>,
        tpu.vector_store %arg8[%swap3A_1977, %swap3A_1978], %mul3A_1976 {strides = array<i32>} : memref<80x144xf32, #tpu.memory_space<vmem>>, vector<16xf32>,
        %slice3A_1980 = vector.extract_strided_slice %get3A_1943 {offsets = [2], sizes = [1], strides = [1]} : vector<16xf32> to vector<1xf32>
        %squeeze3A_1981 = vector.extract %slice3A_1980[0] : f32 from vector<1xf32>
        %get3A_1982 = arith.index_cast %add3A_1940 : i32 to index
        %get3A_1983 = arith.constant 64 : index
        %get3A_1984 = tpu.vector_load %arg8[%get3A_1982, %get3A_1983] {strides = array<i32>} : memref<80x144xf32, #tpu.memory_space<vmem>>, vector<16xf32>,
        %mul3A_1985 = vector.broadcast %squeeze3A_1981 : f32 to vector<16xf32>
        %mul3A_1986 = arith.mulf %get3A_1984, %mul3A_1985 : vector<16xf32>
        %swap3A_1987 = arith.index_cast %add3A_1940 : i32 to index
        %swap3A_1988 = arith.constant 64 : index
        %swap3A_1989 = tpu.vector_load %arg8[%swap3A_1987, %swap3A_1988] {strides = array<i32>} : memref<80x144xf32, #tpu.memory_space<vmem>>, vector<16xf32>,
        tpu.vector_store %arg8[%swap3A_1987, %swap3A_1988], %mul3A_1986 {strides = array<i32>} : memref<80x144xf32, #tpu.memory_space<vmem>>, vector<16xf32>,
        %get3A_1990 = arith.index_cast %add3A_1940 : i32 to index
        %get3A_1991 = arith.constant 80 : index
        %get3A_1992 = tpu.vector_load %arg8[%get3A_1990, %get3A_1991] {strides = array<i32>} : memref<80x144xf32, #tpu.memory_space<vmem>>, vector<16xf32>,
        %mul3A_1993 = vector.broadcast %squeeze3A_1981 : f32 to vector<16xf32>
        %mul3A_1994 = arith.mulf %get3A_1992, %mul3A_1993 : vector<16xf32>
        %swap3A_1995 = arith.index_cast %add3A_1940 : i32 to index
        %swap3A_1996 = arith.constant 80 : index
        %swap3A_1997 = tpu.vector_load %arg8[%swap3A_1995, %swap3A_1996] {strides = array<i32>} : memref<80x144xf32, #tpu.memory_space<vmem>>, vector<16xf32>,
        tpu.vector_store %arg8[%swap3A_1995, %swap3A_1996], %mul3A_1994 {strides = array<i32>} : memref<80x144xf32, #tpu.memory_space<vmem>>, vector<16xf32>,
        %slice3A_1998 = vector.extract_strided_slice %get3A_1943 {offsets = [3], sizes = [1], strides = [1]} : vector<16xf32> to vector<1xf32>
        %squeeze3A_1999 = vector.extract %slice3A_1998[0] : f32 from vector<1xf32>
        %get3A_2000 = arith.index_cast %add3A_1940 : i32 to index
        %get3A_2001 = arith.constant 96 : index
        %get3A_2002 = tpu.vector_load %arg8[%get3A_2000, %get3A_2001] {strides = array<i32>} : memref<80x144xf32, #tpu.memory_space<vmem>>, vector<16xf32>,
        %mul3A_2003 = vector.broadcast %squeeze3A_1999 : f32 to vector<16xf32>
        %mul3A_2004 = arith.mulf %get3A_2002, %mul3A_2003 : vector<16xf32>
        %swap3A_2005 = arith.index_cast %add3A_1940 : i32 to index
        %swap3A_2006 = arith.constant 96 : index
        %swap3A_2007 = tpu.vector_load %arg8[%swap3A_2005, %swap3A_2006] {strides = array<i32>} : memref<80x144xf32, #tpu.memory_space<vmem>>, vector<16xf32>,
        tpu.vector_store %arg8[%swap3A_2005, %swap3A_2006], %mul3A_2004 {strides = array<i32>} : memref<80x144xf32, #tpu.memory_space<vmem>>, vector<16xf32>,
        %get3A_2008 = arith.index_cast %add3A_1940 : i32 to index
        %get3A_2009 = arith.constant 112 : index
        %get3A_2010 = tpu.vector_load %arg8[%get3A_2008, %get3A_2009] {strides = array<i32>} : memref<80x144xf32, #tpu.memory_space<vmem>>, vector<16xf32>,
        %mul3A_2011 = vector.broadcast %squeeze3A_1999 : f32 to vector<16xf32>
        %mul3A_2012 = arith.mulf %get3A_2010, %mul3A_2011 : vector<16xf32>
        %swap3A_2013 = arith.index_cast %add3A_1940 : i32 to index
        %swap3A_2014 = arith.constant 112 : index
        %swap3A_2015 = tpu.vector_load %arg8[%swap3A_2013, %swap3A_2014] {strides = array<i32>} : memref<80x144xf32, #tpu.memory_space<vmem>>, vector<16xf32>,
        tpu.vector_store %arg8[%swap3A_2013, %swap3A_2014], %mul3A_2012 {strides = array<i32>} : memref<80x144xf32, #tpu.memory_space<vmem>>, vector<16xf32>,
        %mul3A_2016 = arith.constant 4 : i32
        %mul3A_2017 = arith.muli %mul3A_2016, %scan3A_1861 : i32
        %add3A_2018 = arith.constant 2 : i32
        %add3A_2019 = arith.addi %mul3A_2017, %add3A_2018 : i32
        %get3A_2020 = arith.index_cast %add3A_2019 : i32 to index
        %get3A_2021 = arith.constant 0 : index
        %get3A_2022 = tpu.vector_load %arg12[%get3A_2020, %get3A_2021] {strides = array<i32>} : memref<80x16xf32, #tpu.memory_space<vmem>>, vector<16xf32>,
        %slice3A_2023 = vector.extract_strided_slice %get3A_2022 {offsets = [0], sizes = [1], strides = [1]} : vector<16xf32> to vector<1xf32>
        %squeeze3A_2024 = vector.extract %slice3A_2023[0] : f32 from vector<1xf32>
        %get3A_2025 = arith.index_cast %add3A_2019 : i32 to index
        %get3A_2026 = arith.constant 0 : index
        %get3A_2027 = tpu.vector_load %arg8[%get3A_2025, %get3A_2026] {strides = array<i32>} : memref<80x144xf32, #tpu.memory_space<vmem>>, vector<16xf32>,
        %mul3A_2028 = vector.broadcast %squeeze3A_2024 : f32 to vector<16xf32>
        %mul3A_2029 = arith.mulf %get3A_2027, %mul3A_2028 : vector<16xf32>
        %swap3A_2030 = arith.index_cast %add3A_2019 : i32 to index
        %swap3A_2031 = arith.constant 0 : index
        %swap3A_2032 = tpu.vector_load %arg8[%swap3A_2030, %swap3A_2031] {strides = array<i32>} : memref<80x144xf32, #tpu.memory_space<vmem>>, vector<16xf32>,
        tpu.vector_store %arg8[%swap3A_2030, %swap3A_2031], %mul3A_2029 {strides = array<i32>} : memref<80x144xf32, #tpu.memory_space<vmem>>, vector<16xf32>,
        %get3A_2033 = arith.index_cast %add3A_2019 : i32 to index
        %get3A_2034 = arith.constant 16 : index
        %get3A_2035 = tpu.vector_load %arg8[%get3A_2033, %get3A_2034] {strides = array<i32>} : memref<80x144xf32, #tpu.memory_space<vmem>>, vector<16xf32>,
        %mul3A_2036 = vector.broadcast %squeeze3A_2024 : f32 to vector<16xf32>
        %mul3A_2037 = arith.mulf %get3A_2035, %mul3A_2036 : vector<16xf32>
        %swap3A_2038 = arith.index_cast %add3A_2019 : i32 to index
        %swap3A_2039 = arith.constant 16 : index
        %swap3A_2040 = tpu.vector_load %arg8[%swap3A_2038, %swap3A_2039] {strides = array<i32>} : memref<80x144xf32, #tpu.memory_space<vmem>>, vector<16xf32>,
        tpu.vector_store %arg8[%swap3A_2038, %swap3A_2039], %mul3A_2037 {strides = array<i32>} : memref<80x144xf32, #tpu.memory_space<vmem>>, vector<16xf32>,
        %slice3A_2041 = vector.extract_strided_slice %get3A_2022 {offsets = [1], sizes = [1], strides = [1]} : vector<16xf32> to vector<1xf32>
        %squeeze3A_2042 = vector.extract %slice3A_2041[0] : f32 from vector<1xf32>
        %get3A_2043 = arith.index_cast %add3A_2019 : i32 to index
        %get3A_2044 = arith.constant 32 : index
        %get3A_2045 = tpu.vector_load %arg8[%get3A_2043, %get3A_2044] {strides = array<i32>} : memref<80x144xf32, #tpu.memory_space<vmem>>, vector<16xf32>,
        %mul3A_2046 = vector.broadcast %squeeze3A_2042 : f32 to vector<16xf32>
        %mul3A_2047 = arith.mulf %get3A_2045, %mul3A_2046 : vector<16xf32>
        %swap3A_2048 = arith.index_cast %add3A_2019 : i32 to index
        %swap3A_2049 = arith.constant 32 : index
        %swap3A_2050 = tpu.vector_load %arg8[%swap3A_2048, %swap3A_2049] {strides = array<i32>} : memref<80x144xf32, #tpu.memory_space<vmem>>, vector<16xf32>,
        tpu.vector_store %arg8[%swap3A_2048, %swap3A_2049], %mul3A_2047 {strides = array<i32>} : memref<80x144xf32, #tpu.memory_space<vmem>>, vector<16xf32>,
        %get3A_2051 = arith.index_cast %add3A_2019 : i32 to index
        %get3A_2052 = arith.constant 48 : index
        %get3A_2053 = tpu.vector_load %arg8[%get3A_2051, %get3A_2052] {strides = array<i32>} : memref<80x144xf32, #tpu.memory_space<vmem>>, vector<16xf32>,
        %mul3A_2054 = vector.broadcast %squeeze3A_2042 : f32 to vector<16xf32>
        %mul3A_2055 = arith.mulf %get3A_2053, %mul3A_2054 : vector<16xf32>
        %swap3A_2056 = arith.index_cast %add3A_2019 : i32 to index
        %swap3A_2057 = arith.constant 48 : index
        %swap3A_2058 = tpu.vector_load %arg8[%swap3A_2056, %swap3A_2057] {strides = array<i32>} : memref<80x144xf32, #tpu.memory_space<vmem>>, vector<16xf32>,
        tpu.vector_store %arg8[%swap3A_2056, %swap3A_2057], %mul3A_2055 {strides = array<i32>} : memref<80x144xf32, #tpu.memory_space<vmem>>, vector<16xf32>,
        %slice3A_2059 = vector.extract_strided_slice %get3A_2022 {offsets = [2], sizes = [1], strides = [1]} : vector<16xf32> to vector<1xf32>
        %squeeze3A_2060 = vector.extract %slice3A_2059[0] : f32 from vector<1xf32>
        %get3A_2061 = arith.index_cast %add3A_2019 : i32 to index
        %get3A_2062 = arith.constant 64 : index
        %get3A_2063 = tpu.vector_load %arg8[%get3A_2061, %get3A_2062] {strides = array<i32>} : memref<80x144xf32, #tpu.memory_space<vmem>>, vector<16xf32>,
        %mul3A_2064 = vector.broadcast %squeeze3A_2060 : f32 to vector<16xf32>
        %mul3A_2065 = arith.mulf %get3A_2063, %mul3A_2064 : vector<16xf32>
        %swap3A_2066 = arith.index_cast %add3A_2019 : i32 to index
        %swap3A_2067 = arith.constant 64 : index
        %swap3A_2068 = tpu.vector_load %arg8[%swap3A_2066, %swap3A_2067] {strides = array<i32>} : memref<80x144xf32, #tpu.memory_space<vmem>>, vector<16xf32>,
        tpu.vector_store %arg8[%swap3A_2066, %swap3A_2067], %mul3A_2065 {strides = array<i32>} : memref<80x144xf32, #tpu.memory_space<vmem>>, vector<16xf32>,
        %get3A_2069 = arith.index_cast %add3A_2019 : i32 to index
        %get3A_2070 = arith.constant 80 : index
        %get3A_2071 = tpu.vector_load %arg8[%get3A_2069, %get3A_2070] {strides = array<i32>} : memref<80x144xf32, #tpu.memory_space<vmem>>, vector<16xf32>,
        %mul3A_2072 = vector.broadcast %squeeze3A_2060 : f32 to vector<16xf32>
        %mul3A_2073 = arith.mulf %get3A_2071, %mul3A_2072 : vector<16xf32>
        %swap3A_2074 = arith.index_cast %add3A_2019 : i32 to index
        %swap3A_2075 = arith.constant 80 : index
        %swap3A_2076 = tpu.vector_load %arg8[%swap3A_2074, %swap3A_2075] {strides = array<i32>} : memref<80x144xf32, #tpu.memory_space<vmem>>, vector<16xf32>,
        tpu.vector_store %arg8[%swap3A_2074, %swap3A_2075], %mul3A_2073 {strides = array<i32>} : memref<80x144xf32, #tpu.memory_space<vmem>>, vector<16xf32>,
        %slice3A_2077 = vector.extract_strided_slice %get3A_2022 {offsets = [3], sizes = [1], strides = [1]} : vector<16xf32> to vector<1xf32>
        %squeeze3A_2078 = vector.extract %slice3A_2077[0] : f32 from vector<1xf32>
        %get3A_2079 = arith.index_cast %add3A_2019 : i32 to index
        %get3A_2080 = arith.constant 96 : index
        %get3A_2081 = tpu.vector_load %arg8[%get3A_2079, %get3A_2080] {strides = array<i32>} : memref<80x144xf32, #tpu.memory_space<vmem>>, vector<16xf32>,
        %mul3A_2082 = vector.broadcast %squeeze3A_2078 : f32 to vector<16xf32>
        %mul3A_2083 = arith.mulf %get3A_2081, %mul3A_2082 : vector<16xf32>
        %swap3A_2084 = arith.index_cast %add3A_2019 : i32 to index
        %swap3A_2085 = arith.constant 96 : index
        %swap3A_2086 = tpu.vector_load %arg8[%swap3A_2084, %swap3A_2085] {strides = array<i32>} : memref<80x144xf32, #tpu.memory_space<vmem>>, vector<16xf32>,
        tpu.vector_store %arg8[%swap3A_2084, %swap3A_2085], %mul3A_2083 {strides = array<i32>} : memref<80x144xf32, #tpu.memory_space<vmem>>, vector<16xf32>,
        %get3A_2087 = arith.index_cast %add3A_2019 : i32 to index
        %get3A_2088 = arith.constant 112 : index
        %get3A_2089 = tpu.vector_load %arg8[%get3A_2087, %get3A_2088] {strides = array<i32>} : memref<80x144xf32, #tpu.memory_space<vmem>>, vector<16xf32>,
        %mul3A_2090 = vector.broadcast %squeeze3A_2078 : f32 to vector<16xf32>
        %mul3A_2091 = arith.mulf %get3A_2089, %mul3A_2090 : vector<16xf32>
        %swap3A_2092 = arith.index_cast %add3A_2019 : i32 to index
        %swap3A_2093 = arith.constant 112 : index
        %swap3A_2094 = tpu.vector_load %arg8[%swap3A_2092, %swap3A_2093] {strides = array<i32>} : memref<80x144xf32, #tpu.memory_space<vmem>>, vector<16xf32>,
        tpu.vector_store %arg8[%swap3A_2092, %swap3A_2093], %mul3A_2091 {strides = array<i32>} : memref<80x144xf32, #tpu.memory_space<vmem>>, vector<16xf32>,
        %mul3A_2095 = arith.constant 4 : i32
        %mul3A_2096 = arith.muli %mul3A_2095, %scan3A_1861 : i32
        %add3A_2097 = arith.constant 3 : i32
        %add3A_2098 = arith.addi %mul3A_2096, %add3A_2097 : i32
        %get3A_2099 = arith.index_cast %add3A_2098 : i32 to index
        %get3A_2100 = arith.constant 0 : index
        %get3A_2101 = tpu.vector_load %arg12[%get3A_2099, %get3A_2100] {strides = array<i32>} : memref<80x16xf32, #tpu.memory_space<vmem>>, vector<16xf32>,
        %slice3A_2102 = vector.extract_strided_slice %get3A_2101 {offsets = [0], sizes = [1], strides = [1]} : vector<16xf32> to vector<1xf32>
        %squeeze3A_2103 = vector.extract %slice3A_2102[0] : f32 from vector<1xf32>
        %get3A_2104 = arith.index_cast %add3A_2098 : i32 to index
        %get3A_2105 = arith.constant 0 : index
        %get3A_2106 = tpu.vector_load %arg8[%get3A_2104, %get3A_2105] {strides = array<i32>} : memref<80x144xf32, #tpu.memory_space<vmem>>, vector<16xf32>,
        %mul3A_2107 = vector.broadcast %squeeze3A_2103 : f32 to vector<16xf32>
        %mul3A_2108 = arith.mulf %get3A_2106, %mul3A_2107 : vector<16xf32>
        %swap3A_2109 = arith.index_cast %add3A_2098 : i32 to index
        %swap3A_2110 = arith.constant 0 : index
        %swap3A_2111 = tpu.vector_load %arg8[%swap3A_2109, %swap3A_2110] {strides = array<i32>} : memref<80x144xf32, #tpu.memory_space<vmem>>, vector<16xf32>,
        tpu.vector_store %arg8[%swap3A_2109, %swap3A_2110], %mul3A_2108 {strides = array<i32>} : memref<80x144xf32, #tpu.memory_space<vmem>>, vector<16xf32>,
        %get3A_2112 = arith.index_cast %add3A_2098 : i32 to index
        %get3A_2113 = arith.constant 16 : index
        %get3A_2114 = tpu.vector_load %arg8[%get3A_2112, %get3A_2113] {strides = array<i32>} : memref<80x144xf32, #tpu.memory_space<vmem>>, vector<16xf32>,
        %mul3A_2115 = vector.broadcast %squeeze3A_2103 : f32 to vector<16xf32>
        %mul3A_2116 = arith.mulf %get3A_2114, %mul3A_2115 : vector<16xf32>
        %swap3A_2117 = arith.index_cast %add3A_2098 : i32 to index
        %swap3A_2118 = arith.constant 16 : index
        %swap3A_2119 = tpu.vector_load %arg8[%swap3A_2117, %swap3A_2118] {strides = array<i32>} : memref<80x144xf32, #tpu.memory_space<vmem>>, vector<16xf32>,
        tpu.vector_store %arg8[%swap3A_2117, %swap3A_2118], %mul3A_2116 {strides = array<i32>} : memref<80x144xf32, #tpu.memory_space<vmem>>, vector<16xf32>,
        %slice3A_2120 = vector.extract_strided_slice %get3A_2101 {offsets = [1], sizes = [1], strides = [1]} : vector<16xf32> to vector<1xf32>
        %squeeze3A_2121 = vector.extract %slice3A_2120[0] : f32 from vector<1xf32>
        %get3A_2122 = arith.index_cast %add3A_2098 : i32 to index
        %get3A_2123 = arith.constant 32 : index
        %get3A_2124 = tpu.vector_load %arg8[%get3A_2122, %get3A_2123] {strides = array<i32>} : memref<80x144xf32, #tpu.memory_space<vmem>>, vector<16xf32>,
        %mul3A_2125 = vector.broadcast %squeeze3A_2121 : f32 to vector<16xf32>
        %mul3A_2126 = arith.mulf %get3A_2124, %mul3A_2125 : vector<16xf32>
        %swap3A_2127 = arith.index_cast %add3A_2098 : i32 to index
        %swap3A_2128 = arith.constant 32 : index
        %swap3A_2129 = tpu.vector_load %arg8[%swap3A_2127, %swap3A_2128] {strides = array<i32>} : memref<80x144xf32, #tpu.memory_space<vmem>>, vector<16xf32>,
        tpu.vector_store %arg8[%swap3A_2127, %swap3A_2128], %mul3A_2126 {strides = array<i32>} : memref<80x144xf32, #tpu.memory_space<vmem>>, vector<16xf32>,
        %get3A_2130 = arith.index_cast %add3A_2098 : i32 to index
        %get3A_2131 = arith.constant 48 : index
        %get3A_2132 = tpu.vector_load %arg8[%get3A_2130, %get3A_2131] {strides = array<i32>} : memref<80x144xf32, #tpu.memory_space<vmem>>, vector<16xf32>,
        %mul3A_2133 = vector.broadcast %squeeze3A_2121 : f32 to vector<16xf32>
        %mul3A_2134 = arith.mulf %get3A_2132, %mul3A_2133 : vector<16xf32>
        %swap3A_2135 = arith.index_cast %add3A_2098 : i32 to index
        %swap3A_2136 = arith.constant 48 : index
        %swap3A_2137 = tpu.vector_load %arg8[%swap3A_2135, %swap3A_2136] {strides = array<i32>} : memref<80x144xf32, #tpu.memory_space<vmem>>, vector<16xf32>,
        tpu.vector_store %arg8[%swap3A_2135, %swap3A_2136], %mul3A_2134 {strides = array<i32>} : memref<80x144xf32, #tpu.memory_space<vmem>>, vector<16xf32>,
        %slice3A_2138 = vector.extract_strided_slice %get3A_2101 {offsets = [2], sizes = [1], strides = [1]} : vector<16xf32> to vector<1xf32>
        %squeeze3A_2139 = vector.extract %slice3A_2138[0] : f32 from vector<1xf32>
        %get3A_2140 = arith.index_cast %add3A_2098 : i32 to index
        %get3A_2141 = arith.constant 64 : index
        %get3A_2142 = tpu.vector_load %arg8[%get3A_2140, %get3A_2141] {strides = array<i32>} : memref<80x144xf32, #tpu.memory_space<vmem>>, vector<16xf32>,
        %mul3A_2143 = vector.broadcast %squeeze3A_2139 : f32 to vector<16xf32>
        %mul3A_2144 = arith.mulf %get3A_2142, %mul3A_2143 : vector<16xf32>
        %swap3A_2145 = arith.index_cast %add3A_2098 : i32 to index
        %swap3A_2146 = arith.constant 64 : index
        %swap3A_2147 = tpu.vector_load %arg8[%swap3A_2145, %swap3A_2146] {strides = array<i32>} : memref<80x144xf32, #tpu.memory_space<vmem>>, vector<16xf32>,
        tpu.vector_store %arg8[%swap3A_2145, %swap3A_2146], %mul3A_2144 {strides = array<i32>} : memref<80x144xf32, #tpu.memory_space<vmem>>, vector<16xf32>,
        %get3A_2148 = arith.index_cast %add3A_2098 : i32 to index
        %get3A_2149 = arith.constant 80 : index
        %get3A_2150 = tpu.vector_load %arg8[%get3A_2148, %get3A_2149] {strides = array<i32>} : memref<80x144xf32, #tpu.memory_space<vmem>>, vector<16xf32>,
        %mul3A_2151 = vector.broadcast %squeeze3A_2139 : f32 to vector<16xf32>
        %mul3A_2152 = arith.mulf %get3A_2150, %mul3A_2151 : vector<16xf32>
        %swap3A_2153 = arith.index_cast %add3A_2098 : i32 to index
        %swap3A_2154 = arith.constant 80 : index
        %swap3A_2155 = tpu.vector_load %arg8[%swap3A_2153, %swap3A_2154] {strides = array<i32>} : memref<80x144xf32, #tpu.memory_space<vmem>>, vector<16xf32>,
        tpu.vector_store %arg8[%swap3A_2153, %swap3A_2154], %mul3A_2152 {strides = array<i32>} : memref<80x144xf32, #tpu.memory_space<vmem>>, vector<16xf32>,
        %slice3A_2156 = vector.extract_strided_slice %get3A_2101 {offsets = [3], sizes = [1], strides = [1]} : vector<16xf32> to vector<1xf32>
        %squeeze3A_2157 = vector.extract %slice3A_2156[0] : f32 from vector<1xf32>
        %get3A_2158 = arith.index_cast %add3A_2098 : i32 to index
        %get3A_2159 = arith.constant 96 : index
        %get3A_2160 = tpu.vector_load %arg8[%get3A_2158, %get3A_2159] {strides = array<i32>} : memref<80x144xf32, #tpu.memory_space<vmem>>, vector<16xf32>,
        %mul3A_2161 = vector.broadcast %squeeze3A_2157 : f32 to vector<16xf32>
        %mul3A_2162 = arith.mulf %get3A_2160, %mul3A_2161 : vector<16xf32>
        %swap3A_2163 = arith.index_cast %add3A_2098 : i32 to index
        %swap3A_2164 = arith.constant 96 : index
        %swap3A_2165 = tpu.vector_load %arg8[%swap3A_2163, %swap3A_2164] {strides = array<i32>} : memref<80x144xf32, #tpu.memory_space<vmem>>, vector<16xf32>,
        tpu.vector_store %arg8[%swap3A_2163, %swap3A_2164], %mul3A_2162 {strides = array<i32>} : memref<80x144xf32, #tpu.memory_space<vmem>>, vector<16xf32>,
        %get3A_2166 = arith.index_cast %add3A_2098 : i32 to index
        %get3A_2167 = arith.constant 112 : index
        %get3A_2168 = tpu.vector_load %arg8[%get3A_2166, %get3A_2167] {strides = array<i32>} : memref<80x144xf32, #tpu.memory_space<vmem>>, vector<16xf32>,
        %mul3A_2169 = vector.broadcast %squeeze3A_2157 : f32 to vector<16xf32>
        %mul3A_2170 = arith.mulf %get3A_2168, %mul3A_2169 : vector<16xf32>
        %swap3A_2171 = arith.index_cast %add3A_2098 : i32 to index
        %swap3A_2172 = arith.constant 112 : index
        %swap3A_2173 = tpu.vector_load %arg8[%swap3A_2171, %swap3A_2172] {strides = array<i32>} : memref<80x144xf32, #tpu.memory_space<vmem>>, vector<16xf32>,
        tpu.vector_store %arg8[%swap3A_2171, %swap3A_2172], %mul3A_2170 {strides = array<i32>} : memref<80x144xf32, #tpu.memory_space<vmem>>, vector<16xf32>,
      }
      %scan3A_1824 = arith.constant 20 : i32
      %dma_start3A_1825 = arith.constant 1 : i32
      %dma_start3A_1826 = arith.constant 1 : i32
      %dma_start3A_1827 = arith.constant 0 : i32
      %dma_start3A_1828 = tpu.memref_slice %arg13[%dma_start3A_1825, %dma_start3A_1826, %dma_start3A_1827] : memref<2x2x80xi32, #tpu.memory_space<vmem>> -> memref<1x1x80xi32, #tpu.memory_space<vmem>>
      %dma_start3A_1829 = tpu.memref_squeeze %dma_start3A_1828 : memref<1x1x80xi32, #tpu.memory_space<vmem>> -> memref<80xi32, #tpu.memory_space<vmem>>
      %dma_start3A_1830 = arith.constant 0 : i32
      %dma_start3A_1831 = arith.constant 0 : i32
      %dma_start3A_1832 = tpu.memref_slice %arg14[%dma_start3A_1830, %dma_start3A_1831] : memref<10240x144xf32, #tpu.memory_space<vmem_shared>> -> memref<10240x144xf32, #tpu.memory_space<vmem_shared>>
      tpu.enqueue_indirect_dma source(%arg8 : memref<80x144xf32, #tpu.memory_space<vmem>>) target(%dma_start3A_1832 : memref<10240x144xf32, #tpu.memory_space<vmem_shared>>) offsets(%dma_start3A_1829 : memref<80xi32, #tpu.memory_space<vmem>>) semaphore(%arg18 : memref<!tpu.dma_semaphore, #tpu.memory_space<semaphore_mem>>) {add = true}
      %dma_start3A_1833 = arith.constant 1 : i32
      %dma_start3A_1834 = arith.constant 1 : i32
      %dma_start3A_1835 = arith.constant 0 : i32
      %dma_start3A_1836 = tpu.memref_slice %arg13[%dma_start3A_1833, %dma_start3A_1834, %dma_start3A_1835] : memref<2x2x80xi32, #tpu.memory_space<vmem>> -> memref<1x1x80xi32, #tpu.memory_space<vmem>>
      %dma_start3A_1837 = tpu.memref_squeeze %dma_start3A_1836 : memref<1x1x80xi32, #tpu.memory_space<vmem>> -> memref<80xi32, #tpu.memory_space<vmem>>
      %dma_start3A_1838 = arith.constant 0 : i32
      %dma_start3A_1839 = arith.constant 0 : i32
      %dma_start3A_1840 = tpu.memref_slice %arg15[%dma_start3A_1838, %dma_start3A_1839] : memref<10240x16xf32, #tpu.memory_space<vmem_shared>> -> memref<10240x16xf32, #tpu.memory_space<vmem_shared>>
      tpu.enqueue_indirect_dma source(%arg12 : memref<80x16xf32, #tpu.memory_space<vmem>>) target(%dma_start3A_1840 : memref<10240x16xf32, #tpu.memory_space<vmem_shared>>) offsets(%dma_start3A_1837 : memref<80xi32, #tpu.memory_space<vmem>>) semaphore(%arg18 : memref<!tpu.dma_semaphore, #tpu.memory_space<semaphore_mem>>) {add = true}
      %dma_wait3A_1841 = arith.constant 1 : i32
      %dma_wait3A_1842 = arith.constant 1 : i32
      %dma_wait3A_1843 = arith.constant 0 : i32
      %dma_wait3A_1844 = tpu.memref_slice %arg13[%dma_wait3A_1841, %dma_wait3A_1842, %dma_wait3A_1843] : memref<2x2x80xi32, #tpu.memory_space<vmem>> -> memref<1x1x80xi32, #tpu.memory_space<vmem>>
      %dma_wait3A_1845 = tpu.memref_squeeze %dma_wait3A_1844 : memref<1x1x80xi32, #tpu.memory_space<vmem>> -> memref<80xi32, #tpu.memory_space<vmem>>
      %dma_wait3A_1846 = arith.constant 0 : i32
      %dma_wait3A_1847 = arith.constant 0 : i32
      %dma_wait3A_1848 = tpu.memref_slice %arg14[%dma_wait3A_1846, %dma_wait3A_1847] : memref<10240x144xf32, #tpu.memory_space<vmem_shared>> -> memref<10240x144xf32, #tpu.memory_space<vmem_shared>>
      tpu.wait_indirect_dma semaphore(%arg18 : memref<!tpu.dma_semaphore, #tpu.memory_space<semaphore_mem>>) src(%arg8 : memref<80x144xf32, #tpu.memory_space<vmem>>) dst(%dma_wait3A_1848 : memref<10240x144xf32, #tpu.memory_space<vmem_shared>>)
      %dma_wait3A_1849 = arith.constant 1 : i32
      %dma_wait3A_1850 = arith.constant 1 : i32
      %dma_wait3A_1851 = arith.constant 0 : i32
      %dma_wait3A_1852 = tpu.memref_slice %arg13[%dma_wait3A_1849, %dma_wait3A_1850, %dma_wait3A_1851] : memref<2x2x80xi32, #tpu.memory_space<vmem>> -> memref<1x1x80xi32, #tpu.memory_space<vmem>>
      %dma_wait3A_1853 = tpu.memref_squeeze %dma_wait3A_1852 : memref<1x1x80xi32, #tpu.memory_space<vmem>> -> memref<80xi32, #tpu.memory_space<vmem>>
      %dma_wait3A_1854 = arith.constant 0 : i32
      %dma_wait3A_1855 = arith.constant 0 : i32
      %dma_wait3A_1856 = tpu.memref_slice %arg15[%dma_wait3A_1854, %dma_wait3A_1855] : memref<10240x16xf32, #tpu.memory_space<vmem_shared>> -> memref<10240x16xf32, #tpu.memory_space<vmem_shared>>
      tpu.wait_indirect_dma semaphore(%arg18 : memref<!tpu.dma_semaphore, #tpu.memory_space<semaphore_mem>>) src(%arg12 : memref<80x16xf32, #tpu.memory_space<vmem>>) dst(%dma_wait3A_1856 : memref<10240x16xf32, #tpu.memory_space<vmem_shared>>)
      %add3A_1857 = arith.constant 3 : i32
      %add3A_1858 = arith.addi %mul3A_691, %add3A_1857 : i32
      %lt3A = arith.constant 125 : i32
      %lt3A_1859 = arith.cmpi slt, %add3A_1858, %lt3A : i32
      %convert_element_type3A = arith.extui %lt3A_1859 : i1 to i32
      %cond3A = arith.constant 0 : i32
      %cond3A_1860 = arith.cmpi ne, %convert_element_type3A, %cond3A : i32
      scf.if %cond3A_1860 {
        %add3A_1861 = arith.constant 3 : i32
        %add3A_1862 = arith.addi %mul3A_691, %add3A_1861 : i32
        %add3A_1863 = arith.addi %mul3A_41, %add3A_1862 : i32
        "tpu.region"() ({
          %run_scoped3A = tpu.sem_alloc : memref<!tpu.dma_semaphore, #tpu.memory_space<semaphore_mem>>
          %dma_start3A_1880 = arith.constant 1 : i32
          %dma_start3A_1881 = arith.constant 0 : i32
          %dma_start3A_1882 = arith.constant 0 : i32
          %dma_start3A_1883 = tpu.memref_slice %arg13[%dma_start3A_1880, %dma_start3A_1881, %dma_start3A_1882] : memref<2x2x80xi32, #tpu.memory_space<vmem>> -> memref<1x2x80xi32, #tpu.memory_space<vmem>>
          %dma_start3A_1884 = arith.constant 0 : i32
          %dma_start3A_1885 = arith.constant 0 : i32
          %dma_start3A_1886 = tpu.memref_slice %arg4[%add3A_1863, %dma_start3A_1884, %dma_start3A_1885] : memref<4000x2x80xi32, #tpu.memory_space<hbm>> -> memref<1x2x80xi32, #tpu.memory_space<hbm>>
          %dma_start3A_1887 = arith.constant 1 : i32
          %dma_start3A_1888 = arith.constant 0 : i32
          %dma_start3A_1889 = arith.constant 0 : i32
          %dma_start3A_1890 = tpu.memref_slice %arg13[%dma_start3A_1887, %dma_start3A_1888, %dma_start3A_1889] : memref<2x2x80xi32, #tpu.memory_space<vmem>> -> memref<1x2x80xi32, #tpu.memory_space<vmem>>
          %dma_start3A_1891 = arith.constant 0 : i32
          %dma_start3A_1892 = arith.constant 0 : i32
          %dma_start3A_1893 = tpu.memref_slice %arg4[%add3A_1863, %dma_start3A_1891, %dma_start3A_1892] : memref<4000x2x80xi32, #tpu.memory_space<hbm>> -> memref<1x2x80xi32, #tpu.memory_space<hbm>>
          tpu.enqueue_dma source(%dma_start3A_1893 : memref<1x2x80xi32, #tpu.memory_space<hbm>>) target(%dma_start3A_1890 : memref<1x2x80xi32, #tpu.memory_space<vmem>>) target_semaphore(%run_scoped3A : memref<!tpu.dma_semaphore, #tpu.memory_space<semaphore_mem>>)
          %dma_wait3A_1894 = arith.constant 1 : i32
          %dma_wait3A_1895 = arith.constant 0 : i32
          %dma_wait3A_1896 = arith.constant 0 : i32
          %dma_wait3A_1897 = tpu.memref_slice %arg13[%dma_wait3A_1894, %dma_wait3A_1895, %dma_wait3A_1896] : memref<2x2x80xi32, #tpu.memory_space<vmem>> -> memref<1x2x80xi32, #tpu.memory_space<vmem>>
          %dma_wait3A_1898 = arith.constant 0 : i32
          %dma_wait3A_1899 = arith.constant 0 : i32
          %dma_wait3A_1900 = tpu.memref_slice %arg4[%add3A_1863, %dma_wait3A_1898, %dma_wait3A_1899] : memref<4000x2x80xi32, #tpu.memory_space<hbm>> -> memref<1x2x80xi32, #tpu.memory_space<hbm>>
          %dma_wait3A_1901 = arith.constant 1 : i32
          %dma_wait3A_1902 = arith.constant 0 : i32
          %dma_wait3A_1903 = arith.constant 0 : i32
          %dma_wait3A_1904 = tpu.memref_slice %arg13[%dma_wait3A_1901, %dma_wait3A_1902, %dma_wait3A_1903] : memref<2x2x80xi32, #tpu.memory_space<vmem>> -> memref<1x2x80xi32, #tpu.memory_space<vmem>>
          %dma_wait3A_1905 = arith.constant 0 : i32
          %dma_wait3A_1906 = arith.constant 0 : i32
          %dma_wait3A_1907 = tpu.memref_slice %arg4[%add3A_1863, %dma_wait3A_1905, %dma_wait3A_1906] : memref<4000x2x80xi32, #tpu.memory_space<hbm>> -> memref<1x2x80xi32, #tpu.memory_space<hbm>>
          tpu.wait_dma2 semaphore(%run_scoped3A : memref<!tpu.dma_semaphore, #tpu.memory_space<semaphore_mem>>) src(%dma_wait3A_1907 : memref<1x2x80xi32, #tpu.memory_space<hbm>>) dst(%dma_wait3A_1904 : memref<1x2x80xi32, #tpu.memory_space<vmem>>)
          tpu.yield
        }) : () -> ()
        %dma_start3A_1864 = arith.constant 1 : i32
        %dma_start3A_1865 = arith.constant 0 : i32
        %dma_start3A_1866 = arith.constant 0 : i32
        %dma_start3A_1867 = tpu.memref_slice %arg13[%dma_start3A_1864, %dma_start3A_1865, %dma_start3A_1866] : memref<2x2x80xi32, #tpu.memory_space<vmem>> -> memref<1x1x80xi32, #tpu.memory_space<vmem>>
        %dma_start3A_1868 = tpu.memref_squeeze %dma_start3A_1867 : memref<1x1x80xi32, #tpu.memory_space<vmem>> -> memref<80xi32, #tpu.memory_space<vmem>>
        %dma_start3A_1869 = arith.constant 0 : i32
        %dma_start3A_1870 = arith.constant 0 : i32
        %dma_start3A_1871 = tpu.memref_slice %arg2[%dma_start3A_1869, %dma_start3A_1870] : memref<10000x144xf32, #tpu.memory_space<hbm>> -> memref<10000x144xf32, #tpu.memory_space<hbm>>
        tpu.enqueue_indirect_dma source(%dma_start3A_1871 : memref<10000x144xf32, #tpu.memory_space<hbm>>) target(%arg8 : memref<80x144xf32, #tpu.memory_space<vmem>>) offsets(%dma_start3A_1868 : memref<80xi32, #tpu.memory_space<vmem>>) semaphore(%arg17 : memref<!tpu.dma_semaphore, #tpu.memory_space<semaphore_mem>>)
        %dma_start3A_1872 = arith.constant 1 : i32
        %dma_start3A_1873 = arith.constant 1 : i32
        %dma_start3A_1874 = arith.constant 0 : i32
        %dma_start3A_1875 = tpu.memref_slice %arg13[%dma_start3A_1872, %dma_start3A_1873, %dma_start3A_1874] : memref<2x2x80xi32, #tpu.memory_space<vmem>> -> memref<1x1x80xi32, #tpu.memory_space<vmem>>
        %dma_start3A_1876 = tpu.memref_squeeze %dma_start3A_1875 : memref<1x1x80xi32, #tpu.memory_space<vmem>> -> memref<80xi32, #tpu.memory_space<vmem>>
        %dma_start3A_1877 = arith.constant 0 : i32
        %dma_start3A_1878 = arith.constant 0 : i32
        %dma_start3A_1879 = tpu.memref_slice %arg3[%dma_start3A_1877, %dma_start3A_1878] : memref<10000x16xf32, #tpu.memory_space<hbm>> -> memref<10000x16xf32, #tpu.memory_space<hbm>>
        tpu.enqueue_indirect_dma source(%dma_start3A_1879 : memref<10000x16xf32, #tpu.memory_space<hbm>>) target(%arg10 : memref<80x16xf32, #tpu.memory_space<vmem>>) offsets(%dma_start3A_1876 : memref<80xi32, #tpu.memory_space<vmem>>) semaphore(%arg17 : memref<!tpu.dma_semaphore, #tpu.memory_space<semaphore_mem>>)
      } else {
      }
    }
    %scan3A_81 = arith.constant 62 : i32
    %dma_wait3A = arith.constant 0 : i32
    %dma_wait3A_82 = arith.constant 0 : i32
    %dma_wait3A_83 = arith.constant 0 : i32
    %dma_wait3A_84 = tpu.memref_slice %arg13[%dma_wait3A, %dma_wait3A_82, %dma_wait3A_83] : memref<2x2x80xi32, #tpu.memory_space<vmem>> -> memref<1x1x80xi32, #tpu.memory_space<vmem>>
    %dma_wait3A_85 = tpu.memref_squeeze %dma_wait3A_84 : memref<1x1x80xi32, #tpu.memory_space<vmem>> -> memref<80xi32, #tpu.memory_space<vmem>>
    %dma_wait3A_86 = arith.constant 0 : i32
    %dma_wait3A_87 = arith.constant 0 : i32
    %dma_wait3A_88 = tpu.memref_slice %arg2[%dma_wait3A_86, %dma_wait3A_87] : memref<10000x144xf32, #tpu.memory_space<hbm>> -> memref<10000x144xf32, #tpu.memory_space<hbm>>
    tpu.wait_indirect_dma semaphore(%arg16 : memref<!tpu.dma_semaphore, #tpu.memory_space<semaphore_mem>>) src(%dma_wait3A_88 : memref<10000x144xf32, #tpu.memory_space<hbm>>) dst(%arg7 : memref<80x144xf32, #tpu.memory_space<vmem>>)
    %dma_wait3A_89 = arith.constant 0 : i32
    %dma_wait3A_90 = arith.constant 1 : i32
    %dma_wait3A_91 = arith.constant 0 : i32
    %dma_wait3A_92 = tpu.memref_slice %arg13[%dma_wait3A_89, %dma_wait3A_90, %dma_wait3A_91] : memref<2x2x80xi32, #tpu.memory_space<vmem>> -> memref<1x1x80xi32, #tpu.memory_space<vmem>>
    %dma_wait3A_93 = tpu.memref_squeeze %dma_wait3A_92 : memref<1x1x80xi32, #tpu.memory_space<vmem>> -> memref<80xi32, #tpu.memory_space<vmem>>
    %dma_wait3A_94 = arith.constant 0 : i32
    %dma_wait3A_95 = arith.constant 0 : i32
    %dma_wait3A_96 = tpu.memref_slice %arg3[%dma_wait3A_94, %dma_wait3A_95] : memref<10000x16xf32, #tpu.memory_space<hbm>> -> memref<10000x16xf32, #tpu.memory_space<hbm>>
    tpu.wait_indirect_dma semaphore(%arg16 : memref<!tpu.dma_semaphore, #tpu.memory_space<semaphore_mem>>) src(%dma_wait3A_96 : memref<10000x16xf32, #tpu.memory_space<hbm>>) dst(%arg9 : memref<80x16xf32, #tpu.memory_space<vmem>>)
    %add3A_97 = arith.constant 0 : i32
    %add3A_98 = vector.broadcast %add3A_97 : i32 to vector<16xi32>
    %add3A_99 = arith.addi %add3A_98, %iota3A : vector<16xi32>
    %shift_right_arithmetic3A = arith.constant 2 : i32
    %shift_right_arithmetic3A_100 = vector.broadcast %shift_right_arithmetic3A : i32 to vector<16xi32>
    %shift_right_arithmetic3A_101 = arith.shrsi %add3A_99, %shift_right_arithmetic3A_100 : vector<16xi32>
    %and3A = arith.constant 3 : i32
    %and3A_102 = vector.broadcast %and3A : i32 to vector<16xi32>
    %and3A_103 = arith.andi %add3A_99, %and3A_102 : vector<16xi32>
    %add3A_104 = arith.constant 128 : i32
    %add3A_105 = vector.broadcast %add3A_104 : i32 to vector<16xi32>
    %add3A_106 = arith.addi %and3A_103, %add3A_105 : vector<16xi32>
    %gather3A = tpu.vector_load_idx %arg7[%shift_right_arithmetic3A_101, %add3A_106] : memref<80x144xf32, #tpu.memory_space<vmem>>[vector<16xi32>, vector<16xi32>], vector<16xf32>,
    %gather3A_107 = tpu.vector_load_idx %arg9[%shift_right_arithmetic3A_101, %and3A_103] : memref<80x16xf32, #tpu.memory_space<vmem>>[vector<16xi32>, vector<16xi32>], vector<16xf32>,
    %add3A_108 = arith.addf %gather3A, %gather3A_107 : vector<16xf32>
    %max3A = arith.constant 0.000000e+00 : f32
    %max3A_109 = vector.broadcast %max3A : f32 to vector<16xf32>
    %max3A_110 = arith.maximumf %add3A_108, %max3A_109 : vector<16xf32>
    %min3A = arith.constant 0.000000e+00 : f32
    %min3A_111 = vector.broadcast %min3A : f32 to vector<16xf32>
    %min3A_112 = arith.minimumf %add3A_108, %min3A_111 : vector<16xf32>
    %mul3A_113 = arith.constant 2.000000e-01 : f32
    %mul3A_114 = vector.broadcast %mul3A_113 : f32 to vector<16xf32>
    %mul3A_115 = arith.mulf %mul3A_114, %min3A_112 : vector<16xf32>
    %add3A_116 = arith.addf %max3A_110, %mul3A_115 : vector<16xf32>
    %exp3A = math.exp %add3A_116 : vector<16xf32>
    tpu.vector_store_idx %arg11[%shift_right_arithmetic3A_101, %and3A_103], %exp3A : memref<80x16xf32, #tpu.memory_space<vmem>>[vector<16xi32>, vector<16xi32>], vector<16xf32>,
    %add3A_117 = arith.constant 16 : i32
    %add3A_118 = vector.broadcast %add3A_117 : i32 to vector<16xi32>
    %add3A_119 = arith.addi %add3A_118, %iota3A : vector<16xi32>
    %shift_right_arithmetic3A_120 = arith.constant 2 : i32
    %shift_right_arithmetic3A_121 = vector.broadcast %shift_right_arithmetic3A_120 : i32 to vector<16xi32>
    %shift_right_arithmetic3A_122 = arith.shrsi %add3A_119, %shift_right_arithmetic3A_121 : vector<16xi32>
    %and3A_123 = arith.constant 3 : i32
    %and3A_124 = vector.broadcast %and3A_123 : i32 to vector<16xi32>
    %and3A_125 = arith.andi %add3A_119, %and3A_124 : vector<16xi32>
    %add3A_126 = arith.constant 128 : i32
    %add3A_127 = vector.broadcast %add3A_126 : i32 to vector<16xi32>
    %add3A_128 = arith.addi %and3A_125, %add3A_127 : vector<16xi32>
    %gather3A_129 = tpu.vector_load_idx %arg7[%shift_right_arithmetic3A_122, %add3A_128] : memref<80x144xf32, #tpu.memory_space<vmem>>[vector<16xi32>, vector<16xi32>], vector<16xf32>,
    %gather3A_130 = tpu.vector_load_idx %arg9[%shift_right_arithmetic3A_122, %and3A_125] : memref<80x16xf32, #tpu.memory_space<vmem>>[vector<16xi32>, vector<16xi32>], vector<16xf32>,
    %add3A_131 = arith.addf %gather3A_129, %gather3A_130 : vector<16xf32>
    %max3A_132 = arith.constant 0.000000e+00 : f32
    %max3A_133 = vector.broadcast %max3A_132 : f32 to vector<16xf32>
    %max3A_134 = arith.maximumf %add3A_131, %max3A_133 : vector<16xf32>
    %min3A_135 = arith.constant 0.000000e+00 : f32
    %min3A_136 = vector.broadcast %min3A_135 : f32 to vector<16xf32>
    %min3A_137 = arith.minimumf %add3A_131, %min3A_136 : vector<16xf32>
    %mul3A_138 = arith.constant 2.000000e-01 : f32
    %mul3A_139 = vector.broadcast %mul3A_138 : f32 to vector<16xf32>
    %mul3A_140 = arith.mulf %mul3A_139, %min3A_137 : vector<16xf32>
    %add3A_141 = arith.addf %max3A_134, %mul3A_140 : vector<16xf32>
    %exp3A_142 = math.exp %add3A_141 : vector<16xf32>
    tpu.vector_store_idx %arg11[%shift_right_arithmetic3A_122, %and3A_125], %exp3A_142 : memref<80x16xf32, #tpu.memory_space<vmem>>[vector<16xi32>, vector<16xi32>], vector<16xf32>,
    %add3A_143 = arith.constant 32 : i32
    %add3A_144 = vector.broadcast %add3A_143 : i32 to vector<16xi32>
    %add3A_145 = arith.addi %add3A_144, %iota3A : vector<16xi32>
    %shift_right_arithmetic3A_146 = arith.constant 2 : i32
    %shift_right_arithmetic3A_147 = vector.broadcast %shift_right_arithmetic3A_146 : i32 to vector<16xi32>
    %shift_right_arithmetic3A_148 = arith.shrsi %add3A_145, %shift_right_arithmetic3A_147 : vector<16xi32>
    %and3A_149 = arith.constant 3 : i32
    %and3A_150 = vector.broadcast %and3A_149 : i32 to vector<16xi32>
    %and3A_151 = arith.andi %add3A_145, %and3A_150 : vector<16xi32>
    %add3A_152 = arith.constant 128 : i32
    %add3A_153 = vector.broadcast %add3A_152 : i32 to vector<16xi32>
    %add3A_154 = arith.addi %and3A_151, %add3A_153 : vector<16xi32>
    %gather3A_155 = tpu.vector_load_idx %arg7[%shift_right_arithmetic3A_148, %add3A_154] : memref<80x144xf32, #tpu.memory_space<vmem>>[vector<16xi32>, vector<16xi32>], vector<16xf32>,
    %gather3A_156 = tpu.vector_load_idx %arg9[%shift_right_arithmetic3A_148, %and3A_151] : memref<80x16xf32, #tpu.memory_space<vmem>>[vector<16xi32>, vector<16xi32>], vector<16xf32>,
    %add3A_157 = arith.addf %gather3A_155, %gather3A_156 : vector<16xf32>
    %max3A_158 = arith.constant 0.000000e+00 : f32
    %max3A_159 = vector.broadcast %max3A_158 : f32 to vector<16xf32>
    %max3A_160 = arith.maximumf %add3A_157, %max3A_159 : vector<16xf32>
    %min3A_161 = arith.constant 0.000000e+00 : f32
    %min3A_162 = vector.broadcast %min3A_161 : f32 to vector<16xf32>
    %min3A_163 = arith.minimumf %add3A_157, %min3A_162 : vector<16xf32>
    %mul3A_164 = arith.constant 2.000000e-01 : f32
    %mul3A_165 = vector.broadcast %mul3A_164 : f32 to vector<16xf32>
    %mul3A_166 = arith.mulf %mul3A_165, %min3A_163 : vector<16xf32>
    %add3A_167 = arith.addf %max3A_160, %mul3A_166 : vector<16xf32>
    %exp3A_168 = math.exp %add3A_167 : vector<16xf32>
    tpu.vector_store_idx %arg11[%shift_right_arithmetic3A_148, %and3A_151], %exp3A_168 : memref<80x16xf32, #tpu.memory_space<vmem>>[vector<16xi32>, vector<16xi32>], vector<16xf32>,
    %add3A_169 = arith.constant 48 : i32
    %add3A_170 = vector.broadcast %add3A_169 : i32 to vector<16xi32>
    %add3A_171 = arith.addi %add3A_170, %iota3A : vector<16xi32>
    %shift_right_arithmetic3A_172 = arith.constant 2 : i32
    %shift_right_arithmetic3A_173 = vector.broadcast %shift_right_arithmetic3A_172 : i32 to vector<16xi32>
    %shift_right_arithmetic3A_174 = arith.shrsi %add3A_171, %shift_right_arithmetic3A_173 : vector<16xi32>
    %and3A_175 = arith.constant 3 : i32
    %and3A_176 = vector.broadcast %and3A_175 : i32 to vector<16xi32>
    %and3A_177 = arith.andi %add3A_171, %and3A_176 : vector<16xi32>
    %add3A_178 = arith.constant 128 : i32
    %add3A_179 = vector.broadcast %add3A_178 : i32 to vector<16xi32>
    %add3A_180 = arith.addi %and3A_177, %add3A_179 : vector<16xi32>
    %gather3A_181 = tpu.vector_load_idx %arg7[%shift_right_arithmetic3A_174, %add3A_180] : memref<80x144xf32, #tpu.memory_space<vmem>>[vector<16xi32>, vector<16xi32>], vector<16xf32>,
    %gather3A_182 = tpu.vector_load_idx %arg9[%shift_right_arithmetic3A_174, %and3A_177] : memref<80x16xf32, #tpu.memory_space<vmem>>[vector<16xi32>, vector<16xi32>], vector<16xf32>,
    %add3A_183 = arith.addf %gather3A_181, %gather3A_182 : vector<16xf32>
    %max3A_184 = arith.constant 0.000000e+00 : f32
    %max3A_185 = vector.broadcast %max3A_184 : f32 to vector<16xf32>
    %max3A_186 = arith.maximumf %add3A_183, %max3A_185 : vector<16xf32>
    %min3A_187 = arith.constant 0.000000e+00 : f32
    %min3A_188 = vector.broadcast %min3A_187 : f32 to vector<16xf32>
    %min3A_189 = arith.minimumf %add3A_183, %min3A_188 : vector<16xf32>
    %mul3A_190 = arith.constant 2.000000e-01 : f32
    %mul3A_191 = vector.broadcast %mul3A_190 : f32 to vector<16xf32>
    %mul3A_192 = arith.mulf %mul3A_191, %min3A_189 : vector<16xf32>
    %add3A_193 = arith.addf %max3A_186, %mul3A_192 : vector<16xf32>
    %exp3A_194 = math.exp %add3A_193 : vector<16xf32>
    tpu.vector_store_idx %arg11[%shift_right_arithmetic3A_174, %and3A_177], %exp3A_194 : memref<80x16xf32, #tpu.memory_space<vmem>>[vector<16xi32>, vector<16xi32>], vector<16xf32>,
    %add3A_195 = arith.constant 64 : i32
    %add3A_196 = vector.broadcast %add3A_195 : i32 to vector<16xi32>
    %add3A_197 = arith.addi %add3A_196, %iota3A : vector<16xi32>
    %shift_right_arithmetic3A_198 = arith.constant 2 : i32
    %shift_right_arithmetic3A_199 = vector.broadcast %shift_right_arithmetic3A_198 : i32 to vector<16xi32>
    %shift_right_arithmetic3A_200 = arith.shrsi %add3A_197, %shift_right_arithmetic3A_199 : vector<16xi32>
    %and3A_201 = arith.constant 3 : i32
    %and3A_202 = vector.broadcast %and3A_201 : i32 to vector<16xi32>
    %and3A_203 = arith.andi %add3A_197, %and3A_202 : vector<16xi32>
    %add3A_204 = arith.constant 128 : i32
    %add3A_205 = vector.broadcast %add3A_204 : i32 to vector<16xi32>
    %add3A_206 = arith.addi %and3A_203, %add3A_205 : vector<16xi32>
    %gather3A_207 = tpu.vector_load_idx %arg7[%shift_right_arithmetic3A_200, %add3A_206] : memref<80x144xf32, #tpu.memory_space<vmem>>[vector<16xi32>, vector<16xi32>], vector<16xf32>,
    %gather3A_208 = tpu.vector_load_idx %arg9[%shift_right_arithmetic3A_200, %and3A_203] : memref<80x16xf32, #tpu.memory_space<vmem>>[vector<16xi32>, vector<16xi32>], vector<16xf32>,
    %add3A_209 = arith.addf %gather3A_207, %gather3A_208 : vector<16xf32>
    %max3A_210 = arith.constant 0.000000e+00 : f32
    %max3A_211 = vector.broadcast %max3A_210 : f32 to vector<16xf32>
    %max3A_212 = arith.maximumf %add3A_209, %max3A_211 : vector<16xf32>
    %min3A_213 = arith.constant 0.000000e+00 : f32
    %min3A_214 = vector.broadcast %min3A_213 : f32 to vector<16xf32>
    %min3A_215 = arith.minimumf %add3A_209, %min3A_214 : vector<16xf32>
    %mul3A_216 = arith.constant 2.000000e-01 : f32
    %mul3A_217 = vector.broadcast %mul3A_216 : f32 to vector<16xf32>
    %mul3A_218 = arith.mulf %mul3A_217, %min3A_215 : vector<16xf32>
    %add3A_219 = arith.addf %max3A_212, %mul3A_218 : vector<16xf32>
    %exp3A_220 = math.exp %add3A_219 : vector<16xf32>
    tpu.vector_store_idx %arg11[%shift_right_arithmetic3A_200, %and3A_203], %exp3A_220 : memref<80x16xf32, #tpu.memory_space<vmem>>[vector<16xi32>, vector<16xi32>], vector<16xf32>,
    %add3A_221 = arith.constant 80 : i32
    %add3A_222 = vector.broadcast %add3A_221 : i32 to vector<16xi32>
    %add3A_223 = arith.addi %add3A_222, %iota3A : vector<16xi32>
    %shift_right_arithmetic3A_224 = arith.constant 2 : i32
    %shift_right_arithmetic3A_225 = vector.broadcast %shift_right_arithmetic3A_224 : i32 to vector<16xi32>
    %shift_right_arithmetic3A_226 = arith.shrsi %add3A_223, %shift_right_arithmetic3A_225 : vector<16xi32>
    %and3A_227 = arith.constant 3 : i32
    %and3A_228 = vector.broadcast %and3A_227 : i32 to vector<16xi32>
    %and3A_229 = arith.andi %add3A_223, %and3A_228 : vector<16xi32>
    %add3A_230 = arith.constant 128 : i32
    %add3A_231 = vector.broadcast %add3A_230 : i32 to vector<16xi32>
    %add3A_232 = arith.addi %and3A_229, %add3A_231 : vector<16xi32>
    %gather3A_233 = tpu.vector_load_idx %arg7[%shift_right_arithmetic3A_226, %add3A_232] : memref<80x144xf32, #tpu.memory_space<vmem>>[vector<16xi32>, vector<16xi32>], vector<16xf32>,
    %gather3A_234 = tpu.vector_load_idx %arg9[%shift_right_arithmetic3A_226, %and3A_229] : memref<80x16xf32, #tpu.memory_space<vmem>>[vector<16xi32>, vector<16xi32>], vector<16xf32>,
    %add3A_235 = arith.addf %gather3A_233, %gather3A_234 : vector<16xf32>
    %max3A_236 = arith.constant 0.000000e+00 : f32
    %max3A_237 = vector.broadcast %max3A_236 : f32 to vector<16xf32>
    %max3A_238 = arith.maximumf %add3A_235, %max3A_237 : vector<16xf32>
    %min3A_239 = arith.constant 0.000000e+00 : f32
    %min3A_240 = vector.broadcast %min3A_239 : f32 to vector<16xf32>
    %min3A_241 = arith.minimumf %add3A_235, %min3A_240 : vector<16xf32>
    %mul3A_242 = arith.constant 2.000000e-01 : f32
    %mul3A_243 = vector.broadcast %mul3A_242 : f32 to vector<16xf32>
    %mul3A_244 = arith.mulf %mul3A_243, %min3A_241 : vector<16xf32>
    %add3A_245 = arith.addf %max3A_238, %mul3A_244 : vector<16xf32>
    %exp3A_246 = math.exp %add3A_245 : vector<16xf32>
    tpu.vector_store_idx %arg11[%shift_right_arithmetic3A_226, %and3A_229], %exp3A_246 : memref<80x16xf32, #tpu.memory_space<vmem>>[vector<16xi32>, vector<16xi32>], vector<16xf32>,
    %add3A_247 = arith.constant 96 : i32
    %add3A_248 = vector.broadcast %add3A_247 : i32 to vector<16xi32>
    %add3A_249 = arith.addi %add3A_248, %iota3A : vector<16xi32>
    %shift_right_arithmetic3A_250 = arith.constant 2 : i32
    %shift_right_arithmetic3A_251 = vector.broadcast %shift_right_arithmetic3A_250 : i32 to vector<16xi32>
    %shift_right_arithmetic3A_252 = arith.shrsi %add3A_249, %shift_right_arithmetic3A_251 : vector<16xi32>
    %and3A_253 = arith.constant 3 : i32
    %and3A_254 = vector.broadcast %and3A_253 : i32 to vector<16xi32>
    %and3A_255 = arith.andi %add3A_249, %and3A_254 : vector<16xi32>
    %add3A_256 = arith.constant 128 : i32
    %add3A_257 = vector.broadcast %add3A_256 : i32 to vector<16xi32>
    %add3A_258 = arith.addi %and3A_255, %add3A_257 : vector<16xi32>
    %gather3A_259 = tpu.vector_load_idx %arg7[%shift_right_arithmetic3A_252, %add3A_258] : memref<80x144xf32, #tpu.memory_space<vmem>>[vector<16xi32>, vector<16xi32>], vector<16xf32>,
    %gather3A_260 = tpu.vector_load_idx %arg9[%shift_right_arithmetic3A_252, %and3A_255] : memref<80x16xf32, #tpu.memory_space<vmem>>[vector<16xi32>, vector<16xi32>], vector<16xf32>,
    %add3A_261 = arith.addf %gather3A_259, %gather3A_260 : vector<16xf32>
    %max3A_262 = arith.constant 0.000000e+00 : f32
    %max3A_263 = vector.broadcast %max3A_262 : f32 to vector<16xf32>
    %max3A_264 = arith.maximumf %add3A_261, %max3A_263 : vector<16xf32>
    %min3A_265 = arith.constant 0.000000e+00 : f32
    %min3A_266 = vector.broadcast %min3A_265 : f32 to vector<16xf32>
    %min3A_267 = arith.minimumf %add3A_261, %min3A_266 : vector<16xf32>
    %mul3A_268 = arith.constant 2.000000e-01 : f32
    %mul3A_269 = vector.broadcast %mul3A_268 : f32 to vector<16xf32>
    %mul3A_270 = arith.mulf %mul3A_269, %min3A_267 : vector<16xf32>
    %add3A_271 = arith.addf %max3A_264, %mul3A_270 : vector<16xf32>
    %exp3A_272 = math.exp %add3A_271 : vector<16xf32>
    tpu.vector_store_idx %arg11[%shift_right_arithmetic3A_252, %and3A_255], %exp3A_272 : memref<80x16xf32, #tpu.memory_space<vmem>>[vector<16xi32>, vector<16xi32>], vector<16xf32>,
    %add3A_273 = arith.constant 112 : i32
    %add3A_274 = vector.broadcast %add3A_273 : i32 to vector<16xi32>
    %add3A_275 = arith.addi %add3A_274, %iota3A : vector<16xi32>
    %shift_right_arithmetic3A_276 = arith.constant 2 : i32
    %shift_right_arithmetic3A_277 = vector.broadcast %shift_right_arithmetic3A_276 : i32 to vector<16xi32>
    %shift_right_arithmetic3A_278 = arith.shrsi %add3A_275, %shift_right_arithmetic3A_277 : vector<16xi32>
    %and3A_279 = arith.constant 3 : i32
    %and3A_280 = vector.broadcast %and3A_279 : i32 to vector<16xi32>
    %and3A_281 = arith.andi %add3A_275, %and3A_280 : vector<16xi32>
    %add3A_282 = arith.constant 128 : i32
    %add3A_283 = vector.broadcast %add3A_282 : i32 to vector<16xi32>
    %add3A_284 = arith.addi %and3A_281, %add3A_283 : vector<16xi32>
    %gather3A_285 = tpu.vector_load_idx %arg7[%shift_right_arithmetic3A_278, %add3A_284] : memref<80x144xf32, #tpu.memory_space<vmem>>[vector<16xi32>, vector<16xi32>], vector<16xf32>,
    %gather3A_286 = tpu.vector_load_idx %arg9[%shift_right_arithmetic3A_278, %and3A_281] : memref<80x16xf32, #tpu.memory_space<vmem>>[vector<16xi32>, vector<16xi32>], vector<16xf32>,
    %add3A_287 = arith.addf %gather3A_285, %gather3A_286 : vector<16xf32>
    %max3A_288 = arith.constant 0.000000e+00 : f32
    %max3A_289 = vector.broadcast %max3A_288 : f32 to vector<16xf32>
    %max3A_290 = arith.maximumf %add3A_287, %max3A_289 : vector<16xf32>
    %min3A_291 = arith.constant 0.000000e+00 : f32
    %min3A_292 = vector.broadcast %min3A_291 : f32 to vector<16xf32>
    %min3A_293 = arith.minimumf %add3A_287, %min3A_292 : vector<16xf32>
    %mul3A_294 = arith.constant 2.000000e-01 : f32
    %mul3A_295 = vector.broadcast %mul3A_294 : f32 to vector<16xf32>
    %mul3A_296 = arith.mulf %mul3A_295, %min3A_293 : vector<16xf32>
    %add3A_297 = arith.addf %max3A_290, %mul3A_296 : vector<16xf32>
    %exp3A_298 = math.exp %add3A_297 : vector<16xf32>
    tpu.vector_store_idx %arg11[%shift_right_arithmetic3A_278, %and3A_281], %exp3A_298 : memref<80x16xf32, #tpu.memory_space<vmem>>[vector<16xi32>, vector<16xi32>], vector<16xf32>,
    %add3A_299 = arith.constant 128 : i32
    %add3A_300 = vector.broadcast %add3A_299 : i32 to vector<16xi32>
    %add3A_301 = arith.addi %add3A_300, %iota3A : vector<16xi32>
    %shift_right_arithmetic3A_302 = arith.constant 2 : i32
    %shift_right_arithmetic3A_303 = vector.broadcast %shift_right_arithmetic3A_302 : i32 to vector<16xi32>
    %shift_right_arithmetic3A_304 = arith.shrsi %add3A_301, %shift_right_arithmetic3A_303 : vector<16xi32>
    %and3A_305 = arith.constant 3 : i32
    %and3A_306 = vector.broadcast %and3A_305 : i32 to vector<16xi32>
    %and3A_307 = arith.andi %add3A_301, %and3A_306 : vector<16xi32>
    %add3A_308 = arith.constant 128 : i32
    %add3A_309 = vector.broadcast %add3A_308 : i32 to vector<16xi32>
    %add3A_310 = arith.addi %and3A_307, %add3A_309 : vector<16xi32>
    %gather3A_311 = tpu.vector_load_idx %arg7[%shift_right_arithmetic3A_304, %add3A_310] : memref<80x144xf32, #tpu.memory_space<vmem>>[vector<16xi32>, vector<16xi32>], vector<16xf32>,
    %gather3A_312 = tpu.vector_load_idx %arg9[%shift_right_arithmetic3A_304, %and3A_307] : memref<80x16xf32, #tpu.memory_space<vmem>>[vector<16xi32>, vector<16xi32>], vector<16xf32>,
    %add3A_313 = arith.addf %gather3A_311, %gather3A_312 : vector<16xf32>
    %max3A_314 = arith.constant 0.000000e+00 : f32
    %max3A_315 = vector.broadcast %max3A_314 : f32 to vector<16xf32>
    %max3A_316 = arith.maximumf %add3A_313, %max3A_315 : vector<16xf32>
    %min3A_317 = arith.constant 0.000000e+00 : f32
    %min3A_318 = vector.broadcast %min3A_317 : f32 to vector<16xf32>
    %min3A_319 = arith.minimumf %add3A_313, %min3A_318 : vector<16xf32>
    %mul3A_320 = arith.constant 2.000000e-01 : f32
    %mul3A_321 = vector.broadcast %mul3A_320 : f32 to vector<16xf32>
    %mul3A_322 = arith.mulf %mul3A_321, %min3A_319 : vector<16xf32>
    %add3A_323 = arith.addf %max3A_316, %mul3A_322 : vector<16xf32>
    %exp3A_324 = math.exp %add3A_323 : vector<16xf32>
    tpu.vector_store_idx %arg11[%shift_right_arithmetic3A_304, %and3A_307], %exp3A_324 : memref<80x16xf32, #tpu.memory_space<vmem>>[vector<16xi32>, vector<16xi32>], vector<16xf32>,
    %add3A_325 = arith.constant 144 : i32
    %add3A_326 = vector.broadcast %add3A_325 : i32 to vector<16xi32>
    %add3A_327 = arith.addi %add3A_326, %iota3A : vector<16xi32>
    %shift_right_arithmetic3A_328 = arith.constant 2 : i32
    %shift_right_arithmetic3A_329 = vector.broadcast %shift_right_arithmetic3A_328 : i32 to vector<16xi32>
    %shift_right_arithmetic3A_330 = arith.shrsi %add3A_327, %shift_right_arithmetic3A_329 : vector<16xi32>
    %and3A_331 = arith.constant 3 : i32
    %and3A_332 = vector.broadcast %and3A_331 : i32 to vector<16xi32>
    %and3A_333 = arith.andi %add3A_327, %and3A_332 : vector<16xi32>
    %add3A_334 = arith.constant 128 : i32
    %add3A_335 = vector.broadcast %add3A_334 : i32 to vector<16xi32>
    %add3A_336 = arith.addi %and3A_333, %add3A_335 : vector<16xi32>
    %gather3A_337 = tpu.vector_load_idx %arg7[%shift_right_arithmetic3A_330, %add3A_336] : memref<80x144xf32, #tpu.memory_space<vmem>>[vector<16xi32>, vector<16xi32>], vector<16xf32>,
    %gather3A_338 = tpu.vector_load_idx %arg9[%shift_right_arithmetic3A_330, %and3A_333] : memref<80x16xf32, #tpu.memory_space<vmem>>[vector<16xi32>, vector<16xi32>], vector<16xf32>,
    %add3A_339 = arith.addf %gather3A_337, %gather3A_338 : vector<16xf32>
    %max3A_340 = arith.constant 0.000000e+00 : f32
    %max3A_341 = vector.broadcast %max3A_340 : f32 to vector<16xf32>
    %max3A_342 = arith.maximumf %add3A_339, %max3A_341 : vector<16xf32>
    %min3A_343 = arith.constant 0.000000e+00 : f32
    %min3A_344 = vector.broadcast %min3A_343 : f32 to vector<16xf32>
    %min3A_345 = arith.minimumf %add3A_339, %min3A_344 : vector<16xf32>
    %mul3A_346 = arith.constant 2.000000e-01 : f32
    %mul3A_347 = vector.broadcast %mul3A_346 : f32 to vector<16xf32>
    %mul3A_348 = arith.mulf %mul3A_347, %min3A_345 : vector<16xf32>
    %add3A_349 = arith.addf %max3A_342, %mul3A_348 : vector<16xf32>
    %exp3A_350 = math.exp %add3A_349 : vector<16xf32>
    tpu.vector_store_idx %arg11[%shift_right_arithmetic3A_330, %and3A_333], %exp3A_350 : memref<80x16xf32, #tpu.memory_space<vmem>>[vector<16xi32>, vector<16xi32>], vector<16xf32>,
    %add3A_351 = arith.constant 160 : i32
    %add3A_352 = vector.broadcast %add3A_351 : i32 to vector<16xi32>
    %add3A_353 = arith.addi %add3A_352, %iota3A : vector<16xi32>
    %shift_right_arithmetic3A_354 = arith.constant 2 : i32
    %shift_right_arithmetic3A_355 = vector.broadcast %shift_right_arithmetic3A_354 : i32 to vector<16xi32>
    %shift_right_arithmetic3A_356 = arith.shrsi %add3A_353, %shift_right_arithmetic3A_355 : vector<16xi32>
    %and3A_357 = arith.constant 3 : i32
    %and3A_358 = vector.broadcast %and3A_357 : i32 to vector<16xi32>
    %and3A_359 = arith.andi %add3A_353, %and3A_358 : vector<16xi32>
    %add3A_360 = arith.constant 128 : i32
    %add3A_361 = vector.broadcast %add3A_360 : i32 to vector<16xi32>
    %add3A_362 = arith.addi %and3A_359, %add3A_361 : vector<16xi32>
    %gather3A_363 = tpu.vector_load_idx %arg7[%shift_right_arithmetic3A_356, %add3A_362] : memref<80x144xf32, #tpu.memory_space<vmem>>[vector<16xi32>, vector<16xi32>], vector<16xf32>,
    %gather3A_364 = tpu.vector_load_idx %arg9[%shift_right_arithmetic3A_356, %and3A_359] : memref<80x16xf32, #tpu.memory_space<vmem>>[vector<16xi32>, vector<16xi32>], vector<16xf32>,
    %add3A_365 = arith.addf %gather3A_363, %gather3A_364 : vector<16xf32>
    %max3A_366 = arith.constant 0.000000e+00 : f32
    %max3A_367 = vector.broadcast %max3A_366 : f32 to vector<16xf32>
    %max3A_368 = arith.maximumf %add3A_365, %max3A_367 : vector<16xf32>
    %min3A_369 = arith.constant 0.000000e+00 : f32
    %min3A_370 = vector.broadcast %min3A_369 : f32 to vector<16xf32>
    %min3A_371 = arith.minimumf %add3A_365, %min3A_370 : vector<16xf32>
    %mul3A_372 = arith.constant 2.000000e-01 : f32
    %mul3A_373 = vector.broadcast %mul3A_372 : f32 to vector<16xf32>
    %mul3A_374 = arith.mulf %mul3A_373, %min3A_371 : vector<16xf32>
    %add3A_375 = arith.addf %max3A_368, %mul3A_374 : vector<16xf32>
    %exp3A_376 = math.exp %add3A_375 : vector<16xf32>
    tpu.vector_store_idx %arg11[%shift_right_arithmetic3A_356, %and3A_359], %exp3A_376 : memref<80x16xf32, #tpu.memory_space<vmem>>[vector<16xi32>, vector<16xi32>], vector<16xf32>,
    %add3A_377 = arith.constant 176 : i32
    %add3A_378 = vector.broadcast %add3A_377 : i32 to vector<16xi32>
    %add3A_379 = arith.addi %add3A_378, %iota3A : vector<16xi32>
    %shift_right_arithmetic3A_380 = arith.constant 2 : i32
    %shift_right_arithmetic3A_381 = vector.broadcast %shift_right_arithmetic3A_380 : i32 to vector<16xi32>
    %shift_right_arithmetic3A_382 = arith.shrsi %add3A_379, %shift_right_arithmetic3A_381 : vector<16xi32>
    %and3A_383 = arith.constant 3 : i32
    %and3A_384 = vector.broadcast %and3A_383 : i32 to vector<16xi32>
    %and3A_385 = arith.andi %add3A_379, %and3A_384 : vector<16xi32>
    %add3A_386 = arith.constant 128 : i32
    %add3A_387 = vector.broadcast %add3A_386 : i32 to vector<16xi32>
    %add3A_388 = arith.addi %and3A_385, %add3A_387 : vector<16xi32>
    %gather3A_389 = tpu.vector_load_idx %arg7[%shift_right_arithmetic3A_382, %add3A_388] : memref<80x144xf32, #tpu.memory_space<vmem>>[vector<16xi32>, vector<16xi32>], vector<16xf32>,
    %gather3A_390 = tpu.vector_load_idx %arg9[%shift_right_arithmetic3A_382, %and3A_385] : memref<80x16xf32, #tpu.memory_space<vmem>>[vector<16xi32>, vector<16xi32>], vector<16xf32>,
    %add3A_391 = arith.addf %gather3A_389, %gather3A_390 : vector<16xf32>
    %max3A_392 = arith.constant 0.000000e+00 : f32
    %max3A_393 = vector.broadcast %max3A_392 : f32 to vector<16xf32>
    %max3A_394 = arith.maximumf %add3A_391, %max3A_393 : vector<16xf32>
    %min3A_395 = arith.constant 0.000000e+00 : f32
    %min3A_396 = vector.broadcast %min3A_395 : f32 to vector<16xf32>
    %min3A_397 = arith.minimumf %add3A_391, %min3A_396 : vector<16xf32>
    %mul3A_398 = arith.constant 2.000000e-01 : f32
    %mul3A_399 = vector.broadcast %mul3A_398 : f32 to vector<16xf32>
    %mul3A_400 = arith.mulf %mul3A_399, %min3A_397 : vector<16xf32>
    %add3A_401 = arith.addf %max3A_394, %mul3A_400 : vector<16xf32>
    %exp3A_402 = math.exp %add3A_401 : vector<16xf32>
    tpu.vector_store_idx %arg11[%shift_right_arithmetic3A_382, %and3A_385], %exp3A_402 : memref<80x16xf32, #tpu.memory_space<vmem>>[vector<16xi32>, vector<16xi32>], vector<16xf32>,
    %add3A_403 = arith.constant 192 : i32
    %add3A_404 = vector.broadcast %add3A_403 : i32 to vector<16xi32>
    %add3A_405 = arith.addi %add3A_404, %iota3A : vector<16xi32>
    %shift_right_arithmetic3A_406 = arith.constant 2 : i32
    %shift_right_arithmetic3A_407 = vector.broadcast %shift_right_arithmetic3A_406 : i32 to vector<16xi32>
    %shift_right_arithmetic3A_408 = arith.shrsi %add3A_405, %shift_right_arithmetic3A_407 : vector<16xi32>
    %and3A_409 = arith.constant 3 : i32
    %and3A_410 = vector.broadcast %and3A_409 : i32 to vector<16xi32>
    %and3A_411 = arith.andi %add3A_405, %and3A_410 : vector<16xi32>
    %add3A_412 = arith.constant 128 : i32
    %add3A_413 = vector.broadcast %add3A_412 : i32 to vector<16xi32>
    %add3A_414 = arith.addi %and3A_411, %add3A_413 : vector<16xi32>
    %gather3A_415 = tpu.vector_load_idx %arg7[%shift_right_arithmetic3A_408, %add3A_414] : memref<80x144xf32, #tpu.memory_space<vmem>>[vector<16xi32>, vector<16xi32>], vector<16xf32>,
    %gather3A_416 = tpu.vector_load_idx %arg9[%shift_right_arithmetic3A_408, %and3A_411] : memref<80x16xf32, #tpu.memory_space<vmem>>[vector<16xi32>, vector<16xi32>], vector<16xf32>,
    %add3A_417 = arith.addf %gather3A_415, %gather3A_416 : vector<16xf32>
    %max3A_418 = arith.constant 0.000000e+00 : f32
    %max3A_419 = vector.broadcast %max3A_418 : f32 to vector<16xf32>
    %max3A_420 = arith.maximumf %add3A_417, %max3A_419 : vector<16xf32>
    %min3A_421 = arith.constant 0.000000e+00 : f32
    %min3A_422 = vector.broadcast %min3A_421 : f32 to vector<16xf32>
    %min3A_423 = arith.minimumf %add3A_417, %min3A_422 : vector<16xf32>
    %mul3A_424 = arith.constant 2.000000e-01 : f32
    %mul3A_425 = vector.broadcast %mul3A_424 : f32 to vector<16xf32>
    %mul3A_426 = arith.mulf %mul3A_425, %min3A_423 : vector<16xf32>
    %add3A_427 = arith.addf %max3A_420, %mul3A_426 : vector<16xf32>
    %exp3A_428 = math.exp %add3A_427 : vector<16xf32>
    tpu.vector_store_idx %arg11[%shift_right_arithmetic3A_408, %and3A_411], %exp3A_428 : memref<80x16xf32, #tpu.memory_space<vmem>>[vector<16xi32>, vector<16xi32>], vector<16xf32>,
    %add3A_429 = arith.constant 208 : i32
    %add3A_430 = vector.broadcast %add3A_429 : i32 to vector<16xi32>
    %add3A_431 = arith.addi %add3A_430, %iota3A : vector<16xi32>
    %shift_right_arithmetic3A_432 = arith.constant 2 : i32
    %shift_right_arithmetic3A_433 = vector.broadcast %shift_right_arithmetic3A_432 : i32 to vector<16xi32>
    %shift_right_arithmetic3A_434 = arith.shrsi %add3A_431, %shift_right_arithmetic3A_433 : vector<16xi32>
    %and3A_435 = arith.constant 3 : i32
    %and3A_436 = vector.broadcast %and3A_435 : i32 to vector<16xi32>
    %and3A_437 = arith.andi %add3A_431, %and3A_436 : vector<16xi32>
    %add3A_438 = arith.constant 128 : i32
    %add3A_439 = vector.broadcast %add3A_438 : i32 to vector<16xi32>
    %add3A_440 = arith.addi %and3A_437, %add3A_439 : vector<16xi32>
    %gather3A_441 = tpu.vector_load_idx %arg7[%shift_right_arithmetic3A_434, %add3A_440] : memref<80x144xf32, #tpu.memory_space<vmem>>[vector<16xi32>, vector<16xi32>], vector<16xf32>,
    %gather3A_442 = tpu.vector_load_idx %arg9[%shift_right_arithmetic3A_434, %and3A_437] : memref<80x16xf32, #tpu.memory_space<vmem>>[vector<16xi32>, vector<16xi32>], vector<16xf32>,
    %add3A_443 = arith.addf %gather3A_441, %gather3A_442 : vector<16xf32>
    %max3A_444 = arith.constant 0.000000e+00 : f32
    %max3A_445 = vector.broadcast %max3A_444 : f32 to vector<16xf32>
    %max3A_446 = arith.maximumf %add3A_443, %max3A_445 : vector<16xf32>
    %min3A_447 = arith.constant 0.000000e+00 : f32
    %min3A_448 = vector.broadcast %min3A_447 : f32 to vector<16xf32>
    %min3A_449 = arith.minimumf %add3A_443, %min3A_448 : vector<16xf32>
    %mul3A_450 = arith.constant 2.000000e-01 : f32
    %mul3A_451 = vector.broadcast %mul3A_450 : f32 to vector<16xf32>
    %mul3A_452 = arith.mulf %mul3A_451, %min3A_449 : vector<16xf32>
    %add3A_453 = arith.addf %max3A_446, %mul3A_452 : vector<16xf32>
    %exp3A_454 = math.exp %add3A_453 : vector<16xf32>
    tpu.vector_store_idx %arg11[%shift_right_arithmetic3A_434, %and3A_437], %exp3A_454 : memref<80x16xf32, #tpu.memory_space<vmem>>[vector<16xi32>, vector<16xi32>], vector<16xf32>,
    %add3A_455 = arith.constant 224 : i32
    %add3A_456 = vector.broadcast %add3A_455 : i32 to vector<16xi32>
    %add3A_457 = arith.addi %add3A_456, %iota3A : vector<16xi32>
    %shift_right_arithmetic3A_458 = arith.constant 2 : i32
    %shift_right_arithmetic3A_459 = vector.broadcast %shift_right_arithmetic3A_458 : i32 to vector<16xi32>
    %shift_right_arithmetic3A_460 = arith.shrsi %add3A_457, %shift_right_arithmetic3A_459 : vector<16xi32>
    %and3A_461 = arith.constant 3 : i32
    %and3A_462 = vector.broadcast %and3A_461 : i32 to vector<16xi32>
    %and3A_463 = arith.andi %add3A_457, %and3A_462 : vector<16xi32>
    %add3A_464 = arith.constant 128 : i32
    %add3A_465 = vector.broadcast %add3A_464 : i32 to vector<16xi32>
    %add3A_466 = arith.addi %and3A_463, %add3A_465 : vector<16xi32>
    %gather3A_467 = tpu.vector_load_idx %arg7[%shift_right_arithmetic3A_460, %add3A_466] : memref<80x144xf32, #tpu.memory_space<vmem>>[vector<16xi32>, vector<16xi32>], vector<16xf32>,
    %gather3A_468 = tpu.vector_load_idx %arg9[%shift_right_arithmetic3A_460, %and3A_463] : memref<80x16xf32, #tpu.memory_space<vmem>>[vector<16xi32>, vector<16xi32>], vector<16xf32>,
    %add3A_469 = arith.addf %gather3A_467, %gather3A_468 : vector<16xf32>
    %max3A_470 = arith.constant 0.000000e+00 : f32
    %max3A_471 = vector.broadcast %max3A_470 : f32 to vector<16xf32>
    %max3A_472 = arith.maximumf %add3A_469, %max3A_471 : vector<16xf32>
    %min3A_473 = arith.constant 0.000000e+00 : f32
    %min3A_474 = vector.broadcast %min3A_473 : f32 to vector<16xf32>
    %min3A_475 = arith.minimumf %add3A_469, %min3A_474 : vector<16xf32>
    %mul3A_476 = arith.constant 2.000000e-01 : f32
    %mul3A_477 = vector.broadcast %mul3A_476 : f32 to vector<16xf32>
    %mul3A_478 = arith.mulf %mul3A_477, %min3A_475 : vector<16xf32>
    %add3A_479 = arith.addf %max3A_472, %mul3A_478 : vector<16xf32>
    %exp3A_480 = math.exp %add3A_479 : vector<16xf32>
    tpu.vector_store_idx %arg11[%shift_right_arithmetic3A_460, %and3A_463], %exp3A_480 : memref<80x16xf32, #tpu.memory_space<vmem>>[vector<16xi32>, vector<16xi32>], vector<16xf32>,
    %add3A_481 = arith.constant 240 : i32
    %add3A_482 = vector.broadcast %add3A_481 : i32 to vector<16xi32>
    %add3A_483 = arith.addi %add3A_482, %iota3A : vector<16xi32>
    %shift_right_arithmetic3A_484 = arith.constant 2 : i32
    %shift_right_arithmetic3A_485 = vector.broadcast %shift_right_arithmetic3A_484 : i32 to vector<16xi32>
    %shift_right_arithmetic3A_486 = arith.shrsi %add3A_483, %shift_right_arithmetic3A_485 : vector<16xi32>
    %and3A_487 = arith.constant 3 : i32
    %and3A_488 = vector.broadcast %and3A_487 : i32 to vector<16xi32>
    %and3A_489 = arith.andi %add3A_483, %and3A_488 : vector<16xi32>
    %add3A_490 = arith.constant 128 : i32
    %add3A_491 = vector.broadcast %add3A_490 : i32 to vector<16xi32>
    %add3A_492 = arith.addi %and3A_489, %add3A_491 : vector<16xi32>
    %gather3A_493 = tpu.vector_load_idx %arg7[%shift_right_arithmetic3A_486, %add3A_492] : memref<80x144xf32, #tpu.memory_space<vmem>>[vector<16xi32>, vector<16xi32>], vector<16xf32>,
    %gather3A_494 = tpu.vector_load_idx %arg9[%shift_right_arithmetic3A_486, %and3A_489] : memref<80x16xf32, #tpu.memory_space<vmem>>[vector<16xi32>, vector<16xi32>], vector<16xf32>,
    %add3A_495 = arith.addf %gather3A_493, %gather3A_494 : vector<16xf32>
    %max3A_496 = arith.constant 0.000000e+00 : f32
    %max3A_497 = vector.broadcast %max3A_496 : f32 to vector<16xf32>
    %max3A_498 = arith.maximumf %add3A_495, %max3A_497 : vector<16xf32>
    %min3A_499 = arith.constant 0.000000e+00 : f32
    %min3A_500 = vector.broadcast %min3A_499 : f32 to vector<16xf32>
    %min3A_501 = arith.minimumf %add3A_495, %min3A_500 : vector<16xf32>
    %mul3A_502 = arith.constant 2.000000e-01 : f32
    %mul3A_503 = vector.broadcast %mul3A_502 : f32 to vector<16xf32>
    %mul3A_504 = arith.mulf %mul3A_503, %min3A_501 : vector<16xf32>
    %add3A_505 = arith.addf %max3A_498, %mul3A_504 : vector<16xf32>
    %exp3A_506 = math.exp %add3A_505 : vector<16xf32>
    tpu.vector_store_idx %arg11[%shift_right_arithmetic3A_486, %and3A_489], %exp3A_506 : memref<80x16xf32, #tpu.memory_space<vmem>>[vector<16xi32>, vector<16xi32>], vector<16xf32>,
    %add3A_507 = arith.constant 256 : i32
    %add3A_508 = vector.broadcast %add3A_507 : i32 to vector<16xi32>
    %add3A_509 = arith.addi %add3A_508, %iota3A : vector<16xi32>
    %shift_right_arithmetic3A_510 = arith.constant 2 : i32
    %shift_right_arithmetic3A_511 = vector.broadcast %shift_right_arithmetic3A_510 : i32 to vector<16xi32>
    %shift_right_arithmetic3A_512 = arith.shrsi %add3A_509, %shift_right_arithmetic3A_511 : vector<16xi32>
    %and3A_513 = arith.constant 3 : i32
    %and3A_514 = vector.broadcast %and3A_513 : i32 to vector<16xi32>
    %and3A_515 = arith.andi %add3A_509, %and3A_514 : vector<16xi32>
    %add3A_516 = arith.constant 128 : i32
    %add3A_517 = vector.broadcast %add3A_516 : i32 to vector<16xi32>
    %add3A_518 = arith.addi %and3A_515, %add3A_517 : vector<16xi32>
    %gather3A_519 = tpu.vector_load_idx %arg7[%shift_right_arithmetic3A_512, %add3A_518] : memref<80x144xf32, #tpu.memory_space<vmem>>[vector<16xi32>, vector<16xi32>], vector<16xf32>,
    %gather3A_520 = tpu.vector_load_idx %arg9[%shift_right_arithmetic3A_512, %and3A_515] : memref<80x16xf32, #tpu.memory_space<vmem>>[vector<16xi32>, vector<16xi32>], vector<16xf32>,
    %add3A_521 = arith.addf %gather3A_519, %gather3A_520 : vector<16xf32>
    %max3A_522 = arith.constant 0.000000e+00 : f32
    %max3A_523 = vector.broadcast %max3A_522 : f32 to vector<16xf32>
    %max3A_524 = arith.maximumf %add3A_521, %max3A_523 : vector<16xf32>
    %min3A_525 = arith.constant 0.000000e+00 : f32
    %min3A_526 = vector.broadcast %min3A_525 : f32 to vector<16xf32>
    %min3A_527 = arith.minimumf %add3A_521, %min3A_526 : vector<16xf32>
    %mul3A_528 = arith.constant 2.000000e-01 : f32
    %mul3A_529 = vector.broadcast %mul3A_528 : f32 to vector<16xf32>
    %mul3A_530 = arith.mulf %mul3A_529, %min3A_527 : vector<16xf32>
    %add3A_531 = arith.addf %max3A_524, %mul3A_530 : vector<16xf32>
    %exp3A_532 = math.exp %add3A_531 : vector<16xf32>
    tpu.vector_store_idx %arg11[%shift_right_arithmetic3A_512, %and3A_515], %exp3A_532 : memref<80x16xf32, #tpu.memory_space<vmem>>[vector<16xi32>, vector<16xi32>], vector<16xf32>,
    %add3A_533 = arith.constant 272 : i32
    %add3A_534 = vector.broadcast %add3A_533 : i32 to vector<16xi32>
    %add3A_535 = arith.addi %add3A_534, %iota3A : vector<16xi32>
    %shift_right_arithmetic3A_536 = arith.constant 2 : i32
    %shift_right_arithmetic3A_537 = vector.broadcast %shift_right_arithmetic3A_536 : i32 to vector<16xi32>
    %shift_right_arithmetic3A_538 = arith.shrsi %add3A_535, %shift_right_arithmetic3A_537 : vector<16xi32>
    %and3A_539 = arith.constant 3 : i32
    %and3A_540 = vector.broadcast %and3A_539 : i32 to vector<16xi32>
    %and3A_541 = arith.andi %add3A_535, %and3A_540 : vector<16xi32>
    %add3A_542 = arith.constant 128 : i32
    %add3A_543 = vector.broadcast %add3A_542 : i32 to vector<16xi32>
    %add3A_544 = arith.addi %and3A_541, %add3A_543 : vector<16xi32>
    %gather3A_545 = tpu.vector_load_idx %arg7[%shift_right_arithmetic3A_538, %add3A_544] : memref<80x144xf32, #tpu.memory_space<vmem>>[vector<16xi32>, vector<16xi32>], vector<16xf32>,
    %gather3A_546 = tpu.vector_load_idx %arg9[%shift_right_arithmetic3A_538, %and3A_541] : memref<80x16xf32, #tpu.memory_space<vmem>>[vector<16xi32>, vector<16xi32>], vector<16xf32>,
    %add3A_547 = arith.addf %gather3A_545, %gather3A_546 : vector<16xf32>
    %max3A_548 = arith.constant 0.000000e+00 : f32
    %max3A_549 = vector.broadcast %max3A_548 : f32 to vector<16xf32>
    %max3A_550 = arith.maximumf %add3A_547, %max3A_549 : vector<16xf32>
    %min3A_551 = arith.constant 0.000000e+00 : f32
    %min3A_552 = vector.broadcast %min3A_551 : f32 to vector<16xf32>
    %min3A_553 = arith.minimumf %add3A_547, %min3A_552 : vector<16xf32>
    %mul3A_554 = arith.constant 2.000000e-01 : f32
    %mul3A_555 = vector.broadcast %mul3A_554 : f32 to vector<16xf32>
    %mul3A_556 = arith.mulf %mul3A_555, %min3A_553 : vector<16xf32>
    %add3A_557 = arith.addf %max3A_550, %mul3A_556 : vector<16xf32>
    %exp3A_558 = math.exp %add3A_557 : vector<16xf32>
    tpu.vector_store_idx %arg11[%shift_right_arithmetic3A_538, %and3A_541], %exp3A_558 : memref<80x16xf32, #tpu.memory_space<vmem>>[vector<16xi32>, vector<16xi32>], vector<16xf32>,
    %add3A_559 = arith.constant 288 : i32
    %add3A_560 = vector.broadcast %add3A_559 : i32 to vector<16xi32>
    %add3A_561 = arith.addi %add3A_560, %iota3A : vector<16xi32>
    %shift_right_arithmetic3A_562 = arith.constant 2 : i32
    %shift_right_arithmetic3A_563 = vector.broadcast %shift_right_arithmetic3A_562 : i32 to vector<16xi32>
    %shift_right_arithmetic3A_564 = arith.shrsi %add3A_561, %shift_right_arithmetic3A_563 : vector<16xi32>
    %and3A_565 = arith.constant 3 : i32
    %and3A_566 = vector.broadcast %and3A_565 : i32 to vector<16xi32>
    %and3A_567 = arith.andi %add3A_561, %and3A_566 : vector<16xi32>
    %add3A_568 = arith.constant 128 : i32
    %add3A_569 = vector.broadcast %add3A_568 : i32 to vector<16xi32>
    %add3A_570 = arith.addi %and3A_567, %add3A_569 : vector<16xi32>
    %gather3A_571 = tpu.vector_load_idx %arg7[%shift_right_arithmetic3A_564, %add3A_570] : memref<80x144xf32, #tpu.memory_space<vmem>>[vector<16xi32>, vector<16xi32>], vector<16xf32>,
    %gather3A_572 = tpu.vector_load_idx %arg9[%shift_right_arithmetic3A_564, %and3A_567] : memref<80x16xf32, #tpu.memory_space<vmem>>[vector<16xi32>, vector<16xi32>], vector<16xf32>,
    %add3A_573 = arith.addf %gather3A_571, %gather3A_572 : vector<16xf32>
    %max3A_574 = arith.constant 0.000000e+00 : f32
    %max3A_575 = vector.broadcast %max3A_574 : f32 to vector<16xf32>
    %max3A_576 = arith.maximumf %add3A_573, %max3A_575 : vector<16xf32>
    %min3A_577 = arith.constant 0.000000e+00 : f32
    %min3A_578 = vector.broadcast %min3A_577 : f32 to vector<16xf32>
    %min3A_579 = arith.minimumf %add3A_573, %min3A_578 : vector<16xf32>
    %mul3A_580 = arith.constant 2.000000e-01 : f32
    %mul3A_581 = vector.broadcast %mul3A_580 : f32 to vector<16xf32>
    %mul3A_582 = arith.mulf %mul3A_581, %min3A_579 : vector<16xf32>
    %add3A_583 = arith.addf %max3A_576, %mul3A_582 : vector<16xf32>
    %exp3A_584 = math.exp %add3A_583 : vector<16xf32>
    tpu.vector_store_idx %arg11[%shift_right_arithmetic3A_564, %and3A_567], %exp3A_584 : memref<80x16xf32, #tpu.memory_space<vmem>>[vector<16xi32>, vector<16xi32>], vector<16xf32>,
    %add3A_585 = arith.constant 304 : i32
    %add3A_586 = vector.broadcast %add3A_585 : i32 to vector<16xi32>
    %add3A_587 = arith.addi %add3A_586, %iota3A : vector<16xi32>
    %shift_right_arithmetic3A_588 = arith.constant 2 : i32
    %shift_right_arithmetic3A_589 = vector.broadcast %shift_right_arithmetic3A_588 : i32 to vector<16xi32>
    %shift_right_arithmetic3A_590 = arith.shrsi %add3A_587, %shift_right_arithmetic3A_589 : vector<16xi32>
    %and3A_591 = arith.constant 3 : i32
    %and3A_592 = vector.broadcast %and3A_591 : i32 to vector<16xi32>
    %and3A_593 = arith.andi %add3A_587, %and3A_592 : vector<16xi32>
    %add3A_594 = arith.constant 128 : i32
    %add3A_595 = vector.broadcast %add3A_594 : i32 to vector<16xi32>
    %add3A_596 = arith.addi %and3A_593, %add3A_595 : vector<16xi32>
    %gather3A_597 = tpu.vector_load_idx %arg7[%shift_right_arithmetic3A_590, %add3A_596] : memref<80x144xf32, #tpu.memory_space<vmem>>[vector<16xi32>, vector<16xi32>], vector<16xf32>,
    %gather3A_598 = tpu.vector_load_idx %arg9[%shift_right_arithmetic3A_590, %and3A_593] : memref<80x16xf32, #tpu.memory_space<vmem>>[vector<16xi32>, vector<16xi32>], vector<16xf32>,
    %add3A_599 = arith.addf %gather3A_597, %gather3A_598 : vector<16xf32>
    %max3A_600 = arith.constant 0.000000e+00 : f32
    %max3A_601 = vector.broadcast %max3A_600 : f32 to vector<16xf32>
    %max3A_602 = arith.maximumf %add3A_599, %max3A_601 : vector<16xf32>
    %min3A_603 = arith.constant 0.000000e+00 : f32
    %min3A_604 = vector.broadcast %min3A_603 : f32 to vector<16xf32>
    %min3A_605 = arith.minimumf %add3A_599, %min3A_604 : vector<16xf32>
    %mul3A_606 = arith.constant 2.000000e-01 : f32
    %mul3A_607 = vector.broadcast %mul3A_606 : f32 to vector<16xf32>
    %mul3A_608 = arith.mulf %mul3A_607, %min3A_605 : vector<16xf32>
    %add3A_609 = arith.addf %max3A_602, %mul3A_608 : vector<16xf32>
    %exp3A_610 = math.exp %add3A_609 : vector<16xf32>
    tpu.vector_store_idx %arg11[%shift_right_arithmetic3A_590, %and3A_593], %exp3A_610 : memref<80x16xf32, #tpu.memory_space<vmem>>[vector<16xi32>, vector<16xi32>], vector<16xf32>,
    %scan3A_611 = arith.constant 0 : i32
    %scan3A_612 = arith.constant 20 : i32
    %scan3A_613 = arith.addi %scan3A_611, %scan3A_612 : i32
    %scan3A_614 = arith.constant 1 : i32
    scf.for %scan3A_689 = %scan3A_611 to %scan3A_613 step %scan3A_614  : i32 {
      %mul3A_690 = arith.constant 4 : i32
      %mul3A_691 = arith.muli %mul3A_690, %scan3A_689 : i32
      %add3A_692 = arith.constant 0 : i32
      %add3A_693 = arith.addi %mul3A_691, %add3A_692 : i32
      %get3A = arith.index_cast %add3A_693 : i32 to index
      %get3A_694 = arith.constant 0 : index
      %get3A_695 = tpu.vector_load %arg11[%get3A, %get3A_694] {strides = array<i32>} : memref<80x16xf32, #tpu.memory_space<vmem>>, vector<16xf32>,
      %slice3A = vector.extract_strided_slice %get3A_695 {offsets = [0], sizes = [1], strides = [1]} : vector<16xf32> to vector<1xf32>
      %squeeze3A = vector.extract %slice3A[0] : f32 from vector<1xf32>
      %get3A_696 = arith.index_cast %add3A_693 : i32 to index
      %get3A_697 = arith.constant 0 : index
      %get3A_698 = tpu.vector_load %arg7[%get3A_696, %get3A_697] {strides = array<i32>} : memref<80x144xf32, #tpu.memory_space<vmem>>, vector<16xf32>,
      %mul3A_699 = vector.broadcast %squeeze3A : f32 to vector<16xf32>
      %mul3A_700 = arith.mulf %get3A_698, %mul3A_699 : vector<16xf32>
      %swap3A = arith.index_cast %add3A_693 : i32 to index
      %swap3A_701 = arith.constant 0 : index
      %swap3A_702 = tpu.vector_load %arg7[%swap3A, %swap3A_701] {strides = array<i32>} : memref<80x144xf32, #tpu.memory_space<vmem>>, vector<16xf32>,
      tpu.vector_store %arg7[%swap3A, %swap3A_701], %mul3A_700 {strides = array<i32>} : memref<80x144xf32, #tpu.memory_space<vmem>>, vector<16xf32>,
      %get3A_703 = arith.index_cast %add3A_693 : i32 to index
      %get3A_704 = arith.constant 16 : index
      %get3A_705 = tpu.vector_load %arg7[%get3A_703, %get3A_704] {strides = array<i32>} : memref<80x144xf32, #tpu.memory_space<vmem>>, vector<16xf32>,
      %mul3A_706 = vector.broadcast %squeeze3A : f32 to vector<16xf32>
      %mul3A_707 = arith.mulf %get3A_705, %mul3A_706 : vector<16xf32>
      %swap3A_708 = arith.index_cast %add3A_693 : i32 to index
      %swap3A_709 = arith.constant 16 : index
      %swap3A_710 = tpu.vector_load %arg7[%swap3A_708, %swap3A_709] {strides = array<i32>} : memref<80x144xf32, #tpu.memory_space<vmem>>, vector<16xf32>,
      tpu.vector_store %arg7[%swap3A_708, %swap3A_709], %mul3A_707 {strides = array<i32>} : memref<80x144xf32, #tpu.memory_space<vmem>>, vector<16xf32>,
      %slice3A_711 = vector.extract_strided_slice %get3A_695 {offsets = [1], sizes = [1], strides = [1]} : vector<16xf32> to vector<1xf32>
      %squeeze3A_712 = vector.extract %slice3A_711[0] : f32 from vector<1xf32>
      %get3A_713 = arith.index_cast %add3A_693 : i32 to index
      %get3A_714 = arith.constant 32 : index
      %get3A_715 = tpu.vector_load %arg7[%get3A_713, %get3A_714] {strides = array<i32>} : memref<80x144xf32, #tpu.memory_space<vmem>>, vector<16xf32>,
      %mul3A_716 = vector.broadcast %squeeze3A_712 : f32 to vector<16xf32>
      %mul3A_717 = arith.mulf %get3A_715, %mul3A_716 : vector<16xf32>
      %swap3A_718 = arith.index_cast %add3A_693 : i32 to index
      %swap3A_719 = arith.constant 32 : index
      %swap3A_720 = tpu.vector_load %arg7[%swap3A_718, %swap3A_719] {strides = array<i32>} : memref<80x144xf32, #tpu.memory_space<vmem>>, vector<16xf32>,
      tpu.vector_store %arg7[%swap3A_718, %swap3A_719], %mul3A_717 {strides = array<i32>} : memref<80x144xf32, #tpu.memory_space<vmem>>, vector<16xf32>,
      %get3A_721 = arith.index_cast %add3A_693 : i32 to index
      %get3A_722 = arith.constant 48 : index
      %get3A_723 = tpu.vector_load %arg7[%get3A_721, %get3A_722] {strides = array<i32>} : memref<80x144xf32, #tpu.memory_space<vmem>>, vector<16xf32>,
      %mul3A_724 = vector.broadcast %squeeze3A_712 : f32 to vector<16xf32>
      %mul3A_725 = arith.mulf %get3A_723, %mul3A_724 : vector<16xf32>
      %swap3A_726 = arith.index_cast %add3A_693 : i32 to index
      %swap3A_727 = arith.constant 48 : index
      %swap3A_728 = tpu.vector_load %arg7[%swap3A_726, %swap3A_727] {strides = array<i32>} : memref<80x144xf32, #tpu.memory_space<vmem>>, vector<16xf32>,
      tpu.vector_store %arg7[%swap3A_726, %swap3A_727], %mul3A_725 {strides = array<i32>} : memref<80x144xf32, #tpu.memory_space<vmem>>, vector<16xf32>,
      %slice3A_729 = vector.extract_strided_slice %get3A_695 {offsets = [2], sizes = [1], strides = [1]} : vector<16xf32> to vector<1xf32>
      %squeeze3A_730 = vector.extract %slice3A_729[0] : f32 from vector<1xf32>
      %get3A_731 = arith.index_cast %add3A_693 : i32 to index
      %get3A_732 = arith.constant 64 : index
      %get3A_733 = tpu.vector_load %arg7[%get3A_731, %get3A_732] {strides = array<i32>} : memref<80x144xf32, #tpu.memory_space<vmem>>, vector<16xf32>,
      %mul3A_734 = vector.broadcast %squeeze3A_730 : f32 to vector<16xf32>
      %mul3A_735 = arith.mulf %get3A_733, %mul3A_734 : vector<16xf32>
      %swap3A_736 = arith.index_cast %add3A_693 : i32 to index
      %swap3A_737 = arith.constant 64 : index
      %swap3A_738 = tpu.vector_load %arg7[%swap3A_736, %swap3A_737] {strides = array<i32>} : memref<80x144xf32, #tpu.memory_space<vmem>>, vector<16xf32>,
      tpu.vector_store %arg7[%swap3A_736, %swap3A_737], %mul3A_735 {strides = array<i32>} : memref<80x144xf32, #tpu.memory_space<vmem>>, vector<16xf32>,
      %get3A_739 = arith.index_cast %add3A_693 : i32 to index
      %get3A_740 = arith.constant 80 : index
      %get3A_741 = tpu.vector_load %arg7[%get3A_739, %get3A_740] {strides = array<i32>} : memref<80x144xf32, #tpu.memory_space<vmem>>, vector<16xf32>,
      %mul3A_742 = vector.broadcast %squeeze3A_730 : f32 to vector<16xf32>
      %mul3A_743 = arith.mulf %get3A_741, %mul3A_742 : vector<16xf32>
      %swap3A_744 = arith.index_cast %add3A_693 : i32 to index
      %swap3A_745 = arith.constant 80 : index
      %swap3A_746 = tpu.vector_load %arg7[%swap3A_744, %swap3A_745] {strides = array<i32>} : memref<80x144xf32, #tpu.memory_space<vmem>>, vector<16xf32>,
      tpu.vector_store %arg7[%swap3A_744, %swap3A_745], %mul3A_743 {strides = array<i32>} : memref<80x144xf32, #tpu.memory_space<vmem>>, vector<16xf32>,
      %slice3A_747 = vector.extract_strided_slice %get3A_695 {offsets = [3], sizes = [1], strides = [1]} : vector<16xf32> to vector<1xf32>
      %squeeze3A_748 = vector.extract %slice3A_747[0] : f32 from vector<1xf32>
      %get3A_749 = arith.index_cast %add3A_693 : i32 to index
      %get3A_750 = arith.constant 96 : index
      %get3A_751 = tpu.vector_load %arg7[%get3A_749, %get3A_750] {strides = array<i32>} : memref<80x144xf32, #tpu.memory_space<vmem>>, vector<16xf32>,
      %mul3A_752 = vector.broadcast %squeeze3A_748 : f32 to vector<16xf32>
      %mul3A_753 = arith.mulf %get3A_751, %mul3A_752 : vector<16xf32>
      %swap3A_754 = arith.index_cast %add3A_693 : i32 to index
      %swap3A_755 = arith.constant 96 : index
      %swap3A_756 = tpu.vector_load %arg7[%swap3A_754, %swap3A_755] {strides = array<i32>} : memref<80x144xf32, #tpu.memory_space<vmem>>, vector<16xf32>,
      tpu.vector_store %arg7[%swap3A_754, %swap3A_755], %mul3A_753 {strides = array<i32>} : memref<80x144xf32, #tpu.memory_space<vmem>>, vector<16xf32>,
      %get3A_757 = arith.index_cast %add3A_693 : i32 to index
      %get3A_758 = arith.constant 112 : index
      %get3A_759 = tpu.vector_load %arg7[%get3A_757, %get3A_758] {strides = array<i32>} : memref<80x144xf32, #tpu.memory_space<vmem>>, vector<16xf32>,
      %mul3A_760 = vector.broadcast %squeeze3A_748 : f32 to vector<16xf32>
      %mul3A_761 = arith.mulf %get3A_759, %mul3A_760 : vector<16xf32>
      %swap3A_762 = arith.index_cast %add3A_693 : i32 to index
      %swap3A_763 = arith.constant 112 : index
      %swap3A_764 = tpu.vector_load %arg7[%swap3A_762, %swap3A_763] {strides = array<i32>} : memref<80x144xf32, #tpu.memory_space<vmem>>, vector<16xf32>,
      tpu.vector_store %arg7[%swap3A_762, %swap3A_763], %mul3A_761 {strides = array<i32>} : memref<80x144xf32, #tpu.memory_space<vmem>>, vector<16xf32>,
      %mul3A_765 = arith.constant 4 : i32
      %mul3A_766 = arith.muli %mul3A_765, %scan3A_689 : i32
      %add3A_767 = arith.constant 1 : i32
      %add3A_768 = arith.addi %mul3A_766, %add3A_767 : i32
      %get3A_769 = arith.index_cast %add3A_768 : i32 to index
      %get3A_770 = arith.constant 0 : index
      %get3A_771 = tpu.vector_load %arg11[%get3A_769, %get3A_770] {strides = array<i32>} : memref<80x16xf32, #tpu.memory_space<vmem>>, vector<16xf32>,
      %slice3A_772 = vector.extract_strided_slice %get3A_771 {offsets = [0], sizes = [1], strides = [1]} : vector<16xf32> to vector<1xf32>
      %squeeze3A_773 = vector.extract %slice3A_772[0] : f32 from vector<1xf32>
      %get3A_774 = arith.index_cast %add3A_768 : i32 to index
      %get3A_775 = arith.constant 0 : index
      %get3A_776 = tpu.vector_load %arg7[%get3A_774, %get3A_775] {strides = array<i32>} : memref<80x144xf32, #tpu.memory_space<vmem>>, vector<16xf32>,
      %mul3A_777 = vector.broadcast %squeeze3A_773 : f32 to vector<16xf32>
      %mul3A_778 = arith.mulf %get3A_776, %mul3A_777 : vector<16xf32>
      %swap3A_779 = arith.index_cast %add3A_768 : i32 to index
      %swap3A_780 = arith.constant 0 : index
      %swap3A_781 = tpu.vector_load %arg7[%swap3A_779, %swap3A_780] {strides = array<i32>} : memref<80x144xf32, #tpu.memory_space<vmem>>, vector<16xf32>,
      tpu.vector_store %arg7[%swap3A_779, %swap3A_780], %mul3A_778 {strides = array<i32>} : memref<80x144xf32, #tpu.memory_space<vmem>>, vector<16xf32>,
      %get3A_782 = arith.index_cast %add3A_768 : i32 to index
      %get3A_783 = arith.constant 16 : index
      %get3A_784 = tpu.vector_load %arg7[%get3A_782, %get3A_783] {strides = array<i32>} : memref<80x144xf32, #tpu.memory_space<vmem>>, vector<16xf32>,
      %mul3A_785 = vector.broadcast %squeeze3A_773 : f32 to vector<16xf32>
      %mul3A_786 = arith.mulf %get3A_784, %mul3A_785 : vector<16xf32>
      %swap3A_787 = arith.index_cast %add3A_768 : i32 to index
      %swap3A_788 = arith.constant 16 : index
      %swap3A_789 = tpu.vector_load %arg7[%swap3A_787, %swap3A_788] {strides = array<i32>} : memref<80x144xf32, #tpu.memory_space<vmem>>, vector<16xf32>,
      tpu.vector_store %arg7[%swap3A_787, %swap3A_788], %mul3A_786 {strides = array<i32>} : memref<80x144xf32, #tpu.memory_space<vmem>>, vector<16xf32>,
      %slice3A_790 = vector.extract_strided_slice %get3A_771 {offsets = [1], sizes = [1], strides = [1]} : vector<16xf32> to vector<1xf32>
      %squeeze3A_791 = vector.extract %slice3A_790[0] : f32 from vector<1xf32>
      %get3A_792 = arith.index_cast %add3A_768 : i32 to index
      %get3A_793 = arith.constant 32 : index
      %get3A_794 = tpu.vector_load %arg7[%get3A_792, %get3A_793] {strides = array<i32>} : memref<80x144xf32, #tpu.memory_space<vmem>>, vector<16xf32>,
      %mul3A_795 = vector.broadcast %squeeze3A_791 : f32 to vector<16xf32>
      %mul3A_796 = arith.mulf %get3A_794, %mul3A_795 : vector<16xf32>
      %swap3A_797 = arith.index_cast %add3A_768 : i32 to index
      %swap3A_798 = arith.constant 32 : index
      %swap3A_799 = tpu.vector_load %arg7[%swap3A_797, %swap3A_798] {strides = array<i32>} : memref<80x144xf32, #tpu.memory_space<vmem>>, vector<16xf32>,
      tpu.vector_store %arg7[%swap3A_797, %swap3A_798], %mul3A_796 {strides = array<i32>} : memref<80x144xf32, #tpu.memory_space<vmem>>, vector<16xf32>,
      %get3A_800 = arith.index_cast %add3A_768 : i32 to index
      %get3A_801 = arith.constant 48 : index
      %get3A_802 = tpu.vector_load %arg7[%get3A_800, %get3A_801] {strides = array<i32>} : memref<80x144xf32, #tpu.memory_space<vmem>>, vector<16xf32>,
      %mul3A_803 = vector.broadcast %squeeze3A_791 : f32 to vector<16xf32>
      %mul3A_804 = arith.mulf %get3A_802, %mul3A_803 : vector<16xf32>
      %swap3A_805 = arith.index_cast %add3A_768 : i32 to index
      %swap3A_806 = arith.constant 48 : index
      %swap3A_807 = tpu.vector_load %arg7[%swap3A_805, %swap3A_806] {strides = array<i32>} : memref<80x144xf32, #tpu.memory_space<vmem>>, vector<16xf32>,
      tpu.vector_store %arg7[%swap3A_805, %swap3A_806], %mul3A_804 {strides = array<i32>} : memref<80x144xf32, #tpu.memory_space<vmem>>, vector<16xf32>,
      %slice3A_808 = vector.extract_strided_slice %get3A_771 {offsets = [2], sizes = [1], strides = [1]} : vector<16xf32> to vector<1xf32>
      %squeeze3A_809 = vector.extract %slice3A_808[0] : f32 from vector<1xf32>
      %get3A_810 = arith.index_cast %add3A_768 : i32 to index
      %get3A_811 = arith.constant 64 : index
      %get3A_812 = tpu.vector_load %arg7[%get3A_810, %get3A_811] {strides = array<i32>} : memref<80x144xf32, #tpu.memory_space<vmem>>, vector<16xf32>,
      %mul3A_813 = vector.broadcast %squeeze3A_809 : f32 to vector<16xf32>
      %mul3A_814 = arith.mulf %get3A_812, %mul3A_813 : vector<16xf32>
      %swap3A_815 = arith.index_cast %add3A_768 : i32 to index
      %swap3A_816 = arith.constant 64 : index
      %swap3A_817 = tpu.vector_load %arg7[%swap3A_815, %swap3A_816] {strides = array<i32>} : memref<80x144xf32, #tpu.memory_space<vmem>>, vector<16xf32>,
      tpu.vector_store %arg7[%swap3A_815, %swap3A_816], %mul3A_814 {strides = array<i32>} : memref<80x144xf32, #tpu.memory_space<vmem>>, vector<16xf32>,
      %get3A_818 = arith.index_cast %add3A_768 : i32 to index
      %get3A_819 = arith.constant 80 : index
      %get3A_820 = tpu.vector_load %arg7[%get3A_818, %get3A_819] {strides = array<i32>} : memref<80x144xf32, #tpu.memory_space<vmem>>, vector<16xf32>,
      %mul3A_821 = vector.broadcast %squeeze3A_809 : f32 to vector<16xf32>
      %mul3A_822 = arith.mulf %get3A_820, %mul3A_821 : vector<16xf32>
      %swap3A_823 = arith.index_cast %add3A_768 : i32 to index
      %swap3A_824 = arith.constant 80 : index
      %swap3A_825 = tpu.vector_load %arg7[%swap3A_823, %swap3A_824] {strides = array<i32>} : memref<80x144xf32, #tpu.memory_space<vmem>>, vector<16xf32>,
      tpu.vector_store %arg7[%swap3A_823, %swap3A_824], %mul3A_822 {strides = array<i32>} : memref<80x144xf32, #tpu.memory_space<vmem>>, vector<16xf32>,
      %slice3A_826 = vector.extract_strided_slice %get3A_771 {offsets = [3], sizes = [1], strides = [1]} : vector<16xf32> to vector<1xf32>
      %squeeze3A_827 = vector.extract %slice3A_826[0] : f32 from vector<1xf32>
      %get3A_828 = arith.index_cast %add3A_768 : i32 to index
      %get3A_829 = arith.constant 96 : index
      %get3A_830 = tpu.vector_load %arg7[%get3A_828, %get3A_829] {strides = array<i32>} : memref<80x144xf32, #tpu.memory_space<vmem>>, vector<16xf32>,
      %mul3A_831 = vector.broadcast %squeeze3A_827 : f32 to vector<16xf32>
      %mul3A_832 = arith.mulf %get3A_830, %mul3A_831 : vector<16xf32>
      %swap3A_833 = arith.index_cast %add3A_768 : i32 to index
      %swap3A_834 = arith.constant 96 : index
      %swap3A_835 = tpu.vector_load %arg7[%swap3A_833, %swap3A_834] {strides = array<i32>} : memref<80x144xf32, #tpu.memory_space<vmem>>, vector<16xf32>,
      tpu.vector_store %arg7[%swap3A_833, %swap3A_834], %mul3A_832 {strides = array<i32>} : memref<80x144xf32, #tpu.memory_space<vmem>>, vector<16xf32>,
      %get3A_836 = arith.index_cast %add3A_768 : i32 to index
      %get3A_837 = arith.constant 112 : index
      %get3A_838 = tpu.vector_load %arg7[%get3A_836, %get3A_837] {strides = array<i32>} : memref<80x144xf32, #tpu.memory_space<vmem>>, vector<16xf32>,
      %mul3A_839 = vector.broadcast %squeeze3A_827 : f32 to vector<16xf32>
      %mul3A_840 = arith.mulf %get3A_838, %mul3A_839 : vector<16xf32>
      %swap3A_841 = arith.index_cast %add3A_768 : i32 to index
      %swap3A_842 = arith.constant 112 : index
      %swap3A_843 = tpu.vector_load %arg7[%swap3A_841, %swap3A_842] {strides = array<i32>} : memref<80x144xf32, #tpu.memory_space<vmem>>, vector<16xf32>,
      tpu.vector_store %arg7[%swap3A_841, %swap3A_842], %mul3A_840 {strides = array<i32>} : memref<80x144xf32, #tpu.memory_space<vmem>>, vector<16xf32>,
      %mul3A_844 = arith.constant 4 : i32
      %mul3A_845 = arith.muli %mul3A_844, %scan3A_689 : i32
      %add3A_846 = arith.constant 2 : i32
      %add3A_847 = arith.addi %mul3A_845, %add3A_846 : i32
      %get3A_848 = arith.index_cast %add3A_847 : i32 to index
      %get3A_849 = arith.constant 0 : index
      %get3A_850 = tpu.vector_load %arg11[%get3A_848, %get3A_849] {strides = array<i32>} : memref<80x16xf32, #tpu.memory_space<vmem>>, vector<16xf32>,
      %slice3A_851 = vector.extract_strided_slice %get3A_850 {offsets = [0], sizes = [1], strides = [1]} : vector<16xf32> to vector<1xf32>
      %squeeze3A_852 = vector.extract %slice3A_851[0] : f32 from vector<1xf32>
      %get3A_853 = arith.index_cast %add3A_847 : i32 to index
      %get3A_854 = arith.constant 0 : index
      %get3A_855 = tpu.vector_load %arg7[%get3A_853, %get3A_854] {strides = array<i32>} : memref<80x144xf32, #tpu.memory_space<vmem>>, vector<16xf32>,
      %mul3A_856 = vector.broadcast %squeeze3A_852 : f32 to vector<16xf32>
      %mul3A_857 = arith.mulf %get3A_855, %mul3A_856 : vector<16xf32>
      %swap3A_858 = arith.index_cast %add3A_847 : i32 to index
      %swap3A_859 = arith.constant 0 : index
      %swap3A_860 = tpu.vector_load %arg7[%swap3A_858, %swap3A_859] {strides = array<i32>} : memref<80x144xf32, #tpu.memory_space<vmem>>, vector<16xf32>,
      tpu.vector_store %arg7[%swap3A_858, %swap3A_859], %mul3A_857 {strides = array<i32>} : memref<80x144xf32, #tpu.memory_space<vmem>>, vector<16xf32>,
      %get3A_861 = arith.index_cast %add3A_847 : i32 to index
      %get3A_862 = arith.constant 16 : index
      %get3A_863 = tpu.vector_load %arg7[%get3A_861, %get3A_862] {strides = array<i32>} : memref<80x144xf32, #tpu.memory_space<vmem>>, vector<16xf32>,
      %mul3A_864 = vector.broadcast %squeeze3A_852 : f32 to vector<16xf32>
      %mul3A_865 = arith.mulf %get3A_863, %mul3A_864 : vector<16xf32>
      %swap3A_866 = arith.index_cast %add3A_847 : i32 to index
      %swap3A_867 = arith.constant 16 : index
      %swap3A_868 = tpu.vector_load %arg7[%swap3A_866, %swap3A_867] {strides = array<i32>} : memref<80x144xf32, #tpu.memory_space<vmem>>, vector<16xf32>,
      tpu.vector_store %arg7[%swap3A_866, %swap3A_867], %mul3A_865 {strides = array<i32>} : memref<80x144xf32, #tpu.memory_space<vmem>>, vector<16xf32>,
      %slice3A_869 = vector.extract_strided_slice %get3A_850 {offsets = [1], sizes = [1], strides = [1]} : vector<16xf32> to vector<1xf32>
      %squeeze3A_870 = vector.extract %slice3A_869[0] : f32 from vector<1xf32>
      %get3A_871 = arith.index_cast %add3A_847 : i32 to index
      %get3A_872 = arith.constant 32 : index
      %get3A_873 = tpu.vector_load %arg7[%get3A_871, %get3A_872] {strides = array<i32>} : memref<80x144xf32, #tpu.memory_space<vmem>>, vector<16xf32>,
      %mul3A_874 = vector.broadcast %squeeze3A_870 : f32 to vector<16xf32>
      %mul3A_875 = arith.mulf %get3A_873, %mul3A_874 : vector<16xf32>
      %swap3A_876 = arith.index_cast %add3A_847 : i32 to index
      %swap3A_877 = arith.constant 32 : index
      %swap3A_878 = tpu.vector_load %arg7[%swap3A_876, %swap3A_877] {strides = array<i32>} : memref<80x144xf32, #tpu.memory_space<vmem>>, vector<16xf32>,
      tpu.vector_store %arg7[%swap3A_876, %swap3A_877], %mul3A_875 {strides = array<i32>} : memref<80x144xf32, #tpu.memory_space<vmem>>, vector<16xf32>,
      %get3A_879 = arith.index_cast %add3A_847 : i32 to index
      %get3A_880 = arith.constant 48 : index
      %get3A_881 = tpu.vector_load %arg7[%get3A_879, %get3A_880] {strides = array<i32>} : memref<80x144xf32, #tpu.memory_space<vmem>>, vector<16xf32>,
      %mul3A_882 = vector.broadcast %squeeze3A_870 : f32 to vector<16xf32>
      %mul3A_883 = arith.mulf %get3A_881, %mul3A_882 : vector<16xf32>
      %swap3A_884 = arith.index_cast %add3A_847 : i32 to index
      %swap3A_885 = arith.constant 48 : index
      %swap3A_886 = tpu.vector_load %arg7[%swap3A_884, %swap3A_885] {strides = array<i32>} : memref<80x144xf32, #tpu.memory_space<vmem>>, vector<16xf32>,
      tpu.vector_store %arg7[%swap3A_884, %swap3A_885], %mul3A_883 {strides = array<i32>} : memref<80x144xf32, #tpu.memory_space<vmem>>, vector<16xf32>,
      %slice3A_887 = vector.extract_strided_slice %get3A_850 {offsets = [2], sizes = [1], strides = [1]} : vector<16xf32> to vector<1xf32>
      %squeeze3A_888 = vector.extract %slice3A_887[0] : f32 from vector<1xf32>
      %get3A_889 = arith.index_cast %add3A_847 : i32 to index
      %get3A_890 = arith.constant 64 : index
      %get3A_891 = tpu.vector_load %arg7[%get3A_889, %get3A_890] {strides = array<i32>} : memref<80x144xf32, #tpu.memory_space<vmem>>, vector<16xf32>,
      %mul3A_892 = vector.broadcast %squeeze3A_888 : f32 to vector<16xf32>
      %mul3A_893 = arith.mulf %get3A_891, %mul3A_892 : vector<16xf32>
      %swap3A_894 = arith.index_cast %add3A_847 : i32 to index
      %swap3A_895 = arith.constant 64 : index
      %swap3A_896 = tpu.vector_load %arg7[%swap3A_894, %swap3A_895] {strides = array<i32>} : memref<80x144xf32, #tpu.memory_space<vmem>>, vector<16xf32>,
      tpu.vector_store %arg7[%swap3A_894, %swap3A_895], %mul3A_893 {strides = array<i32>} : memref<80x144xf32, #tpu.memory_space<vmem>>, vector<16xf32>,
      %get3A_897 = arith.index_cast %add3A_847 : i32 to index
      %get3A_898 = arith.constant 80 : index
      %get3A_899 = tpu.vector_load %arg7[%get3A_897, %get3A_898] {strides = array<i32>} : memref<80x144xf32, #tpu.memory_space<vmem>>, vector<16xf32>,
      %mul3A_900 = vector.broadcast %squeeze3A_888 : f32 to vector<16xf32>
      %mul3A_901 = arith.mulf %get3A_899, %mul3A_900 : vector<16xf32>
      %swap3A_902 = arith.index_cast %add3A_847 : i32 to index
      %swap3A_903 = arith.constant 80 : index
      %swap3A_904 = tpu.vector_load %arg7[%swap3A_902, %swap3A_903] {strides = array<i32>} : memref<80x144xf32, #tpu.memory_space<vmem>>, vector<16xf32>,
      tpu.vector_store %arg7[%swap3A_902, %swap3A_903], %mul3A_901 {strides = array<i32>} : memref<80x144xf32, #tpu.memory_space<vmem>>, vector<16xf32>,
      %slice3A_905 = vector.extract_strided_slice %get3A_850 {offsets = [3], sizes = [1], strides = [1]} : vector<16xf32> to vector<1xf32>
      %squeeze3A_906 = vector.extract %slice3A_905[0] : f32 from vector<1xf32>
      %get3A_907 = arith.index_cast %add3A_847 : i32 to index
      %get3A_908 = arith.constant 96 : index
      %get3A_909 = tpu.vector_load %arg7[%get3A_907, %get3A_908] {strides = array<i32>} : memref<80x144xf32, #tpu.memory_space<vmem>>, vector<16xf32>,
      %mul3A_910 = vector.broadcast %squeeze3A_906 : f32 to vector<16xf32>
      %mul3A_911 = arith.mulf %get3A_909, %mul3A_910 : vector<16xf32>
      %swap3A_912 = arith.index_cast %add3A_847 : i32 to index
      %swap3A_913 = arith.constant 96 : index
      %swap3A_914 = tpu.vector_load %arg7[%swap3A_912, %swap3A_913] {strides = array<i32>} : memref<80x144xf32, #tpu.memory_space<vmem>>, vector<16xf32>,
      tpu.vector_store %arg7[%swap3A_912, %swap3A_913], %mul3A_911 {strides = array<i32>} : memref<80x144xf32, #tpu.memory_space<vmem>>, vector<16xf32>,
      %get3A_915 = arith.index_cast %add3A_847 : i32 to index
      %get3A_916 = arith.constant 112 : index
      %get3A_917 = tpu.vector_load %arg7[%get3A_915, %get3A_916] {strides = array<i32>} : memref<80x144xf32, #tpu.memory_space<vmem>>, vector<16xf32>,
      %mul3A_918 = vector.broadcast %squeeze3A_906 : f32 to vector<16xf32>
      %mul3A_919 = arith.mulf %get3A_917, %mul3A_918 : vector<16xf32>
      %swap3A_920 = arith.index_cast %add3A_847 : i32 to index
      %swap3A_921 = arith.constant 112 : index
      %swap3A_922 = tpu.vector_load %arg7[%swap3A_920, %swap3A_921] {strides = array<i32>} : memref<80x144xf32, #tpu.memory_space<vmem>>, vector<16xf32>,
      tpu.vector_store %arg7[%swap3A_920, %swap3A_921], %mul3A_919 {strides = array<i32>} : memref<80x144xf32, #tpu.memory_space<vmem>>, vector<16xf32>,
      %mul3A_923 = arith.constant 4 : i32
      %mul3A_924 = arith.muli %mul3A_923, %scan3A_689 : i32
      %add3A_925 = arith.constant 3 : i32
      %add3A_926 = arith.addi %mul3A_924, %add3A_925 : i32
      %get3A_927 = arith.index_cast %add3A_926 : i32 to index
      %get3A_928 = arith.constant 0 : index
      %get3A_929 = tpu.vector_load %arg11[%get3A_927, %get3A_928] {strides = array<i32>} : memref<80x16xf32, #tpu.memory_space<vmem>>, vector<16xf32>,
      %slice3A_930 = vector.extract_strided_slice %get3A_929 {offsets = [0], sizes = [1], strides = [1]} : vector<16xf32> to vector<1xf32>
      %squeeze3A_931 = vector.extract %slice3A_930[0] : f32 from vector<1xf32>
      %get3A_932 = arith.index_cast %add3A_926 : i32 to index
      %get3A_933 = arith.constant 0 : index
      %get3A_934 = tpu.vector_load %arg7[%get3A_932, %get3A_933] {strides = array<i32>} : memref<80x144xf32, #tpu.memory_space<vmem>>, vector<16xf32>,
      %mul3A_935 = vector.broadcast %squeeze3A_931 : f32 to vector<16xf32>
      %mul3A_936 = arith.mulf %get3A_934, %mul3A_935 : vector<16xf32>
      %swap3A_937 = arith.index_cast %add3A_926 : i32 to index
      %swap3A_938 = arith.constant 0 : index
      %swap3A_939 = tpu.vector_load %arg7[%swap3A_937, %swap3A_938] {strides = array<i32>} : memref<80x144xf32, #tpu.memory_space<vmem>>, vector<16xf32>,
      tpu.vector_store %arg7[%swap3A_937, %swap3A_938], %mul3A_936 {strides = array<i32>} : memref<80x144xf32, #tpu.memory_space<vmem>>, vector<16xf32>,
      %get3A_940 = arith.index_cast %add3A_926 : i32 to index
      %get3A_941 = arith.constant 16 : index
      %get3A_942 = tpu.vector_load %arg7[%get3A_940, %get3A_941] {strides = array<i32>} : memref<80x144xf32, #tpu.memory_space<vmem>>, vector<16xf32>,
      %mul3A_943 = vector.broadcast %squeeze3A_931 : f32 to vector<16xf32>
      %mul3A_944 = arith.mulf %get3A_942, %mul3A_943 : vector<16xf32>
      %swap3A_945 = arith.index_cast %add3A_926 : i32 to index
      %swap3A_946 = arith.constant 16 : index
      %swap3A_947 = tpu.vector_load %arg7[%swap3A_945, %swap3A_946] {strides = array<i32>} : memref<80x144xf32, #tpu.memory_space<vmem>>, vector<16xf32>,
      tpu.vector_store %arg7[%swap3A_945, %swap3A_946], %mul3A_944 {strides = array<i32>} : memref<80x144xf32, #tpu.memory_space<vmem>>, vector<16xf32>,
      %slice3A_948 = vector.extract_strided_slice %get3A_929 {offsets = [1], sizes = [1], strides = [1]} : vector<16xf32> to vector<1xf32>
      %squeeze3A_949 = vector.extract %slice3A_948[0] : f32 from vector<1xf32>
      %get3A_950 = arith.index_cast %add3A_926 : i32 to index
      %get3A_951 = arith.constant 32 : index
      %get3A_952 = tpu.vector_load %arg7[%get3A_950, %get3A_951] {strides = array<i32>} : memref<80x144xf32, #tpu.memory_space<vmem>>, vector<16xf32>,
      %mul3A_953 = vector.broadcast %squeeze3A_949 : f32 to vector<16xf32>
      %mul3A_954 = arith.mulf %get3A_952, %mul3A_953 : vector<16xf32>
      %swap3A_955 = arith.index_cast %add3A_926 : i32 to index
      %swap3A_956 = arith.constant 32 : index
      %swap3A_957 = tpu.vector_load %arg7[%swap3A_955, %swap3A_956] {strides = array<i32>} : memref<80x144xf32, #tpu.memory_space<vmem>>, vector<16xf32>,
      tpu.vector_store %arg7[%swap3A_955, %swap3A_956], %mul3A_954 {strides = array<i32>} : memref<80x144xf32, #tpu.memory_space<vmem>>, vector<16xf32>,
      %get3A_958 = arith.index_cast %add3A_926 : i32 to index
      %get3A_959 = arith.constant 48 : index
      %get3A_960 = tpu.vector_load %arg7[%get3A_958, %get3A_959] {strides = array<i32>} : memref<80x144xf32, #tpu.memory_space<vmem>>, vector<16xf32>,
      %mul3A_961 = vector.broadcast %squeeze3A_949 : f32 to vector<16xf32>
      %mul3A_962 = arith.mulf %get3A_960, %mul3A_961 : vector<16xf32>
      %swap3A_963 = arith.index_cast %add3A_926 : i32 to index
      %swap3A_964 = arith.constant 48 : index
      %swap3A_965 = tpu.vector_load %arg7[%swap3A_963, %swap3A_964] {strides = array<i32>} : memref<80x144xf32, #tpu.memory_space<vmem>>, vector<16xf32>,
      tpu.vector_store %arg7[%swap3A_963, %swap3A_964], %mul3A_962 {strides = array<i32>} : memref<80x144xf32, #tpu.memory_space<vmem>>, vector<16xf32>,
      %slice3A_966 = vector.extract_strided_slice %get3A_929 {offsets = [2], sizes = [1], strides = [1]} : vector<16xf32> to vector<1xf32>
      %squeeze3A_967 = vector.extract %slice3A_966[0] : f32 from vector<1xf32>
      %get3A_968 = arith.index_cast %add3A_926 : i32 to index
      %get3A_969 = arith.constant 64 : index
      %get3A_970 = tpu.vector_load %arg7[%get3A_968, %get3A_969] {strides = array<i32>} : memref<80x144xf32, #tpu.memory_space<vmem>>, vector<16xf32>,
      %mul3A_971 = vector.broadcast %squeeze3A_967 : f32 to vector<16xf32>
      %mul3A_972 = arith.mulf %get3A_970, %mul3A_971 : vector<16xf32>
      %swap3A_973 = arith.index_cast %add3A_926 : i32 to index
      %swap3A_974 = arith.constant 64 : index
      %swap3A_975 = tpu.vector_load %arg7[%swap3A_973, %swap3A_974] {strides = array<i32>} : memref<80x144xf32, #tpu.memory_space<vmem>>, vector<16xf32>,
      tpu.vector_store %arg7[%swap3A_973, %swap3A_974], %mul3A_972 {strides = array<i32>} : memref<80x144xf32, #tpu.memory_space<vmem>>, vector<16xf32>,
      %get3A_976 = arith.index_cast %add3A_926 : i32 to index
      %get3A_977 = arith.constant 80 : index
      %get3A_978 = tpu.vector_load %arg7[%get3A_976, %get3A_977] {strides = array<i32>} : memref<80x144xf32, #tpu.memory_space<vmem>>, vector<16xf32>,
      %mul3A_979 = vector.broadcast %squeeze3A_967 : f32 to vector<16xf32>
      %mul3A_980 = arith.mulf %get3A_978, %mul3A_979 : vector<16xf32>
      %swap3A_981 = arith.index_cast %add3A_926 : i32 to index
      %swap3A_982 = arith.constant 80 : index
      %swap3A_983 = tpu.vector_load %arg7[%swap3A_981, %swap3A_982] {strides = array<i32>} : memref<80x144xf32, #tpu.memory_space<vmem>>, vector<16xf32>,
      tpu.vector_store %arg7[%swap3A_981, %swap3A_982], %mul3A_980 {strides = array<i32>} : memref<80x144xf32, #tpu.memory_space<vmem>>, vector<16xf32>,
      %slice3A_984 = vector.extract_strided_slice %get3A_929 {offsets = [3], sizes = [1], strides = [1]} : vector<16xf32> to vector<1xf32>
      %squeeze3A_985 = vector.extract %slice3A_984[0] : f32 from vector<1xf32>
      %get3A_986 = arith.index_cast %add3A_926 : i32 to index
      %get3A_987 = arith.constant 96 : index
      %get3A_988 = tpu.vector_load %arg7[%get3A_986, %get3A_987] {strides = array<i32>} : memref<80x144xf32, #tpu.memory_space<vmem>>, vector<16xf32>,
      %mul3A_989 = vector.broadcast %squeeze3A_985 : f32 to vector<16xf32>
      %mul3A_990 = arith.mulf %get3A_988, %mul3A_989 : vector<16xf32>
      %swap3A_991 = arith.index_cast %add3A_926 : i32 to index
      %swap3A_992 = arith.constant 96 : index
      %swap3A_993 = tpu.vector_load %arg7[%swap3A_991, %swap3A_992] {strides = array<i32>} : memref<80x144xf32, #tpu.memory_space<vmem>>, vector<16xf32>,
      tpu.vector_store %arg7[%swap3A_991, %swap3A_992], %mul3A_990 {strides = array<i32>} : memref<80x144xf32, #tpu.memory_space<vmem>>, vector<16xf32>,
      %get3A_994 = arith.index_cast %add3A_926 : i32 to index
      %get3A_995 = arith.constant 112 : index
      %get3A_996 = tpu.vector_load %arg7[%get3A_994, %get3A_995] {strides = array<i32>} : memref<80x144xf32, #tpu.memory_space<vmem>>, vector<16xf32>,
      %mul3A_997 = vector.broadcast %squeeze3A_985 : f32 to vector<16xf32>
      %mul3A_998 = arith.mulf %get3A_996, %mul3A_997 : vector<16xf32>
      %swap3A_999 = arith.index_cast %add3A_926 : i32 to index
      %swap3A_1000 = arith.constant 112 : index
      %swap3A_1001 = tpu.vector_load %arg7[%swap3A_999, %swap3A_1000] {strides = array<i32>} : memref<80x144xf32, #tpu.memory_space<vmem>>, vector<16xf32>,
      tpu.vector_store %arg7[%swap3A_999, %swap3A_1000], %mul3A_998 {strides = array<i32>} : memref<80x144xf32, #tpu.memory_space<vmem>>, vector<16xf32>,
    }
    %scan3A_615 = arith.constant 20 : i32
    %dma_start3A_616 = arith.constant 0 : i32
    %dma_start3A_617 = arith.constant 1 : i32
    %dma_start3A_618 = arith.constant 0 : i32
    %dma_start3A_619 = tpu.memref_slice %arg13[%dma_start3A_616, %dma_start3A_617, %dma_start3A_618] : memref<2x2x80xi32, #tpu.memory_space<vmem>> -> memref<1x1x80xi32, #tpu.memory_space<vmem>>
    %dma_start3A_620 = tpu.memref_squeeze %dma_start3A_619 : memref<1x1x80xi32, #tpu.memory_space<vmem>> -> memref<80xi32, #tpu.memory_space<vmem>>
    %dma_start3A_621 = arith.constant 0 : i32
    %dma_start3A_622 = arith.constant 0 : i32
    %dma_start3A_623 = tpu.memref_slice %arg14[%dma_start3A_621, %dma_start3A_622] : memref<10240x144xf32, #tpu.memory_space<vmem_shared>> -> memref<10240x144xf32, #tpu.memory_space<vmem_shared>>
    tpu.enqueue_indirect_dma source(%arg7 : memref<80x144xf32, #tpu.memory_space<vmem>>) target(%dma_start3A_623 : memref<10240x144xf32, #tpu.memory_space<vmem_shared>>) offsets(%dma_start3A_620 : memref<80xi32, #tpu.memory_space<vmem>>) semaphore(%arg18 : memref<!tpu.dma_semaphore, #tpu.memory_space<semaphore_mem>>) {add = true}
    %dma_start3A_624 = arith.constant 0 : i32
    %dma_start3A_625 = arith.constant 1 : i32
    %dma_start3A_626 = arith.constant 0 : i32
    %dma_start3A_627 = tpu.memref_slice %arg13[%dma_start3A_624, %dma_start3A_625, %dma_start3A_626] : memref<2x2x80xi32, #tpu.memory_space<vmem>> -> memref<1x1x80xi32, #tpu.memory_space<vmem>>
    %dma_start3A_628 = tpu.memref_squeeze %dma_start3A_627 : memref<1x1x80xi32, #tpu.memory_space<vmem>> -> memref<80xi32, #tpu.memory_space<vmem>>
    %dma_start3A_629 = arith.constant 0 : i32
    %dma_start3A_630 = arith.constant 0 : i32
    %dma_start3A_631 = tpu.memref_slice %arg15[%dma_start3A_629, %dma_start3A_630] : memref<10240x16xf32, #tpu.memory_space<vmem_shared>> -> memref<10240x16xf32, #tpu.memory_space<vmem_shared>>
    tpu.enqueue_indirect_dma source(%arg11 : memref<80x16xf32, #tpu.memory_space<vmem>>) target(%dma_start3A_631 : memref<10240x16xf32, #tpu.memory_space<vmem_shared>>) offsets(%dma_start3A_628 : memref<80xi32, #tpu.memory_space<vmem>>) semaphore(%arg18 : memref<!tpu.dma_semaphore, #tpu.memory_space<semaphore_mem>>) {add = true}
    %dma_wait3A_632 = arith.constant 0 : i32
    %dma_wait3A_633 = arith.constant 1 : i32
    %dma_wait3A_634 = arith.constant 0 : i32
    %dma_wait3A_635 = tpu.memref_slice %arg13[%dma_wait3A_632, %dma_wait3A_633, %dma_wait3A_634] : memref<2x2x80xi32, #tpu.memory_space<vmem>> -> memref<1x1x80xi32, #tpu.memory_space<vmem>>
    %dma_wait3A_636 = tpu.memref_squeeze %dma_wait3A_635 : memref<1x1x80xi32, #tpu.memory_space<vmem>> -> memref<80xi32, #tpu.memory_space<vmem>>
    %dma_wait3A_637 = arith.constant 0 : i32
    %dma_wait3A_638 = arith.constant 0 : i32
    %dma_wait3A_639 = tpu.memref_slice %arg14[%dma_wait3A_637, %dma_wait3A_638] : memref<10240x144xf32, #tpu.memory_space<vmem_shared>> -> memref<10240x144xf32, #tpu.memory_space<vmem_shared>>
    tpu.wait_indirect_dma semaphore(%arg18 : memref<!tpu.dma_semaphore, #tpu.memory_space<semaphore_mem>>) src(%arg7 : memref<80x144xf32, #tpu.memory_space<vmem>>) dst(%dma_wait3A_639 : memref<10240x144xf32, #tpu.memory_space<vmem_shared>>)
    %dma_wait3A_640 = arith.constant 0 : i32
    %dma_wait3A_641 = arith.constant 1 : i32
    %dma_wait3A_642 = arith.constant 0 : i32
    %dma_wait3A_643 = tpu.memref_slice %arg13[%dma_wait3A_640, %dma_wait3A_641, %dma_wait3A_642] : memref<2x2x80xi32, #tpu.memory_space<vmem>> -> memref<1x1x80xi32, #tpu.memory_space<vmem>>
    %dma_wait3A_644 = tpu.memref_squeeze %dma_wait3A_643 : memref<1x1x80xi32, #tpu.memory_space<vmem>> -> memref<80xi32, #tpu.memory_space<vmem>>
    %dma_wait3A_645 = arith.constant 0 : i32
    %dma_wait3A_646 = arith.constant 0 : i32
    %dma_wait3A_647 = tpu.memref_slice %arg15[%dma_wait3A_645, %dma_wait3A_646] : memref<10240x16xf32, #tpu.memory_space<vmem_shared>> -> memref<10240x16xf32, #tpu.memory_space<vmem_shared>>
    tpu.wait_indirect_dma semaphore(%arg18 : memref<!tpu.dma_semaphore, #tpu.memory_space<semaphore_mem>>) src(%arg11 : memref<80x16xf32, #tpu.memory_space<vmem>>) dst(%dma_wait3A_647 : memref<10240x16xf32, #tpu.memory_space<vmem_shared>>)
    %barrier3A_648 = arith.constant 0 : index
    tpu.barrier barrier_id(%barrier3A_648)
    %add3A_649 = arith.constant 0 : i32
    %add3A_650 = arith.addi %mul3A_7, %add3A_649 : i32
    %mul3A_651 = arith.constant 10240 : i32
    %mul3A_652 = arith.muli %arg0, %mul3A_651 : i32
    %add3A_653 = arith.addi %mul3A_652, %add3A_650 : i32
    "tpu.region"() ({
      %run_scoped3A = tpu.sem_alloc : memref<!tpu.dma_semaphore, #tpu.memory_space<semaphore_mem>>
      %dma_start3A_689 = arith.constant 0 : i32
      %dma_start3A_690 = tpu.memref_slice %arg14[%add3A_650, %dma_start3A_689] : memref<10240x144xf32, #tpu.memory_space<vmem_shared>> -> memref<80x144xf32, #tpu.memory_space<vmem_shared>>
      %dma_start3A_691 = arith.constant 0 : i32
      %dma_start3A_692 = tpu.memref_slice %arg14[%add3A_650, %dma_start3A_691] : memref<10240x144xf32, #tpu.memory_space<vmem_shared>> -> memref<80x144xf32, #tpu.memory_space<vmem_shared>>
      tpu.enqueue_dma source(%dma_start3A_692 : memref<80x144xf32, #tpu.memory_space<vmem_shared>>) target(%arg7 : memref<80x144xf32, #tpu.memory_space<vmem>>) target_semaphore(%run_scoped3A : memref<!tpu.dma_semaphore, #tpu.memory_space<semaphore_mem>>)
      %dma_wait3A_693 = arith.constant 0 : i32
      %dma_wait3A_694 = tpu.memref_slice %arg14[%add3A_650, %dma_wait3A_693] : memref<10240x144xf32, #tpu.memory_space<vmem_shared>> -> memref<80x144xf32, #tpu.memory_space<vmem_shared>>
      %dma_wait3A_695 = arith.constant 0 : i32
      %dma_wait3A_696 = tpu.memref_slice %arg14[%add3A_650, %dma_wait3A_695] : memref<10240x144xf32, #tpu.memory_space<vmem_shared>> -> memref<80x144xf32, #tpu.memory_space<vmem_shared>>
      tpu.wait_dma2 semaphore(%run_scoped3A : memref<!tpu.dma_semaphore, #tpu.memory_space<semaphore_mem>>) src(%dma_wait3A_696 : memref<80x144xf32, #tpu.memory_space<vmem_shared>>) dst(%arg7 : memref<80x144xf32, #tpu.memory_space<vmem>>)
      tpu.yield
    }) : () -> ()
    "tpu.region"() ({
      %run_scoped3A = tpu.sem_alloc : memref<!tpu.dma_semaphore, #tpu.memory_space<semaphore_mem>>
      %dma_start3A_689 = arith.constant 0 : i32
      %dma_start3A_690 = tpu.memref_slice %arg5[%add3A_653, %dma_start3A_689] : memref<20480x144xf32, #tpu.memory_space<hbm>> -> memref<80x144xf32, #tpu.memory_space<hbm>>
      %dma_start3A_691 = arith.constant 0 : i32
      %dma_start3A_692 = tpu.memref_slice %arg5[%add3A_653, %dma_start3A_691] : memref<20480x144xf32, #tpu.memory_space<hbm>> -> memref<80x144xf32, #tpu.memory_space<hbm>>
      tpu.enqueue_dma source(%arg7 : memref<80x144xf32, #tpu.memory_space<vmem>>) target(%dma_start3A_692 : memref<80x144xf32, #tpu.memory_space<hbm>>) target_semaphore(%run_scoped3A : memref<!tpu.dma_semaphore, #tpu.memory_space<semaphore_mem>>)
      %dma_wait3A_693 = arith.constant 0 : i32
      %dma_wait3A_694 = tpu.memref_slice %arg5[%add3A_653, %dma_wait3A_693] : memref<20480x144xf32, #tpu.memory_space<hbm>> -> memref<80x144xf32, #tpu.memory_space<hbm>>
      %dma_wait3A_695 = arith.constant 0 : i32
      %dma_wait3A_696 = tpu.memref_slice %arg5[%add3A_653, %dma_wait3A_695] : memref<20480x144xf32, #tpu.memory_space<hbm>> -> memref<80x144xf32, #tpu.memory_space<hbm>>
      tpu.wait_dma2 semaphore(%run_scoped3A : memref<!tpu.dma_semaphore, #tpu.memory_space<semaphore_mem>>) src(%arg7 : memref<80x144xf32, #tpu.memory_space<vmem>>) dst(%dma_wait3A_696 : memref<80x144xf32, #tpu.memory_space<hbm>>)
      tpu.yield
    }) : () -> ()
    "tpu.region"() ({
      %run_scoped3A = tpu.sem_alloc : memref<!tpu.dma_semaphore, #tpu.memory_space<semaphore_mem>>
      %dma_start3A_689 = arith.constant 0 : i32
      %dma_start3A_690 = tpu.memref_slice %arg15[%add3A_650, %dma_start3A_689] : memref<10240x16xf32, #tpu.memory_space<vmem_shared>> -> memref<80x16xf32, #tpu.memory_space<vmem_shared>>
      %dma_start3A_691 = arith.constant 0 : i32
      %dma_start3A_692 = tpu.memref_slice %arg15[%add3A_650, %dma_start3A_691] : memref<10240x16xf32, #tpu.memory_space<vmem_shared>> -> memref<80x16xf32, #tpu.memory_space<vmem_shared>>
      tpu.enqueue_dma source(%dma_start3A_692 : memref<80x16xf32, #tpu.memory_space<vmem_shared>>) target(%arg11 : memref<80x16xf32, #tpu.memory_space<vmem>>) target_semaphore(%run_scoped3A : memref<!tpu.dma_semaphore, #tpu.memory_space<semaphore_mem>>)
      %dma_wait3A_693 = arith.constant 0 : i32
      %dma_wait3A_694 = tpu.memref_slice %arg15[%add3A_650, %dma_wait3A_693] : memref<10240x16xf32, #tpu.memory_space<vmem_shared>> -> memref<80x16xf32, #tpu.memory_space<vmem_shared>>
      %dma_wait3A_695 = arith.constant 0 : i32
      %dma_wait3A_696 = tpu.memref_slice %arg15[%add3A_650, %dma_wait3A_695] : memref<10240x16xf32, #tpu.memory_space<vmem_shared>> -> memref<80x16xf32, #tpu.memory_space<vmem_shared>>
      tpu.wait_dma2 semaphore(%run_scoped3A : memref<!tpu.dma_semaphore, #tpu.memory_space<semaphore_mem>>) src(%dma_wait3A_696 : memref<80x16xf32, #tpu.memory_space<vmem_shared>>) dst(%arg11 : memref<80x16xf32, #tpu.memory_space<vmem>>)
      tpu.yield
    }) : () -> ()
    "tpu.region"() ({
      %run_scoped3A = tpu.sem_alloc : memref<!tpu.dma_semaphore, #tpu.memory_space<semaphore_mem>>
      %dma_start3A_689 = arith.constant 0 : i32
      %dma_start3A_690 = tpu.memref_slice %arg6[%add3A_653, %dma_start3A_689] : memref<20480x16xf32, #tpu.memory_space<hbm>> -> memref<80x16xf32, #tpu.memory_space<hbm>>
      %dma_start3A_691 = arith.constant 0 : i32
      %dma_start3A_692 = tpu.memref_slice %arg6[%add3A_653, %dma_start3A_691] : memref<20480x16xf32, #tpu.memory_space<hbm>> -> memref<80x16xf32, #tpu.memory_space<hbm>>
      tpu.enqueue_dma source(%arg11 : memref<80x16xf32, #tpu.memory_space<vmem>>) target(%dma_start3A_692 : memref<80x16xf32, #tpu.memory_space<hbm>>) target_semaphore(%run_scoped3A : memref<!tpu.dma_semaphore, #tpu.memory_space<semaphore_mem>>)
      %dma_wait3A_693 = arith.constant 0 : i32
      %dma_wait3A_694 = tpu.memref_slice %arg6[%add3A_653, %dma_wait3A_693] : memref<20480x16xf32, #tpu.memory_space<hbm>> -> memref<80x16xf32, #tpu.memory_space<hbm>>
      %dma_wait3A_695 = arith.constant 0 : i32
      %dma_wait3A_696 = tpu.memref_slice %arg6[%add3A_653, %dma_wait3A_695] : memref<20480x16xf32, #tpu.memory_space<hbm>> -> memref<80x16xf32, #tpu.memory_space<hbm>>
      tpu.wait_dma2 semaphore(%run_scoped3A : memref<!tpu.dma_semaphore, #tpu.memory_space<semaphore_mem>>) src(%arg11 : memref<80x16xf32, #tpu.memory_space<vmem>>) dst(%dma_wait3A_696 : memref<80x16xf32, #tpu.memory_space<hbm>>)
      tpu.yield
    }) : () -> ()
    %add3A_654 = arith.constant 80 : i32
    %add3A_655 = arith.addi %mul3A_7, %add3A_654 : i32
    %mul3A_656 = arith.constant 10240 : i32
    %mul3A_657 = arith.muli %arg0, %mul3A_656 : i32
    %add3A_658 = arith.addi %mul3A_657, %add3A_655 : i32
    "tpu.region"() ({
      %run_scoped3A = tpu.sem_alloc : memref<!tpu.dma_semaphore, #tpu.memory_space<semaphore_mem>>
      %dma_start3A_689 = arith.constant 0 : i32
      %dma_start3A_690 = tpu.memref_slice %arg14[%add3A_655, %dma_start3A_689] : memref<10240x144xf32, #tpu.memory_space<vmem_shared>> -> memref<80x144xf32, #tpu.memory_space<vmem_shared>>
      %dma_start3A_691 = arith.constant 0 : i32
      %dma_start3A_692 = tpu.memref_slice %arg14[%add3A_655, %dma_start3A_691] : memref<10240x144xf32, #tpu.memory_space<vmem_shared>> -> memref<80x144xf32, #tpu.memory_space<vmem_shared>>
      tpu.enqueue_dma source(%dma_start3A_692 : memref<80x144xf32, #tpu.memory_space<vmem_shared>>) target(%arg7 : memref<80x144xf32, #tpu.memory_space<vmem>>) target_semaphore(%run_scoped3A : memref<!tpu.dma_semaphore, #tpu.memory_space<semaphore_mem>>)
      %dma_wait3A_693 = arith.constant 0 : i32
      %dma_wait3A_694 = tpu.memref_slice %arg14[%add3A_655, %dma_wait3A_693] : memref<10240x144xf32, #tpu.memory_space<vmem_shared>> -> memref<80x144xf32, #tpu.memory_space<vmem_shared>>
      %dma_wait3A_695 = arith.constant 0 : i32
      %dma_wait3A_696 = tpu.memref_slice %arg14[%add3A_655, %dma_wait3A_695] : memref<10240x144xf32, #tpu.memory_space<vmem_shared>> -> memref<80x144xf32, #tpu.memory_space<vmem_shared>>
      tpu.wait_dma2 semaphore(%run_scoped3A : memref<!tpu.dma_semaphore, #tpu.memory_space<semaphore_mem>>) src(%dma_wait3A_696 : memref<80x144xf32, #tpu.memory_space<vmem_shared>>) dst(%arg7 : memref<80x144xf32, #tpu.memory_space<vmem>>)
      tpu.yield
    }) : () -> ()
    "tpu.region"() ({
      %run_scoped3A = tpu.sem_alloc : memref<!tpu.dma_semaphore, #tpu.memory_space<semaphore_mem>>
      %dma_start3A_689 = arith.constant 0 : i32
      %dma_start3A_690 = tpu.memref_slice %arg5[%add3A_658, %dma_start3A_689] : memref<20480x144xf32, #tpu.memory_space<hbm>> -> memref<80x144xf32, #tpu.memory_space<hbm>>
      %dma_start3A_691 = arith.constant 0 : i32
      %dma_start3A_692 = tpu.memref_slice %arg5[%add3A_658, %dma_start3A_691] : memref<20480x144xf32, #tpu.memory_space<hbm>> -> memref<80x144xf32, #tpu.memory_space<hbm>>
      tpu.enqueue_dma source(%arg7 : memref<80x144xf32, #tpu.memory_space<vmem>>) target(%dma_start3A_692 : memref<80x144xf32, #tpu.memory_space<hbm>>) target_semaphore(%run_scoped3A : memref<!tpu.dma_semaphore, #tpu.memory_space<semaphore_mem>>)
      %dma_wait3A_693 = arith.constant 0 : i32
      %dma_wait3A_694 = tpu.memref_slice %arg5[%add3A_658, %dma_wait3A_693] : memref<20480x144xf32, #tpu.memory_space<hbm>> -> memref<80x144xf32, #tpu.memory_space<hbm>>
      %dma_wait3A_695 = arith.constant 0 : i32
      %dma_wait3A_696 = tpu.memref_slice %arg5[%add3A_658, %dma_wait3A_695] : memref<20480x144xf32, #tpu.memory_space<hbm>> -> memref<80x144xf32, #tpu.memory_space<hbm>>
      tpu.wait_dma2 semaphore(%run_scoped3A : memref<!tpu.dma_semaphore, #tpu.memory_space<semaphore_mem>>) src(%arg7 : memref<80x144xf32, #tpu.memory_space<vmem>>) dst(%dma_wait3A_696 : memref<80x144xf32, #tpu.memory_space<hbm>>)
      tpu.yield
    }) : () -> ()
    "tpu.region"() ({
      %run_scoped3A = tpu.sem_alloc : memref<!tpu.dma_semaphore, #tpu.memory_space<semaphore_mem>>
      %dma_start3A_689 = arith.constant 0 : i32
      %dma_start3A_690 = tpu.memref_slice %arg15[%add3A_655, %dma_start3A_689] : memref<10240x16xf32, #tpu.memory_space<vmem_shared>> -> memref<80x16xf32, #tpu.memory_space<vmem_shared>>
      %dma_start3A_691 = arith.constant 0 : i32
      %dma_start3A_692 = tpu.memref_slice %arg15[%add3A_655, %dma_start3A_691] : memref<10240x16xf32, #tpu.memory_space<vmem_shared>> -> memref<80x16xf32, #tpu.memory_space<vmem_shared>>
      tpu.enqueue_dma source(%dma_start3A_692 : memref<80x16xf32, #tpu.memory_space<vmem_shared>>) target(%arg11 : memref<80x16xf32, #tpu.memory_space<vmem>>) target_semaphore(%run_scoped3A : memref<!tpu.dma_semaphore, #tpu.memory_space<semaphore_mem>>)
      %dma_wait3A_693 = arith.constant 0 : i32
      %dma_wait3A_694 = tpu.memref_slice %arg15[%add3A_655, %dma_wait3A_693] : memref<10240x16xf32, #tpu.memory_space<vmem_shared>> -> memref<80x16xf32, #tpu.memory_space<vmem_shared>>
      %dma_wait3A_695 = arith.constant 0 : i32
      %dma_wait3A_696 = tpu.memref_slice %arg15[%add3A_655, %dma_wait3A_695] : memref<10240x16xf32, #tpu.memory_space<vmem_shared>> -> memref<80x16xf32, #tpu.memory_space<vmem_shared>>
      tpu.wait_dma2 semaphore(%run_scoped3A : memref<!tpu.dma_semaphore, #tpu.memory_space<semaphore_mem>>) src(%dma_wait3A_696 : memref<80x16xf32, #tpu.memory_space<vmem_shared>>) dst(%arg11 : memref<80x16xf32, #tpu.memory_space<vmem>>)
      tpu.yield
    }) : () -> ()
    "tpu.region"() ({
      %run_scoped3A = tpu.sem_alloc : memref<!tpu.dma_semaphore, #tpu.memory_space<semaphore_mem>>
      %dma_start3A_689 = arith.constant 0 : i32
      %dma_start3A_690 = tpu.memref_slice %arg6[%add3A_658, %dma_start3A_689] : memref<20480x16xf32, #tpu.memory_space<hbm>> -> memref<80x16xf32, #tpu.memory_space<hbm>>
      %dma_start3A_691 = arith.constant 0 : i32
      %dma_start3A_692 = tpu.memref_slice %arg6[%add3A_658, %dma_start3A_691] : memref<20480x16xf32, #tpu.memory_space<hbm>> -> memref<80x16xf32, #tpu.memory_space<hbm>>
      tpu.enqueue_dma source(%arg11 : memref<80x16xf32, #tpu.memory_space<vmem>>) target(%dma_start3A_692 : memref<80x16xf32, #tpu.memory_space<hbm>>) target_semaphore(%run_scoped3A : memref<!tpu.dma_semaphore, #tpu.memory_space<semaphore_mem>>)
      %dma_wait3A_693 = arith.constant 0 : i32
      %dma_wait3A_694 = tpu.memref_slice %arg6[%add3A_658, %dma_wait3A_693] : memref<20480x16xf32, #tpu.memory_space<hbm>> -> memref<80x16xf32, #tpu.memory_space<hbm>>
      %dma_wait3A_695 = arith.constant 0 : i32
      %dma_wait3A_696 = tpu.memref_slice %arg6[%add3A_658, %dma_wait3A_695] : memref<20480x16xf32, #tpu.memory_space<hbm>> -> memref<80x16xf32, #tpu.memory_space<hbm>>
      tpu.wait_dma2 semaphore(%run_scoped3A : memref<!tpu.dma_semaphore, #tpu.memory_space<semaphore_mem>>) src(%arg11 : memref<80x16xf32, #tpu.memory_space<vmem>>) dst(%dma_wait3A_696 : memref<80x16xf32, #tpu.memory_space<hbm>>)
      tpu.yield
    }) : () -> ()
    %add3A_659 = arith.constant 160 : i32
    %add3A_660 = arith.addi %mul3A_7, %add3A_659 : i32
    %mul3A_661 = arith.constant 10240 : i32
    %mul3A_662 = arith.muli %arg0, %mul3A_661 : i32
    %add3A_663 = arith.addi %mul3A_662, %add3A_660 : i32
    "tpu.region"() ({
      %run_scoped3A = tpu.sem_alloc : memref<!tpu.dma_semaphore, #tpu.memory_space<semaphore_mem>>
      %dma_start3A_689 = arith.constant 0 : i32
      %dma_start3A_690 = tpu.memref_slice %arg14[%add3A_660, %dma_start3A_689] : memref<10240x144xf32, #tpu.memory_space<vmem_shared>> -> memref<80x144xf32, #tpu.memory_space<vmem_shared>>
      %dma_start3A_691 = arith.constant 0 : i32
      %dma_start3A_692 = tpu.memref_slice %arg14[%add3A_660, %dma_start3A_691] : memref<10240x144xf32, #tpu.memory_space<vmem_shared>> -> memref<80x144xf32, #tpu.memory_space<vmem_shared>>
      tpu.enqueue_dma source(%dma_start3A_692 : memref<80x144xf32, #tpu.memory_space<vmem_shared>>) target(%arg7 : memref<80x144xf32, #tpu.memory_space<vmem>>) target_semaphore(%run_scoped3A : memref<!tpu.dma_semaphore, #tpu.memory_space<semaphore_mem>>)
      %dma_wait3A_693 = arith.constant 0 : i32
      %dma_wait3A_694 = tpu.memref_slice %arg14[%add3A_660, %dma_wait3A_693] : memref<10240x144xf32, #tpu.memory_space<vmem_shared>> -> memref<80x144xf32, #tpu.memory_space<vmem_shared>>
      %dma_wait3A_695 = arith.constant 0 : i32
      %dma_wait3A_696 = tpu.memref_slice %arg14[%add3A_660, %dma_wait3A_695] : memref<10240x144xf32, #tpu.memory_space<vmem_shared>> -> memref<80x144xf32, #tpu.memory_space<vmem_shared>>
      tpu.wait_dma2 semaphore(%run_scoped3A : memref<!tpu.dma_semaphore, #tpu.memory_space<semaphore_mem>>) src(%dma_wait3A_696 : memref<80x144xf32, #tpu.memory_space<vmem_shared>>) dst(%arg7 : memref<80x144xf32, #tpu.memory_space<vmem>>)
      tpu.yield
    }) : () -> ()
    "tpu.region"() ({
      %run_scoped3A = tpu.sem_alloc : memref<!tpu.dma_semaphore, #tpu.memory_space<semaphore_mem>>
      %dma_start3A_689 = arith.constant 0 : i32
      %dma_start3A_690 = tpu.memref_slice %arg5[%add3A_663, %dma_start3A_689] : memref<20480x144xf32, #tpu.memory_space<hbm>> -> memref<80x144xf32, #tpu.memory_space<hbm>>
      %dma_start3A_691 = arith.constant 0 : i32
      %dma_start3A_692 = tpu.memref_slice %arg5[%add3A_663, %dma_start3A_691] : memref<20480x144xf32, #tpu.memory_space<hbm>> -> memref<80x144xf32, #tpu.memory_space<hbm>>
      tpu.enqueue_dma source(%arg7 : memref<80x144xf32, #tpu.memory_space<vmem>>) target(%dma_start3A_692 : memref<80x144xf32, #tpu.memory_space<hbm>>) target_semaphore(%run_scoped3A : memref<!tpu.dma_semaphore, #tpu.memory_space<semaphore_mem>>)
      %dma_wait3A_693 = arith.constant 0 : i32
      %dma_wait3A_694 = tpu.memref_slice %arg5[%add3A_663, %dma_wait3A_693] : memref<20480x144xf32, #tpu.memory_space<hbm>> -> memref<80x144xf32, #tpu.memory_space<hbm>>
      %dma_wait3A_695 = arith.constant 0 : i32
      %dma_wait3A_696 = tpu.memref_slice %arg5[%add3A_663, %dma_wait3A_695] : memref<20480x144xf32, #tpu.memory_space<hbm>> -> memref<80x144xf32, #tpu.memory_space<hbm>>
      tpu.wait_dma2 semaphore(%run_scoped3A : memref<!tpu.dma_semaphore, #tpu.memory_space<semaphore_mem>>) src(%arg7 : memref<80x144xf32, #tpu.memory_space<vmem>>) dst(%dma_wait3A_696 : memref<80x144xf32, #tpu.memory_space<hbm>>)
      tpu.yield
    }) : () -> ()
    "tpu.region"() ({
      %run_scoped3A = tpu.sem_alloc : memref<!tpu.dma_semaphore, #tpu.memory_space<semaphore_mem>>
      %dma_start3A_689 = arith.constant 0 : i32
      %dma_start3A_690 = tpu.memref_slice %arg15[%add3A_660, %dma_start3A_689] : memref<10240x16xf32, #tpu.memory_space<vmem_shared>> -> memref<80x16xf32, #tpu.memory_space<vmem_shared>>
      %dma_start3A_691 = arith.constant 0 : i32
      %dma_start3A_692 = tpu.memref_slice %arg15[%add3A_660, %dma_start3A_691] : memref<10240x16xf32, #tpu.memory_space<vmem_shared>> -> memref<80x16xf32, #tpu.memory_space<vmem_shared>>
      tpu.enqueue_dma source(%dma_start3A_692 : memref<80x16xf32, #tpu.memory_space<vmem_shared>>) target(%arg11 : memref<80x16xf32, #tpu.memory_space<vmem>>) target_semaphore(%run_scoped3A : memref<!tpu.dma_semaphore, #tpu.memory_space<semaphore_mem>>)
      %dma_wait3A_693 = arith.constant 0 : i32
      %dma_wait3A_694 = tpu.memref_slice %arg15[%add3A_660, %dma_wait3A_693] : memref<10240x16xf32, #tpu.memory_space<vmem_shared>> -> memref<80x16xf32, #tpu.memory_space<vmem_shared>>
      %dma_wait3A_695 = arith.constant 0 : i32
      %dma_wait3A_696 = tpu.memref_slice %arg15[%add3A_660, %dma_wait3A_695] : memref<10240x16xf32, #tpu.memory_space<vmem_shared>> -> memref<80x16xf32, #tpu.memory_space<vmem_shared>>
      tpu.wait_dma2 semaphore(%run_scoped3A : memref<!tpu.dma_semaphore, #tpu.memory_space<semaphore_mem>>) src(%dma_wait3A_696 : memref<80x16xf32, #tpu.memory_space<vmem_shared>>) dst(%arg11 : memref<80x16xf32, #tpu.memory_space<vmem>>)
      tpu.yield
    }) : () -> ()
    "tpu.region"() ({
      %run_scoped3A = tpu.sem_alloc : memref<!tpu.dma_semaphore, #tpu.memory_space<semaphore_mem>>
      %dma_start3A_689 = arith.constant 0 : i32
      %dma_start3A_690 = tpu.memref_slice %arg6[%add3A_663, %dma_start3A_689] : memref<20480x16xf32, #tpu.memory_space<hbm>> -> memref<80x16xf32, #tpu.memory_space<hbm>>
      %dma_start3A_691 = arith.constant 0 : i32
      %dma_start3A_692 = tpu.memref_slice %arg6[%add3A_663, %dma_start3A_691] : memref<20480x16xf32, #tpu.memory_space<hbm>> -> memref<80x16xf32, #tpu.memory_space<hbm>>
      tpu.enqueue_dma source(%arg11 : memref<80x16xf32, #tpu.memory_space<vmem>>) target(%dma_start3A_692 : memref<80x16xf32, #tpu.memory_space<hbm>>) target_semaphore(%run_scoped3A : memref<!tpu.dma_semaphore, #tpu.memory_space<semaphore_mem>>)
      %dma_wait3A_693 = arith.constant 0 : i32
      %dma_wait3A_694 = tpu.memref_slice %arg6[%add3A_663, %dma_wait3A_693] : memref<20480x16xf32, #tpu.memory_space<hbm>> -> memref<80x16xf32, #tpu.memory_space<hbm>>
      %dma_wait3A_695 = arith.constant 0 : i32
      %dma_wait3A_696 = tpu.memref_slice %arg6[%add3A_663, %dma_wait3A_695] : memref<20480x16xf32, #tpu.memory_space<hbm>> -> memref<80x16xf32, #tpu.memory_space<hbm>>
      tpu.wait_dma2 semaphore(%run_scoped3A : memref<!tpu.dma_semaphore, #tpu.memory_space<semaphore_mem>>) src(%arg11 : memref<80x16xf32, #tpu.memory_space<vmem>>) dst(%dma_wait3A_696 : memref<80x16xf32, #tpu.memory_space<hbm>>)
      tpu.yield
    }) : () -> ()
    %add3A_664 = arith.constant 240 : i32
    %add3A_665 = arith.addi %mul3A_7, %add3A_664 : i32
    %mul3A_666 = arith.constant 10240 : i32
    %mul3A_667 = arith.muli %arg0, %mul3A_666 : i32
    %add3A_668 = arith.addi %mul3A_667, %add3A_665 : i32
    "tpu.region"() ({
      %run_scoped3A = tpu.sem_alloc : memref<!tpu.dma_semaphore, #tpu.memory_space<semaphore_mem>>
      %dma_start3A_689 = arith.constant 0 : i32
      %dma_start3A_690 = tpu.memref_slice %arg14[%add3A_665, %dma_start3A_689] : memref<10240x144xf32, #tpu.memory_space<vmem_shared>> -> memref<80x144xf32, #tpu.memory_space<vmem_shared>>
      %dma_start3A_691 = arith.constant 0 : i32
      %dma_start3A_692 = tpu.memref_slice %arg14[%add3A_665, %dma_start3A_691] : memref<10240x144xf32, #tpu.memory_space<vmem_shared>> -> memref<80x144xf32, #tpu.memory_space<vmem_shared>>
      tpu.enqueue_dma source(%dma_start3A_692 : memref<80x144xf32, #tpu.memory_space<vmem_shared>>) target(%arg7 : memref<80x144xf32, #tpu.memory_space<vmem>>) target_semaphore(%run_scoped3A : memref<!tpu.dma_semaphore, #tpu.memory_space<semaphore_mem>>)
      %dma_wait3A_693 = arith.constant 0 : i32
      %dma_wait3A_694 = tpu.memref_slice %arg14[%add3A_665, %dma_wait3A_693] : memref<10240x144xf32, #tpu.memory_space<vmem_shared>> -> memref<80x144xf32, #tpu.memory_space<vmem_shared>>
      %dma_wait3A_695 = arith.constant 0 : i32
      %dma_wait3A_696 = tpu.memref_slice %arg14[%add3A_665, %dma_wait3A_695] : memref<10240x144xf32, #tpu.memory_space<vmem_shared>> -> memref<80x144xf32, #tpu.memory_space<vmem_shared>>
      tpu.wait_dma2 semaphore(%run_scoped3A : memref<!tpu.dma_semaphore, #tpu.memory_space<semaphore_mem>>) src(%dma_wait3A_696 : memref<80x144xf32, #tpu.memory_space<vmem_shared>>) dst(%arg7 : memref<80x144xf32, #tpu.memory_space<vmem>>)
      tpu.yield
    }) : () -> ()
    "tpu.region"() ({
      %run_scoped3A = tpu.sem_alloc : memref<!tpu.dma_semaphore, #tpu.memory_space<semaphore_mem>>
      %dma_start3A_689 = arith.constant 0 : i32
      %dma_start3A_690 = tpu.memref_slice %arg5[%add3A_668, %dma_start3A_689] : memref<20480x144xf32, #tpu.memory_space<hbm>> -> memref<80x144xf32, #tpu.memory_space<hbm>>
      %dma_start3A_691 = arith.constant 0 : i32
      %dma_start3A_692 = tpu.memref_slice %arg5[%add3A_668, %dma_start3A_691] : memref<20480x144xf32, #tpu.memory_space<hbm>> -> memref<80x144xf32, #tpu.memory_space<hbm>>
      tpu.enqueue_dma source(%arg7 : memref<80x144xf32, #tpu.memory_space<vmem>>) target(%dma_start3A_692 : memref<80x144xf32, #tpu.memory_space<hbm>>) target_semaphore(%run_scoped3A : memref<!tpu.dma_semaphore, #tpu.memory_space<semaphore_mem>>)
      %dma_wait3A_693 = arith.constant 0 : i32
      %dma_wait3A_694 = tpu.memref_slice %arg5[%add3A_668, %dma_wait3A_693] : memref<20480x144xf32, #tpu.memory_space<hbm>> -> memref<80x144xf32, #tpu.memory_space<hbm>>
      %dma_wait3A_695 = arith.constant 0 : i32
      %dma_wait3A_696 = tpu.memref_slice %arg5[%add3A_668, %dma_wait3A_695] : memref<20480x144xf32, #tpu.memory_space<hbm>> -> memref<80x144xf32, #tpu.memory_space<hbm>>
      tpu.wait_dma2 semaphore(%run_scoped3A : memref<!tpu.dma_semaphore, #tpu.memory_space<semaphore_mem>>) src(%arg7 : memref<80x144xf32, #tpu.memory_space<vmem>>) dst(%dma_wait3A_696 : memref<80x144xf32, #tpu.memory_space<hbm>>)
      tpu.yield
    }) : () -> ()
    "tpu.region"() ({
      %run_scoped3A = tpu.sem_alloc : memref<!tpu.dma_semaphore, #tpu.memory_space<semaphore_mem>>
      %dma_start3A_689 = arith.constant 0 : i32
      %dma_start3A_690 = tpu.memref_slice %arg15[%add3A_665, %dma_start3A_689] : memref<10240x16xf32, #tpu.memory_space<vmem_shared>> -> memref<80x16xf32, #tpu.memory_space<vmem_shared>>
      %dma_start3A_691 = arith.constant 0 : i32
      %dma_start3A_692 = tpu.memref_slice %arg15[%add3A_665, %dma_start3A_691] : memref<10240x16xf32, #tpu.memory_space<vmem_shared>> -> memref<80x16xf32, #tpu.memory_space<vmem_shared>>
      tpu.enqueue_dma source(%dma_start3A_692 : memref<80x16xf32, #tpu.memory_space<vmem_shared>>) target(%arg11 : memref<80x16xf32, #tpu.memory_space<vmem>>) target_semaphore(%run_scoped3A : memref<!tpu.dma_semaphore, #tpu.memory_space<semaphore_mem>>)
      %dma_wait3A_693 = arith.constant 0 : i32
      %dma_wait3A_694 = tpu.memref_slice %arg15[%add3A_665, %dma_wait3A_693] : memref<10240x16xf32, #tpu.memory_space<vmem_shared>> -> memref<80x16xf32, #tpu.memory_space<vmem_shared>>
      %dma_wait3A_695 = arith.constant 0 : i32
      %dma_wait3A_696 = tpu.memref_slice %arg15[%add3A_665, %dma_wait3A_695] : memref<10240x16xf32, #tpu.memory_space<vmem_shared>> -> memref<80x16xf32, #tpu.memory_space<vmem_shared>>
      tpu.wait_dma2 semaphore(%run_scoped3A : memref<!tpu.dma_semaphore, #tpu.memory_space<semaphore_mem>>) src(%dma_wait3A_696 : memref<80x16xf32, #tpu.memory_space<vmem_shared>>) dst(%arg11 : memref<80x16xf32, #tpu.memory_space<vmem>>)
      tpu.yield
    }) : () -> ()
    "tpu.region"() ({
      %run_scoped3A = tpu.sem_alloc : memref<!tpu.dma_semaphore, #tpu.memory_space<semaphore_mem>>
      %dma_start3A_689 = arith.constant 0 : i32
      %dma_start3A_690 = tpu.memref_slice %arg6[%add3A_668, %dma_start3A_689] : memref<20480x16xf32, #tpu.memory_space<hbm>> -> memref<80x16xf32, #tpu.memory_space<hbm>>
      %dma_start3A_691 = arith.constant 0 : i32
      %dma_start3A_692 = tpu.memref_slice %arg6[%add3A_668, %dma_start3A_691] : memref<20480x16xf32, #tpu.memory_space<hbm>> -> memref<80x16xf32, #tpu.memory_space<hbm>>
      tpu.enqueue_dma source(%arg11 : memref<80x16xf32, #tpu.memory_space<vmem>>) target(%dma_start3A_692 : memref<80x16xf32, #tpu.memory_space<hbm>>) target_semaphore(%run_scoped3A : memref<!tpu.dma_semaphore, #tpu.memory_space<semaphore_mem>>)
      %dma_wait3A_693 = arith.constant 0 : i32
      %dma_wait3A_694 = tpu.memref_slice %arg6[%add3A_668, %dma_wait3A_693] : memref<20480x16xf32, #tpu.memory_space<hbm>> -> memref<80x16xf32, #tpu.memory_space<hbm>>
      %dma_wait3A_695 = arith.constant 0 : i32
      %dma_wait3A_696 = tpu.memref_slice %arg6[%add3A_668, %dma_wait3A_695] : memref<20480x16xf32, #tpu.memory_space<hbm>> -> memref<80x16xf32, #tpu.memory_space<hbm>>
      tpu.wait_dma2 semaphore(%run_scoped3A : memref<!tpu.dma_semaphore, #tpu.memory_space<semaphore_mem>>) src(%arg11 : memref<80x16xf32, #tpu.memory_space<vmem>>) dst(%dma_wait3A_696 : memref<80x16xf32, #tpu.memory_space<hbm>>)
      tpu.yield
    }) : () -> ()
    %add3A_669 = arith.constant 320 : i32
    %add3A_670 = arith.addi %mul3A_7, %add3A_669 : i32
    %mul3A_671 = arith.constant 10240 : i32
    %mul3A_672 = arith.muli %arg0, %mul3A_671 : i32
    %add3A_673 = arith.addi %mul3A_672, %add3A_670 : i32
    "tpu.region"() ({
      %run_scoped3A = tpu.sem_alloc : memref<!tpu.dma_semaphore, #tpu.memory_space<semaphore_mem>>
      %dma_start3A_689 = arith.constant 0 : i32
      %dma_start3A_690 = tpu.memref_slice %arg14[%add3A_670, %dma_start3A_689] : memref<10240x144xf32, #tpu.memory_space<vmem_shared>> -> memref<80x144xf32, #tpu.memory_space<vmem_shared>>
      %dma_start3A_691 = arith.constant 0 : i32
      %dma_start3A_692 = tpu.memref_slice %arg14[%add3A_670, %dma_start3A_691] : memref<10240x144xf32, #tpu.memory_space<vmem_shared>> -> memref<80x144xf32, #tpu.memory_space<vmem_shared>>
      tpu.enqueue_dma source(%dma_start3A_692 : memref<80x144xf32, #tpu.memory_space<vmem_shared>>) target(%arg7 : memref<80x144xf32, #tpu.memory_space<vmem>>) target_semaphore(%run_scoped3A : memref<!tpu.dma_semaphore, #tpu.memory_space<semaphore_mem>>)
      %dma_wait3A_693 = arith.constant 0 : i32
      %dma_wait3A_694 = tpu.memref_slice %arg14[%add3A_670, %dma_wait3A_693] : memref<10240x144xf32, #tpu.memory_space<vmem_shared>> -> memref<80x144xf32, #tpu.memory_space<vmem_shared>>
      %dma_wait3A_695 = arith.constant 0 : i32
      %dma_wait3A_696 = tpu.memref_slice %arg14[%add3A_670, %dma_wait3A_695] : memref<10240x144xf32, #tpu.memory_space<vmem_shared>> -> memref<80x144xf32, #tpu.memory_space<vmem_shared>>
      tpu.wait_dma2 semaphore(%run_scoped3A : memref<!tpu.dma_semaphore, #tpu.memory_space<semaphore_mem>>) src(%dma_wait3A_696 : memref<80x144xf32, #tpu.memory_space<vmem_shared>>) dst(%arg7 : memref<80x144xf32, #tpu.memory_space<vmem>>)
      tpu.yield
    }) : () -> ()
    "tpu.region"() ({
      %run_scoped3A = tpu.sem_alloc : memref<!tpu.dma_semaphore, #tpu.memory_space<semaphore_mem>>
      %dma_start3A_689 = arith.constant 0 : i32
      %dma_start3A_690 = tpu.memref_slice %arg5[%add3A_673, %dma_start3A_689] : memref<20480x144xf32, #tpu.memory_space<hbm>> -> memref<80x144xf32, #tpu.memory_space<hbm>>
      %dma_start3A_691 = arith.constant 0 : i32
      %dma_start3A_692 = tpu.memref_slice %arg5[%add3A_673, %dma_start3A_691] : memref<20480x144xf32, #tpu.memory_space<hbm>> -> memref<80x144xf32, #tpu.memory_space<hbm>>
      tpu.enqueue_dma source(%arg7 : memref<80x144xf32, #tpu.memory_space<vmem>>) target(%dma_start3A_692 : memref<80x144xf32, #tpu.memory_space<hbm>>) target_semaphore(%run_scoped3A : memref<!tpu.dma_semaphore, #tpu.memory_space<semaphore_mem>>)
      %dma_wait3A_693 = arith.constant 0 : i32
      %dma_wait3A_694 = tpu.memref_slice %arg5[%add3A_673, %dma_wait3A_693] : memref<20480x144xf32, #tpu.memory_space<hbm>> -> memref<80x144xf32, #tpu.memory_space<hbm>>
      %dma_wait3A_695 = arith.constant 0 : i32
      %dma_wait3A_696 = tpu.memref_slice %arg5[%add3A_673, %dma_wait3A_695] : memref<20480x144xf32, #tpu.memory_space<hbm>> -> memref<80x144xf32, #tpu.memory_space<hbm>>
      tpu.wait_dma2 semaphore(%run_scoped3A : memref<!tpu.dma_semaphore, #tpu.memory_space<semaphore_mem>>) src(%arg7 : memref<80x144xf32, #tpu.memory_space<vmem>>) dst(%dma_wait3A_696 : memref<80x144xf32, #tpu.memory_space<hbm>>)
      tpu.yield
    }) : () -> ()
    "tpu.region"() ({
      %run_scoped3A = tpu.sem_alloc : memref<!tpu.dma_semaphore, #tpu.memory_space<semaphore_mem>>
      %dma_start3A_689 = arith.constant 0 : i32
      %dma_start3A_690 = tpu.memref_slice %arg15[%add3A_670, %dma_start3A_689] : memref<10240x16xf32, #tpu.memory_space<vmem_shared>> -> memref<80x16xf32, #tpu.memory_space<vmem_shared>>
      %dma_start3A_691 = arith.constant 0 : i32
      %dma_start3A_692 = tpu.memref_slice %arg15[%add3A_670, %dma_start3A_691] : memref<10240x16xf32, #tpu.memory_space<vmem_shared>> -> memref<80x16xf32, #tpu.memory_space<vmem_shared>>
      tpu.enqueue_dma source(%dma_start3A_692 : memref<80x16xf32, #tpu.memory_space<vmem_shared>>) target(%arg11 : memref<80x16xf32, #tpu.memory_space<vmem>>) target_semaphore(%run_scoped3A : memref<!tpu.dma_semaphore, #tpu.memory_space<semaphore_mem>>)
      %dma_wait3A_693 = arith.constant 0 : i32
      %dma_wait3A_694 = tpu.memref_slice %arg15[%add3A_670, %dma_wait3A_693] : memref<10240x16xf32, #tpu.memory_space<vmem_shared>> -> memref<80x16xf32, #tpu.memory_space<vmem_shared>>
      %dma_wait3A_695 = arith.constant 0 : i32
      %dma_wait3A_696 = tpu.memref_slice %arg15[%add3A_670, %dma_wait3A_695] : memref<10240x16xf32, #tpu.memory_space<vmem_shared>> -> memref<80x16xf32, #tpu.memory_space<vmem_shared>>
      tpu.wait_dma2 semaphore(%run_scoped3A : memref<!tpu.dma_semaphore, #tpu.memory_space<semaphore_mem>>) src(%dma_wait3A_696 : memref<80x16xf32, #tpu.memory_space<vmem_shared>>) dst(%arg11 : memref<80x16xf32, #tpu.memory_space<vmem>>)
      tpu.yield
    }) : () -> ()
    "tpu.region"() ({
      %run_scoped3A = tpu.sem_alloc : memref<!tpu.dma_semaphore, #tpu.memory_space<semaphore_mem>>
      %dma_start3A_689 = arith.constant 0 : i32
      %dma_start3A_690 = tpu.memref_slice %arg6[%add3A_673, %dma_start3A_689] : memref<20480x16xf32, #tpu.memory_space<hbm>> -> memref<80x16xf32, #tpu.memory_space<hbm>>
      %dma_start3A_691 = arith.constant 0 : i32
      %dma_start3A_692 = tpu.memref_slice %arg6[%add3A_673, %dma_start3A_691] : memref<20480x16xf32, #tpu.memory_space<hbm>> -> memref<80x16xf32, #tpu.memory_space<hbm>>
      tpu.enqueue_dma source(%arg11 : memref<80x16xf32, #tpu.memory_space<vmem>>) target(%dma_start3A_692 : memref<80x16xf32, #tpu.memory_space<hbm>>) target_semaphore(%run_scoped3A : memref<!tpu.dma_semaphore, #tpu.memory_space<semaphore_mem>>)
      %dma_wait3A_693 = arith.constant 0 : i32
      %dma_wait3A_694 = tpu.memref_slice %arg6[%add3A_673, %dma_wait3A_693] : memref<20480x16xf32, #tpu.memory_space<hbm>> -> memref<80x16xf32, #tpu.memory_space<hbm>>
      %dma_wait3A_695 = arith.constant 0 : i32
      %dma_wait3A_696 = tpu.memref_slice %arg6[%add3A_673, %dma_wait3A_695] : memref<20480x16xf32, #tpu.memory_space<hbm>> -> memref<80x16xf32, #tpu.memory_space<hbm>>
      tpu.wait_dma2 semaphore(%run_scoped3A : memref<!tpu.dma_semaphore, #tpu.memory_space<semaphore_mem>>) src(%arg11 : memref<80x16xf32, #tpu.memory_space<vmem>>) dst(%dma_wait3A_696 : memref<80x16xf32, #tpu.memory_space<hbm>>)
      tpu.yield
    }) : () -> ()
    %add3A_674 = arith.constant 400 : i32
    %add3A_675 = arith.addi %mul3A_7, %add3A_674 : i32
    %mul3A_676 = arith.constant 10240 : i32
    %mul3A_677 = arith.muli %arg0, %mul3A_676 : i32
    %add3A_678 = arith.addi %mul3A_677, %add3A_675 : i32
    "tpu.region"() ({
      %run_scoped3A = tpu.sem_alloc : memref<!tpu.dma_semaphore, #tpu.memory_space<semaphore_mem>>
      %dma_start3A_689 = arith.constant 0 : i32
      %dma_start3A_690 = tpu.memref_slice %arg14[%add3A_675, %dma_start3A_689] : memref<10240x144xf32, #tpu.memory_space<vmem_shared>> -> memref<80x144xf32, #tpu.memory_space<vmem_shared>>
      %dma_start3A_691 = arith.constant 0 : i32
      %dma_start3A_692 = tpu.memref_slice %arg14[%add3A_675, %dma_start3A_691] : memref<10240x144xf32, #tpu.memory_space<vmem_shared>> -> memref<80x144xf32, #tpu.memory_space<vmem_shared>>
      tpu.enqueue_dma source(%dma_start3A_692 : memref<80x144xf32, #tpu.memory_space<vmem_shared>>) target(%arg7 : memref<80x144xf32, #tpu.memory_space<vmem>>) target_semaphore(%run_scoped3A : memref<!tpu.dma_semaphore, #tpu.memory_space<semaphore_mem>>)
      %dma_wait3A_693 = arith.constant 0 : i32
      %dma_wait3A_694 = tpu.memref_slice %arg14[%add3A_675, %dma_wait3A_693] : memref<10240x144xf32, #tpu.memory_space<vmem_shared>> -> memref<80x144xf32, #tpu.memory_space<vmem_shared>>
      %dma_wait3A_695 = arith.constant 0 : i32
      %dma_wait3A_696 = tpu.memref_slice %arg14[%add3A_675, %dma_wait3A_695] : memref<10240x144xf32, #tpu.memory_space<vmem_shared>> -> memref<80x144xf32, #tpu.memory_space<vmem_shared>>
      tpu.wait_dma2 semaphore(%run_scoped3A : memref<!tpu.dma_semaphore, #tpu.memory_space<semaphore_mem>>) src(%dma_wait3A_696 : memref<80x144xf32, #tpu.memory_space<vmem_shared>>) dst(%arg7 : memref<80x144xf32, #tpu.memory_space<vmem>>)
      tpu.yield
    }) : () -> ()
    "tpu.region"() ({
      %run_scoped3A = tpu.sem_alloc : memref<!tpu.dma_semaphore, #tpu.memory_space<semaphore_mem>>
      %dma_start3A_689 = arith.constant 0 : i32
      %dma_start3A_690 = tpu.memref_slice %arg5[%add3A_678, %dma_start3A_689] : memref<20480x144xf32, #tpu.memory_space<hbm>> -> memref<80x144xf32, #tpu.memory_space<hbm>>
      %dma_start3A_691 = arith.constant 0 : i32
      %dma_start3A_692 = tpu.memref_slice %arg5[%add3A_678, %dma_start3A_691] : memref<20480x144xf32, #tpu.memory_space<hbm>> -> memref<80x144xf32, #tpu.memory_space<hbm>>
      tpu.enqueue_dma source(%arg7 : memref<80x144xf32, #tpu.memory_space<vmem>>) target(%dma_start3A_692 : memref<80x144xf32, #tpu.memory_space<hbm>>) target_semaphore(%run_scoped3A : memref<!tpu.dma_semaphore, #tpu.memory_space<semaphore_mem>>)
      %dma_wait3A_693 = arith.constant 0 : i32
      %dma_wait3A_694 = tpu.memref_slice %arg5[%add3A_678, %dma_wait3A_693] : memref<20480x144xf32, #tpu.memory_space<hbm>> -> memref<80x144xf32, #tpu.memory_space<hbm>>
      %dma_wait3A_695 = arith.constant 0 : i32
      %dma_wait3A_696 = tpu.memref_slice %arg5[%add3A_678, %dma_wait3A_695] : memref<20480x144xf32, #tpu.memory_space<hbm>> -> memref<80x144xf32, #tpu.memory_space<hbm>>
      tpu.wait_dma2 semaphore(%run_scoped3A : memref<!tpu.dma_semaphore, #tpu.memory_space<semaphore_mem>>) src(%arg7 : memref<80x144xf32, #tpu.memory_space<vmem>>) dst(%dma_wait3A_696 : memref<80x144xf32, #tpu.memory_space<hbm>>)
      tpu.yield
    }) : () -> ()
    "tpu.region"() ({
      %run_scoped3A = tpu.sem_alloc : memref<!tpu.dma_semaphore, #tpu.memory_space<semaphore_mem>>
      %dma_start3A_689 = arith.constant 0 : i32
      %dma_start3A_690 = tpu.memref_slice %arg15[%add3A_675, %dma_start3A_689] : memref<10240x16xf32, #tpu.memory_space<vmem_shared>> -> memref<80x16xf32, #tpu.memory_space<vmem_shared>>
      %dma_start3A_691 = arith.constant 0 : i32
      %dma_start3A_692 = tpu.memref_slice %arg15[%add3A_675, %dma_start3A_691] : memref<10240x16xf32, #tpu.memory_space<vmem_shared>> -> memref<80x16xf32, #tpu.memory_space<vmem_shared>>
      tpu.enqueue_dma source(%dma_start3A_692 : memref<80x16xf32, #tpu.memory_space<vmem_shared>>) target(%arg11 : memref<80x16xf32, #tpu.memory_space<vmem>>) target_semaphore(%run_scoped3A : memref<!tpu.dma_semaphore, #tpu.memory_space<semaphore_mem>>)
      %dma_wait3A_693 = arith.constant 0 : i32
      %dma_wait3A_694 = tpu.memref_slice %arg15[%add3A_675, %dma_wait3A_693] : memref<10240x16xf32, #tpu.memory_space<vmem_shared>> -> memref<80x16xf32, #tpu.memory_space<vmem_shared>>
      %dma_wait3A_695 = arith.constant 0 : i32
      %dma_wait3A_696 = tpu.memref_slice %arg15[%add3A_675, %dma_wait3A_695] : memref<10240x16xf32, #tpu.memory_space<vmem_shared>> -> memref<80x16xf32, #tpu.memory_space<vmem_shared>>
      tpu.wait_dma2 semaphore(%run_scoped3A : memref<!tpu.dma_semaphore, #tpu.memory_space<semaphore_mem>>) src(%dma_wait3A_696 : memref<80x16xf32, #tpu.memory_space<vmem_shared>>) dst(%arg11 : memref<80x16xf32, #tpu.memory_space<vmem>>)
      tpu.yield
    }) : () -> ()
    "tpu.region"() ({
      %run_scoped3A = tpu.sem_alloc : memref<!tpu.dma_semaphore, #tpu.memory_space<semaphore_mem>>
      %dma_start3A_689 = arith.constant 0 : i32
      %dma_start3A_690 = tpu.memref_slice %arg6[%add3A_678, %dma_start3A_689] : memref<20480x16xf32, #tpu.memory_space<hbm>> -> memref<80x16xf32, #tpu.memory_space<hbm>>
      %dma_start3A_691 = arith.constant 0 : i32
      %dma_start3A_692 = tpu.memref_slice %arg6[%add3A_678, %dma_start3A_691] : memref<20480x16xf32, #tpu.memory_space<hbm>> -> memref<80x16xf32, #tpu.memory_space<hbm>>
      tpu.enqueue_dma source(%arg11 : memref<80x16xf32, #tpu.memory_space<vmem>>) target(%dma_start3A_692 : memref<80x16xf32, #tpu.memory_space<hbm>>) target_semaphore(%run_scoped3A : memref<!tpu.dma_semaphore, #tpu.memory_space<semaphore_mem>>)
      %dma_wait3A_693 = arith.constant 0 : i32
      %dma_wait3A_694 = tpu.memref_slice %arg6[%add3A_678, %dma_wait3A_693] : memref<20480x16xf32, #tpu.memory_space<hbm>> -> memref<80x16xf32, #tpu.memory_space<hbm>>
      %dma_wait3A_695 = arith.constant 0 : i32
      %dma_wait3A_696 = tpu.memref_slice %arg6[%add3A_678, %dma_wait3A_695] : memref<20480x16xf32, #tpu.memory_space<hbm>> -> memref<80x16xf32, #tpu.memory_space<hbm>>
      tpu.wait_dma2 semaphore(%run_scoped3A : memref<!tpu.dma_semaphore, #tpu.memory_space<semaphore_mem>>) src(%arg11 : memref<80x16xf32, #tpu.memory_space<vmem>>) dst(%dma_wait3A_696 : memref<80x16xf32, #tpu.memory_space<hbm>>)
      tpu.yield
    }) : () -> ()
    %add3A_679 = arith.constant 480 : i32
    %add3A_680 = arith.addi %mul3A_7, %add3A_679 : i32
    %mul3A_681 = arith.constant 10240 : i32
    %mul3A_682 = arith.muli %arg0, %mul3A_681 : i32
    %add3A_683 = arith.addi %mul3A_682, %add3A_680 : i32
    "tpu.region"() ({
      %run_scoped3A = tpu.sem_alloc : memref<!tpu.dma_semaphore, #tpu.memory_space<semaphore_mem>>
      %dma_start3A_689 = arith.constant 0 : i32
      %dma_start3A_690 = tpu.memref_slice %arg14[%add3A_680, %dma_start3A_689] : memref<10240x144xf32, #tpu.memory_space<vmem_shared>> -> memref<80x144xf32, #tpu.memory_space<vmem_shared>>
      %dma_start3A_691 = arith.constant 0 : i32
      %dma_start3A_692 = tpu.memref_slice %arg14[%add3A_680, %dma_start3A_691] : memref<10240x144xf32, #tpu.memory_space<vmem_shared>> -> memref<80x144xf32, #tpu.memory_space<vmem_shared>>
      tpu.enqueue_dma source(%dma_start3A_692 : memref<80x144xf32, #tpu.memory_space<vmem_shared>>) target(%arg7 : memref<80x144xf32, #tpu.memory_space<vmem>>) target_semaphore(%run_scoped3A : memref<!tpu.dma_semaphore, #tpu.memory_space<semaphore_mem>>)
      %dma_wait3A_693 = arith.constant 0 : i32
      %dma_wait3A_694 = tpu.memref_slice %arg14[%add3A_680, %dma_wait3A_693] : memref<10240x144xf32, #tpu.memory_space<vmem_shared>> -> memref<80x144xf32, #tpu.memory_space<vmem_shared>>
      %dma_wait3A_695 = arith.constant 0 : i32
      %dma_wait3A_696 = tpu.memref_slice %arg14[%add3A_680, %dma_wait3A_695] : memref<10240x144xf32, #tpu.memory_space<vmem_shared>> -> memref<80x144xf32, #tpu.memory_space<vmem_shared>>
      tpu.wait_dma2 semaphore(%run_scoped3A : memref<!tpu.dma_semaphore, #tpu.memory_space<semaphore_mem>>) src(%dma_wait3A_696 : memref<80x144xf32, #tpu.memory_space<vmem_shared>>) dst(%arg7 : memref<80x144xf32, #tpu.memory_space<vmem>>)
      tpu.yield
    }) : () -> ()
    "tpu.region"() ({
      %run_scoped3A = tpu.sem_alloc : memref<!tpu.dma_semaphore, #tpu.memory_space<semaphore_mem>>
      %dma_start3A_689 = arith.constant 0 : i32
      %dma_start3A_690 = tpu.memref_slice %arg5[%add3A_683, %dma_start3A_689] : memref<20480x144xf32, #tpu.memory_space<hbm>> -> memref<80x144xf32, #tpu.memory_space<hbm>>
      %dma_start3A_691 = arith.constant 0 : i32
      %dma_start3A_692 = tpu.memref_slice %arg5[%add3A_683, %dma_start3A_691] : memref<20480x144xf32, #tpu.memory_space<hbm>> -> memref<80x144xf32, #tpu.memory_space<hbm>>
      tpu.enqueue_dma source(%arg7 : memref<80x144xf32, #tpu.memory_space<vmem>>) target(%dma_start3A_692 : memref<80x144xf32, #tpu.memory_space<hbm>>) target_semaphore(%run_scoped3A : memref<!tpu.dma_semaphore, #tpu.memory_space<semaphore_mem>>)
      %dma_wait3A_693 = arith.constant 0 : i32
      %dma_wait3A_694 = tpu.memref_slice %arg5[%add3A_683, %dma_wait3A_693] : memref<20480x144xf32, #tpu.memory_space<hbm>> -> memref<80x144xf32, #tpu.memory_space<hbm>>
      %dma_wait3A_695 = arith.constant 0 : i32
      %dma_wait3A_696 = tpu.memref_slice %arg5[%add3A_683, %dma_wait3A_695] : memref<20480x144xf32, #tpu.memory_space<hbm>> -> memref<80x144xf32, #tpu.memory_space<hbm>>
      tpu.wait_dma2 semaphore(%run_scoped3A : memref<!tpu.dma_semaphore, #tpu.memory_space<semaphore_mem>>) src(%arg7 : memref<80x144xf32, #tpu.memory_space<vmem>>) dst(%dma_wait3A_696 : memref<80x144xf32, #tpu.memory_space<hbm>>)
      tpu.yield
    }) : () -> ()
    "tpu.region"() ({
      %run_scoped3A = tpu.sem_alloc : memref<!tpu.dma_semaphore, #tpu.memory_space<semaphore_mem>>
      %dma_start3A_689 = arith.constant 0 : i32
      %dma_start3A_690 = tpu.memref_slice %arg15[%add3A_680, %dma_start3A_689] : memref<10240x16xf32, #tpu.memory_space<vmem_shared>> -> memref<80x16xf32, #tpu.memory_space<vmem_shared>>
      %dma_start3A_691 = arith.constant 0 : i32
      %dma_start3A_692 = tpu.memref_slice %arg15[%add3A_680, %dma_start3A_691] : memref<10240x16xf32, #tpu.memory_space<vmem_shared>> -> memref<80x16xf32, #tpu.memory_space<vmem_shared>>
      tpu.enqueue_dma source(%dma_start3A_692 : memref<80x16xf32, #tpu.memory_space<vmem_shared>>) target(%arg11 : memref<80x16xf32, #tpu.memory_space<vmem>>) target_semaphore(%run_scoped3A : memref<!tpu.dma_semaphore, #tpu.memory_space<semaphore_mem>>)
      %dma_wait3A_693 = arith.constant 0 : i32
      %dma_wait3A_694 = tpu.memref_slice %arg15[%add3A_680, %dma_wait3A_693] : memref<10240x16xf32, #tpu.memory_space<vmem_shared>> -> memref<80x16xf32, #tpu.memory_space<vmem_shared>>
      %dma_wait3A_695 = arith.constant 0 : i32
      %dma_wait3A_696 = tpu.memref_slice %arg15[%add3A_680, %dma_wait3A_695] : memref<10240x16xf32, #tpu.memory_space<vmem_shared>> -> memref<80x16xf32, #tpu.memory_space<vmem_shared>>
      tpu.wait_dma2 semaphore(%run_scoped3A : memref<!tpu.dma_semaphore, #tpu.memory_space<semaphore_mem>>) src(%dma_wait3A_696 : memref<80x16xf32, #tpu.memory_space<vmem_shared>>) dst(%arg11 : memref<80x16xf32, #tpu.memory_space<vmem>>)
      tpu.yield
    }) : () -> ()
    "tpu.region"() ({
      %run_scoped3A = tpu.sem_alloc : memref<!tpu.dma_semaphore, #tpu.memory_space<semaphore_mem>>
      %dma_start3A_689 = arith.constant 0 : i32
      %dma_start3A_690 = tpu.memref_slice %arg6[%add3A_683, %dma_start3A_689] : memref<20480x16xf32, #tpu.memory_space<hbm>> -> memref<80x16xf32, #tpu.memory_space<hbm>>
      %dma_start3A_691 = arith.constant 0 : i32
      %dma_start3A_692 = tpu.memref_slice %arg6[%add3A_683, %dma_start3A_691] : memref<20480x16xf32, #tpu.memory_space<hbm>> -> memref<80x16xf32, #tpu.memory_space<hbm>>
      tpu.enqueue_dma source(%arg11 : memref<80x16xf32, #tpu.memory_space<vmem>>) target(%dma_start3A_692 : memref<80x16xf32, #tpu.memory_space<hbm>>) target_semaphore(%run_scoped3A : memref<!tpu.dma_semaphore, #tpu.memory_space<semaphore_mem>>)
      %dma_wait3A_693 = arith.constant 0 : i32
      %dma_wait3A_694 = tpu.memref_slice %arg6[%add3A_683, %dma_wait3A_693] : memref<20480x16xf32, #tpu.memory_space<hbm>> -> memref<80x16xf32, #tpu.memory_space<hbm>>
      %dma_wait3A_695 = arith.constant 0 : i32
      %dma_wait3A_696 = tpu.memref_slice %arg6[%add3A_683, %dma_wait3A_695] : memref<20480x16xf32, #tpu.memory_space<hbm>> -> memref<80x16xf32, #tpu.memory_space<hbm>>
      tpu.wait_dma2 semaphore(%run_scoped3A : memref<!tpu.dma_semaphore, #tpu.memory_space<semaphore_mem>>) src(%arg11 : memref<80x16xf32, #tpu.memory_space<vmem>>) dst(%dma_wait3A_696 : memref<80x16xf32, #tpu.memory_space<hbm>>)
      tpu.yield
    }) : () -> ()
    %add3A_684 = arith.constant 560 : i32
    %add3A_685 = arith.addi %mul3A_7, %add3A_684 : i32
    %mul3A_686 = arith.constant 10240 : i32
    %mul3A_687 = arith.muli %arg0, %mul3A_686 : i32
    %add3A_688 = arith.addi %mul3A_687, %add3A_685 : i32
    "tpu.region"() ({
      %run_scoped3A = tpu.sem_alloc : memref<!tpu.dma_semaphore, #tpu.memory_space<semaphore_mem>>
      %dma_start3A_689 = arith.constant 0 : i32
      %dma_start3A_690 = tpu.memref_slice %arg14[%add3A_685, %dma_start3A_689] : memref<10240x144xf32, #tpu.memory_space<vmem_shared>> -> memref<80x144xf32, #tpu.memory_space<vmem_shared>>
      %dma_start3A_691 = arith.constant 0 : i32
      %dma_start3A_692 = tpu.memref_slice %arg14[%add3A_685, %dma_start3A_691] : memref<10240x144xf32, #tpu.memory_space<vmem_shared>> -> memref<80x144xf32, #tpu.memory_space<vmem_shared>>
      tpu.enqueue_dma source(%dma_start3A_692 : memref<80x144xf32, #tpu.memory_space<vmem_shared>>) target(%arg7 : memref<80x144xf32, #tpu.memory_space<vmem>>) target_semaphore(%run_scoped3A : memref<!tpu.dma_semaphore, #tpu.memory_space<semaphore_mem>>)
      %dma_wait3A_693 = arith.constant 0 : i32
      %dma_wait3A_694 = tpu.memref_slice %arg14[%add3A_685, %dma_wait3A_693] : memref<10240x144xf32, #tpu.memory_space<vmem_shared>> -> memref<80x144xf32, #tpu.memory_space<vmem_shared>>
      %dma_wait3A_695 = arith.constant 0 : i32
      %dma_wait3A_696 = tpu.memref_slice %arg14[%add3A_685, %dma_wait3A_695] : memref<10240x144xf32, #tpu.memory_space<vmem_shared>> -> memref<80x144xf32, #tpu.memory_space<vmem_shared>>
      tpu.wait_dma2 semaphore(%run_scoped3A : memref<!tpu.dma_semaphore, #tpu.memory_space<semaphore_mem>>) src(%dma_wait3A_696 : memref<80x144xf32, #tpu.memory_space<vmem_shared>>) dst(%arg7 : memref<80x144xf32, #tpu.memory_space<vmem>>)
      tpu.yield
    }) : () -> ()
    "tpu.region"() ({
      %run_scoped3A = tpu.sem_alloc : memref<!tpu.dma_semaphore, #tpu.memory_space<semaphore_mem>>
      %dma_start3A_689 = arith.constant 0 : i32
      %dma_start3A_690 = tpu.memref_slice %arg5[%add3A_688, %dma_start3A_689] : memref<20480x144xf32, #tpu.memory_space<hbm>> -> memref<80x144xf32, #tpu.memory_space<hbm>>
      %dma_start3A_691 = arith.constant 0 : i32
      %dma_start3A_692 = tpu.memref_slice %arg5[%add3A_688, %dma_start3A_691] : memref<20480x144xf32, #tpu.memory_space<hbm>> -> memref<80x144xf32, #tpu.memory_space<hbm>>
      tpu.enqueue_dma source(%arg7 : memref<80x144xf32, #tpu.memory_space<vmem>>) target(%dma_start3A_692 : memref<80x144xf32, #tpu.memory_space<hbm>>) target_semaphore(%run_scoped3A : memref<!tpu.dma_semaphore, #tpu.memory_space<semaphore_mem>>)
      %dma_wait3A_693 = arith.constant 0 : i32
      %dma_wait3A_694 = tpu.memref_slice %arg5[%add3A_688, %dma_wait3A_693] : memref<20480x144xf32, #tpu.memory_space<hbm>> -> memref<80x144xf32, #tpu.memory_space<hbm>>
      %dma_wait3A_695 = arith.constant 0 : i32
      %dma_wait3A_696 = tpu.memref_slice %arg5[%add3A_688, %dma_wait3A_695] : memref<20480x144xf32, #tpu.memory_space<hbm>> -> memref<80x144xf32, #tpu.memory_space<hbm>>
      tpu.wait_dma2 semaphore(%run_scoped3A : memref<!tpu.dma_semaphore, #tpu.memory_space<semaphore_mem>>) src(%arg7 : memref<80x144xf32, #tpu.memory_space<vmem>>) dst(%dma_wait3A_696 : memref<80x144xf32, #tpu.memory_space<hbm>>)
      tpu.yield
    }) : () -> ()
    "tpu.region"() ({
      %run_scoped3A = tpu.sem_alloc : memref<!tpu.dma_semaphore, #tpu.memory_space<semaphore_mem>>
      %dma_start3A_689 = arith.constant 0 : i32
      %dma_start3A_690 = tpu.memref_slice %arg15[%add3A_685, %dma_start3A_689] : memref<10240x16xf32, #tpu.memory_space<vmem_shared>> -> memref<80x16xf32, #tpu.memory_space<vmem_shared>>
      %dma_start3A_691 = arith.constant 0 : i32
      %dma_start3A_692 = tpu.memref_slice %arg15[%add3A_685, %dma_start3A_691] : memref<10240x16xf32, #tpu.memory_space<vmem_shared>> -> memref<80x16xf32, #tpu.memory_space<vmem_shared>>
      tpu.enqueue_dma source(%dma_start3A_692 : memref<80x16xf32, #tpu.memory_space<vmem_shared>>) target(%arg11 : memref<80x16xf32, #tpu.memory_space<vmem>>) target_semaphore(%run_scoped3A : memref<!tpu.dma_semaphore, #tpu.memory_space<semaphore_mem>>)
      %dma_wait3A_693 = arith.constant 0 : i32
      %dma_wait3A_694 = tpu.memref_slice %arg15[%add3A_685, %dma_wait3A_693] : memref<10240x16xf32, #tpu.memory_space<vmem_shared>> -> memref<80x16xf32, #tpu.memory_space<vmem_shared>>
      %dma_wait3A_695 = arith.constant 0 : i32
      %dma_wait3A_696 = tpu.memref_slice %arg15[%add3A_685, %dma_wait3A_695] : memref<10240x16xf32, #tpu.memory_space<vmem_shared>> -> memref<80x16xf32, #tpu.memory_space<vmem_shared>>
      tpu.wait_dma2 semaphore(%run_scoped3A : memref<!tpu.dma_semaphore, #tpu.memory_space<semaphore_mem>>) src(%dma_wait3A_696 : memref<80x16xf32, #tpu.memory_space<vmem_shared>>) dst(%arg11 : memref<80x16xf32, #tpu.memory_space<vmem>>)
      tpu.yield
    }) : () -> ()
    "tpu.region"() ({
      %run_scoped3A = tpu.sem_alloc : memref<!tpu.dma_semaphore, #tpu.memory_space<semaphore_mem>>
      %dma_start3A_689 = arith.constant 0 : i32
      %dma_start3A_690 = tpu.memref_slice %arg6[%add3A_688, %dma_start3A_689] : memref<20480x16xf32, #tpu.memory_space<hbm>> -> memref<80x16xf32, #tpu.memory_space<hbm>>
      %dma_start3A_691 = arith.constant 0 : i32
      %dma_start3A_692 = tpu.memref_slice %arg6[%add3A_688, %dma_start3A_691] : memref<20480x16xf32, #tpu.memory_space<hbm>> -> memref<80x16xf32, #tpu.memory_space<hbm>>
      tpu.enqueue_dma source(%arg11 : memref<80x16xf32, #tpu.memory_space<vmem>>) target(%dma_start3A_692 : memref<80x16xf32, #tpu.memory_space<hbm>>) target_semaphore(%run_scoped3A : memref<!tpu.dma_semaphore, #tpu.memory_space<semaphore_mem>>)
      %dma_wait3A_693 = arith.constant 0 : i32
      %dma_wait3A_694 = tpu.memref_slice %arg6[%add3A_688, %dma_wait3A_693] : memref<20480x16xf32, #tpu.memory_space<hbm>> -> memref<80x16xf32, #tpu.memory_space<hbm>>
      %dma_wait3A_695 = arith.constant 0 : i32
      %dma_wait3A_696 = tpu.memref_slice %arg6[%add3A_688, %dma_wait3A_695] : memref<20480x16xf32, #tpu.memory_space<hbm>> -> memref<80x16xf32, #tpu.memory_space<hbm>>
      tpu.wait_dma2 semaphore(%run_scoped3A : memref<!tpu.dma_semaphore, #tpu.memory_space<semaphore_mem>>) src(%arg11 : memref<80x16xf32, #tpu.memory_space<vmem>>) dst(%dma_wait3A_696 : memref<80x16xf32, #tpu.memory_space<hbm>>)
      tpu.yield
    }) : () -> ()
    return
  }
}

module attributes {stable_mosaic.version = 14 : i64} {
  func.func @_prep_body(%arg0: i32, %arg1: memref<1000x128xf32, #tpu.memory_space<vmem>>, %arg2: memref<128x128xf32, #tpu.memory_space<vmem>>, %arg3: memref<128x8xf32, #tpu.memory_space<vmem>>, %arg4: memref<1000x144xf32, #tpu.memory_space<vmem>>, %arg5: memref<1000x16xf32, #tpu.memory_space<vmem>>) attributes {dimension_semantics = [#tpu.dimension_semantics<arbitrary>], iteration_bounds = array<i64: 10>, scalar_prefetch = 0 : i64, scratch_operands = 0 : i64, tpu.core_type = #tpu.core_type<tc>, window_params = [{transform_indices = @transform_0, window_bounds = array<i64: 1000, 128>}, {pipeline_mode = #tpu.pipeline_mode<synchronous>, transform_indices = @transform_1, window_bounds = array<i64: 128, 128>}, {pipeline_mode = #tpu.pipeline_mode<synchronous>, transform_indices = @transform_2, window_bounds = array<i64: 128, 8>}, {transform_indices = @transform_3, window_bounds = array<i64: 1000, 144>}, {transform_indices = @transform_4, window_bounds = array<i64: 1000, 16>}]} {
    %get3A = arith.constant 0 : index
    %get3A_0 = arith.constant 0 : index
    %get3A_1 = vector.load %arg1[%get3A, %get3A_0] : memref<1000x128xf32, #tpu.memory_space<vmem>>, vector<1000x128xf32>
    %get3A_2 = arith.constant 0 : index
    %get3A_3 = arith.constant 0 : index
    %get3A_4 = vector.load %arg2[%get3A_2, %get3A_3] : memref<128x128xf32, #tpu.memory_space<vmem>>, vector<128x128xf32>
    %dot_general3A = arith.constant dense<0.000000e+00> : vector<1000x128xf32>
    %dot_general3A_5 = tpu.matmul %get3A_1, %get3A_4, %dot_general3A {dimension_numbers = #tpu.dot_dimension_numbers<[1], [0], [0], [1], [0, 0, 1, 1], [], []>, transpose_lhs_hint = false} : vector<1000x128xf32>, vector<128x128xf32>, vector<1000x128xf32> -> vector<1000x128xf32>
    %get3A_6 = arith.constant 0 : index
    %get3A_7 = arith.constant 0 : index
    %get3A_8 = vector.load %arg3[%get3A_6, %get3A_7] : memref<128x8xf32, #tpu.memory_space<vmem>>, vector<128x8xf32>
    %dot_general3A_9 = arith.constant dense<0.000000e+00> : vector<1000x8xf32>
    %dot_general3A_10 = tpu.matmul %dot_general3A_5, %get3A_8, %dot_general3A_9 {dimension_numbers = #tpu.dot_dimension_numbers<[1], [0], [0], [1], [0, 0, 1, 1], [], []>, transpose_lhs_hint = false} : vector<1000x128xf32>, vector<128x8xf32>, vector<1000x8xf32> -> vector<1000x8xf32>
    %broadcast_in_dim3A = arith.constant 0.000000e+00 : f32
    %broadcast_in_dim3A_11 = vector.broadcast %broadcast_in_dim3A : f32 to vector<1000x12xf32>
    %slice3A = vector.extract_strided_slice %dot_general3A_10 {offsets = [0, 0], sizes = [1000, 4], strides = [1, 1]} : vector<1000x8xf32> to vector<1000x4xf32>
    %concatenate3A = tpu.concatenate %dot_general3A_5, %slice3A, %broadcast_in_dim3A_11 in 1 : vector<1000x128xf32>, vector<1000x4xf32>, vector<1000x12xf32> -> vector<1000x144xf32>
    %swap3A = arith.constant 0 : index
    %swap3A_12 = arith.constant 0 : index
    %swap3A_13 = vector.load %arg4[%swap3A, %swap3A_12] : memref<1000x144xf32, #tpu.memory_space<vmem>>, vector<1000x144xf32>
    tpu.vector_store %arg4[%swap3A, %swap3A_12], %concatenate3A {strides = array<i32>} : memref<1000x144xf32, #tpu.memory_space<vmem>>, vector<1000x144xf32>,
    %slice3A_14 = vector.extract_strided_slice %dot_general3A_10 {offsets = [0, 4], sizes = [1000, 4], strides = [1, 1]} : vector<1000x8xf32> to vector<1000x4xf32>
    %concatenate3A_15 = tpu.concatenate %slice3A_14, %broadcast_in_dim3A_11 in 1 : vector<1000x4xf32>, vector<1000x12xf32> -> vector<1000x16xf32>
    %swap3A_16 = arith.constant 0 : index
    %swap3A_17 = arith.constant 0 : index
    %swap3A_18 = vector.load %arg5[%swap3A_16, %swap3A_17] : memref<1000x16xf32, #tpu.memory_space<vmem>>, vector<1000x16xf32>
    tpu.vector_store %arg5[%swap3A_16, %swap3A_17], %concatenate3A_15 {strides = array<i32>} : memref<1000x16xf32, #tpu.memory_space<vmem>>, vector<1000x16xf32>,
    return
  }
  func.func @transform_0(%arg0: i32) -> (i32, i32) {
    %c0_i32 = arith.constant 0 : i32
    %c0_i32_0 = arith.constant 0 : i32
    return %arg0, %c0_i32 : i32, i32
  }
  func.func @transform_1(%arg0: i32) -> (i32, i32) {
    %c0_i32 = arith.constant 0 : i32
    %c0_i32_0 = arith.constant 0 : i32
    %c0_i32_1 = arith.constant 0 : i32
    return %c0_i32, %c0_i32_0 : i32, i32
  }
  func.func @transform_2(%arg0: i32) -> (i32, i32) {
    %c0_i32 = arith.constant 0 : i32
    %c0_i32_0 = arith.constant 0 : i32
    %c0_i32_1 = arith.constant 0 : i32
    return %c0_i32, %c0_i32_0 : i32, i32
  }
  func.func @transform_3(%arg0: i32) -> (i32, i32) {
    %c0_i32 = arith.constant 0 : i32
    %c0_i32_0 = arith.constant 0 : i32
    return %arg0, %c0_i32 : i32, i32
  }
  func.func @transform_4(%arg0: i32) -> (i32, i32) {
    %c0_i32 = arith.constant 0 : i32
    %c0_i32_0 = arith.constant 0 : i32
    return %arg0, %c0_i32 : i32, i32
  }
}

module attributes {stable_mosaic.version = 14 : i64} {
  func.func @_finish_body(%arg0: i32, %arg1: memref<2048x144xf32, #tpu.memory_space<vmem>>, %arg2: memref<2048x144xf32, #tpu.memory_space<vmem>>, %arg3: memref<2048x16xf32, #tpu.memory_space<vmem>>, %arg4: memref<2048x16xf32, #tpu.memory_space<vmem>>, %arg5: memref<2048x128xf32, #tpu.memory_space<vmem>>, %arg6: memref<1x128xf32, #tpu.memory_space<vmem>>, %arg7: memref<2048x128xf32, #tpu.memory_space<vmem>>) attributes {dimension_semantics = [#tpu.dimension_semantics<arbitrary>], iteration_bounds = array<i64: 5>, scalar_prefetch = 0 : i64, scratch_operands = 0 : i64, tpu.core_type = #tpu.core_type<tc>, window_params = [{transform_indices = @transform_0, window_bounds = array<i64: 2048, 144>}, {transform_indices = @transform_1, window_bounds = array<i64: 2048, 144>}, {transform_indices = @transform_2, window_bounds = array<i64: 2048, 16>}, {transform_indices = @transform_3, window_bounds = array<i64: 2048, 16>}, {transform_indices = @transform_4, window_bounds = array<i64: 2048, 128>}, {pipeline_mode = #tpu.pipeline_mode<synchronous>, transform_indices = @transform_5, window_bounds = array<i64: 1, 128>}, {transform_indices = @transform_6, window_bounds = array<i64: 2048, 128>}]} {
    %get3A = arith.constant 0 : index
    %get3A_0 = arith.constant 0 : index
    %get3A_1 = vector.load %arg1[%get3A, %get3A_0] : memref<2048x144xf32, #tpu.memory_space<vmem>>, vector<2048x128xf32>
    %get3A_2 = arith.constant 0 : index
    %get3A_3 = arith.constant 0 : index
    %get3A_4 = vector.load %arg2[%get3A_2, %get3A_3] : memref<2048x144xf32, #tpu.memory_space<vmem>>, vector<2048x128xf32>
    %add3A = arith.addf %get3A_1, %get3A_4 : vector<2048x128xf32>
    %get3A_5 = arith.constant 0 : index
    %get3A_6 = arith.constant 0 : index
    %get3A_7 = vector.load %arg3[%get3A_5, %get3A_6] : memref<2048x16xf32, #tpu.memory_space<vmem>>, vector<2048x16xf32>
    %get3A_8 = arith.constant 0 : index
    %get3A_9 = arith.constant 0 : index
    %get3A_10 = vector.load %arg4[%get3A_8, %get3A_9] : memref<2048x16xf32, #tpu.memory_space<vmem>>, vector<2048x16xf32>
    %add3A_11 = arith.addf %get3A_7, %get3A_10 : vector<2048x16xf32>
    %max3A = arith.constant 9.99999971E-10 : f32
    %max3A_12 = vector.broadcast %max3A : f32 to vector<2048x16xf32>
    %max3A_13 = arith.maximumf %add3A_11, %max3A_12 : vector<2048x16xf32>
    %div3A = arith.constant 1.000000e+00 : f32
    %div3A_14 = vector.broadcast %div3A : f32 to vector<2048x16xf32>
    %div3A_15 = arith.divf %div3A_14, %max3A_13 : vector<2048x16xf32>
    %slice3A = vector.extract_strided_slice %add3A {offsets = [0, 0], sizes = [2048, 32], strides = [1, 1]} : vector<2048x128xf32> to vector<2048x32xf32>
    %slice3A_16 = vector.extract_strided_slice %div3A_15 {offsets = [0, 0], sizes = [2048, 1], strides = [1, 1]} : vector<2048x16xf32> to vector<2048x1xf32>
    %mul3A = vector.broadcast %slice3A_16 : vector<2048x1xf32> to vector<2048x32xf32>
    %mul3A_17 = arith.mulf %slice3A, %mul3A : vector<2048x32xf32>
    %slice3A_18 = vector.extract_strided_slice %add3A {offsets = [0, 32], sizes = [2048, 32], strides = [1, 1]} : vector<2048x128xf32> to vector<2048x32xf32>
    %slice3A_19 = vector.extract_strided_slice %div3A_15 {offsets = [0, 1], sizes = [2048, 1], strides = [1, 1]} : vector<2048x16xf32> to vector<2048x1xf32>
    %mul3A_20 = vector.broadcast %slice3A_19 : vector<2048x1xf32> to vector<2048x32xf32>
    %mul3A_21 = arith.mulf %slice3A_18, %mul3A_20 : vector<2048x32xf32>
    %slice3A_22 = vector.extract_strided_slice %add3A {offsets = [0, 64], sizes = [2048, 32], strides = [1, 1]} : vector<2048x128xf32> to vector<2048x32xf32>
    %slice3A_23 = vector.extract_strided_slice %div3A_15 {offsets = [0, 2], sizes = [2048, 1], strides = [1, 1]} : vector<2048x16xf32> to vector<2048x1xf32>
    %mul3A_24 = vector.broadcast %slice3A_23 : vector<2048x1xf32> to vector<2048x32xf32>
    %mul3A_25 = arith.mulf %slice3A_22, %mul3A_24 : vector<2048x32xf32>
    %slice3A_26 = vector.extract_strided_slice %add3A {offsets = [0, 96], sizes = [2048, 32], strides = [1, 1]} : vector<2048x128xf32> to vector<2048x32xf32>
    %slice3A_27 = vector.extract_strided_slice %div3A_15 {offsets = [0, 3], sizes = [2048, 1], strides = [1, 1]} : vector<2048x16xf32> to vector<2048x1xf32>
    %mul3A_28 = vector.broadcast %slice3A_27 : vector<2048x1xf32> to vector<2048x32xf32>
    %mul3A_29 = arith.mulf %slice3A_26, %mul3A_28 : vector<2048x32xf32>
    %concatenate3A = tpu.concatenate %mul3A_17, %mul3A_21, %mul3A_25, %mul3A_29 in 1 : vector<2048x32xf32>, vector<2048x32xf32>, vector<2048x32xf32>, vector<2048x32xf32> -> vector<2048x128xf32>
    %get3A_30 = arith.constant 0 : index
    %get3A_31 = arith.constant 0 : index
    %get3A_32 = vector.load %arg5[%get3A_30, %get3A_31] : memref<2048x128xf32, #tpu.memory_space<vmem>>, vector<2048x128xf32>
    %add3A_33 = arith.addf %concatenate3A, %get3A_32 : vector<2048x128xf32>
    %get3A_34 = arith.constant 0 : index
    %get3A_35 = arith.constant 0 : index
    %get3A_36 = vector.load %arg6[%get3A_34, %get3A_35] : memref<1x128xf32, #tpu.memory_space<vmem>>, vector<1x128xf32>
    %add3A_37 = vector.broadcast %get3A_36 : vector<1x128xf32> to vector<2048x128xf32>
    %add3A_38 = arith.addf %add3A_33, %add3A_37 : vector<2048x128xf32>
    %swap3A = arith.constant 0 : index
    %swap3A_39 = arith.constant 0 : index
    %swap3A_40 = vector.load %arg7[%swap3A, %swap3A_39] : memref<2048x128xf32, #tpu.memory_space<vmem>>, vector<2048x128xf32>
    tpu.vector_store %arg7[%swap3A, %swap3A_39], %add3A_38 {strides = array<i32>} : memref<2048x128xf32, #tpu.memory_space<vmem>>, vector<2048x128xf32>,
    return
  }
  func.func @transform_0(%arg0: i32) -> (i32, i32) {
    %c0_i32 = arith.constant 0 : i32
    %c0_i32_0 = arith.constant 0 : i32
    return %arg0, %c0_i32 : i32, i32
  }
  func.func @transform_1(%arg0: i32) -> (i32, i32) {
    %add3A = arith.constant 5 : i32
    %add3A_0 = arith.addi %arg0, %add3A : i32
    %c0_i32 = arith.constant 0 : i32
    %c0_i32_1 = arith.constant 0 : i32
    return %add3A_0, %c0_i32 : i32, i32
  }
  func.func @transform_2(%arg0: i32) -> (i32, i32) {
    %c0_i32 = arith.constant 0 : i32
    %c0_i32_0 = arith.constant 0 : i32
    return %arg0, %c0_i32 : i32, i32
  }
  func.func @transform_3(%arg0: i32) -> (i32, i32) {
    %add3A = arith.constant 5 : i32
    %add3A_0 = arith.addi %arg0, %add3A : i32
    %c0_i32 = arith.constant 0 : i32
    %c0_i32_1 = arith.constant 0 : i32
    return %add3A_0, %c0_i32 : i32, i32
  }
  func.func @transform_4(%arg0: i32) -> (i32, i32) {
    %c0_i32 = arith.constant 0 : i32
    %c0_i32_0 = arith.constant 0 : i32
    return %arg0, %c0_i32 : i32, i32
  }
  func.func @transform_5(%arg0: i32) -> (i32, i32) {
    %c0_i32 = arith.constant 0 : i32
    %c0_i32_0 = arith.constant 0 : i32
    %c0_i32_1 = arith.constant 0 : i32
    return %c0_i32, %c0_i32_0 : i32, i32
  }
  func.func @transform_6(%arg0: i32) -> (i32, i32) {
    %c0_i32 = arith.constant 0 : i32
    %c0_i32_0 = arith.constant 0 : i32
    return %arg0, %c0_i32 : i32, i32
  }
}

</mosaic_0001>

<sc_bundles>
// kernel: kernel.5.cloned.1.call-start
scs
__scs_entry_jumppad:
0x0: {  	(pc) =	sbr.rel $0x88, $3  }
0x1: {  	(tag) =	ssettag $0x0;
	lr =	simm.s32 $0x1  }
0x2: {  	[smem:$0x3F9B] =	sst lr;
	_ =	strace $0xD0000000  }
0x3: {  	_ = 	snop  }
0x4: {  	_ = 	snop  }
0x5: {  	_ = 	snop  }
0x6: {  	_ = 	snop  }
0x7: {  	_ = 	snop  }
__scs_overlays_trampoline_lowered:
0x8: {  	[smem:$0x3FAA] =	sst s0  }
0x9: {  	[smem:$0x3FAB] =	sst s1  }
0xa: {  	[smem:$0x3FAC] =	sst s2  }
0xb: {  	[smem:$0x3FAD] =	sst s3  }
0xc: {  	[smem:$0x3FAE] =	sst s4  }
0xd: {  	[smem:$0x3FAF] =	sst s5  }
0xe: {  	[smem:$0x3FB0] =	sst s6  }
0xf: {  	[smem:$0x3FB1] =	sst s7  }
0x10: {  	[smem:$0x3FB2] =	sst s8  }
0x11: {  	[smem:$0x3FB3] =	sst s9;
	s0 =	simm.s32 @!p0 $0x0  }
0x12: {  	s1 =	sld [smem:$0x3F99];
	s0 =	simm.s32 @p0 $0x1  }
0x13: {  	[smem:$0x3FB4] =	sst s0;
	s0 =	simm.s32 @!p1 $0x0  }
0x14: {  	s2 =	sld [smem:$0x3F98];
	s0 =	simm.s32 @p1 $0x1  }
0x15: {  	[smem:$0x3FB5] =	sst s0;
	s0 =	simm.s32 @!p2 $0x0  }
0x16: {  	s3 =	sld [smem:$0x3FDB];
	s0 =	simm.s32 @p2 $0x1  }
0x17: {  	s4 =	simm.s32 $0x1BF5;
	[smem:$0x3FB7] =	sst s0  }
0x18: {  	s0 =	sld [smem:$0x3F9A];
	_ =	swait.ge [sflag:s4], $0x0  }
0x19: {  	s7 =	sld [smem:$0x3F9B]  }
0x1a: {  	s8 =	sadd.s32 $0xFFFFE003, lr  }
0x1b: {  	s9 =	sadd.s32 $0xFFFFFEF7, lr;
	s5 =	simm.s32 $0xFFFFFFFF;
	p2 =	slt.u32 s8, $0xFFFFF086  }
0x1c: {  	p1 =	slt.u32 s9, $0xF7A;
	s5 =	simm.s32 @!p2 $0x0  }
0x1d: {  	s5 =	simm.s32 @p1 $0x1;
	p0 =	seq.s32 s7, s2  }
0x1e: {  	s7 =	smul.u32 @!p0 $0xF7A, s2;
	p2 =	seq.s32 @!p0 s5, $0x0  }
0x1f: {  	s9 =	smul.u32 $0xF7A, s1;
	s8 =	simm.s32 @!p0 $0x1BF5;
	p2 =	por !p2, p0  }
0x20: {  	[sflag:s8] =	ssyncset.s32 @!p0 $0xFFFFF086;
	s6 =	sadd.s32 @!p0 s3, s7;
	s7 =	simm.s32 @!p0 $0x108  }
0x21: {  	s3 =	sadd.s32 s3, s9;
	s6 =	sadd.s32 @!p0 $0x88, s6;
	s7 =	simm.s32 @p2 $0x1082  }
0x22: {  	[simem:s7], [sflag:s8] =	dma.local @!p0 [hbm:s6], $0xF7A  }
0x23: {  	s9 =	sor.u32 $0xD0000000, s2;
	s6 =	simm.s32 $0x108;
	_ =	swait.ge @!p0 [sflag:s8], $0x0  }
0x24: {  	s3 =	sadd.s32 $0x88, s3;
	s6 =	simm.s32 @!p1 $0x1082;
	[sflag:s4] =	ssyncset.s32 $0xFFFFF086  }
0x25: {  	[simem:s6], [sflag:s4] =	dma.local [hbm:s3], $0xF7A  }
0x26: {  	[smem:$0x3F9B] =	sst s1;
	(tag) =	ssettag s2;
	_ =	strace s9  }
0x27: {  	s1 =	sld [smem:$0x3FAB]  }
0x28: {  	s2 =	sld [smem:$0x3FAC]  }
0x29: {  	s4 =	sld [smem:$0x3FAE]  }
0x2a: {  	p0 =	seq.s32 s5, $0x0;
	s5 =	sld [smem:$0x3FAF]  }
0x2b: {  	s6 =	sld [smem:$0x3FB0]  }
0x2c: {  	s7 =	sld [smem:$0x3FB1]  }
0x2d: {  	s3 =	simm.s32 $0x108;
	s8 =	sld [smem:$0x3FB2]  }
0x2e: {  	s3 =	simm.s32 @!p0 $0x1082;
	s9 =	sld [smem:$0x3FB3]  }
0x2f: {  	lr =	sadd.s32 s0, s3;
	s0 =	sld [smem:$0x3FAA]  }
0x30: {  	s3 =	sld [smem:$0x3FAD]  }
0x31: {  	[smem:$0x3FB6] =	sst s10  }
0x32: {  	s10 =	sld [smem:$0x3FB4];
	_ =	sdelay $0x3  }
0x33: {  	p0 =	seq.s32 s10, $0x1;
	s10 =	sld [smem:$0x3FB6];
	_ =	sdelay $0x3  }
0x34: {  	[smem:$0x3FB6] =	sst s10  }
0x35: {  	s10 =	sld [smem:$0x3FB5];
	_ =	sdelay $0x3  }
0x36: {  	p1 =	seq.s32 s10, $0x1;
	s10 =	sld [smem:$0x3FB6];
	_ =	sdelay $0x3  }
0x37: {  	[smem:$0x3FB6] =	sst s10  }
0x38: {  	s10 =	sld [smem:$0x3FB7]  }
0x39: {  	_ = 	snop;
	(pc) =	sbr.ind lr, $3  }
0x3a: {  	_ = 	snop  }
0x3b: {  	_ = 	snop  }
0x3c: {  	p2 =	seq.s32 s10, $0x1;
	s10 =	sld [smem:$0x3FB6]  }
0x3d: {  	_ =	shalt  }
0x3e: {  	_ =	shalt  }
0x3f: {  	_ =	shalt  }
0x40: {  	_ =	shalt  }
0x41: {  	_ =	shalt  }
0x42: {  	_ =	shalt  }
0x43: {  	_ =	shalt  }
0x44: {  	_ =	shalt  }
0x45: {  	_ =	shalt  }
0x46: {  	_ =	shalt  }
0x47: {  	_ =	shalt  }
0x48: {  	_ =	shalt  }
0x49: {  	_ =	shalt  }
0x4a: {  	_ =	shalt  }
0x4b: {  	_ =	shalt  }
0x4c: {  	_ =	shalt  }
0x4d: {  	_ =	shalt  }
0x4e: {  	_ =	shalt  }
0x4f: {  	_ =	shalt  }
0x50: {  	_ =	shalt  }
0x51: {  	_ =	shalt  }
0x52: {  	_ =	shalt  }
0x53: {  	_ =	shalt  }
0x54: {  	_ =	shalt  }
0x55: {  	_ =	shalt  }
0x56: {  	_ =	shalt  }
0x57: {  	_ =	shalt  }
0x58: {  	_ =	shalt  }
0x59: {  	_ =	shalt  }
0x5a: {  	_ =	shalt  }
0x5b: {  	_ =	shalt  }
0x5c: {  	_ =	shalt  }
0x5d: {  	_ =	shalt  }
0x5e: {  	_ =	shalt  }
0x5f: {  	_ =	shalt  }
0x60: {  	_ =	shalt  }
0x61: {  	_ =	shalt  }
0x62: {  	_ =	shalt  }
0x63: {  	_ =	shalt  }
0x64: {  	_ =	shalt  }
0x65: {  	_ =	shalt  }
0x66: {  	_ =	shalt  }
0x67: {  	_ =	shalt  }
0x68: {  	_ =	shalt  }
0x69: {  	_ =	shalt  }
0x6a: {  	_ =	shalt  }
0x6b: {  	_ =	shalt  }
0x6c: {  	_ =	shalt  }
0x6d: {  	_ =	shalt  }
0x6e: {  	_ =	shalt  }
0x6f: {  	_ =	shalt  }
0x70: {  	_ =	shalt  }
0x71: {  	_ =	shalt  }
0x72: {  	_ =	shalt  }
0x73: {  	_ =	shalt  }
0x74: {  	_ =	shalt  }
0x75: {  	_ =	shalt  }
0x76: {  	_ =	shalt  }
0x77: {  	_ =	shalt  }
0x78: {  	_ =	shalt  }
0x79: {  	_ =	shalt  }
0x7a: {  	_ =	shalt  }
0x7b: {  	_ =	shalt  }
0x7c: {  	_ =	shalt  }
0x7d: {  	_ =	shalt  }
0x7e: {  	_ =	shalt  }
0x7f: {  	_ =	shalt  }
0x80: {  	_ =	shalt  }
0x81: {  	_ =	shalt  }
0x82: {  	_ =	shalt  }
0x83: {  	_ =	shalt  }
0x84: {  	_ =	shalt  }
0x85: {  	_ =	shalt  }
0x86: {  	_ =	shalt  }
0x87: {  	_ =	shalt  }
.Lfunc_end0:
.L_simem_size_0:
called_computation_lowered:
.L_overlay_start_0:
0x88: {  	s2 =	sld [smem:$0x3FD9]  }
0x89: {  	s3 =	sld [smem:$0x3FFE];
	_ =	sdelay $0x1  }
0x8a: {  	s1 =	srdreg.scid  }
0x8b: {  	s0 =	sand.u32 $0x1, s1  }
0x8c: {  	s17 =	sshll.u32 s0, $0xA;
	s2 =	sadd.s32 s3, s2  }
0x8d: {  	s2 =	sadd.s32 s2, s17  }
0x8e: {  	[smem:$0x3FC2] =	sst s2  }
0x8f: {  	_ = 	snop  }
0x90: {  	s2 =	sld [smem:$0x3FD0];
	(tm) =	ssettm $0x1  }
0x91: {  	s18 =	sld [smem:$0x3FFB];
	_ =	sdelay $0x3  }
0x92: {  	_ =	strace s18  }
0x93: {  	s3 =	sld [smem:$0x3FFC];
	_ =	sdelay $0x3  }
0x94: {  	_ =	strace s3  }
0x95: {  	s3 =	sld [smem:$0x3FFD];
	_ =	sdelay $0x3  }
0x96: {  	_ =	strace s3  }
0x97: {  	_ =	strace $0x8FFFFFFF  }
0x98: {  	s19 =	sld [smem:$0x3FDB];
	_ =	sdelay $0x1  }
0x99: {  	s4 =	simm.s32 $_scs_section_size  }
0x9a: {  	s5 =	simm.s32 $_size__tile_overlayer_lowered;
	s6 =	simm.s32 $_tile_overlayer_lowered  }
0x9b: {  	s22 =	simm.s32 $0x1BFF;
	s21 =	sshll.u32 s6, $0x1;
	s3 =	sadd.s32 s4, s19  }
0x9c: {  	s7 =	simm.s32 $0x0;
	s20 =	sshll.u32 s5, $0x1;
	s5 =	sadd.s32 s21, s3  }
0x9d: {  	[timem:s7], [sflag:s22] =	dma.local [hbm:s5], s20  }
0x9e: {  	_ =	swait.ge [sflag:s22], s20  }
0x9f: {  	s4 =	ssub.s32 $0x0, s20;
	[sflag:s22] =	ssyncset.done $0x0  }
0xa0: {  	[sflag:s22] =	ssyncadd.s32 s4;
	_ =	sdelay $0x1  }
0xa1: {  	s23 =	simm.s32 $0x1B8B  }
0xa2: {  	_ =	swait.ge [sflag:s23], $0x1  }
0xa3: {  	[sflag:s23] =	ssyncset.done $0x0  }
0xa4: {  	s25 =	simm.s32 $0x1B8E;
	s24 =	sld [smem:$0x3FFE];
	[sflag:s23] =	ssyncadd.s32 $0xFFFFFFFF  }
0xa5: {  	s26 =	simm.s32 $execute0_lowered;
	[smem:$0x3FD2] =	sst s25  }
0xa6: {  	s5 =	sshll.u32 s26, $0x1;
	_ =	strace $0x80000046;
	[dreg:$0x1] =	wrdreg $0xFFFFFFFF  }
0xa7: {  	s28 =	simm.s32 $_size_execute0_lowered;
	s3 =	sadd.s32 s3, s5;
	[dreg:$0x0] =	wrdreg $0x0  }
0xa8: {  	s5 =	sshll.u32 s28, $0x1;
	[dreg:$0x2] =	wrdreg s3  }
0xa9: {  	[dreg:$0x3] =	wrdreg s5  }
0xaa: {  	[dreg:$0x4] =	wrdreg $0xC0  }
0xab: {  	_ =	task [dreg:s7], $0x5FFFF  }
0xac: {  	[dreg:$0x1] =	wrdreg $0xFFFFFFFF  }
0xad: {  	[dreg:$0x0] =	wrdreg $0x60  }
0xae: {  	[dreg:$0x2] =	wrdreg s24  }
0xaf: {  	[dreg:$0x3] =	wrdreg s2  }
0xb0: {  	[dreg:$0x4] =	wrdreg $0x6F400  }
0xb1: {  	[dreg:$0x5] =	wrdreg $0x1D7400  }
0xb2: {  	[dreg:$0x6] =	wrdreg $0x9  }
0xb3: {  	_ =	task.clear_ibuf [dreg:s7], $0x7FFFF;
	_ =	strace $0x90000046  }
0xb4: {  	s29 =	simm.s32 $0x9;
	_ =	strace $0x80000048  }
0xb5: {  	_ =	swait.ge [sflag:s29], $0x1  }
0xb6: {  	[sflag:s29] =	ssyncadd.s32 $0xFFFFFFFF  }
0xb7: {  	_ =	strace $0x90000048  }
0xb8: {  	_ =	sfence  }
0xb9: {  	s30 =	sld [smem:$0x0];
	_ =	sdelay $0x2  }
0xba: {  	s31 =	sshll.u32 s1, $0xD;
	s1 =	sshrl.u32 s1, $0x2  }
0xbb: {  	s3 =	sand.u32 $0x4000, s31;
	s1 =	sadd.s32 s1, s30  }
0xbc: {  	s0 =	sor.u32 s3, s0;
	s1 =	sshll.u32 s1, $0x11  }
0xbd: {  	s0 =	sor.u32 s1, s0  }
0xbe: {  	s0 =	sadd.s32 $0x8F2B, s0  }
0xbf: {  	[sflag:s0] =	ssyncadd.remote.s32 $0x1  }
0xc0: {  	_ =	sfence.sel $0xFFFF  }
0xc1: {  	[dreg:$0x0] =	wrdreg $0xFFFFFFFF;
	(pc) =	sbr.abs _section_cstart, $3  }
0xc2: {  	[dreg:$0x1] =	wrdreg $0xFFFFFFFF  }
0xc3: {  	_ =	task.clear_ibuf [dreg:s7], $0x2FFFF;
	_ =	strace $0x9FFFFFFF  }
0xc4: {  	(tm) =	ssettm $0x7FFFFFFF  }
0xc5: {  	_ =	shalt  }
tec
execute0_lowered:
.L_overlay_start_1:
0x0: {  	(tag) =	ssettag $0x1  }
0x1: {  	v0 =	vimm.s32 $0x83828180;
	vm0 =	vcmask $0xF00;
	vm10 =	vcmask $0x1310  }
0x2: {  	vm9 =	vcmask $0x1714;
	vm8 =	vcmask $0x1B18;
	vm7 =	vcmask $0x1F1C  }
0x3: {  	vm6 =	vcmask $0x2320;
	vm5 =	vcmask $0x2724;
	vm4 =	vcmask $0x2B28  }
0x4: {  	vm14 =	vcmask $0x300;
	v35 =	vimm.s32 $0x473;
	vm2 =	vcmask $0x2F2C  }
0x5: {  	vm13 =	vcmask $0x704;
	vm12 =	vcmask $0xB08;
	vm3 =	vcmask $0x3330  }
0x6: {  	vm11 =	vcmask $0xF0C;
	vm1 =	vcmask $0x3734;
	v5 =	vimm.s32 $0x33323130  }
0x7: {  	vm15 =	vcmask $0x1F10;
	v6 =	vimm.s32 $0x3020100;
	v7 =	vimm.s32 $0x13121110  }
0x8: {  	v8 =	vimm.s32 $0x6B3;
	v10 =	vimm.s32 $0xA3A2A1A0;
	v11 =	vimm.s32 $0xB3B2B1B0  }
0x9: {  	v12 =	vimm.s32 $0x93929190;
	v13 =	vimm.s32 $0xD3D2D1D0;
	v14 =	vimm.s32 $0x1B3  }
0xa: {  	v15 =	vimm.s32 $0x11F3;
	v16 =	vimm.s32 $0x1F3;
	v17 =	vimm.s32 $0x1433  }
0xb: {  	v18 =	vimm.s32 $0x233;
	v19 =	vimm.s32 $0x1673;
	v20 =	vimm.s32 $0x273  }
0xc: {  	v21 =	vimm.s32 $0x18B3;
	v22 =	vimm.s32 $0x2B3;
	v23 =	vimm.s32 $0x1AF3  }
0xd: {  	v24 =	vimm.s32 $0x2F3;
	v25 =	vimm.s32 $0x1D33;
	v26 =	vimm.s32 $0x333  }
0xe: {  	v27 =	vimm.s32 $0x1F73;
	v28 =	vimm.s32 $0x373;
	v29 =	vimm.s32 $0x21B3  }
0xf: {  	v30 =	vimm.s32 $0x3B3;
	v31 =	vimm.s32 $0x23F3;
	v32 =	vimm.s32 $0x3F3  }
0x10: {  	v33 =	vimm.s32 $0x2633;
	v34 =	vimm.s32 $0x433;
	v36 =	vimm.s32 $0x2873  }
0x11: {  	v37 =	vimm.s32 $0x2AB3;
	v63 =	vimm.s32 $0x4B3;
	v39 =	vimm.s32 $0x2CF3  }
0x12: {  	v40 =	vimm.s32 $0x4F3;
	v4 =	vunpack.c.0.s8.s32 v0;
	v1 =	vsel vm14, $0x2C0, v35  }
0x13: {  	v5 =	vunpack.c.0.s8.s32 v5;
	v6 =	vunpack.c.0.s8.s32 v6;
	v7 =	vunpack.c.0.s8.s32 v7  }
0x14: {  	v10 =	vunpack.c.0.s8.s32 v10;
	v11 =	vunpack.c.0.s8.s32 v11;
	v12 =	vunpack.c.0.s8.s32 v12  }
0x15: {  	v13 =	vunpack.c.0.s8.s32 v13;
	v14 =	vsel vm14, $0x180, v14;
	v15 =	vsel vm14, $0x1040, v15  }
0x16: {  	v16 =	vsel vm14, $0x1C0, v16;
	v17 =	vsel vm14, $0x1280, v17;
	v18 =	vsel vm14, $0x200, v18  }
0x17: {  	v19 =	vsel vm14, $0x14C0, v19;
	v20 =	vsel vm14, $0x240, v20;
	v21 =	vsel vm14, $0x1700, v21  }
0x18: {  	v22 =	vsel vm14, $0x280, v22;
	v23 =	vsel vm14, $0x1940, v23;
	v24 =	vsel vm14, $0x2C0, v24  }
0x19: {  	v25 =	vsel vm14, $0x1B80, v25;
	v26 =	vsel vm14, $0x300, v26;
	v27 =	vsel vm14, $0x1DC0, v27  }
0x1a: {  	v28 =	vsel vm14, $0x340, v28;
	v29 =	vsel vm14, $0x2000, v29;
	v30 =	vsel vm14, $0x380, v30  }
0x1b: {  	v31 =	vsel vm14, $0x2240, v31;
	v32 =	vsel vm14, $0x3C0, v32;
	v33 =	vsel vm14, $0x2480, v33  }
0x1c: {  	v34 =	vsel vm14, $0x400, v34;
	v36 =	vsel vm14, $0x26C0, v36;
	v35 =	vsel vm14, $0x440, v35  }
0x1d: {  	v37 =	vsel vm14, $0x2900, v37;
	v39 =	vsel vm14, $0x2B40, v39;
	v40 =	vsel vm14, $0x4C0, v40  }
0x1e: {  	v1 =	vsel vm13, $0x2C1, v1;
	v14 =	vsel vm13, $0x181, v14;
	v15 =	vsel vm13, $0x1041, v15  }
0x1f: {  	v16 =	vsel vm13, $0x1C1, v16;
	v17 =	vsel vm13, $0x1281, v17;
	v18 =	vsel vm13, $0x201, v18  }
0x20: {  	v19 =	vsel vm13, $0x14C1, v19;
	v20 =	vsel vm13, $0x241, v20;
	v21 =	vsel vm13, $0x1701, v21  }
0x21: {  	v22 =	vsel vm13, $0x281, v22;
	v23 =	vsel vm13, $0x1941, v23;
	v24 =	vsel vm13, $0x2C1, v24  }
0x22: {  	v25 =	vsel vm13, $0x1B81, v25;
	v26 =	vsel vm13, $0x301, v26;
	v27 =	vsel vm13, $0x1DC1, v27  }
0x23: {  	v28 =	vsel vm13, $0x341, v28;
	v29 =	vsel vm13, $0x2001, v29;
	v30 =	vsel vm13, $0x381, v30  }
0x24: {  	v31 =	vsel vm13, $0x2241, v31;
	v32 =	vsel vm13, $0x3C1, v32;
	v33 =	vsel vm13, $0x2481, v33  }
0x25: {  	v34 =	vsel vm13, $0x401, v34;
	v36 =	vsel vm13, $0x26C1, v36;
	v35 =	vsel vm13, $0x441, v35  }
0x26: {  	v37 =	vsel vm13, $0x2901, v37;
	v39 =	vsel vm13, $0x2B41, v39;
	v40 =	vsel vm13, $0x4C1, v40  }
0x27: {  	v0 =	vand.u32 $0xFF, v4;
	v1 =	vsel vm12, $0x2C2, v1;
	v6 =	vsel vm15, v7, v6  }
0x28: {  	v4 =	vsel vm15, v12, v4;
	v12 =	vimm.s32 $0xC3C2C1C0;
	v14 =	vsel vm12, $0x182, v14  }
0x29: {  	v15 =	vsel vm12, $0x1042, v15;
	v16 =	vsel vm12, $0x1C2, v16;
	v17 =	vsel vm12, $0x1282, v17  }
0x2a: {  	v18 =	vsel vm12, $0x202, v18;
	v19 =	vsel vm12, $0x14C2, v19;
	v20 =	vsel vm12, $0x242, v20  }
0x2b: {  	v21 =	vsel vm12, $0x1702, v21;
	v22 =	vsel vm12, $0x282, v22;
	v23 =	vsel vm12, $0x1942, v23  }
0x2c: {  	v24 =	vsel vm12, $0x2C2, v24;
	v25 =	vsel vm12, $0x1B82, v25;
	v26 =	vsel vm12, $0x302, v26  }
0x2d: {  	v27 =	vsel vm12, $0x1DC2, v27;
	v28 =	vsel vm12, $0x342, v28;
	v29 =	vsel vm12, $0x2002, v29  }
0x2e: {  	v30 =	vsel vm12, $0x382, v30;
	v31 =	vsel vm12, $0x2242, v31;
	v32 =	vsel vm12, $0x3C2, v32  }
0x2f: {  	v33 =	vsel vm12, $0x2482, v33;
	v34 =	vsel vm12, $0x402, v34;
	v36 =	vsel vm12, $0x26C2, v36  }
0x30: {  	v35 =	vsel vm12, $0x442, v35;
	v37 =	vsel vm12, $0x2902, v37;
	v39 =	vsel vm12, $0x2B42, v39  }
0x31: {  	v40 =	vsel vm12, $0x4C2, v40;
	v0 =	vnsel vm0, $0x233, v0;
	v1 =	vsel vm11, $0x2C3, v1  }
0x32: {  	vm0 =	vcmask $0x3B38;
	v12 =	vunpack.c.0.s8.s32 v12;
	v14 =	vsel vm11, $0x183, v14  }
0x33: {  	v15 =	vsel vm11, $0x1043, v15;
	v16 =	vsel vm11, $0x1C3, v16;
	v17 =	vsel vm11, $0x1283, v17  }
0x34: {  	v18 =	vsel vm11, $0x203, v18;
	v19 =	vsel vm11, $0x14C3, v19;
	v20 =	vsel vm11, $0x243, v20  }
0x35: {  	v21 =	vsel vm11, $0x1703, v21;
	v22 =	vsel vm11, $0x283, v22;
	v23 =	vsel vm11, $0x1943, v23  }
0x36: {  	v24 =	vsel vm11, $0x2C3, v24;
	v25 =	vsel vm11, $0x1B83, v25;
	v26 =	vsel vm11, $0x303, v26  }
0x37: {  	v27 =	vsel vm11, $0x1DC3, v27;
	v28 =	vsel vm11, $0x343, v28;
	v29 =	vsel vm11, $0x2003, v29  }
0x38: {  	v30 =	vsel vm11, $0x383, v30;
	v31 =	vsel vm11, $0x2243, v31;
	v32 =	vsel vm11, $0x3C3, v32  }
0x39: {  	v33 =	vsel vm11, $0x2483, v33;
	v34 =	vsel vm11, $0x403, v34;
	v36 =	vsel vm11, $0x26C3, v36  }
0x3a: {  	v35 =	vsel vm11, $0x443, v35;
	v37 =	vsel vm11, $0x2903, v37;
	v39 =	vsel vm11, $0x2B43, v39  }
0x3b: {  	v40 =	vsel vm11, $0x4C3, v40;
	v0 =	vsel vm10, $0x110, v0;
	v3 =	vsel vm10, $0x350, v1  }
0x3c: {  	v14 =	vsel vm10, $0x190, v14;
	v15 =	vsel vm10, $0x10D0, v15;
	v16 =	vsel vm10, $0x1D0, v16  }
0x3d: {  	v17 =	vsel vm10, $0x1310, v17;
	v18 =	vsel vm10, $0x210, v18;
	v19 =	vsel vm10, $0x1550, v19  }
0x3e: {  	v20 =	vsel vm10, $0x250, v20;
	v21 =	vsel vm10, $0x1790, v21;
	v22 =	vsel vm10, $0x290, v22  }
0x3f: {  	v23 =	vsel vm10, $0x19D0, v23;
	v24 =	vsel vm10, $0x2D0, v24;
	v25 =	vsel vm10, $0x1C10, v25  }
0x40: {  	v26 =	vsel vm10, $0x310, v26;
	v27 =	vsel vm10, $0x1E50, v27;
	v28 =	vsel vm10, $0x350, v28  }
0x41: {  	v29 =	vsel vm10, $0x2090, v29;
	v30 =	vsel vm10, $0x390, v30;
	v31 =	vsel vm10, $0x22D0, v31  }
0x42: {  	v32 =	vsel vm10, $0x3D0, v32;
	v33 =	vsel vm10, $0x2510, v33;
	v34 =	vsel vm10, $0x410, v34  }
0x43: {  	v36 =	vsel vm10, $0x2750, v36;
	v35 =	vsel vm10, $0x450, v35;
	v37 =	vsel vm10, $0x2990, v37  }
0x44: {  	v39 =	vsel vm10, $0x2BD0, v39;
	v40 =	vsel vm10, $0x4D0, v40;
	v0 =	vsel vm9, $0x111, v0  }
0x45: {  	v14 =	vsel vm9, $0x191, v14;
	v15 =	vsel vm9, $0x10D1, v15;
	v16 =	vsel vm9, $0x1D1, v16  }
0x46: {  	v17 =	vsel vm9, $0x1311, v17;
	v18 =	vsel vm9, $0x211, v18;
	v19 =	vsel vm9, $0x1551, v19  }
0x47: {  	v20 =	vsel vm9, $0x251, v20;
	v21 =	vsel vm9, $0x1791, v21;
	v22 =	vsel vm9, $0x291, v22  }
0x48: {  	v23 =	vsel vm9, $0x19D1, v23;
	v24 =	vsel vm9, $0x2D1, v24;
	v25 =	vsel vm9, $0x1C11, v25  }
0x49: {  	v26 =	vsel vm9, $0x311, v26;
	v27 =	vsel vm9, $0x1E51, v27;
	v28 =	vsel vm9, $0x351, v28  }
0x4a: {  	v29 =	vsel vm9, $0x2091, v29;
	v30 =	vsel vm9, $0x391, v30;
	v31 =	vsel vm9, $0x22D1, v31  }
0x4b: {  	v32 =	vsel vm9, $0x3D1, v32;
	v33 =	vsel vm9, $0x2511, v33;
	v34 =	vsel vm9, $0x411, v34  }
0x4c: {  	v36 =	vsel vm9, $0x2751, v36;
	v35 =	vsel vm9, $0x451, v35;
	v37 =	vsel vm9, $0x2991, v37  }
0x4d: {  	v39 =	vsel vm9, $0x2BD1, v39;
	v40 =	vsel vm9, $0x4D1, v40;
	v0 =	vsel vm8, $0x112, v0  }
0x4e: {  	v14 =	vsel vm8, $0x192, v14;
	v15 =	vsel vm8, $0x10D2, v15;
	v16 =	vsel vm8, $0x1D2, v16  }
0x4f: {  	v17 =	vsel vm8, $0x1312, v17;
	v18 =	vsel vm8, $0x212, v18;
	v19 =	vsel vm8, $0x1552, v19  }
0x50: {  	v20 =	vsel vm8, $0x252, v20;
	v21 =	vsel vm8, $0x1792, v21;
	v22 =	vsel vm8, $0x292, v22  }
0x51: {  	v23 =	vsel vm8, $0x19D2, v23;
	v24 =	vsel vm8, $0x2D2, v24;
	v25 =	vsel vm8, $0x1C12, v25  }
0x52: {  	v26 =	vsel vm8, $0x312, v26;
	v27 =	vsel vm8, $0x1E52, v27;
	v28 =	vsel vm8, $0x352, v28  }
0x53: {  	v29 =	vsel vm8, $0x2092, v29;
	v30 =	vsel vm8, $0x392, v30;
	v31 =	vsel vm8, $0x22D2, v31  }
0x54: {  	v32 =	vsel vm8, $0x3D2, v32;
	v33 =	vsel vm8, $0x2512, v33;
	v34 =	vsel vm8, $0x412, v34  }
0x55: {  	v36 =	vsel vm8, $0x2752, v36;
	v35 =	vsel vm8, $0x452, v35;
	v37 =	vsel vm8, $0x2992, v37  }
0x56: {  	v39 =	vsel vm8, $0x2BD2, v39;
	v40 =	vsel vm8, $0x4D2, v40;
	v0 =	vsel vm7, $0x113, v0  }
0x57: {  	v14 =	vsel vm7, $0x193, v14;
	v15 =	vsel vm7, $0x10D3, v15;
	v16 =	vsel vm7, $0x1D3, v16  }
0x58: {  	v17 =	vsel vm7, $0x1313, v17;
	v18 =	vsel vm7, $0x213, v18;
	v19 =	vsel vm7, $0x1553, v19  }
0x59: {  	v20 =	vsel vm7, $0x253, v20;
	v21 =	vsel vm7, $0x1793, v21;
	v22 =	vsel vm7, $0x293, v22  }
0x5a: {  	v23 =	vsel vm7, $0x19D3, v23;
	v24 =	vsel vm7, $0x2D3, v24;
	v25 =	vsel vm7, $0x1C13, v25  }
0x5b: {  	v26 =	vsel vm7, $0x313, v26;
	v27 =	vsel vm7, $0x1E53, v27;
	v28 =	vsel vm7, $0x353, v28  }
0x5c: {  	v29 =	vsel vm7, $0x2093, v29;
	v30 =	vsel vm7, $0x393, v30;
	v31 =	vsel vm7, $0x22D3, v31  }
0x5d: {  	v32 =	vsel vm7, $0x3D3, v32;
	v33 =	vsel vm7, $0x2513, v33;
	v34 =	vsel vm7, $0x413, v34  }
0x5e: {  	v36 =	vsel vm7, $0x2753, v36;
	v35 =	vsel vm7, $0x453, v35;
	v37 =	vsel vm7, $0x2993, v37  }
0x5f: {  	v39 =	vsel vm7, $0x2BD3, v39;
	v40 =	vsel vm7, $0x4D3, v40;
	v0 =	vsel vm6, $0x1A0, v0  }
0x60: {  	v14 =	vsel vm6, $0x1A0, v14;
	v15 =	vsel vm6, $0x1160, v15;
	v16 =	vsel vm6, $0x1E0, v16  }
0x61: {  	v17 =	vsel vm6, $0x13A0, v17;
	v18 =	vsel vm6, $0x220, v18;
	v19 =	vsel vm6, $0x15E0, v19  }
0x62: {  	v20 =	vsel vm6, $0x260, v20;
	v21 =	vsel vm6, $0x1820, v21;
	v22 =	vsel vm6, $0x2A0, v22  }
0x63: {  	v23 =	vsel vm6, $0x1A60, v23;
	v24 =	vsel vm6, $0x2E0, v24;
	v25 =	vsel vm6, $0x1CA0, v25  }
0x64: {  	v26 =	vsel vm6, $0x320, v26;
	v27 =	vsel vm6, $0x1EE0, v27;
	v28 =	vsel vm6, $0x360, v28  }
0x65: {  	v29 =	vsel vm6, $0x2120, v29;
	v30 =	vsel vm6, $0x3A0, v30;
	v31 =	vsel vm6, $0x2360, v31  }
0x66: {  	v32 =	vsel vm6, $0x3E0, v32;
	v33 =	vsel vm6, $0x25A0, v33;
	v34 =	vsel vm6, $0x420, v34  }
0x67: {  	v36 =	vsel vm6, $0x27E0, v36;
	v35 =	vsel vm6, $0x460, v35;
	v37 =	vsel vm6, $0x2A20, v37  }
0x68: {  	v39 =	vsel vm6, $0x2C60, v39;
	v40 =	vsel vm6, $0x4E0, v40;
	v0 =	vsel vm5, $0x1A1, v0  }
0x69: {  	v14 =	vsel vm5, $0x1A1, v14;
	v15 =	vsel vm5, $0x1161, v15;
	v16 =	vsel vm5, $0x1E1, v16  }
0x6a: {  	v17 =	vsel vm5, $0x13A1, v17;
	v18 =	vsel vm5, $0x221, v18;
	v19 =	vsel vm5, $0x15E1, v19  }
0x6b: {  	v20 =	vsel vm5, $0x261, v20;
	v21 =	vsel vm5, $0x1821, v21;
	v22 =	vsel vm5, $0x2A1, v22  }
0x6c: {  	v23 =	vsel vm5, $0x1A61, v23;
	v24 =	vsel vm5, $0x2E1, v24;
	v25 =	vsel vm5, $0x1CA1, v25  }
0x6d: {  	v26 =	vsel vm5, $0x321, v26;
	v27 =	vsel vm5, $0x1EE1, v27;
	v28 =	vsel vm5, $0x361, v28  }
0x6e: {  	v29 =	vsel vm5, $0x2121, v29;
	v30 =	vsel vm5, $0x3A1, v30;
	v31 =	vsel vm5, $0x2361, v31  }
0x6f: {  	v32 =	vsel vm5, $0x3E1, v32;
	v33 =	vsel vm5, $0x25A1, v33;
	v34 =	vsel vm5, $0x421, v34  }
0x70: {  	v36 =	vsel vm5, $0x27E1, v36;
	v35 =	vsel vm5, $0x461, v35;
	v37 =	vsel vm5, $0x2A21, v37  }
0x71: {  	v39 =	vsel vm5, $0x2C61, v39;
	v40 =	vsel vm5, $0x4E1, v40;
	v0 =	vsel vm4, $0x1A2, v0  }
0x72: {  	v14 =	vsel vm4, $0x1A2, v14;
	v15 =	vsel vm4, $0x1162, v15;
	v16 =	vsel vm4, $0x1E2, v16  }
0x73: {  	v17 =	vsel vm4, $0x13A2, v17;
	v18 =	vsel vm4, $0x222, v18;
	v19 =	vsel vm4, $0x15E2, v19  }
0x74: {  	v20 =	vsel vm4, $0x262, v20;
	v21 =	vsel vm4, $0x1822, v21;
	v22 =	vsel vm4, $0x2A2, v22  }
0x75: {  	v23 =	vsel vm4, $0x1A62, v23;
	v24 =	vsel vm4, $0x2E2, v24;
	v25 =	vsel vm4, $0x1CA2, v25  }
0x76: {  	v26 =	vsel vm4, $0x322, v26;
	v27 =	vsel vm4, $0x1EE2, v27;
	v28 =	vsel vm4, $0x362, v28  }
0x77: {  	v29 =	vsel vm4, $0x2122, v29;
	v30 =	vsel vm4, $0x3A2, v30;
	v31 =	vsel vm4, $0x2362, v31  }
0x78: {  	v32 =	vsel vm4, $0x3E2, v32;
	v33 =	vsel vm4, $0x25A2, v33;
	v34 =	vsel vm4, $0x422, v34  }
0x79: {  	v36 =	vsel vm4, $0x27E2, v36;
	v35 =	vsel vm4, $0x462, v35;
	v37 =	vsel vm4, $0x2A22, v37  }
0x7a: {  	v39 =	vsel vm4, $0x2C62, v39;
	v40 =	vsel vm4, $0x4E2, v40;
	v0 =	vsel vm2, $0x1A3, v0  }
0x7b: {  	v14 =	vsel vm2, $0x1A3, v14;
	v15 =	vsel vm2, $0x1163, v15;
	v16 =	vsel vm2, $0x1E3, v16  }
0x7c: {  	v17 =	vsel vm2, $0x13A3, v17;
	v18 =	vsel vm2, $0x223, v18;
	v19 =	vsel vm2, $0x15E3, v19  }
0x7d: {  	v20 =	vsel vm2, $0x263, v20;
	v21 =	vsel vm2, $0x1823, v21;
	v22 =	vsel vm2, $0x2A3, v22  }
0x7e: {  	v23 =	vsel vm2, $0x1A63, v23;
	v24 =	vsel vm2, $0x2E3, v24;
	v25 =	vsel vm2, $0x1CA3, v25  }
0x7f: {  	v26 =	vsel vm2, $0x323, v26;
	v27 =	vsel vm2, $0x1EE3, v27;
	v28 =	vsel vm2, $0x363, v28  }
0x80: {  	v29 =	vsel vm2, $0x2123, v29;
	v30 =	vsel vm2, $0x3A3, v30;
	v31 =	vsel vm2, $0x2363, v31  }
0x81: {  	v32 =	vsel vm2, $0x3E3, v32;
	v33 =	vsel vm2, $0x25A3, v33;
	v34 =	vsel vm2, $0x423, v34  }
0x82: {  	v36 =	vsel vm2, $0x27E3, v36;
	v35 =	vsel vm2, $0x463, v35;
	v37 =	vsel vm2, $0x2A23, v37  }
0x83: {  	v39 =	vsel vm2, $0x2C63, v39;
	v40 =	vsel vm2, $0x4E3, v40;
	v0 =	vsel vm3, $0x230, v0  }
0x84: {  	v14 =	vsel vm3, $0x1B0, v14;
	v15 =	vsel vm3, $0x11F0, v15;
	v16 =	vsel vm3, $0x1F0, v16  }
0x85: {  	v17 =	vsel vm3, $0x1430, v17;
	v18 =	vsel vm3, $0x230, v18;
	v19 =	vsel vm3, $0x1670, v19  }
0x86: {  	v20 =	vsel vm3, $0x270, v20;
	v21 =	vsel vm3, $0x18B0, v21;
	v22 =	vsel vm3, $0x2B0, v22  }
0x87: {  	v23 =	vsel vm3, $0x1AF0, v23;
	v24 =	vsel vm3, $0x2F0, v24;
	v25 =	vsel vm3, $0x1D30, v25  }
0x88: {  	v26 =	vsel vm3, $0x330, v26;
	v27 =	vsel vm3, $0x1F70, v27;
	v28 =	vsel vm3, $0x370, v28  }
0x89: {  	v29 =	vsel vm3, $0x21B0, v29;
	v30 =	vsel vm3, $0x3B0, v30;
	v31 =	vsel vm3, $0x23F0, v31  }
0x8a: {  	v32 =	vsel vm3, $0x3F0, v32;
	v33 =	vsel vm3, $0x2630, v33;
	v34 =	vsel vm3, $0x430, v34  }
0x8b: {  	v36 =	vsel vm3, $0x2870, v36;
	v35 =	vsel vm3, $0x470, v35;
	v37 =	vsel vm3, $0x2AB0, v37  }
0x8c: {  	v39 =	vsel vm3, $0x2CF0, v39;
	v40 =	vsel vm3, $0x4F0, v40;
	v2 =	vsel vm1, $0x231, v0  }
0x8d: {  	v0 =	vimm.f32 $0.0e+00;
	v14 =	vsel vm1, $0x1B1, v14;
	v15 =	vsel vm1, $0x11F1, v15  }
0x8e: {  	v16 =	vsel vm1, $0x1F1, v16;
	v17 =	vsel vm1, $0x1431, v17;
	v18 =	vsel vm1, $0x231, v18  }
0x8f: {  	v19 =	vsel vm1, $0x1671, v19;
	v20 =	vsel vm1, $0x271, v20;
	v21 =	vsel vm1, $0x18B1, v21  }
0x90: {  	v22 =	vsel vm1, $0x2B1, v22;
	v23 =	vsel vm1, $0x1AF1, v23;
	v24 =	vsel vm1, $0x2F1, v24  }
0x91: {  	v25 =	vsel vm1, $0x1D31, v25;
	v26 =	vsel vm1, $0x331, v26;
	v27 =	vsel vm1, $0x1F71, v27  }
0x92: {  	v28 =	vsel vm1, $0x371, v28;
	v29 =	vsel vm1, $0x21B1, v29;
	v30 =	vsel vm1, $0x3B1, v30  }
0x93: {  	v31 =	vsel vm1, $0x23F1, v31;
	v32 =	vsel vm1, $0x3F1, v32;
	v33 =	vsel vm1, $0x2631, v33  }
0x94: {  	v34 =	vsel vm1, $0x431, v34;
	v36 =	vsel vm1, $0x2871, v36;
	v38 =	vsel vm1, $0x471, v35  }
0x95: {  	v37 =	vsel vm1, $0x2AB1, v37;
	v39 =	vsel vm1, $0x2CF1, v39;
	v40 =	vsel vm1, $0x4F1, v40  }
0x96: {  	v1 =	vsel vm0, $0x232, v2;
	v2 =	vsel vm9, $0x351, v3;
	v3 =	vimm.s32 $0x23222120  }
0x97: {  	v14 =	vsel vm0, $0x1B2, v14;
	v15 =	vsel vm0, $0x11F2, v15;
	v16 =	vsel vm0, $0x1F2, v16  }
0x98: {  	v17 =	vsel vm0, $0x1432, v17;
	v18 =	vsel vm0, $0x232, v18;
	v19 =	vsel vm0, $0x1672, v19  }
0x99: {  	v20 =	vsel vm0, $0x272, v20;
	v21 =	vsel vm0, $0x18B2, v21;
	v22 =	vsel vm0, $0x2B2, v22  }
0x9a: {  	v23 =	vsel vm0, $0x1AF2, v23;
	v24 =	vsel vm0, $0x2F2, v24;
	v25 =	vsel vm0, $0x1D32, v25  }
0x9b: {  	v26 =	vsel vm0, $0x332, v26;
	v27 =	vsel vm0, $0x1F72, v27;
	v28 =	vsel vm0, $0x372, v28  }
0x9c: {  	s0 =	srdreg.scid;
	v29 =	vsel vm0, $0x21B2, v29;
	v30 =	vsel vm0, $0x3B2, v30;
	v31 =	vsel vm0, $0x23F2, v31  }
0x9d: {  	s25 =	stileid.u32;
	s10 =	rddreg [dreg:$0x0];
	v32 =	vsel vm0, $0x3F2, v32;
	v33 =	vsel vm0, $0x2632, v33;
	v34 =	vsel vm0, $0x432, v34  }
0x9e: {  	s28 =	simm.s32 $0x1;
	s29 =	simm.s32 $0x3;
	s30 =	simm.s32 $0x2;
	v35 =	vsel vm0, $0x2872, v36;
	v36 =	vsel vm0, $0x472, v38;
	v37 =	vsel vm0, $0x2AB2, v37  }
0x9f: {  	s31 =	simm.s32 $0x6900;
	s7 =	sand.u32 $0x1, s0;
	s1 =	smul.u32 $0x280, s25;
	v38 =	vsel vm14, $0x480, v63;
	v39 =	vsel vm0, $0x2CF2, v39;
	v2 =	vsel vm8, $0x352, v2  }
0xa0: {  	s9 =	sadd.s32 $0x31400, s10;
	s0 =	ssub.s32 $0x2, s7;
	s13 =	smul.u32 $0x2800, s7;
	v3 =	vunpack.c.0.s8.s32 v3;
	v38 =	vsel vm13, $0x481, v38;
	v2 =	vsel vm7, $0x353, v2  }
0xa1: {  	s7 =	sshll.u32 s7, $0x4;
	s2 =	sshrl.u32 s0, $0x1;
	s8 =	sor.u32 $0x50, s1;
	v40 =	vsel vm0, $0x4F2, v40;
	v38 =	vsel vm12, $0x482, v38;
	v2 =	vsel vm6, $0x3E0, v2  }
0xa2: {  	s6 =	sadd.s32 $0xA0, s1;
	s5 =	sadd.s32 $0xF0, s1;
	s4 =	sadd.s32 $0x140, s1;
	v3 =	vsel vm15, v5, v3;
	v38 =	vsel vm11, $0x483, v38;
	v2 =	vsel vm5, $0x3E1, v2  }
0xa3: {  	s3 =	sadd.s32 $0x190, s1;
	s7 =	sor.u32 s25, s7;
	s11 =	sadd.s32 s1, s13;
	v5 =	vsel vm14, $0x500, v8;
	v38 =	vsel vm10, $0x490, v38;
	v2 =	vsel vm4, $0x3E2, v2  }
0xa4: {  	s0 =	ssub.s32 s0, s2;
	s12 =	sadd.s32 s13, s8;
	s14 =	smul.u32 $0x12, s11;
	v8 =	vimm.s32 $0x73727170;
	v38 =	vsel vm9, $0x491, v38;
	v2 =	vsel vm2, $0x3E3, v2  }
0xa5: {  	s16 =	sadd.s32 s13, s6;
	s18 =	sadd.s32 s13, s5;
	s15 =	smul.u32 $0x12, s12;
	v8 =	vunpack.c.0.s8.s32 v8;
	v38 =	vsel vm8, $0x492, v38;
	v7 =	vsel vm3, $0x470, v2  }
0xa6: {  	s20 =	sadd.s32 s13, s4;
	s2 =	sadd.s32 $0x1E0, s1;
	s17 =	smul.u32 $0x12, s16;
	v2 =	vsel vm13, $0x501, v5;
	v5 =	vimm.s32 $0x63626160;
	v38 =	vsel vm7, $0x493, v38  }
0xa7: {  	s22 =	sadd.s32 s13, s3;
	s1 =	sadd.s32 $0x230, s1;
	s19 =	smul.u32 $0x12, s18;
	v2 =	vsel vm12, $0x502, v2;
	v5 =	vunpack.c.0.s8.s32 v5;
	v38 =	vsel vm6, $0x4A0, v38  }
0xa8: {  	s5 =	sshll.u32 s5, $0x4;
	s4 =	sshll.u32 s4, $0x4;
	s21 =	smul.u32 $0x12, s20;
	v9 =	vsel vm11, $0x503, v2;
	v2 =	vcombine.low v6, v3;
	v3 =	vsel vm1, $0x471, v7  }
0xa9: {  	s3 =	sshll.u32 s3, $0x4;
	s23 =	smul.u32 $0x12, s22;
	s14 =	sadd.s32 s9, s14;
	v7 =	vimm.s32 $0x43424140;
	v38 =	vsel vm5, $0x4A1, v38;
	v6 =	vsel vm10, $0x590, v9  }
0xaa: {  	s24 =	sadd.s32 s13, s2;
	s15 =	sadd.s32 s9, s15;
	[dreg:$0x5] =	wrdreg s14;
	v3 =	vsel vm0, $0x472, v3;
	v5 =	vsel vm15, v8, v5;
	v8 =	vimm.s32 $0x8F3  }
0xab: {  	s13 =	sadd.s32 s13, s1;
	s17 =	sadd.s32 s9, s17;
	[dreg:$0x6] =	wrdreg s15;
	v7 =	vunpack.c.0.s8.s32 v7;
	v9 =	vimm.s32 $0x53525150;
	v38 =	vsel vm4, $0x4A2, v38  }
0xac: {  	s11 =	sshll.u32 s11, $0x1;
	s19 =	sadd.s32 s9, s19;
	[dreg:$0x7] =	wrdreg s17;
	v6 =	vsel vm9, $0x591, v6;
	v8 =	vsel vm14, $0x740, v8;
	v9 =	vunpack.c.0.s8.s32 v9  }
0xad: {  	s21 =	sadd.s32 s9, s21;
	s14 =	smul.u32 $0x12, s24;
	[dreg:$0x8] =	wrdreg s19;
	v38 =	vsel vm2, $0x4A3, v38;
	v6 =	vsel vm8, $0x592, v6;
	v8 =	vsel vm13, $0x741, v8  }
0xae: {  	s26 =	smul.u32 $0x12, s13;
	s23 =	sadd.s32 s9, s23;
	[dreg:$0x9] =	wrdreg s21;
	v38 =	vsel vm3, $0x4B0, v38;
	v6 =	vsel vm7, $0x593, v6;
	v8 =	vsel vm12, $0x742, v8  }
0xaf: {  	s16 =	sshll.u32 s16, $0x1;
	[dreg:$0xa] =	wrdreg s23;
	s14 =	sadd.s32 s9, s14;
	v7 =	vsel vm15, v9, v7;
	v6 =	vsel vm6, $0x620, v6;
	v8 =	vsel vm11, $0x743, v8  }
0xb0: {  	s22 =	sshll.u32 s22, $0x1;
	s9 =	sadd.s32 s9, s26;
	[dreg:$0xb] =	wrdreg s14;
	v9 =	vsel vm15, v11, v10;
	v6 =	vsel vm5, $0x621, v6;
	v8 =	vsel vm10, $0x7D0, v8  }
0xb1: {  	s2 =	sshll.u32 s2, $0x4;
	s26 =	sadd.s32 $0x8B400, s10;
	[dreg:$0xc] =	wrdreg s9;
	v10 =	vimm.s32 $0xE3E2E1E0;
	v6 =	vsel vm4, $0x622, v6;
	v8 =	vsel vm9, $0x7D1, v8  }
0xb2: {  	s9 =	simm.s32 $0x0;
	s17 =	sadd.s32 s26, s16;
	s16 =	rddreg [dreg:$0x2];
	v11 =	vimm.s32 $0xF3F2F1F0;
	v6 =	vsel vm2, $0x623, v6;
	v8 =	vsel vm8, $0x7D2, v8  }
0xb3: {  	s1 =	sshll.u32 s1, $0x4;
	s11 =	sadd.s32 s26, s11;
	[smem:$0x7FF] =	sst s9;
	v9 =	vcombine.low v4, v9;
	v6 =	vsel vm3, $0x6B0, v6;
	v8 =	vsel vm7, $0x7D3, v8  }
0xb4: {  	s0 =	smax.u32 s0, $0x1;
	s19 =	sshll.u32 s18, $0x1;
	[dreg:$0xd] =	wrdreg s11;
	v4 =	vcombine.low v7, v5;
	v8 =	vsel vm6, $0x860, v8;
	v6 =	vsel vm1, $0x6B1, v6  }
0xb5: {  	s21 =	sshll.u32 s20, $0x1;
	s14 =	sshll.u32 s12, $0x1;
	[dreg:$0xf] =	wrdreg s17;
	v8 =	vsel vm5, $0x861, v8;
	v5 =	vsel vm0, $0x6B2, v6;
	v6 =	vand.u32 $0xFF, v9  }
0xb6: {  	s23 =	sshll.u32 s24, $0x1;
	s11 =	sadd.s32 s26, s14;
	s14 =	rddreg [dreg:$0x1];
	v9 =	vimm.s32 $0x133;
	v7 =	vsel vm4, $0x862, v8;
	v8 =	vimm.s32 $0xB33  }
0xb7: {  	s24 =	sshll.u32 s13, $0x1;
	s15 =	smul.u32 $0x240, s8;
	[dreg:$0xe] =	wrdreg s11;
	v38 =	vsel vm1, $0x4B1, v38;
	v9 =	vsel vm14, $0x100, v9;
	v8 =	vsel vm14, $0x980, v8  }
0xb8: {  	s8 =	sshll.u32 s8, $0x4;
	s11 =	sadd.s32 s26, s19;
	s19 =	rddreg [dreg:$0x3];
	v10 =	vunpack.c.0.s8.s32 v10;
	v9 =	vsel vm13, $0x101, v9;
	v8 =	vsel vm13, $0x981, v8  }
0xb9: {  	s18 =	smul.u32 $0x240, s6;
	[dreg:$0x10] =	wrdreg s11;
	s11 =	sadd.s32 s26, s21;
	v11 =	vunpack.c.0.s8.s32 v11;
	v9 =	vsel vm12, $0x102, v9;
	v8 =	vsel vm12, $0x982, v8  }
0xba: {  	s6 =	sshll.u32 s6, $0x4;
	[dreg:$0x11] =	wrdreg s11;
	s11 =	sadd.s32 s26, s22;
	v38 =	vsel vm0, $0x4B2, v38;
	v9 =	vsel vm11, $0x103, v9;
	v8 =	vsel vm11, $0x983, v8  }
0xbb: {  	s17 =	sshrl.u32 s15, $0x2;
	[dreg:$0x12] =	wrdreg s11;
	s11 =	sadd.s32 s26, s23;
	v10 =	vsel vm15, v11, v10;
	v9 =	vsel vm10, $0x110, v9;
	v8 =	vsel vm10, $0xA10, v8  }
0xbc: {  	s20 =	sadd.s32 s17, s16;
	[dreg:$0x13] =	wrdreg s11;
	s11 =	sadd.s32 s26, s24;
	v11 =	vsel vm15, v13, v12;
	v9 =	vsel vm9, $0x111, v9;
	v8 =	vsel vm9, $0xA11, v8  }
0xbd: {  	s17 =	smul.u32 $0x4E20, s7;
	s8 =	sadd.s32 s8, s19;
	[dreg:$0x14] =	wrdreg s11;
	v13 =	vimm.s32 $0xFB3;
	v9 =	vsel vm8, $0x112, v9;
	v8 =	vsel vm8, $0xA12, v8  }
0xbe: {  	s21 =	sshrl.u32 s18, $0x2;
	_ =	strace $0x80000047;
	[dreg:$0x17] =	wrdreg s20;
	v10 =	vcombine.low v11, v10;
	v9 =	vsel vm7, $0x113, v9;
	v8 =	vsel vm7, $0xA13, v8  }
0xbf: {  	s6 =	sadd.s32 s6, s19;
	s5 =	sadd.s32 s5, s19;
	[dreg:$0x18] =	wrdreg s8;
	v13 =	vsel vm14, $0xE00, v13;
	v9 =	vsel vm6, $0x120, v9;
	v8 =	vsel vm6, $0xAA0, v8  }
0xc0: {  	s4 =	sadd.s32 s4, s19;
	s3 =	sadd.s32 s3, s19;
	[dreg:$0x1a] =	wrdreg s6;
	v13 =	vsel vm13, $0xE01, v13;
	v9 =	vsel vm5, $0x121, v9;
	v8 =	vsel vm5, $0xAA1, v8  }
0xc1: {  	s2 =	sadd.s32 s2, s19;
	s26 =	smul.u32 $0xA000, s25;
	[dreg:$0x1c] =	wrdreg s5;
	v13 =	vsel vm12, $0xE02, v13;
	v9 =	vsel vm4, $0x122, v9;
	v8 =	vsel vm4, $0xAA2, v8  }
0xc2: {  	s22 =	sadd.s32 $0x400, s10;
	s23 =	sadd.s32 $0x2C400, s10;
	[dreg:$0x1e] =	wrdreg s4;
	v13 =	vsel vm11, $0xE03, v13;
	v9 =	vsel vm2, $0x123, v9;
	v8 =	vsel vm2, $0xAA3, v8  }
0xc3: {  	s11 =	smul.u32 $0x5A000, s25;
	s10 =	sshrl.u32 s26, $0x2;
	[smem:$0x7F7] =	sst s3;
	v13 =	vsel vm10, $0xE90, v13;
	v12 =	vsel vm3, $0x130, v9;
	v8 =	vsel vm3, $0xB30, v8  }
0xc4: {  	s8 =	sadd.s32 s21, s16;
	[smem:$0x7F9] =	sst s2;
	s20 =	sshrl.u32 s17, $0x3;
	v11 =	vsel vm1, $0xB31, v8;
	v8 =	vand.u32 $0xFF, v10;
	v10 =	vsel vm1, $0x131, v12  }
0xc5: {  	s21 =	smul.u32 $0x9C4, s7;
	[smem:$0x7FD] =	sst s0;
	s17 =	simm.s32 $0x6400;
	v12 =	vimm.s32 $0x173;
	v9 =	vsel vm0, $0xB32, v11;
	v11 =	vimm.s32 $0xD73  }
0xc6: {  	s13 =	sshrl.u32 s11, $0x2;
	s10 =	sadd.s32 s10, s19;
	s24 =	sadd.s32 $0x21C00, s11;
	v7 =	vsel vm2, $0x863, v7;
	v12 =	vsel vm14, $0x140, v12;
	v11 =	vsel vm14, $0xBC0, v11  }
0xc7: {  	[dreg:$0x19] =	wrdreg s8;
	s26 =	sadd.s32 $0x2D000, s11;
	s15 =	sadd.s32 $0x4EC00, s11;
	v13 =	vsel vm9, $0xE91, v13;
	v12 =	vsel vm13, $0x141, v12;
	v11 =	vsel vm13, $0xBC1, v11  }
0xc8: {  	s12 =	sadd.s32 s13, s16;
	[dreg:$0x16] =	wrdreg s10;
	s25 =	sshrl.u32 s24, $0x2;
	v7 =	vsel vm3, $0x8F0, v7;
	v12 =	vsel vm12, $0x142, v12;
	v11 =	vsel vm12, $0xBC2, v11  }
0xc9: {  	s8 =	sshrl.u32 s26, $0x2;
	s10 =	sadd.s32 $0x38400, s11;
	s18 =	sshrl.u32 s15, $0x2;
	v13 =	vsel vm8, $0xE92, v13;
	v12 =	vsel vm11, $0x143, v12;
	v11 =	vsel vm11, $0xBC3, v11  }
0xca: {  	s24 =	smul.u32 $0x7D, s7;
	s7 =	sadd.s32 s1, s19;
	s15 =	simm.s32 $0x4;
	v7 =	vsel vm1, $0x8F1, v7;
	v12 =	vsel vm10, $0x150, v12;
	v11 =	vsel vm10, $0xC50, v11  }
0xcb: {  	[dreg:$0x15] =	wrdreg s12;
	s6 =	sadd.s32 s25, s16;
	s5 =	sadd.s32 s8, s16;
	v13 =	vsel vm7, $0xE93, v13;
	v12 =	vsel vm9, $0x151, v12;
	v11 =	vsel vm9, $0xC51, v11  }
0xcc: {  	s4 =	sshrl.u32 s10, $0x2;
	s12 =	sadd.s32 $0x43800, s11;
	s2 =	sadd.s32 s18, s16;
	v7 =	vsel vm0, $0x8F2, v7;
	v12 =	vsel vm8, $0x152, v12;
	v11 =	vsel vm8, $0xC52, v11  }
0xcd: {  	s25 =	sadd.s32 s14, s21;
	s21 =	simm.s32 $0x6EA0;
	[dreg:$0x1b] =	wrdreg s6;
	v13 =	vsel vm6, $0xF20, v13;
	v12 =	vsel vm7, $0x153, v12;
	v11 =	vsel vm7, $0xC53, v11  }
0xce: {  	s8 =	simm.s32 $0x50;
	s10 =	simm.s32 $0x6E50;
	[dreg:$0x1d] =	wrdreg s5;
	v13 =	vsel vm5, $0xF21, v13;
	v12 =	vsel vm6, $0x160, v12;
	v11 =	vsel vm6, $0xCE0, v11  }
0xcf: {  	s18 =	simm.s32 $0x0;
	s4 =	sadd.s32 s4, s16;
	[smem:$0x7FA] =	sst s2;
	v13 =	vsel vm4, $0xF22, v13;
	v12 =	vsel vm5, $0x161, v12;
	v11 =	vsel vm5, $0xCE1, v11  }
0xd0: {  	s13 =	sshrl.u32 s12, $0x2;
	s2 =	sadd.s32 s14, s20;
	[smem:$0x7FB] =	sst s25;
	v13 =	vsel vm2, $0xF23, v13;
	v12 =	vsel vm4, $0x162, v12;
	v11 =	vsel vm4, $0xCE2, v11  }
0xd1: {  	s11 =	sadd.s32 $0x2, s24;
	s12 =	sadd.s32 $0x3, s24;
	s20 =	simm.s32 $0x6E00;
	v13 =	vsel vm3, $0xFB0, v13;
	v12 =	vsel vm2, $0x163, v12;
	v11 =	vsel vm2, $0xCE3, v11  }
0xd2: {  	s24 =	simm.s32 $0x2D00;
	[dreg:$0x1f] =	wrdreg s4;
	s3 =	sadd.s32 s13, s16;
	v13 =	vsel vm1, $0xFB1, v13;
	v12 =	vsel vm3, $0x170, v12;
	v11 =	vsel vm3, $0xD70, v11  }
0xd3: {  	s25 =	simm.s32 $0x6EF0;
	s26 =	sadd.s32 $0x14, s2;
	[smem:$0x7F8] =	sst s3;
	v13 =	vsel vm0, $0xFB2, v13;
	v12 =	vsel vm1, $0x171, v12;
	v11 =	vsel vm1, $0xD71, v11  }
0xd4: {  	s13 =	simm.s32 $0x5A00;
	[smem:$0x7FC] =	sst s26;
	s26 =	simm.s32 $0x5F00;
	v10 =	vsel vm0, $0x132, v10;
	v12 =	vsel vm0, $0x172, v12;
	v11 =	vsel vm0, $0xD72, v11  }
.LBB2_1:
0xd5: {  	s0 =	simm.s32 $0x40  }
0xd6: {  	[tilespmem:s0+$0x30] =	vst v0  }
0xd7: {  	[tilespmem:s0+$0x20] =	vst v0  }
0xd8: {  	[tilespmem:s0+$0x10] =	vst v0  }
0xd9: {  	[tilespmem:s0+$0x0] =	vst v0  }
0xda: {  	[tilespmem:s0+$0xFFFFFFF0] =	vst v0  }
0xdb: {  	[tilespmem:s0+$0xFFFFFFE0] =	vst v0  }
0xdc: {  	[tilespmem:s0+$0xFFFFFFD0] =	vst v0  }
0xdd: {  	[tilespmem:s0+$0xFFFFFFC0] =	vst v0  }
0xde: {  	s2 =	simm.s32 $0x0;
	s1 =	simm.s32 $0x40;
	[tilespmem:s0+$0x40] =	vst v0  }
.LBB2_2:
0xdf: {  	p0 =	sne.s32 s1, $0x13C0;
	[tilespmem:s2+$0x6900] =	vst v0  }
0xe0: {  	s0 =	sadd.s32 $0x90, s0;
	[tilespmem:s2+$0x6400] =	vst v0  }
0xe1: {  	[tilespmem:s0+$0x30] =	vst v0  }
0xe2: {  	[tilespmem:s0+$0x20] =	vst v0  }
0xe3: {  	[tilespmem:s0+$0x10] =	vst v0  }
0xe4: {  	[tilespmem:s0+$0x0] =	vst v0  }
.Ltmp0:
0xe5: {  	[tilespmem:s0+$0xFFFFFFF0] =	vst v0;
	(pc) =	sbr.rel @p0 .LBB2_2-.Ltmp0, $4  }
0xe6: {  	[tilespmem:s0+$0xFFFFFFE0] =	vst v0  }
0xe7: {  	[tilespmem:s0+$0xFFFFFFD0] =	vst v0  }
0xe8: {  	[tilespmem:s0+$0xFFFFFFC0] =	vst v0  }
0xe9: {  	s2 =	sshra.s32 s1, $0x2;
	s1 =	sadd.s32 $0x40, s1;
	[tilespmem:s0+$0x40] =	vst v0  }
0xea: {  	[tilespmem:s2+$0x6900] =	vst v0  }
0xeb: {  	[tilespmem:s2+$0x6400] =	vst v0;
	s0 =	simm.s32 $0x0;
	s1 =	rddreg [dreg:$0x15]  }
0xec: {  	[spmem:s1] =	stream.linear.scatter [tilespmem:s0], [sflag:$0x4], $0x2D00, $0x38;
	[tilespmem:$0x1FF40] =	vst v63  }
0xed: {  	_ =	swait.ge [sflag:s15], $0x2D00  }
0xee: {  	[sflag:s15] =	ssyncset.done $0x0  }
0xef: {  	s6 =	rddreg [dreg:$0x16];
	[sflag:s15] =	ssyncadd.s32 $0xFFFFD300  }
0xf0: {  	[spmem:s6] =	stream.linear.scatter [tilespmem:s17], [sflag:$0x4], $0x500, $0x38;
	[tilespmem:$0x1FF40] =	vst v63  }
0xf1: {  	_ =	swait.ge [sflag:s15], $0x500  }
0xf2: {  	[sflag:s15] =	ssyncset.done $0x0  }
0xf3: {  	s2 =	rddreg [dreg:$0x17];
	[sflag:s15] =	ssyncadd.s32 $0xFFFFFB00  }
0xf4: {  	[spmem:s2] =	stream.linear.scatter [tilespmem:s0], [sflag:$0x4], $0x2D00, $0x38;
	[tilespmem:$0x1FF40] =	vst v63  }
0xf5: {  	_ =	swait.ge [sflag:s15], $0x2D00  }
0xf6: {  	[sflag:s15] =	ssyncset.done $0x0  }
0xf7: {  	s3 =	rddreg [dreg:$0x18];
	[sflag:s15] =	ssyncadd.s32 $0xFFFFD300  }
0xf8: {  	[spmem:s3] =	stream.linear.scatter [tilespmem:s17], [sflag:$0x4], $0x500, $0x38;
	[tilespmem:$0x1FF40] =	vst v63  }
0xf9: {  	_ =	swait.ge [sflag:s15], $0x500  }
0xfa: {  	[sflag:s15] =	ssyncset.done $0x0  }
0xfb: {  	s4 =	rddreg [dreg:$0x19];
	[sflag:s15] =	ssyncadd.s32 $0xFFFFFB00  }
0xfc: {  	[spmem:s4] =	stream.linear.scatter [tilespmem:s0], [sflag:$0x4], $0x2D00, $0x38;
	[tilespmem:$0x1FF40] =	vst v63  }
0xfd: {  	_ =	swait.ge [sflag:s15], $0x2D00  }
0xfe: {  	[sflag:s15] =	ssyncset.done $0x0  }
0xff: {  	s5 =	rddreg [dreg:$0x1a];
	[sflag:s15] =	ssyncadd.s32 $0xFFFFD300  }
0x100: {  	[spmem:s5] =	stream.linear.scatter [tilespmem:s17], [sflag:$0x4], $0x500, $0x38;
	[tilespmem:$0x1FF40] =	vst v63  }
0x101: {  	_ =	swait.ge [sflag:s15], $0x500  }
0x102: {  	[sflag:s15] =	ssyncset.done $0x0  }
0x103: {  	s6 =	rddreg [dreg:$0x1b];
	[sflag:s15] =	ssyncadd.s32 $0xFFFFFB00  }
0x104: {  	[spmem:s6] =	stream.linear.scatter [tilespmem:s0], [sflag:$0x4], $0x2D00, $0x38;
	[tilespmem:$0x1FF40] =	vst v63  }
0x105: {  	_ =	swait.ge [sflag:s15], $0x2D00  }
0x106: {  	[sflag:s15] =	ssyncset.done $0x0  }
0x107: {  	s2 =	rddreg [dreg:$0x1c];
	[sflag:s15] =	ssyncadd.s32 $0xFFFFD300  }
0x108: {  	[spmem:s2] =	stream.linear.scatter [tilespmem:s17], [sflag:$0x4], $0x500, $0x38;
	[tilespmem:$0x1FF40] =	vst v63  }
0x109: {  	_ =	swait.ge [sflag:s15], $0x500  }
0x10a: {  	[sflag:s15] =	ssyncset.done $0x0  }
0x10b: {  	s3 =	rddreg [dreg:$0x1d];
	[sflag:s15] =	ssyncadd.s32 $0xFFFFFB00  }
0x10c: {  	[spmem:s3] =	stream.linear.scatter [tilespmem:s0], [sflag:$0x4], $0x2D00, $0x38;
	[tilespmem:$0x1FF40] =	vst v63  }
0x10d: {  	_ =	swait.ge [sflag:s15], $0x2D00  }
0x10e: {  	[sflag:s15] =	ssyncset.done $0x0  }
0x10f: {  	s4 =	rddreg [dreg:$0x1e];
	[sflag:s15] =	ssyncadd.s32 $0xFFFFD300  }
0x110: {  	[spmem:s4] =	stream.linear.scatter [tilespmem:s17], [sflag:$0x4], $0x500, $0x38;
	[tilespmem:$0x1FF40] =	vst v63  }
0x111: {  	_ =	swait.ge [sflag:s15], $0x500  }
0x112: {  	[sflag:s15] =	ssyncset.done $0x0  }
0x113: {  	s5 =	rddreg [dreg:$0x1f];
	[sflag:s15] =	ssyncadd.s32 $0xFFFFFB00  }
0x114: {  	[spmem:s5] =	stream.linear.scatter [tilespmem:s0], [sflag:$0x4], $0x2D00, $0x38;
	[tilespmem:$0x1FF40] =	vst v63  }
0x115: {  	_ =	swait.ge [sflag:s15], $0x2D00  }
0x116: {  	s6 =	sld [smem:$0x7F7]  }
0x117: {  	[sflag:s15] =	ssyncset.done $0x0  }
0x118: {  	[sflag:s15] =	ssyncadd.s32 $0xFFFFD300  }
0x119: {  	[spmem:s6] =	stream.linear.scatter [tilespmem:s17], [sflag:$0x4], $0x500, $0x38;
	[tilespmem:$0x1FF40] =	vst v63  }
0x11a: {  	_ =	swait.ge [sflag:s15], $0x500  }
0x11b: {  	s2 =	sld [smem:$0x7F8]  }
0x11c: {  	[sflag:s15] =	ssyncset.done $0x0  }
0x11d: {  	[sflag:s15] =	ssyncadd.s32 $0xFFFFFB00  }
0x11e: {  	[spmem:s2] =	stream.linear.scatter [tilespmem:s0], [sflag:$0x4], $0x2D00, $0x38;
	[tilespmem:$0x1FF40] =	vst v63  }
0x11f: {  	_ =	swait.ge [sflag:s15], $0x2D00  }
0x120: {  	s3 =	sld [smem:$0x7F9]  }
0x121: {  	[sflag:s15] =	ssyncset.done $0x0  }
0x122: {  	[sflag:s15] =	ssyncadd.s32 $0xFFFFD300  }
0x123: {  	[spmem:s3] =	stream.linear.scatter [tilespmem:s17], [sflag:$0x4], $0x500, $0x38;
	[tilespmem:$0x1FF40] =	vst v63  }
0x124: {  	_ =	swait.ge [sflag:s15], $0x500  }
0x125: {  	s4 =	sld [smem:$0x7FA]  }
0x126: {  	[sflag:s15] =	ssyncset.done $0x0  }
0x127: {  	[sflag:s15] =	ssyncadd.s32 $0xFFFFFB00  }
0x128: {  	[spmem:s4] =	stream.linear.scatter [tilespmem:s0], [sflag:$0x4], $0x2D00, $0x38;
	[tilespmem:$0x1FF40] =	vst v63  }
0x129: {  	_ =	swait.ge [sflag:s15], $0x2D00  }
0x12a: {  	[sflag:s15] =	ssyncset.done $0x0  }
0x12b: {  	[sflag:s15] =	ssyncadd.s32 $0xFFFFD300  }
0x12c: {  	[spmem:s7] =	stream.linear.scatter [tilespmem:s17], [sflag:$0x4], $0x500, $0x38;
	[tilespmem:$0x1FF40] =	vst v63  }
0x12d: {  	_ =	swait.ge [sflag:s15], $0x500  }
0x12e: {  	[sflag:s15] =	ssyncset.done $0x0  }
0x12f: {  	[sflag:s15] =	ssyncadd.s32 $0xFFFFFB00  }
0x130: {  	[bflag:$0x0] =	sbarrier.arrive $0xFFFF  }
0x131: {  	s5 =	sld [smem:$0x7FB];
	_ =	sdelay $0x2  }
0x132: {  	[tilespmem:s20], [sflag:$0x4] =	stream.linear.gather [hbm4b:s5+s0], $0xA0, $0x38;
	[tilespmem:$0x1FF40] =	vst v63  }
0x133: {  	_ =	swait.ge [sflag:s15], $0xA0  }
0x134: {  	s6 =	sld [smem:$0x7FC]  }
0x135: {  	[sflag:s15] =	ssyncset.done $0x0  }
0x136: {  	[sflag:s15] =	ssyncadd.s32 $0xFFFFFF60  }
0x137: {  	[tilespmem:s21], [sflag:$0x4] =	stream.linear.gather [hbm4b:s6+s0], $0xA0, $0x38;
	[tilespmem:$0x1FF40] =	vst v63  }
0x138: {  	_ =	swait.ge [sflag:s15], $0xA0  }
0x139: {  	[sflag:s15] =	ssyncset.done $0x0  }
0x13a: {  	[sflag:s15] =	ssyncadd.s32 $0xFFFFFF60  }
0x13b: {  	[tilespmem:s0], [sflag:$0x1] =	stream.indirect.gather [hbm4b:s22+s8], $0x90, s20, s8, $0xb8;
	[tilespmem:$0x1FF40] =	vst v63  }
0x13c: {  	_ = 	snop  }
0x13d: {  	[tilespmem:s13], [sflag:$0x1] =	stream.indirect.gather [hbm4b:s23+s8], $0x10, s10, s8, $0xb8;
	[tilespmem:$0x1FF40] =	vst v63  }
0x13e: {  	_ = 	snop  }
0x13f: {  	[tilespmem:s24], [sflag:$0x2] =	stream.indirect.gather [hbm4b:s22+s8], $0x90, s21, s8, $0xb8;
	[tilespmem:$0x1FF40] =	vst v63  }
0x140: {  	_ = 	snop  }
0x141: {  	[tilespmem:s26], [sflag:$0x2] =	stream.indirect.gather [hbm4b:s23+s8], $0x10, s25, s8, $0xb8;
	[tilespmem:$0x1FF40] =	vst v63  }
.LBB2_4:
0x142: {  	_ =	swait.ge [sflag:s28], $0x2D00  }
0x143: {  	[sflag:s28] =	ssyncset.done $0x0  }
0x144: {  	[sflag:s28] =	ssyncadd.s32 $0xFFFFD300  }
0x145: {  	_ =	swait.ge [sflag:s28], $0x500  }
0x146: {  	[sflag:s28] =	ssyncset.done $0x0  }
0x147: {  	[sflag:s28] =	ssyncadd.s32 $0xFFFFFB00  }
0x148: {  	v41 =	vld.idx.msk [tilespmem:v1+s9+$0x0], $0xffff  }
0x149: {  	v42 =	vld.idx.msk [tilespmem:v2+s13+$0x0], $0xffff;
	_ =	sdelay $0x4  }
0x14a: {  	v41 =	vadd.f32 v42, v41;
	_ =	sdelay $0x1  }
0x14b: {  	v42 =	vmin.f32 v41, $0.0e+00  }
0x14c: {  	v42 =	vmul.f32 $2.000000030e-01, v42  }
0x14d: {  	v41 =	vmax.f32 v41, $0.0e+00  }
0x14e: {  	v41 =	vadd.f32 v42, v41;
	_ =	sdelay $0x1  }
0x14f: {  	v41 =	vmul.f32 $1.442695020e+00, v41;
	_ =	sdelay $0x1  }
0x150: {  	(erf) = vpow2.f32 v41;
	_ =	sdelay $0x8  }
0x151: {  	v41 =	vpop (erf)  }
0x152: {  	[tilespmem:v2+s17+$0x0] =	vst.idx.msk $0xffff, v41  }
0x153: {  	v41 =	vld.idx.msk [tilespmem:v3+s9+$0x0], $0xffff  }
0x154: {  	v62 =	vld.idx.msk [tilespmem:v4+s13+$0x0], $0xffff;
	_ =	sdelay $0x4  }
0x155: {  	v41 =	vadd.f32 v62, v41;
	_ =	sdelay $0x1  }
0x156: {  	v42 =	vmin.f32 v41, $0.0e+00  }
0x157: {  	v42 =	vmul.f32 $2.000000030e-01, v42  }
0x158: {  	v41 =	vmax.f32 v41, $0.0e+00  }
0x159: {  	v41 =	vadd.f32 v42, v41;
	_ =	sdelay $0x1  }
0x15a: {  	v41 =	vmul.f32 $1.442695020e+00, v41;
	_ =	sdelay $0x1  }
0x15b: {  	(erf) = vpow2.f32 v41;
	_ =	sdelay $0x8  }
0x15c: {  	v41 =	vpop (erf)  }
0x15d: {  	[tilespmem:v4+s17+$0x0] =	vst.idx.msk $0xffff, v41  }
0x15e: {  	v41 =	vld.idx.msk [tilespmem:v5+s9+$0x0], $0xffff  }
0x15f: {  	v63 =	vld.idx.msk [tilespmem:v6+s13+$0x0], $0xffff;
	_ =	sdelay $0x4  }
0x160: {  	v41 =	vadd.f32 v63, v41;
	_ =	sdelay $0x1  }
0x161: {  	v42 =	vmin.f32 v41, $0.0e+00  }
0x162: {  	v42 =	vmul.f32 $2.000000030e-01, v42  }
0x163: {  	v41 =	vmax.f32 v41, $0.0e+00  }
0x164: {  	v41 =	vadd.f32 v42, v41;
	_ =	sdelay $0x1  }
0x165: {  	v41 =	vmul.f32 $1.442695020e+00, v41;
	_ =	sdelay $0x1  }
0x166: {  	(erf) = vpow2.f32 v41;
	_ =	sdelay $0x8  }
0x167: {  	v41 =	vpop (erf)  }
0x168: {  	[tilespmem:v6+s17+$0x0] =	vst.idx.msk $0xffff, v41  }
0x169: {  	v41 =	vld.idx.msk [tilespmem:v7+s9+$0x0], $0xffff  }
0x16a: {  	v45 =	vld.idx.msk [tilespmem:v8+s13+$0x0], $0xffff;
	_ =	sdelay $0x4  }
0x16b: {  	v41 =	vadd.f32 v45, v41;
	_ =	sdelay $0x1  }
0x16c: {  	v42 =	vmin.f32 v41, $0.0e+00  }
0x16d: {  	v42 =	vmul.f32 $2.000000030e-01, v42  }
0x16e: {  	v41 =	vmax.f32 v41, $0.0e+00  }
0x16f: {  	v41 =	vadd.f32 v42, v41;
	_ =	sdelay $0x1  }
0x170: {  	v41 =	vmul.f32 $1.442695020e+00, v41;
	_ =	sdelay $0x1  }
0x171: {  	(erf) = vpow2.f32 v41;
	_ =	sdelay $0x8  }
0x172: {  	v41 =	vpop (erf)  }
0x173: {  	[tilespmem:v8+s17+$0x0] =	vst.idx.msk $0xffff, v41  }
0x174: {  	v41 =	vld.idx.msk [tilespmem:v9+s9+$0x0], $0xffff  }
0x175: {  	v46 =	vld.idx.msk [tilespmem:v10+s13+$0x0], $0xffff;
	_ =	sdelay $0x4  }
0x176: {  	v41 =	vadd.f32 v46, v41;
	_ =	sdelay $0x1  }
0x177: {  	v42 =	vmin.f32 v41, $0.0e+00  }
0x178: {  	v42 =	vmul.f32 $2.000000030e-01, v42  }
0x179: {  	v41 =	vmax.f32 v41, $0.0e+00  }
0x17a: {  	v41 =	vadd.f32 v42, v41;
	_ =	sdelay $0x1  }
0x17b: {  	v41 =	vmul.f32 $1.442695020e+00, v41;
	_ =	sdelay $0x1  }
0x17c: {  	(erf) = vpow2.f32 v41;
	_ =	sdelay $0x8  }
0x17d: {  	v41 =	vpop (erf)  }
0x17e: {  	[tilespmem:v10+s17+$0x0] =	vst.idx.msk $0xffff, v41  }
0x17f: {  	v41 =	vld.idx.msk [tilespmem:v11+s9+$0x0], $0xffff  }
0x180: {  	v47 =	vld.idx.msk [tilespmem:v12+s13+$0x0], $0xffff;
	_ =	sdelay $0x4  }
0x181: {  	v41 =	vadd.f32 v47, v41;
	_ =	sdelay $0x1  }
0x182: {  	v42 =	vmin.f32 v41, $0.0e+00  }
0x183: {  	v42 =	vmul.f32 $2.000000030e-01, v42  }
0x184: {  	v41 =	vmax.f32 v41, $0.0e+00  }
0x185: {  	v41 =	vadd.f32 v42, v41;
	_ =	sdelay $0x1  }
0x186: {  	v41 =	vmul.f32 $1.442695020e+00, v41;
	_ =	sdelay $0x1  }
0x187: {  	(erf) = vpow2.f32 v41;
	_ =	sdelay $0x8  }
0x188: {  	v41 =	vpop (erf)  }
0x189: {  	[tilespmem:v12+s17+$0x0] =	vst.idx.msk $0xffff, v41  }
0x18a: {  	v41 =	vld.idx.msk [tilespmem:v13+s9+$0x0], $0xffff  }
0x18b: {  	v48 =	vld.idx.msk [tilespmem:v14+s13+$0x0], $0xffff;
	_ =	sdelay $0x4  }
0x18c: {  	v41 =	vadd.f32 v48, v41;
	_ =	sdelay $0x1  }
0x18d: {  	v42 =	vmin.f32 v41, $0.0e+00  }
0x18e: {  	v42 =	vmul.f32 $2.000000030e-01, v42  }
0x18f: {  	v41 =	vmax.f32 v41, $0.0e+00  }
0x190: {  	v41 =	vadd.f32 v42, v41;
	_ =	sdelay $0x1  }
0x191: {  	v41 =	vmul.f32 $1.442695020e+00, v41;
	_ =	sdelay $0x1  }
0x192: {  	(erf) = vpow2.f32 v41;
	_ =	sdelay $0x8  }
0x193: {  	v41 =	vpop (erf)  }
0x194: {  	[tilespmem:v14+s17+$0x0] =	vst.idx.msk $0xffff, v41  }
0x195: {  	v41 =	vld.idx.msk [tilespmem:v15+s9+$0x0], $0xffff  }
0x196: {  	v49 =	vld.idx.msk [tilespmem:v16+s13+$0x0], $0xffff;
	_ =	sdelay $0x4  }
0x197: {  	v41 =	vadd.f32 v49, v41;
	_ =	sdelay $0x1  }
0x198: {  	v42 =	vmin.f32 v41, $0.0e+00  }
0x199: {  	v42 =	vmul.f32 $2.000000030e-01, v42  }
0x19a: {  	v41 =	vmax.f32 v41, $0.0e+00  }
0x19b: {  	v41 =	vadd.f32 v42, v41;
	_ =	sdelay $0x1  }
0x19c: {  	v41 =	vmul.f32 $1.442695020e+00, v41;
	_ =	sdelay $0x1  }
0x19d: {  	(erf) = vpow2.f32 v41;
	_ =	sdelay $0x8  }
0x19e: {  	v41 =	vpop (erf)  }
0x19f: {  	[tilespmem:v16+s17+$0x0] =	vst.idx.msk $0xffff, v41  }
0x1a0: {  	v41 =	vld.idx.msk [tilespmem:v17+s9+$0x0], $0xffff  }
0x1a1: {  	v50 =	vld.idx.msk [tilespmem:v18+s13+$0x0], $0xffff;
	_ =	sdelay $0x4  }
0x1a2: {  	v41 =	vadd.f32 v50, v41;
	_ =	sdelay $0x1  }
0x1a3: {  	v42 =	vmin.f32 v41, $0.0e+00  }
0x1a4: {  	v42 =	vmul.f32 $2.000000030e-01, v42  }
0x1a5: {  	v41 =	vmax.f32 v41, $0.0e+00  }
0x1a6: {  	v41 =	vadd.f32 v42, v41;
	_ =	sdelay $0x1  }
0x1a7: {  	v41 =	vmul.f32 $1.442695020e+00, v41;
	_ =	sdelay $0x1  }
0x1a8: {  	(erf) = vpow2.f32 v41;
	_ =	sdelay $0x8  }
0x1a9: {  	v41 =	vpop (erf)  }
0x1aa: {  	[tilespmem:v18+s17+$0x0] =	vst.idx.msk $0xffff, v41  }
0x1ab: {  	v41 =	vld.idx.msk [tilespmem:v19+s9+$0x0], $0xffff  }
0x1ac: {  	v51 =	vld.idx.msk [tilespmem:v20+s13+$0x0], $0xffff;
	_ =	sdelay $0x4  }
0x1ad: {  	v41 =	vadd.f32 v51, v41;
	_ =	sdelay $0x1  }
0x1ae: {  	v42 =	vmin.f32 v41, $0.0e+00  }
0x1af: {  	v42 =	vmul.f32 $2.000000030e-01, v42  }
0x1b0: {  	v41 =	vmax.f32 v41, $0.0e+00  }
0x1b1: {  	v41 =	vadd.f32 v42, v41;
	_ =	sdelay $0x1  }
0x1b2: {  	v41 =	vmul.f32 $1.442695020e+00, v41;
	_ =	sdelay $0x1  }
0x1b3: {  	(erf) = vpow2.f32 v41;
	_ =	sdelay $0x8  }
0x1b4: {  	v41 =	vpop (erf)  }
0x1b5: {  	[tilespmem:v20+s17+$0x0] =	vst.idx.msk $0xffff, v41  }
0x1b6: {  	v41 =	vld.idx.msk [tilespmem:v21+s9+$0x0], $0xffff  }
0x1b7: {  	v52 =	vld.idx.msk [tilespmem:v22+s13+$0x0], $0xffff;
	_ =	sdelay $0x4  }
0x1b8: {  	v41 =	vadd.f32 v52, v41;
	_ =	sdelay $0x1  }
0x1b9: {  	v42 =	vmin.f32 v41, $0.0e+00  }
0x1ba: {  	v42 =	vmul.f32 $2.000000030e-01, v42  }
0x1bb: {  	v41 =	vmax.f32 v41, $0.0e+00  }
0x1bc: {  	v41 =	vadd.f32 v42, v41;
	_ =	sdelay $0x1  }
0x1bd: {  	v41 =	vmul.f32 $1.442695020e+00, v41;
	_ =	sdelay $0x1  }
0x1be: {  	(erf) = vpow2.f32 v41;
	_ =	sdelay $0x8  }
0x1bf: {  	v41 =	vpop (erf)  }
0x1c0: {  	[tilespmem:v22+s17+$0x0] =	vst.idx.msk $0xffff, v41  }
0x1c1: {  	v41 =	vld.idx.msk [tilespmem:v23+s9+$0x0], $0xffff  }
0x1c2: {  	v53 =	vld.idx.msk [tilespmem:v24+s13+$0x0], $0xffff;
	_ =	sdelay $0x4  }
0x1c3: {  	v41 =	vadd.f32 v53, v41;
	_ =	sdelay $0x1  }
0x1c4: {  	v42 =	vmin.f32 v41, $0.0e+00  }
0x1c5: {  	v42 =	vmul.f32 $2.000000030e-01, v42  }
0x1c6: {  	v41 =	vmax.f32 v41, $0.0e+00  }
0x1c7: {  	v41 =	vadd.f32 v42, v41;
	_ =	sdelay $0x1  }
0x1c8: {  	v41 =	vmul.f32 $1.442695020e+00, v41;
	_ =	sdelay $0x1  }
0x1c9: {  	(erf) = vpow2.f32 v41;
	_ =	sdelay $0x8  }
0x1ca: {  	v41 =	vpop (erf)  }
0x1cb: {  	[tilespmem:v24+s17+$0x0] =	vst.idx.msk $0xffff, v41  }
0x1cc: {  	v41 =	vld.idx.msk [tilespmem:v25+s9+$0x0], $0xffff  }
0x1cd: {  	v54 =	vld.idx.msk [tilespmem:v26+s13+$0x0], $0xffff;
	_ =	sdelay $0x4  }
0x1ce: {  	v41 =	vadd.f32 v54, v41;
	_ =	sdelay $0x1  }
0x1cf: {  	v42 =	vmin.f32 v41, $0.0e+00  }
0x1d0: {  	v42 =	vmul.f32 $2.000000030e-01, v42  }
0x1d1: {  	v41 =	vmax.f32 v41, $0.0e+00  }
0x1d2: {  	v41 =	vadd.f32 v42, v41;
	_ =	sdelay $0x1  }
0x1d3: {  	v41 =	vmul.f32 $1.442695020e+00, v41;
	_ =	sdelay $0x1  }
0x1d4: {  	(erf) = vpow2.f32 v41;
	_ =	sdelay $0x8  }
0x1d5: {  	v41 =	vpop (erf)  }
0x1d6: {  	[tilespmem:v26+s17+$0x0] =	vst.idx.msk $0xffff, v41  }
0x1d7: {  	v41 =	vld.idx.msk [tilespmem:v27+s9+$0x0], $0xffff  }
0x1d8: {  	v55 =	vld.idx.msk [tilespmem:v28+s13+$0x0], $0xffff;
	_ =	sdelay $0x4  }
0x1d9: {  	v41 =	vadd.f32 v55, v41;
	_ =	sdelay $0x1  }
0x1da: {  	v42 =	vmin.f32 v41, $0.0e+00  }
0x1db: {  	v42 =	vmul.f32 $2.000000030e-01, v42  }
0x1dc: {  	v41 =	vmax.f32 v41, $0.0e+00  }
0x1dd: {  	v41 =	vadd.f32 v42, v41;
	_ =	sdelay $0x1  }
0x1de: {  	v41 =	vmul.f32 $1.442695020e+00, v41;
	_ =	sdelay $0x1  }
0x1df: {  	(erf) = vpow2.f32 v41;
	_ =	sdelay $0x8  }
0x1e0: {  	v41 =	vpop (erf)  }
0x1e1: {  	[tilespmem:v28+s17+$0x0] =	vst.idx.msk $0xffff, v41  }
0x1e2: {  	v41 =	vld.idx.msk [tilespmem:v29+s9+$0x0], $0xffff  }
0x1e3: {  	v56 =	vld.idx.msk [tilespmem:v30+s13+$0x0], $0xffff;
	_ =	sdelay $0x4  }
0x1e4: {  	v41 =	vadd.f32 v56, v41;
	_ =	sdelay $0x1  }
0x1e5: {  	v42 =	vmin.f32 v41, $0.0e+00  }
0x1e6: {  	v42 =	vmul.f32 $2.000000030e-01, v42  }
0x1e7: {  	v41 =	vmax.f32 v41, $0.0e+00  }
0x1e8: {  	v41 =	vadd.f32 v42, v41;
	_ =	sdelay $0x1  }
0x1e9: {  	v41 =	vmul.f32 $1.442695020e+00, v41;
	_ =	sdelay $0x1  }
0x1ea: {  	(erf) = vpow2.f32 v41;
	_ =	sdelay $0x8  }
0x1eb: {  	v41 =	vpop (erf)  }
0x1ec: {  	[tilespmem:v30+s17+$0x0] =	vst.idx.msk $0xffff, v41  }
0x1ed: {  	v41 =	vld.idx.msk [tilespmem:v31+s9+$0x0], $0xffff  }
0x1ee: {  	v57 =	vld.idx.msk [tilespmem:v32+s13+$0x0], $0xffff;
	_ =	sdelay $0x4  }
0x1ef: {  	v41 =	vadd.f32 v57, v41;
	_ =	sdelay $0x1  }
0x1f0: {  	v42 =	vmin.f32 v41, $0.0e+00  }
0x1f1: {  	v42 =	vmul.f32 $2.000000030e-01, v42  }
0x1f2: {  	v41 =	vmax.f32 v41, $0.0e+00  }
0x1f3: {  	v41 =	vadd.f32 v42, v41;
	_ =	sdelay $0x1  }
0x1f4: {  	v41 =	vmul.f32 $1.442695020e+00, v41;
	_ =	sdelay $0x1  }
0x1f5: {  	(erf) = vpow2.f32 v41;
	_ =	sdelay $0x8  }
0x1f6: {  	v41 =	vpop (erf)  }
0x1f7: {  	[tilespmem:v32+s17+$0x0] =	vst.idx.msk $0xffff, v41  }
0x1f8: {  	v41 =	vld.idx.msk [tilespmem:v33+s9+$0x0], $0xffff  }
0x1f9: {  	v58 =	vld.idx.msk [tilespmem:v34+s13+$0x0], $0xffff;
	_ =	sdelay $0x4  }
0x1fa: {  	v41 =	vadd.f32 v58, v41;
	_ =	sdelay $0x1  }
0x1fb: {  	v42 =	vmin.f32 v41, $0.0e+00  }
0x1fc: {  	v42 =	vmul.f32 $2.000000030e-01, v42  }
0x1fd: {  	v41 =	vmax.f32 v41, $0.0e+00  }
0x1fe: {  	v41 =	vadd.f32 v42, v41;
	_ =	sdelay $0x1  }
0x1ff: {  	v41 =	vmul.f32 $1.442695020e+00, v41;
	_ =	sdelay $0x1  }
0x200: {  	(erf) = vpow2.f32 v41;
	_ =	sdelay $0x8  }
0x201: {  	v41 =	vpop (erf)  }
0x202: {  	[tilespmem:v34+s17+$0x0] =	vst.idx.msk $0xffff, v41  }
0x203: {  	v41 =	vld.idx.msk [tilespmem:v35+s9+$0x0], $0xffff  }
0x204: {  	v59 =	vld.idx.msk [tilespmem:v36+s13+$0x0], $0xffff;
	_ =	sdelay $0x4  }
0x205: {  	v41 =	vadd.f32 v59, v41;
	_ =	sdelay $0x1  }
0x206: {  	v42 =	vmin.f32 v41, $0.0e+00  }
0x207: {  	v42 =	vmul.f32 $2.000000030e-01, v42  }
0x208: {  	v41 =	vmax.f32 v41, $0.0e+00  }
0x209: {  	v41 =	vadd.f32 v42, v41;
	_ =	sdelay $0x1  }
0x20a: {  	v41 =	vmul.f32 $1.442695020e+00, v41;
	_ =	sdelay $0x1  }
0x20b: {  	(erf) = vpow2.f32 v41;
	_ =	sdelay $0x8  }
0x20c: {  	v41 =	vpop (erf)  }
0x20d: {  	[tilespmem:v36+s17+$0x0] =	vst.idx.msk $0xffff, v41  }
0x20e: {  	v41 =	vld.idx.msk [tilespmem:v37+s9+$0x0], $0xffff  }
0x20f: {  	v60 =	vld.idx.msk [tilespmem:v38+s13+$0x0], $0xffff;
	_ =	sdelay $0x4  }
0x210: {  	v41 =	vadd.f32 v60, v41;
	_ =	sdelay $0x1  }
0x211: {  	v42 =	vmin.f32 v41, $0.0e+00  }
0x212: {  	v42 =	vmul.f32 $2.000000030e-01, v42  }
0x213: {  	v41 =	vmax.f32 v41, $0.0e+00  }
0x214: {  	v41 =	vadd.f32 v42, v41;
	_ =	sdelay $0x1  }
0x215: {  	v41 =	vmul.f32 $1.442695020e+00, v41;
	_ =	sdelay $0x1  }
0x216: {  	(erf) = vpow2.f32 v41;
	_ =	sdelay $0x8  }
0x217: {  	v41 =	vpop (erf)  }
0x218: {  	[tilespmem:v38+s17+$0x0] =	vst.idx.msk $0xffff, v41  }
0x219: {  	v41 =	vld.idx.msk [tilespmem:v39+s9+$0x0], $0xffff  }
0x21a: {  	v61 =	vld.idx.msk [tilespmem:v40+s13+$0x0], $0xffff;
	_ =	sdelay $0x4  }
0x21b: {  	v41 =	vadd.f32 v61, v41;
	_ =	sdelay $0x1  }
0x21c: {  	v42 =	vmin.f32 v41, $0.0e+00  }
0x21d: {  	v42 =	vmul.f32 $2.000000030e-01, v42  }
0x21e: {  	v41 =	vmax.f32 v41, $0.0e+00  }
0x21f: {  	v41 =	vadd.f32 v42, v41;
	_ =	sdelay $0x1  }
0x220: {  	v41 =	vmul.f32 $1.442695020e+00, v41;
	_ =	sdelay $0x1  }
0x221: {  	(erf) = vpow2.f32 v41;
	_ =	sdelay $0x8  }
0x222: {  	v41 =	vpop (erf)  }
0x223: {  	s3 =	simm.s32 $0x30;
	[tilespmem:v40+s17+$0x0] =	vst.idx.msk $0xffff, v41  }
0x224: {  	v41 =	vld [tilespmem:s3+$0x63D0]  }
0x225: {  	s1 =	simm.s32 $0x120  }
0x226: {  	v62 =	vld [tilespmem:s1+$0xFFFFFEE0]  }
0x227: {  	v43 =	vld [tilespmem:s1+$0xFFFFFF40]  }
0x228: {  	v44 =	vld [tilespmem:s1+$0xFFFFFF00]  }
0x229: {  	v45 =	vld [tilespmem:s1+$0xFFFFFF50];
	v46 =	vbroadcast v41, $0x0  }
0x22a: {  	v47 =	vld [tilespmem:s1+$0xFFFFFEF0];
	v48 =	vbroadcast v41, $0x3  }
0x22b: {  	v49 =	vld [tilespmem:s1+$0xFFFFFF30];
	v50 =	vbroadcast v41, $0x1;
	v42 =	vmul.f32 v46, v62  }
0x22c: {  	v51 =	vld [tilespmem:s1+$0xFFFFFF10];
	v43 =	vmul.f32 v43, v48  }
0x22d: {  	v52 =	vld [tilespmem:s1+$0xFFFFFF20];
	v44 =	vmul.f32 v44, v50;
	[tilespmem:s1+$0xFFFFFEE0] =	vst v42  }
0x22e: {  	v41 =	vbroadcast v41, $0x2;
	v63 =	vmul.f32 v45, v48;
	[tilespmem:s1+$0xFFFFFF40] =	vst v43  }
0x22f: {  	v48 =	vmul.f32 v47, v46;
	[tilespmem:s1+$0xFFFFFF00] =	vst v44  }
0x230: {  	v53 =	vmul.f32 v49, v41;
	[tilespmem:s1+$0xFFFFFF50] =	vst v63  }
0x231: {  	v54 =	vmul.f32 v51, v50;
	[tilespmem:s1+$0xFFFFFEF0] =	vst v48  }
0x232: {  	v41 =	vmul.f32 v52, v41;
	[tilespmem:s1+$0xFFFFFF30] =	vst v53  }
0x233: {  	[tilespmem:s1+$0xFFFFFF10] =	vst v54  }
0x234: {  	[tilespmem:s1+$0xFFFFFF20] =	vst v41  }
0x235: {  	v42 =	vld [tilespmem:s3+$0x63E0];
	_ =	sdelay $0x1  }
0x236: {  	v55 =	vld [tilespmem:s1+$0xFFFFFF90]  }
0x237: {  	v56 =	vld [tilespmem:s1+$0xFFFFFF80]  }
0x238: {  	v45 =	vld [tilespmem:s1+$0xFFFFFFE0]  }
0x239: {  	v61 =	vld [tilespmem:s1+$0xFFFFFFA0];
	v60 =	vbroadcast v42, $0x1  }
0x23a: {  	v62 =	vld [tilespmem:s1+$0xFFFFFFB0];
	v63 =	vbroadcast v42, $0x0  }
0x23b: {  	v57 =	vld [tilespmem:s1+$0xFFFFFF70];
	v58 =	vbroadcast v42, $0x3;
	v59 =	vmul.f32 v55, v60  }
0x23c: {  	v43 =	vld [tilespmem:s1+$0xFFFFFFD0];
	v44 =	vmul.f32 v56, v63  }
0x23d: {  	v53 =	vld [tilespmem:s1+$0xFFFFFFC0];
	v54 =	vbroadcast v42, $0x2;
	v45 =	vmul.f32 v45, v58;
	[tilespmem:s1+$0xFFFFFF90] =	vst v59  }
0x23e: {  	v60 =	vmul.f32 v61, v60;
	[tilespmem:s1+$0xFFFFFF80] =	vst v44  }
0x23f: {  	v61 =	vmul.f32 v62, v54;
	[tilespmem:s1+$0xFFFFFFE0] =	vst v45  }
0x240: {  	v49 =	vld [tilespmem:s1+$0x60];
	v62 =	vmul.f32 v63, v57;
	[tilespmem:s1+$0xFFFFFFA0] =	vst v60  }
0x241: {  	v46 =	vld [tilespmem:s1+$0x50];
	v43 =	vmul.f32 v43, v58;
	[tilespmem:s1+$0xFFFFFFB0] =	vst v61  }
0x242: {  	v41 =	vld [tilespmem:s1+$0x10];
	v63 =	vmul.f32 v53, v54;
	[tilespmem:s1+$0xFFFFFF70] =	vst v62  }
0x243: {  	v48 =	vld [tilespmem:s1+$0x40];
	[tilespmem:s1+$0xFFFFFFD0] =	vst v43  }
0x244: {  	v42 =	vld [tilespmem:s1+$0x0];
	[tilespmem:s1+$0xFFFFFFC0] =	vst v63  }
0x245: {  	v47 =	vld [tilespmem:s3+$0x63F0]  }
0x246: {  	v43 =	vld [tilespmem:s1+$0x70]  }
0x247: {  	v44 =	vld [tilespmem:s1+$0x20]  }
0x248: {  	s4 =	simm.s32 $0x1C0;
	s2 =	simm.s32 $0x120;
	v45 =	vld [tilespmem:s1+$0x30]  }
.LBB2_5:
0x249: {  	p0 =	sne.s32 s4, $0x13C0  }
0x24a: {  	v50 =	vbroadcast v47, $0x0;
	v51 =	vbroadcast v47, $0x3;
	s1 =	sadd.s32 $0x240, s1;
	s5 =	smov.u32 s4;
	s4 =	sadd.s32 $0x100, s4  }
0x24b: {  	v52 =	vbroadcast v47, $0x1;
	v47 =	vbroadcast v47, $0x2  }
0x24c: {  	v49 =	vmul.f32 v49, v51;
	v43 =	vmul.f32 v43, v51  }
0x24d: {  	v44 =	vmul.f32 v44, v52;
	v48 =	vmul.f32 v48, v47  }
0x24e: {  	v45 =	vmul.f32 v45, v52;
	v46 =	vmul.f32 v46, v47;
	[tilespmem:s2+$0x70] =	vst v43  }
0x24f: {  	v42 =	vmul.f32 v50, v42;
	v41 =	vmul.f32 v41, v50;
	[tilespmem:s2+$0x60] =	vst v49  }
0x250: {  	[tilespmem:s2+$0x20] =	vst v44  }
0x251: {  	[tilespmem:s2+$0x40] =	vst v48;
	v43 =	vld [tilespmem:s2+$0xC0]  }
0x252: {  	[tilespmem:s2+$0x30] =	vst v45;
	v44 =	vld [tilespmem:s2+$0x90]  }
0x253: {  	[tilespmem:s2+$0x10] =	vst v41;
	v45 =	vld [tilespmem:s2+$0xF0]  }
0x254: {  	v41 =	vld [tilespmem:s1+$0x10];
	[tilespmem:s2+$0x50] =	vst v46  }
0x255: {  	[tilespmem:s2+$0x0] =	vst v42;
	v46 =	vld [tilespmem:s2+$0x100]  }
0x256: {  	v47 =	vld [tilespmem:s3+$0x6400]  }
0x257: {  	v42 =	vld [tilespmem:s1+$0x0]  }
0x258: {  	v48 =	vld [tilespmem:s2+$0xA0]  }
0x259: {  	v49 =	vld [tilespmem:s2+$0xB0]  }
0x25a: {  	v50 =	vld [tilespmem:s2+$0xD0]  }
0x25b: {  	v51 =	vbroadcast v47, $0x0;
	v52 =	vbroadcast v47, $0x1;
	v53 =	vld [tilespmem:s2+$0xE0]  }
0x25c: {  	v54 =	vbroadcast v47, $0x2;
	v47 =	vbroadcast v47, $0x3  }
0x25d: {  	v44 =	vmul.f32 v51, v44;
	v48 =	vmul.f32 v48, v51  }
0x25e: {  	v45 =	vmul.f32 v45, v47;
	v46 =	vmul.f32 v46, v47  }
0x25f: {  	[tilespmem:s2+$0x90] =	vst v44;
	v44 =	vmul.f32 v49, v52;
	v47 =	vmul.f32 v50, v54  }
0x260: {  	v43 =	vmul.f32 v43, v52;
	v49 =	vmul.f32 v53, v54;
	[tilespmem:s2+$0xF0] =	vst v45  }
0x261: {  	[tilespmem:s2+$0x100] =	vst v46  }
0x262: {  	[tilespmem:s2+$0xC0] =	vst v43  }
0x263: {  	[tilespmem:s2+$0xE0] =	vst v49  }
0x264: {  	v43 =	vld [tilespmem:s1+$0xFFFFFF10];
	[tilespmem:s2+$0xB0] =	vst v44  }
0x265: {  	v44 =	vld [tilespmem:s1+$0xFFFFFF30];
	[tilespmem:s2+$0xA0] =	vst v48  }
0x266: {  	s3 =	sshra.s32 s5, $0x2;
	v45 =	vld [tilespmem:s1+$0xFFFFFF50];
	[tilespmem:s2+$0xD0] =	vst v47;
	s2 =	smov.u32 s1  }
0x267: {  	v46 =	vld [tilespmem:s3+$0x63D0]  }
0x268: {  	v47 =	vld [tilespmem:s1+$0xFFFFFF40]  }
0x269: {  	v48 =	vld [tilespmem:s1+$0xFFFFFEE0]  }
0x26a: {  	v49 =	vld [tilespmem:s1+$0xFFFFFF00]  }
0x26b: {  	v50 =	vld [tilespmem:s1+$0xFFFFFF20]  }
0x26c: {  	v51 =	vbroadcast v46, $0x0;
	v52 =	vld [tilespmem:s1+$0xFFFFFEF0];
	v53 =	vbroadcast v46, $0x3  }
0x26d: {  	v54 =	vbroadcast v46, $0x1;
	v46 =	vbroadcast v46, $0x2  }
0x26e: {  	v48 =	vmul.f32 v51, v48;
	v47 =	vmul.f32 v47, v53  }
0x26f: {  	v45 =	vmul.f32 v45, v53;
	v49 =	vmul.f32 v49, v54  }
0x270: {  	v44 =	vmul.f32 v44, v46;
	[tilespmem:s1+$0xFFFFFEE0] =	vst v48;
	v48 =	vmul.f32 v50, v46  }
0x271: {  	v43 =	vmul.f32 v43, v54;
	v46 =	vmul.f32 v52, v51;
	[tilespmem:s1+$0xFFFFFF40] =	vst v47  }
0x272: {  	[tilespmem:s1+$0xFFFFFF00] =	vst v49  }
0x273: {  	[tilespmem:s1+$0xFFFFFF50] =	vst v45  }
0x274: {  	[tilespmem:s1+$0xFFFFFEF0] =	vst v46  }
0x275: {  	[tilespmem:s1+$0xFFFFFF30] =	vst v44;
	v44 =	vld [tilespmem:s1+$0xFFFFFFD0]  }
0x276: {  	[tilespmem:s1+$0xFFFFFF10] =	vst v43;
	v43 =	vld [tilespmem:s1+$0xFFFFFFE0]  }
0x277: {  	[tilespmem:s1+$0xFFFFFF20] =	vst v48;
	v45 =	vld [tilespmem:s1+$0xFFFFFFB0]  }
0x278: {  	v46 =	vld [tilespmem:s3+$0x63E0]  }
0x279: {  	v47 =	vld [tilespmem:s1+$0xFFFFFF90]  }
0x27a: {  	v48 =	vld [tilespmem:s1+$0xFFFFFF70]  }
0x27b: {  	v49 =	vld [tilespmem:s1+$0xFFFFFF80]  }
0x27c: {  	v50 =	vld [tilespmem:s1+$0xFFFFFFC0]  }
0x27d: {  	v51 =	vbroadcast v46, $0x0;
	v52 =	vbroadcast v46, $0x1;
	v53 =	vld [tilespmem:s1+$0xFFFFFFA0]  }
0x27e: {  	v54 =	vbroadcast v46, $0x2;
	v46 =	vbroadcast v46, $0x3  }
0x27f: {  	v48 =	vmul.f32 v51, v48;
	v47 =	vmul.f32 v47, v52  }
0x280: {  	v45 =	vmul.f32 v45, v54;
	v49 =	vmul.f32 v49, v51  }
0x281: {  	v43 =	vmul.f32 v43, v46;
	[tilespmem:s1+$0xFFFFFF90] =	vst v47;
	v47 =	vmul.f32 v50, v54  }
0x282: {  	v44 =	vmul.f32 v44, v46;
	[tilespmem:s1+$0xFFFFFF80] =	vst v49;
	v49 =	vmul.f32 v53, v52  }
0x283: {  	[tilespmem:s1+$0xFFFFFFE0] =	vst v43  }
0x284: {  	[tilespmem:s1+$0xFFFFFFA0] =	vst v49  }
0x285: {  	[tilespmem:s1+$0xFFFFFFB0] =	vst v45  }
0x286: {  	[tilespmem:s1+$0xFFFFFF70] =	vst v48  }
0x287: {  	[tilespmem:s1+$0xFFFFFFD0] =	vst v44;
	v43 =	vld [tilespmem:s1+$0x70]  }
0x288: {  	[tilespmem:s1+$0xFFFFFFC0] =	vst v47;
	v44 =	vld [tilespmem:s1+$0x20]  }
.Ltmp1:
0x289: {  	v47 =	vld [tilespmem:s3+$0x63F0];
	(pc) =	sbr.rel @p0 .LBB2_5-.Ltmp1, $4  }
0x28a: {  	v49 =	vld [tilespmem:s1+$0x60]  }
0x28b: {  	v45 =	vld [tilespmem:s1+$0x30]  }
0x28c: {  	v48 =	vld [tilespmem:s1+$0x40]  }
0x28d: {  	v46 =	vld [tilespmem:s1+$0x50]  }
0x28e: {  	v50 =	vbroadcast v47, $0x3;
	_ =	sdelay $0x1  }
0x28f: {  	v51 =	vbroadcast v47, $0x1;
	v43 =	vmul.f32 v43, v50  }
0x290: {  	v49 =	vmul.f32 v49, v50  }
0x291: {  	v63 =	vbroadcast v47, $0x0;
	v44 =	vmul.f32 v44, v51;
	[tilespmem:s2+$0x70] =	vst v43  }
0x292: {  	v45 =	vmul.f32 v45, v51;
	[tilespmem:s2+$0x60] =	vst v49  }
0x293: {  	v52 =	vbroadcast v47, $0x2;
	v41 =	vmul.f32 v41, v63;
	[tilespmem:s2+$0x20] =	vst v44  }
0x294: {  	v42 =	vmul.f32 v63, v42;
	[tilespmem:s2+$0x30] =	vst v45  }
0x295: {  	v50 =	vmul.f32 v48, v52;
	[tilespmem:s2+$0x10] =	vst v41  }
0x296: {  	v53 =	vmul.f32 v46, v52;
	[tilespmem:s2+$0x0] =	vst v42  }
0x297: {  	[tilespmem:s2+$0x40] =	vst v50  }
0x298: {  	[tilespmem:s2+$0x50] =	vst v53  }
0x299: {  	v41 =	vld [tilespmem:s3+$0x6400];
	_ =	sdelay $0x1  }
0x29a: {  	v54 =	vld [tilespmem:s2+$0x90]  }
0x29b: {  	v55 =	vld [tilespmem:s2+$0xF0]  }
0x29c: {  	v56 =	vld [tilespmem:s2+$0x100]  }
0x29d: {  	v57 =	vld [tilespmem:s2+$0xC0];
	v46 =	vbroadcast v41, $0x0  }
0x29e: {  	v58 =	vld [tilespmem:s2+$0xE0];
	v59 =	vbroadcast v41, $0x3  }
0x29f: {  	v60 =	vld [tilespmem:s2+$0xB0];
	v42 =	vmul.f32 v46, v54  }
0x2a0: {  	v61 =	vld [tilespmem:s2+$0xA0];
	v62 =	vbroadcast v41, $0x1;
	v43 =	vmul.f32 v55, v59  }
0x2a1: {  	v63 =	vld [tilespmem:s2+$0xD0];
	v41 =	vbroadcast v41, $0x2;
	v44 =	vmul.f32 v56, v59;
	[tilespmem:s2+$0x90] =	vst v42  }
0x2a2: {  	v55 =	vmul.f32 v57, v62;
	[tilespmem:s2+$0xF0] =	vst v43  }
0x2a3: {  	v56 =	vmul.f32 v58, v41;
	[tilespmem:s2+$0x100] =	vst v44  }
0x2a4: {  	v57 =	vmul.f32 v60, v62;
	[tilespmem:s2+$0xC0] =	vst v55  }
0x2a5: {  	v58 =	vmul.f32 v61, v46;
	[tilespmem:s2+$0xE0] =	vst v56  }
0x2a6: {  	v41 =	vmul.f32 v63, v41;
	[tilespmem:s2+$0xB0] =	vst v57  }
0x2a7: {  	[tilespmem:s2+$0xA0] =	vst v58  }
0x2a8: {  	[tilespmem:s2+$0xD0] =	vst v41  }
0x2a9: {  	[spmem:s16] =	stream.indirect.scatter.add.f32 [tilespmem:s9], [sflag:$0x3], $0x90, s10, s8, $0xb8;
	[tilespmem:$0x1FF40] =	vst v63  }
0x2aa: {  	_ = 	snop  }
0x2ab: {  	[spmem:s19] =	stream.indirect.scatter.add.f32 [tilespmem:s17], [sflag:$0x3], $0x10, s10, s8, $0xb8;
	[tilespmem:$0x1FF40] =	vst v63  }
0x2ac: {  	_ =	swait.ge [sflag:s29], $0x2D00  }
0x2ad: {  	s1 =	sshll.u32 s0, $0x1;
	[sflag:s29] =	ssyncset.done $0x0  }
0x2ae: {  	s6 =	sadd.s32 s1, s11;
	[sflag:s29] =	ssyncadd.s32 $0xFFFFD300  }
0x2af: {  	s2 =	smul.u32 $0x14, s6;
	_ =	swait.ge [sflag:s29], $0x500  }
0x2b0: {  	[sflag:s29] =	ssyncset.done $0x0  }
0x2b1: {  	s2 =	sadd.s32 s14, s2;
	[sflag:s29] =	ssyncadd.s32 $0xFFFFFB00  }
0x2b2: {  	[tilespmem:s20], [sflag:$0x4] =	stream.linear.gather [hbm4b:s2+s9], $0xA0, $0x38;
	[tilespmem:$0x1FF40] =	vst v63  }
0x2b3: {  	_ =	swait.ge [sflag:s15], $0xA0  }
0x2b4: {  	[sflag:s15] =	ssyncset.done $0x0  }
0x2b5: {  	[sflag:s15] =	ssyncadd.s32 $0xFFFFFF60  }
0x2b6: {  	[tilespmem:s9], [sflag:$0x1] =	stream.indirect.gather [hbm4b:s22+s8], $0x90, s20, s8, $0xb8;
	[tilespmem:$0x1FF40] =	vst v63  }
0x2b7: {  	_ = 	snop  }
0x2b8: {  	[tilespmem:s13], [sflag:$0x1] =	stream.indirect.gather [hbm4b:s23+s8], $0x10, s10, s8, $0xb8;
	[tilespmem:$0x1FF40] =	vst v63  }
0x2b9: {  	_ =	swait.ge [sflag:s30], $0x2D00  }
0x2ba: {  	[sflag:s30] =	ssyncset.done $0x0  }
0x2bb: {  	[sflag:s30] =	ssyncadd.s32 $0xFFFFD300  }
0x2bc: {  	_ =	swait.ge [sflag:s30], $0x500  }
0x2bd: {  	[sflag:s30] =	ssyncset.done $0x0  }
0x2be: {  	[sflag:s30] =	ssyncadd.s32 $0xFFFFFB00  }
0x2bf: {  	v59 =	vld.idx.msk [tilespmem:v1+s24+$0x0], $0xffff  }
0x2c0: {  	v60 =	vld.idx.msk [tilespmem:v2+s26+$0x0], $0xffff;
	_ =	sdelay $0x4  }
0x2c1: {  	v41 =	vadd.f32 v60, v59;
	_ =	sdelay $0x1  }
0x2c2: {  	v42 =	vmin.f32 v41, $0.0e+00  }
0x2c3: {  	v42 =	vmul.f32 $2.000000030e-01, v42  }
0x2c4: {  	v41 =	vmax.f32 v41, $0.0e+00  }
0x2c5: {  	v41 =	vadd.f32 v42, v41;
	_ =	sdelay $0x1  }
0x2c6: {  	v41 =	vmul.f32 $1.442695020e+00, v41;
	_ =	sdelay $0x1  }
0x2c7: {  	(erf) = vpow2.f32 v41;
	_ =	sdelay $0x8  }
0x2c8: {  	v41 =	vpop (erf)  }
0x2c9: {  	[tilespmem:v2+s31+$0x0] =	vst.idx.msk $0xffff, v41  }
0x2ca: {  	v41 =	vld.idx.msk [tilespmem:v3+s24+$0x0], $0xffff  }
0x2cb: {  	v61 =	vld.idx.msk [tilespmem:v4+s26+$0x0], $0xffff;
	_ =	sdelay $0x4  }
0x2cc: {  	v41 =	vadd.f32 v61, v41;
	_ =	sdelay $0x1  }
0x2cd: {  	v42 =	vmin.f32 v41, $0.0e+00  }
0x2ce: {  	v42 =	vmul.f32 $2.000000030e-01, v42  }
0x2cf: {  	v41 =	vmax.f32 v41, $0.0e+00  }
0x2d0: {  	v41 =	vadd.f32 v42, v41;
	_ =	sdelay $0x1  }
0x2d1: {  	v41 =	vmul.f32 $1.442695020e+00, v41;
	_ =	sdelay $0x1  }
0x2d2: {  	(erf) = vpow2.f32 v41;
	_ =	sdelay $0x8  }
0x2d3: {  	v41 =	vpop (erf)  }
0x2d4: {  	[tilespmem:v4+s31+$0x0] =	vst.idx.msk $0xffff, v41  }
0x2d5: {  	v41 =	vld.idx.msk [tilespmem:v5+s24+$0x0], $0xffff  }
0x2d6: {  	v62 =	vld.idx.msk [tilespmem:v6+s26+$0x0], $0xffff;
	_ =	sdelay $0x4  }
0x2d7: {  	v41 =	vadd.f32 v62, v41;
	_ =	sdelay $0x1  }
0x2d8: {  	v42 =	vmin.f32 v41, $0.0e+00  }
0x2d9: {  	v42 =	vmul.f32 $2.000000030e-01, v42  }
0x2da: {  	v41 =	vmax.f32 v41, $0.0e+00  }
0x2db: {  	v41 =	vadd.f32 v42, v41;
	_ =	sdelay $0x1  }
0x2dc: {  	v41 =	vmul.f32 $1.442695020e+00, v41;
	_ =	sdelay $0x1  }
0x2dd: {  	(erf) = vpow2.f32 v41;
	_ =	sdelay $0x8  }
0x2de: {  	v41 =	vpop (erf)  }
0x2df: {  	[tilespmem:v6+s31+$0x0] =	vst.idx.msk $0xffff, v41  }
0x2e0: {  	v41 =	vld.idx.msk [tilespmem:v7+s24+$0x0], $0xffff  }
0x2e1: {  	v63 =	vld.idx.msk [tilespmem:v8+s26+$0x0], $0xffff;
	_ =	sdelay $0x4  }
0x2e2: {  	v41 =	vadd.f32 v63, v41;
	_ =	sdelay $0x1  }
0x2e3: {  	v42 =	vmin.f32 v41, $0.0e+00  }
0x2e4: {  	v42 =	vmul.f32 $2.000000030e-01, v42  }
0x2e5: {  	v41 =	vmax.f32 v41, $0.0e+00  }
0x2e6: {  	v41 =	vadd.f32 v42, v41;
	_ =	sdelay $0x1  }
0x2e7: {  	v41 =	vmul.f32 $1.442695020e+00, v41;
	_ =	sdelay $0x1  }
0x2e8: {  	(erf) = vpow2.f32 v41;
	_ =	sdelay $0x8  }
0x2e9: {  	v41 =	vpop (erf)  }
0x2ea: {  	[tilespmem:v8+s31+$0x0] =	vst.idx.msk $0xffff, v41  }
0x2eb: {  	v41 =	vld.idx.msk [tilespmem:v9+s24+$0x0], $0xffff  }
0x2ec: {  	v45 =	vld.idx.msk [tilespmem:v10+s26+$0x0], $0xffff;
	_ =	sdelay $0x4  }
0x2ed: {  	v41 =	vadd.f32 v45, v41;
	_ =	sdelay $0x1  }
0x2ee: {  	v42 =	vmin.f32 v41, $0.0e+00  }
0x2ef: {  	v42 =	vmul.f32 $2.000000030e-01, v42  }
0x2f0: {  	v41 =	vmax.f32 v41, $0.0e+00  }
0x2f1: {  	v41 =	vadd.f32 v42, v41;
	_ =	sdelay $0x1  }
0x2f2: {  	v41 =	vmul.f32 $1.442695020e+00, v41;
	_ =	sdelay $0x1  }
0x2f3: {  	(erf) = vpow2.f32 v41;
	_ =	sdelay $0x8  }
0x2f4: {  	v41 =	vpop (erf)  }
0x2f5: {  	[tilespmem:v10+s31+$0x0] =	vst.idx.msk $0xffff, v41  }
0x2f6: {  	v41 =	vld.idx.msk [tilespmem:v11+s24+$0x0], $0xffff  }
0x2f7: {  	v46 =	vld.idx.msk [tilespmem:v12+s26+$0x0], $0xffff;
	_ =	sdelay $0x4  }
0x2f8: {  	v41 =	vadd.f32 v46, v41;
	_ =	sdelay $0x1  }
0x2f9: {  	v42 =	vmin.f32 v41, $0.0e+00  }
0x2fa: {  	v42 =	vmul.f32 $2.000000030e-01, v42  }
0x2fb: {  	v41 =	vmax.f32 v41, $0.0e+00  }
0x2fc: {  	v41 =	vadd.f32 v42, v41;
	_ =	sdelay $0x1  }
0x2fd: {  	v41 =	vmul.f32 $1.442695020e+00, v41;
	_ =	sdelay $0x1  }
0x2fe: {  	(erf) = vpow2.f32 v41;
	_ =	sdelay $0x8  }
0x2ff: {  	v41 =	vpop (erf)  }
0x300: {  	[tilespmem:v12+s31+$0x0] =	vst.idx.msk $0xffff, v41  }
0x301: {  	v41 =	vld.idx.msk [tilespmem:v13+s24+$0x0], $0xffff  }
0x302: {  	v47 =	vld.idx.msk [tilespmem:v14+s26+$0x0], $0xffff;
	_ =	sdelay $0x4  }
0x303: {  	v41 =	vadd.f32 v47, v41;
	_ =	sdelay $0x1  }
0x304: {  	v42 =	vmin.f32 v41, $0.0e+00  }
0x305: {  	v42 =	vmul.f32 $2.000000030e-01, v42  }
0x306: {  	v41 =	vmax.f32 v41, $0.0e+00  }
0x307: {  	v41 =	vadd.f32 v42, v41;
	_ =	sdelay $0x1  }
0x308: {  	v41 =	vmul.f32 $1.442695020e+00, v41;
	_ =	sdelay $0x1  }
0x309: {  	(erf) = vpow2.f32 v41;
	_ =	sdelay $0x8  }
0x30a: {  	v41 =	vpop (erf)  }
0x30b: {  	[tilespmem:v14+s31+$0x0] =	vst.idx.msk $0xffff, v41  }
0x30c: {  	v41 =	vld.idx.msk [tilespmem:v15+s24+$0x0], $0xffff  }
0x30d: {  	v48 =	vld.idx.msk [tilespmem:v16+s26+$0x0], $0xffff;
	_ =	sdelay $0x4  }
0x30e: {  	v41 =	vadd.f32 v48, v41;
	_ =	sdelay $0x1  }
0x30f: {  	v42 =	vmin.f32 v41, $0.0e+00  }
0x310: {  	v42 =	vmul.f32 $2.000000030e-01, v42  }
0x311: {  	v41 =	vmax.f32 v41, $0.0e+00  }
0x312: {  	v41 =	vadd.f32 v42, v41;
	_ =	sdelay $0x1  }
0x313: {  	v41 =	vmul.f32 $1.442695020e+00, v41;
	_ =	sdelay $0x1  }
0x314: {  	(erf) = vpow2.f32 v41;
	_ =	sdelay $0x8  }
0x315: {  	v41 =	vpop (erf)  }
0x316: {  	[tilespmem:v16+s31+$0x0] =	vst.idx.msk $0xffff, v41  }
0x317: {  	v41 =	vld.idx.msk [tilespmem:v17+s24+$0x0], $0xffff  }
0x318: {  	v49 =	vld.idx.msk [tilespmem:v18+s26+$0x0], $0xffff;
	_ =	sdelay $0x4  }
0x319: {  	v41 =	vadd.f32 v49, v41;
	_ =	sdelay $0x1  }
0x31a: {  	v42 =	vmin.f32 v41, $0.0e+00  }
0x31b: {  	v42 =	vmul.f32 $2.000000030e-01, v42  }
0x31c: {  	v41 =	vmax.f32 v41, $0.0e+00  }
0x31d: {  	v41 =	vadd.f32 v42, v41;
	_ =	sdelay $0x1  }
0x31e: {  	v41 =	vmul.f32 $1.442695020e+00, v41;
	_ =	sdelay $0x1  }
0x31f: {  	(erf) = vpow2.f32 v41;
	_ =	sdelay $0x8  }
0x320: {  	v41 =	vpop (erf)  }
0x321: {  	[tilespmem:v18+s31+$0x0] =	vst.idx.msk $0xffff, v41  }
0x322: {  	v41 =	vld.idx.msk [tilespmem:v19+s24+$0x0], $0xffff  }
0x323: {  	v50 =	vld.idx.msk [tilespmem:v20+s26+$0x0], $0xffff;
	_ =	sdelay $0x4  }
0x324: {  	v41 =	vadd.f32 v50, v41;
	_ =	sdelay $0x1  }
0x325: {  	v42 =	vmin.f32 v41, $0.0e+00  }
0x326: {  	v42 =	vmul.f32 $2.000000030e-01, v42  }
0x327: {  	v41 =	vmax.f32 v41, $0.0e+00  }
0x328: {  	v41 =	vadd.f32 v42, v41;
	_ =	sdelay $0x1  }
0x329: {  	v41 =	vmul.f32 $1.442695020e+00, v41;
	_ =	sdelay $0x1  }
0x32a: {  	(erf) = vpow2.f32 v41;
	_ =	sdelay $0x8  }
0x32b: {  	v41 =	vpop (erf)  }
0x32c: {  	[tilespmem:v20+s31+$0x0] =	vst.idx.msk $0xffff, v41  }
0x32d: {  	v41 =	vld.idx.msk [tilespmem:v21+s24+$0x0], $0xffff  }
0x32e: {  	v51 =	vld.idx.msk [tilespmem:v22+s26+$0x0], $0xffff;
	_ =	sdelay $0x4  }
0x32f: {  	v41 =	vadd.f32 v51, v41;
	_ =	sdelay $0x1  }
0x330: {  	v42 =	vmin.f32 v41, $0.0e+00  }
0x331: {  	v42 =	vmul.f32 $2.000000030e-01, v42  }
0x332: {  	v41 =	vmax.f32 v41, $0.0e+00  }
0x333: {  	v41 =	vadd.f32 v42, v41;
	_ =	sdelay $0x1  }
0x334: {  	v41 =	vmul.f32 $1.442695020e+00, v41;
	_ =	sdelay $0x1  }
0x335: {  	(erf) = vpow2.f32 v41;
	_ =	sdelay $0x8  }
0x336: {  	v41 =	vpop (erf)  }
0x337: {  	[tilespmem:v22+s31+$0x0] =	vst.idx.msk $0xffff, v41  }
0x338: {  	v41 =	vld.idx.msk [tilespmem:v23+s24+$0x0], $0xffff  }
0x339: {  	v52 =	vld.idx.msk [tilespmem:v24+s26+$0x0], $0xffff;
	_ =	sdelay $0x4  }
0x33a: {  	v41 =	vadd.f32 v52, v41;
	_ =	sdelay $0x1  }
0x33b: {  	v42 =	vmin.f32 v41, $0.0e+00  }
0x33c: {  	v42 =	vmul.f32 $2.000000030e-01, v42  }
0x33d: {  	v41 =	vmax.f32 v41, $0.0e+00  }
0x33e: {  	v41 =	vadd.f32 v42, v41;
	_ =	sdelay $0x1  }
0x33f: {  	v41 =	vmul.f32 $1.442695020e+00, v41;
	_ =	sdelay $0x1  }
0x340: {  	(erf) = vpow2.f32 v41;
	_ =	sdelay $0x8  }
0x341: {  	v41 =	vpop (erf)  }
0x342: {  	[tilespmem:v24+s31+$0x0] =	vst.idx.msk $0xffff, v41  }
0x343: {  	v41 =	vld.idx.msk [tilespmem:v25+s24+$0x0], $0xffff  }
0x344: {  	v53 =	vld.idx.msk [tilespmem:v26+s26+$0x0], $0xffff;
	_ =	sdelay $0x4  }
0x345: {  	v41 =	vadd.f32 v53, v41;
	_ =	sdelay $0x1  }
0x346: {  	v42 =	vmin.f32 v41, $0.0e+00  }
0x347: {  	v42 =	vmul.f32 $2.000000030e-01, v42  }
0x348: {  	v41 =	vmax.f32 v41, $0.0e+00  }
0x349: {  	v41 =	vadd.f32 v42, v41;
	_ =	sdelay $0x1  }
0x34a: {  	v41 =	vmul.f32 $1.442695020e+00, v41;
	_ =	sdelay $0x1  }
0x34b: {  	(erf) = vpow2.f32 v41;
	_ =	sdelay $0x8  }
0x34c: {  	v41 =	vpop (erf)  }
0x34d: {  	[tilespmem:v26+s31+$0x0] =	vst.idx.msk $0xffff, v41  }
0x34e: {  	v41 =	vld.idx.msk [tilespmem:v27+s24+$0x0], $0xffff  }
0x34f: {  	v54 =	vld.idx.msk [tilespmem:v28+s26+$0x0], $0xffff;
	_ =	sdelay $0x4  }
0x350: {  	v41 =	vadd.f32 v54, v41;
	_ =	sdelay $0x1  }
0x351: {  	v42 =	vmin.f32 v41, $0.0e+00  }
0x352: {  	v42 =	vmul.f32 $2.000000030e-01, v42  }
0x353: {  	v41 =	vmax.f32 v41, $0.0e+00  }
0x354: {  	v41 =	vadd.f32 v42, v41;
	_ =	sdelay $0x1  }
0x355: {  	v41 =	vmul.f32 $1.442695020e+00, v41;
	_ =	sdelay $0x1  }
0x356: {  	(erf) = vpow2.f32 v41;
	_ =	sdelay $0x8  }
0x357: {  	v41 =	vpop (erf)  }
0x358: {  	[tilespmem:v28+s31+$0x0] =	vst.idx.msk $0xffff, v41  }
0x359: {  	v41 =	vld.idx.msk [tilespmem:v29+s24+$0x0], $0xffff  }
0x35a: {  	v55 =	vld.idx.msk [tilespmem:v30+s26+$0x0], $0xffff;
	_ =	sdelay $0x4  }
0x35b: {  	v41 =	vadd.f32 v55, v41;
	_ =	sdelay $0x1  }
0x35c: {  	v42 =	vmin.f32 v41, $0.0e+00  }
0x35d: {  	v42 =	vmul.f32 $2.000000030e-01, v42  }
0x35e: {  	v41 =	vmax.f32 v41, $0.0e+00  }
0x35f: {  	v41 =	vadd.f32 v42, v41;
	_ =	sdelay $0x1  }
0x360: {  	v41 =	vmul.f32 $1.442695020e+00, v41;
	_ =	sdelay $0x1  }
0x361: {  	(erf) = vpow2.f32 v41;
	_ =	sdelay $0x8  }
0x362: {  	v41 =	vpop (erf)  }
0x363: {  	[tilespmem:v30+s31+$0x0] =	vst.idx.msk $0xffff, v41  }
0x364: {  	v41 =	vld.idx.msk [tilespmem:v31+s24+$0x0], $0xffff  }
0x365: {  	v56 =	vld.idx.msk [tilespmem:v32+s26+$0x0], $0xffff;
	_ =	sdelay $0x4  }
0x366: {  	v41 =	vadd.f32 v56, v41;
	_ =	sdelay $0x1  }
0x367: {  	v42 =	vmin.f32 v41, $0.0e+00  }
0x368: {  	v42 =	vmul.f32 $2.000000030e-01, v42  }
0x369: {  	v41 =	vmax.f32 v41, $0.0e+00  }
0x36a: {  	v41 =	vadd.f32 v42, v41;
	_ =	sdelay $0x1  }
0x36b: {  	v41 =	vmul.f32 $1.442695020e+00, v41;
	_ =	sdelay $0x1  }
0x36c: {  	(erf) = vpow2.f32 v41;
	_ =	sdelay $0x8  }
0x36d: {  	v41 =	vpop (erf)  }
0x36e: {  	[tilespmem:v32+s31+$0x0] =	vst.idx.msk $0xffff, v41  }
0x36f: {  	v41 =	vld.idx.msk [tilespmem:v33+s24+$0x0], $0xffff  }
0x370: {  	v57 =	vld.idx.msk [tilespmem:v34+s26+$0x0], $0xffff;
	_ =	sdelay $0x4  }
0x371: {  	v41 =	vadd.f32 v57, v41;
	_ =	sdelay $0x1  }
0x372: {  	v42 =	vmin.f32 v41, $0.0e+00  }
0x373: {  	v42 =	vmul.f32 $2.000000030e-01, v42  }
0x374: {  	v41 =	vmax.f32 v41, $0.0e+00  }
0x375: {  	v41 =	vadd.f32 v42, v41;
	_ =	sdelay $0x1  }
0x376: {  	v41 =	vmul.f32 $1.442695020e+00, v41;
	_ =	sdelay $0x1  }
0x377: {  	(erf) = vpow2.f32 v41;
	_ =	sdelay $0x8  }
0x378: {  	v41 =	vpop (erf)  }
0x379: {  	[tilespmem:v34+s31+$0x0] =	vst.idx.msk $0xffff, v41  }
0x37a: {  	v41 =	vld.idx.msk [tilespmem:v35+s24+$0x0], $0xffff  }
0x37b: {  	v58 =	vld.idx.msk [tilespmem:v36+s26+$0x0], $0xffff;
	_ =	sdelay $0x4  }
0x37c: {  	v41 =	vadd.f32 v58, v41;
	_ =	sdelay $0x1  }
0x37d: {  	v42 =	vmin.f32 v41, $0.0e+00  }
0x37e: {  	v42 =	vmul.f32 $2.000000030e-01, v42  }
0x37f: {  	v41 =	vmax.f32 v41, $0.0e+00  }
0x380: {  	v41 =	vadd.f32 v42, v41;
	_ =	sdelay $0x1  }
0x381: {  	v41 =	vmul.f32 $1.442695020e+00, v41;
	_ =	sdelay $0x1  }
0x382: {  	(erf) = vpow2.f32 v41;
	_ =	sdelay $0x8  }
0x383: {  	v41 =	vpop (erf)  }
0x384: {  	[tilespmem:v36+s31+$0x0] =	vst.idx.msk $0xffff, v41  }
0x385: {  	v41 =	vld.idx.msk [tilespmem:v37+s24+$0x0], $0xffff  }
0x386: {  	v59 =	vld.idx.msk [tilespmem:v38+s26+$0x0], $0xffff;
	_ =	sdelay $0x4  }
0x387: {  	v41 =	vadd.f32 v59, v41;
	_ =	sdelay $0x1  }
0x388: {  	v42 =	vmin.f32 v41, $0.0e+00  }
0x389: {  	v42 =	vmul.f32 $2.000000030e-01, v42  }
0x38a: {  	v41 =	vmax.f32 v41, $0.0e+00  }
0x38b: {  	v41 =	vadd.f32 v42, v41;
	_ =	sdelay $0x1  }
0x38c: {  	v41 =	vmul.f32 $1.442695020e+00, v41;
	_ =	sdelay $0x1  }
0x38d: {  	(erf) = vpow2.f32 v41;
	_ =	sdelay $0x8  }
0x38e: {  	v41 =	vpop (erf)  }
0x38f: {  	[tilespmem:v38+s31+$0x0] =	vst.idx.msk $0xffff, v41  }
0x390: {  	v41 =	vld.idx.msk [tilespmem:v39+s24+$0x0], $0xffff  }
0x391: {  	v60 =	vld.idx.msk [tilespmem:v40+s26+$0x0], $0xffff;
	_ =	sdelay $0x4  }
0x392: {  	v41 =	vadd.f32 v60, v41;
	_ =	sdelay $0x1  }
0x393: {  	v42 =	vmin.f32 v41, $0.0e+00  }
0x394: {  	v42 =	vmul.f32 $2.000000030e-01, v42  }
0x395: {  	v41 =	vmax.f32 v41, $0.0e+00  }
0x396: {  	v41 =	vadd.f32 v42, v41;
	_ =	sdelay $0x1  }
0x397: {  	v41 =	vmul.f32 $1.442695020e+00, v41;
	_ =	sdelay $0x1  }
0x398: {  	(erf) = vpow2.f32 v41;
	_ =	sdelay $0x8  }
0x399: {  	v41 =	vpop (erf)  }
0x39a: {  	s4 =	simm.s32 $0x30;
	[tilespmem:v40+s31+$0x0] =	vst.idx.msk $0xffff, v41  }
0x39b: {  	v41 =	vld [tilespmem:s4+$0x68D0]  }
0x39c: {  	s2 =	simm.s32 $0x2E20  }
0x39d: {  	v61 =	vld [tilespmem:s2+$0xFFFFFEE0]  }
0x39e: {  	v62 =	vld [tilespmem:s2+$0xFFFFFF40]  }
0x39f: {  	v44 =	vld [tilespmem:s2+$0xFFFFFF00]  }
0x3a0: {  	v63 =	vld [tilespmem:s2+$0xFFFFFF50];
	v56 =	vbroadcast v41, $0x0  }
0x3a1: {  	v57 =	vld [tilespmem:s2+$0xFFFFFEF0];
	v58 =	vbroadcast v41, $0x3  }
0x3a2: {  	v59 =	vld [tilespmem:s2+$0xFFFFFF30];
	v60 =	vbroadcast v41, $0x1;
	v42 =	vmul.f32 v56, v61  }
0x3a3: {  	v61 =	vld [tilespmem:s2+$0xFFFFFF10];
	v43 =	vmul.f32 v62, v58  }
0x3a4: {  	v62 =	vld [tilespmem:s2+$0xFFFFFF20];
	v44 =	vmul.f32 v44, v60;
	[tilespmem:s2+$0xFFFFFEE0] =	vst v42  }
0x3a5: {  	v41 =	vbroadcast v41, $0x2;
	v63 =	vmul.f32 v63, v58;
	[tilespmem:s2+$0xFFFFFF40] =	vst v43  }
0x3a6: {  	v48 =	vmul.f32 v57, v56;
	[tilespmem:s2+$0xFFFFFF00] =	vst v44  }
0x3a7: {  	v53 =	vmul.f32 v59, v41;
	[tilespmem:s2+$0xFFFFFF50] =	vst v63  }
0x3a8: {  	[tilespmem:s2+$0xFFFFFEF0] =	vst v48;
	v54 =	vmul.f32 v61, v60  }
0x3a9: {  	[tilespmem:s2+$0xFFFFFF30] =	vst v53;
	v41 =	vmul.f32 v62, v41  }
0x3aa: {  	[tilespmem:s2+$0xFFFFFF10] =	vst v54  }
0x3ab: {  	[tilespmem:s2+$0xFFFFFF20] =	vst v41  }
0x3ac: {  	v42 =	vld [tilespmem:s4+$0x68E0];
	_ =	sdelay $0x1  }
0x3ad: {  	v55 =	vld [tilespmem:s2+$0xFFFFFF90]  }
0x3ae: {  	v56 =	vld [tilespmem:s2+$0xFFFFFF80]  }
0x3af: {  	v45 =	vld [tilespmem:s2+$0xFFFFFFE0]  }
0x3b0: {  	v61 =	vld [tilespmem:s2+$0xFFFFFFA0];
	v60 =	vbroadcast v42, $0x1  }
0x3b1: {  	v62 =	vld [tilespmem:s2+$0xFFFFFFB0];
	v63 =	vbroadcast v42, $0x0  }
0x3b2: {  	v57 =	vld [tilespmem:s2+$0xFFFFFF70];
	v58 =	vbroadcast v42, $0x3;
	v59 =	vmul.f32 v55, v60  }
0x3b3: {  	v43 =	vld [tilespmem:s2+$0xFFFFFFD0];
	v44 =	vmul.f32 v56, v63  }
0x3b4: {  	v53 =	vld [tilespmem:s2+$0xFFFFFFC0];
	v54 =	vbroadcast v42, $0x2;
	v45 =	vmul.f32 v45, v58;
	[tilespmem:s2+$0xFFFFFF90] =	vst v59  }
0x3b5: {  	v60 =	vmul.f32 v61, v60;
	[tilespmem:s2+$0xFFFFFF80] =	vst v44  }
0x3b6: {  	v61 =	vmul.f32 v62, v54;
	[tilespmem:s2+$0xFFFFFFE0] =	vst v45  }
0x3b7: {  	v49 =	vld [tilespmem:s2+$0x60];
	v62 =	vmul.f32 v63, v57;
	[tilespmem:s2+$0xFFFFFFA0] =	vst v60  }
0x3b8: {  	v46 =	vld [tilespmem:s2+$0x50];
	v43 =	vmul.f32 v43, v58;
	[tilespmem:s2+$0xFFFFFFB0] =	vst v61  }
0x3b9: {  	v48 =	vld [tilespmem:s2+$0x40];
	v63 =	vmul.f32 v53, v54;
	[tilespmem:s2+$0xFFFFFF70] =	vst v62  }
0x3ba: {  	v41 =	vld [tilespmem:s2+$0x10];
	[tilespmem:s2+$0xFFFFFFD0] =	vst v43  }
0x3bb: {  	v42 =	vld [tilespmem:s2+$0x0];
	[tilespmem:s2+$0xFFFFFFC0] =	vst v63  }
0x3bc: {  	v47 =	vld [tilespmem:s4+$0x68F0]  }
0x3bd: {  	v43 =	vld [tilespmem:s2+$0x70]  }
0x3be: {  	v44 =	vld [tilespmem:s2+$0x20]  }
0x3bf: {  	s5 =	simm.s32 $0x1C0;
	s3 =	simm.s32 $0x2E20;
	v45 =	vld [tilespmem:s2+$0x30]  }
.LBB2_7:
0x3c0: {  	p0 =	sne.s32 s5, $0x13C0  }
0x3c1: {  	v50 =	vbroadcast v47, $0x0;
	v51 =	vbroadcast v47, $0x3;
	s2 =	sadd.s32 $0x240, s2;
	s6 =	smov.u32 s5;
	s5 =	sadd.s32 $0x100, s5  }
0x3c2: {  	v52 =	vbroadcast v47, $0x1;
	v47 =	vbroadcast v47, $0x2  }
0x3c3: {  	v49 =	vmul.f32 v49, v51;
	v43 =	vmul.f32 v43, v51  }
0x3c4: {  	v44 =	vmul.f32 v44, v52;
	v48 =	vmul.f32 v48, v47  }
0x3c5: {  	v45 =	vmul.f32 v45, v52;
	v46 =	vmul.f32 v46, v47;
	[tilespmem:s3+$0x70] =	vst v43  }
0x3c6: {  	v42 =	vmul.f32 v50, v42;
	v41 =	vmul.f32 v41, v50;
	[tilespmem:s3+$0x60] =	vst v49  }
0x3c7: {  	[tilespmem:s3+$0x20] =	vst v44  }
0x3c8: {  	[tilespmem:s3+$0x40] =	vst v48;
	v43 =	vld [tilespmem:s3+$0xC0]  }
0x3c9: {  	[tilespmem:s3+$0x30] =	vst v45;
	v44 =	vld [tilespmem:s3+$0x90]  }
0x3ca: {  	[tilespmem:s3+$0x10] =	vst v41;
	v45 =	vld [tilespmem:s3+$0xF0]  }
0x3cb: {  	v41 =	vld [tilespmem:s2+$0x10];
	[tilespmem:s3+$0x50] =	vst v46  }
0x3cc: {  	[tilespmem:s3+$0x0] =	vst v42;
	v46 =	vld [tilespmem:s3+$0x100]  }
0x3cd: {  	v47 =	vld [tilespmem:s4+$0x6900]  }
0x3ce: {  	v42 =	vld [tilespmem:s2+$0x0]  }
0x3cf: {  	v48 =	vld [tilespmem:s3+$0xA0]  }
0x3d0: {  	v49 =	vld [tilespmem:s3+$0xB0]  }
0x3d1: {  	v50 =	vld [tilespmem:s3+$0xD0]  }
0x3d2: {  	v51 =	vbroadcast v47, $0x0;
	v52 =	vbroadcast v47, $0x1;
	v53 =	vld [tilespmem:s3+$0xE0]  }
0x3d3: {  	v54 =	vbroadcast v47, $0x2;
	v47 =	vbroadcast v47, $0x3  }
0x3d4: {  	v44 =	vmul.f32 v51, v44;
	v48 =	vmul.f32 v48, v51  }
0x3d5: {  	v45 =	vmul.f32 v45, v47;
	v46 =	vmul.f32 v46, v47  }
0x3d6: {  	[tilespmem:s3+$0x90] =	vst v44;
	v44 =	vmul.f32 v49, v52;
	v47 =	vmul.f32 v50, v54  }
0x3d7: {  	v43 =	vmul.f32 v43, v52;
	v49 =	vmul.f32 v53, v54;
	[tilespmem:s3+$0xF0] =	vst v45  }
0x3d8: {  	[tilespmem:s3+$0x100] =	vst v46  }
0x3d9: {  	[tilespmem:s3+$0xC0] =	vst v43  }
0x3da: {  	[tilespmem:s3+$0xE0] =	vst v49  }
0x3db: {  	v43 =	vld [tilespmem:s2+$0xFFFFFF10];
	[tilespmem:s3+$0xB0] =	vst v44  }
0x3dc: {  	v44 =	vld [tilespmem:s2+$0xFFFFFF30];
	[tilespmem:s3+$0xA0] =	vst v48  }
0x3dd: {  	s4 =	sshra.s32 s6, $0x2;
	v45 =	vld [tilespmem:s2+$0xFFFFFF50];
	[tilespmem:s3+$0xD0] =	vst v47;
	s3 =	smov.u32 s2  }
0x3de: {  	v46 =	vld [tilespmem:s4+$0x68D0]  }
0x3df: {  	v47 =	vld [tilespmem:s2+$0xFFFFFF40]  }
0x3e0: {  	v48 =	vld [tilespmem:s2+$0xFFFFFEE0]  }
0x3e1: {  	v49 =	vld [tilespmem:s2+$0xFFFFFF00]  }
0x3e2: {  	v50 =	vld [tilespmem:s2+$0xFFFFFF20]  }
0x3e3: {  	v51 =	vbroadcast v46, $0x0;
	v52 =	vld [tilespmem:s2+$0xFFFFFEF0];
	v53 =	vbroadcast v46, $0x3  }
0x3e4: {  	v54 =	vbroadcast v46, $0x1;
	v46 =	vbroadcast v46, $0x2  }
0x3e5: {  	v48 =	vmul.f32 v51, v48;
	v47 =	vmul.f32 v47, v53  }
0x3e6: {  	v45 =	vmul.f32 v45, v53;
	v49 =	vmul.f32 v49, v54  }
0x3e7: {  	v44 =	vmul.f32 v44, v46;
	[tilespmem:s2+$0xFFFFFEE0] =	vst v48;
	v48 =	vmul.f32 v50, v46  }
0x3e8: {  	v43 =	vmul.f32 v43, v54;
	v46 =	vmul.f32 v52, v51;
	[tilespmem:s2+$0xFFFFFF40] =	vst v47  }
0x3e9: {  	[tilespmem:s2+$0xFFFFFF00] =	vst v49  }
0x3ea: {  	[tilespmem:s2+$0xFFFFFF50] =	vst v45  }
0x3eb: {  	[tilespmem:s2+$0xFFFFFEF0] =	vst v46  }
0x3ec: {  	[tilespmem:s2+$0xFFFFFF30] =	vst v44;
	v44 =	vld [tilespmem:s2+$0xFFFFFFD0]  }
0x3ed: {  	[tilespmem:s2+$0xFFFFFF10] =	vst v43;
	v43 =	vld [tilespmem:s2+$0xFFFFFFE0]  }
0x3ee: {  	[tilespmem:s2+$0xFFFFFF20] =	vst v48;
	v45 =	vld [tilespmem:s2+$0xFFFFFFB0]  }
0x3ef: {  	v46 =	vld [tilespmem:s4+$0x68E0]  }
0x3f0: {  	v47 =	vld [tilespmem:s2+$0xFFFFFF90]  }
0x3f1: {  	v48 =	vld [tilespmem:s2+$0xFFFFFF70]  }
0x3f2: {  	v49 =	vld [tilespmem:s2+$0xFFFFFF80]  }
0x3f3: {  	v50 =	vld [tilespmem:s2+$0xFFFFFFC0]  }
0x3f4: {  	v51 =	vbroadcast v46, $0x0;
	v52 =	vbroadcast v46, $0x1;
	v53 =	vld [tilespmem:s2+$0xFFFFFFA0]  }
0x3f5: {  	v54 =	vbroadcast v46, $0x2;
	v46 =	vbroadcast v46, $0x3  }
0x3f6: {  	v48 =	vmul.f32 v51, v48;
	v47 =	vmul.f32 v47, v52  }
0x3f7: {  	v45 =	vmul.f32 v45, v54;
	v49 =	vmul.f32 v49, v51  }
0x3f8: {  	v43 =	vmul.f32 v43, v46;
	[tilespmem:s2+$0xFFFFFF90] =	vst v47;
	v47 =	vmul.f32 v50, v54  }
0x3f9: {  	v44 =	vmul.f32 v44, v46;
	[tilespmem:s2+$0xFFFFFF80] =	vst v49;
	v49 =	vmul.f32 v53, v52  }
0x3fa: {  	[tilespmem:s2+$0xFFFFFFE0] =	vst v43  }
0x3fb: {  	[tilespmem:s2+$0xFFFFFFA0] =	vst v49  }
0x3fc: {  	[tilespmem:s2+$0xFFFFFFB0] =	vst v45  }
0x3fd: {  	[tilespmem:s2+$0xFFFFFF70] =	vst v48  }
0x3fe: {  	[tilespmem:s2+$0xFFFFFFD0] =	vst v44;
	v43 =	vld [tilespmem:s2+$0x70]  }
0x3ff: {  	[tilespmem:s2+$0xFFFFFFC0] =	vst v47;
	v44 =	vld [tilespmem:s2+$0x20]  }
.Ltmp2:
0x400: {  	v47 =	vld [tilespmem:s4+$0x68F0];
	(pc) =	sbr.rel @p0 .LBB2_7-.Ltmp2, $4  }
0x401: {  	v49 =	vld [tilespmem:s2+$0x60]  }
0x402: {  	v45 =	vld [tilespmem:s2+$0x30]  }
0x403: {  	v48 =	vld [tilespmem:s2+$0x40]  }
0x404: {  	v46 =	vld [tilespmem:s2+$0x50]  }
0x405: {  	v50 =	vbroadcast v47, $0x3;
	_ =	sdelay $0x1  }
0x406: {  	v51 =	vbroadcast v47, $0x1;
	v43 =	vmul.f32 v43, v50  }
0x407: {  	v49 =	vmul.f32 v49, v50  }
0x408: {  	v55 =	vbroadcast v47, $0x0;
	v44 =	vmul.f32 v44, v51;
	[tilespmem:s3+$0x70] =	vst v43  }
0x409: {  	v45 =	vmul.f32 v45, v51;
	[tilespmem:s3+$0x60] =	vst v49  }
0x40a: {  	v52 =	vbroadcast v47, $0x2;
	v41 =	vmul.f32 v41, v55;
	[tilespmem:s3+$0x20] =	vst v44  }
0x40b: {  	v42 =	vmul.f32 v55, v42;
	[tilespmem:s3+$0x30] =	vst v45  }
0x40c: {  	v56 =	vmul.f32 v48, v52;
	[tilespmem:s3+$0x10] =	vst v41  }
0x40d: {  	v57 =	vmul.f32 v46, v52;
	[tilespmem:s3+$0x0] =	vst v42  }
0x40e: {  	[tilespmem:s3+$0x40] =	vst v56  }
0x40f: {  	[tilespmem:s3+$0x50] =	vst v57  }
0x410: {  	v41 =	vld [tilespmem:s4+$0x6900];
	_ =	sdelay $0x1  }
0x411: {  	v58 =	vld [tilespmem:s3+$0x90]  }
0x412: {  	v59 =	vld [tilespmem:s3+$0xF0]  }
0x413: {  	v60 =	vld [tilespmem:s3+$0x100]  }
0x414: {  	v57 =	vld [tilespmem:s3+$0xA0];
	v46 =	vbroadcast v41, $0x0  }
0x415: {  	v61 =	vld [tilespmem:s3+$0xC0];
	v63 =	vbroadcast v41, $0x3  }
0x416: {  	v62 =	vld [tilespmem:s3+$0xE0];
	v42 =	vmul.f32 v46, v58  }
0x417: {  	v56 =	vld [tilespmem:s3+$0xB0];
	v43 =	vmul.f32 v59, v63  }
0x418: {  	v58 =	vbroadcast v41, $0x1;
	v59 =	vld [tilespmem:s3+$0xD0];
	v44 =	vmul.f32 v60, v63;
	[tilespmem:s3+$0x90] =	vst v42  }
0x419: {  	v41 =	vbroadcast v41, $0x2;
	v63 =	vmul.f32 v57, v46;
	[tilespmem:s3+$0xF0] =	vst v43  }
0x41a: {  	v60 =	vmul.f32 v61, v58;
	[tilespmem:s3+$0x100] =	vst v44  }
0x41b: {  	v61 =	vmul.f32 v62, v41;
	[tilespmem:s3+$0xA0] =	vst v63  }
0x41c: {  	v62 =	vmul.f32 v56, v58;
	[tilespmem:s3+$0xC0] =	vst v60  }
0x41d: {  	[tilespmem:s3+$0xE0] =	vst v61;
	v41 =	vmul.f32 v59, v41  }
0x41e: {  	[tilespmem:s3+$0xB0] =	vst v62  }
0x41f: {  	[tilespmem:s3+$0xD0] =	vst v41  }
0x420: {  	[spmem:s16] =	stream.indirect.scatter.add.f32 [tilespmem:s24], [sflag:$0x3], $0x90, s25, s8, $0xb8;
	[tilespmem:$0x1FF40] =	vst v63  }
0x421: {  	_ = 	snop  }
0x422: {  	[spmem:s19] =	stream.indirect.scatter.add.f32 [tilespmem:s31], [sflag:$0x3], $0x10, s25, s8, $0xb8;
	[tilespmem:$0x1FF40] =	vst v63  }
0x423: {  	p0 =	seq.s32 s0, $0x3D;
	_ =	swait.ge [sflag:s29], $0x2D00  }
.Ltmp3:
0x424: {  	[sflag:s29] =	ssyncset.done $0x0;
	(pc) =	sbr.rel @p0 .LBB2_10-.Ltmp3, $4  }
0x425: {  	[sflag:s29] =	ssyncadd.s32 $0xFFFFD300  }
0x426: {  	_ =	swait.ge [sflag:s29], $0x500  }
0x427: {  	[sflag:s29] =	ssyncset.done $0x0  }
0x428: {  	[sflag:s29] =	ssyncadd.s32 $0xFFFFFB00  }
0x429: {  	s1 =	sadd.s32 s1, s12  }
0x42a: {  	s1 =	smul.u32 $0x14, s1;
	_ =	sdelay $0x1  }
0x42b: {  	s1 =	sadd.s32 s14, s1  }
0x42c: {  	[tilespmem:s21], [sflag:$0x4] =	stream.linear.gather [hbm4b:s1+s9], $0xA0, $0x38;
	[tilespmem:$0x1FF40] =	vst v63  }
0x42d: {  	_ =	swait.ge [sflag:s15], $0xA0  }
.Ltmp4:
0x42e: {  	[sflag:s15] =	ssyncset.done $0x0;
	(pc) =	sbr.rel .LBB2_4-.Ltmp4, $4  }
0x42f: {  	[sflag:s15] =	ssyncadd.s32 $0xFFFFFF60  }
0x430: {  	[tilespmem:s24], [sflag:$0x2] =	stream.indirect.gather [hbm4b:s22+s8], $0x90, s21, s8, $0xb8;
	[tilespmem:$0x1FF40] =	vst v63  }
0x431: {  	s0 =	sadd.s32 $0x1, s0  }
0x432: {  	[tilespmem:s26], [sflag:$0x2] =	stream.indirect.gather [hbm4b:s23+s8], $0x10, s25, s8, $0xb8;
	[tilespmem:$0x1FF40] =	vst v63  }
.LBB2_10:
0x433: {  	_ =	swait.ge [sflag:s28], $0x2D00  }
0x434: {  	[sflag:s28] =	ssyncset.done $0x0  }
0x435: {  	[sflag:s28] =	ssyncadd.s32 $0xFFFFD300  }
0x436: {  	_ =	swait.ge [sflag:s28], $0x500  }
0x437: {  	[sflag:s28] =	ssyncset.done $0x0  }
0x438: {  	[sflag:s28] =	ssyncadd.s32 $0xFFFFFB00  }
0x439: {  	v41 =	vld.idx.msk [tilespmem:v1+s9+$0x0], $0xffff  }
0x43a: {  	v42 =	vld.idx.msk [tilespmem:v2+s13+$0x0], $0xffff;
	_ =	sdelay $0x4  }
0x43b: {  	v41 =	vadd.f32 v42, v41;
	_ =	sdelay $0x1  }
0x43c: {  	v42 =	vmin.f32 v41, $0.0e+00  }
0x43d: {  	v42 =	vmul.f32 $2.000000030e-01, v42  }
0x43e: {  	v41 =	vmax.f32 v41, $0.0e+00  }
0x43f: {  	v41 =	vadd.f32 v42, v41;
	_ =	sdelay $0x1  }
0x440: {  	v41 =	vmul.f32 $1.442695020e+00, v41;
	_ =	sdelay $0x1  }
0x441: {  	(erf) = vpow2.f32 v41;
	_ =	sdelay $0x8  }
0x442: {  	v41 =	vpop (erf)  }
0x443: {  	[tilespmem:v2+s17+$0x0] =	vst.idx.msk $0xffff, v41  }
0x444: {  	v41 =	vld.idx.msk [tilespmem:v3+s9+$0x0], $0xffff  }
0x445: {  	v62 =	vld.idx.msk [tilespmem:v4+s13+$0x0], $0xffff;
	_ =	sdelay $0x4  }
0x446: {  	v41 =	vadd.f32 v62, v41;
	_ =	sdelay $0x1  }
0x447: {  	v42 =	vmin.f32 v41, $0.0e+00  }
0x448: {  	v42 =	vmul.f32 $2.000000030e-01, v42  }
0x449: {  	v41 =	vmax.f32 v41, $0.0e+00  }
0x44a: {  	v41 =	vadd.f32 v42, v41;
	_ =	sdelay $0x1  }
0x44b: {  	v41 =	vmul.f32 $1.442695020e+00, v41;
	_ =	sdelay $0x1  }
0x44c: {  	(erf) = vpow2.f32 v41;
	_ =	sdelay $0x8  }
0x44d: {  	v41 =	vpop (erf)  }
0x44e: {  	[tilespmem:v4+s17+$0x0] =	vst.idx.msk $0xffff, v41  }
0x44f: {  	v41 =	vld.idx.msk [tilespmem:v5+s9+$0x0], $0xffff  }
0x450: {  	v63 =	vld.idx.msk [tilespmem:v6+s13+$0x0], $0xffff;
	_ =	sdelay $0x4  }
0x451: {  	v41 =	vadd.f32 v63, v41;
	_ =	sdelay $0x1  }
0x452: {  	v42 =	vmin.f32 v41, $0.0e+00  }
0x453: {  	v42 =	vmul.f32 $2.000000030e-01, v42  }
0x454: {  	v41 =	vmax.f32 v41, $0.0e+00  }
0x455: {  	v41 =	vadd.f32 v42, v41;
	_ =	sdelay $0x1  }
0x456: {  	v41 =	vmul.f32 $1.442695020e+00, v41;
	_ =	sdelay $0x1  }
0x457: {  	(erf) = vpow2.f32 v41;
	_ =	sdelay $0x8  }
0x458: {  	v41 =	vpop (erf)  }
0x459: {  	[tilespmem:v6+s17+$0x0] =	vst.idx.msk $0xffff, v41  }
0x45a: {  	v41 =	vld.idx.msk [tilespmem:v7+s9+$0x0], $0xffff  }
0x45b: {  	v45 =	vld.idx.msk [tilespmem:v8+s13+$0x0], $0xffff;
	_ =	sdelay $0x4  }
0x45c: {  	v41 =	vadd.f32 v45, v41;
	_ =	sdelay $0x1  }
0x45d: {  	v42 =	vmin.f32 v41, $0.0e+00  }
0x45e: {  	v42 =	vmul.f32 $2.000000030e-01, v42  }
0x45f: {  	v41 =	vmax.f32 v41, $0.0e+00  }
0x460: {  	v41 =	vadd.f32 v42, v41;
	_ =	sdelay $0x1  }
0x461: {  	v41 =	vmul.f32 $1.442695020e+00, v41;
	_ =	sdelay $0x1  }
0x462: {  	(erf) = vpow2.f32 v41;
	_ =	sdelay $0x8  }
0x463: {  	v41 =	vpop (erf)  }
0x464: {  	[tilespmem:v8+s17+$0x0] =	vst.idx.msk $0xffff, v41  }
0x465: {  	v41 =	vld.idx.msk [tilespmem:v9+s9+$0x0], $0xffff  }
0x466: {  	v46 =	vld.idx.msk [tilespmem:v10+s13+$0x0], $0xffff;
	_ =	sdelay $0x4  }
0x467: {  	v41 =	vadd.f32 v46, v41;
	_ =	sdelay $0x1  }
0x468: {  	v42 =	vmin.f32 v41, $0.0e+00  }
0x469: {  	v42 =	vmul.f32 $2.000000030e-01, v42  }
0x46a: {  	v41 =	vmax.f32 v41, $0.0e+00  }
0x46b: {  	v41 =	vadd.f32 v42, v41;
	_ =	sdelay $0x1  }
0x46c: {  	v41 =	vmul.f32 $1.442695020e+00, v41;
	_ =	sdelay $0x1  }
0x46d: {  	(erf) = vpow2.f32 v41;
	_ =	sdelay $0x8  }
0x46e: {  	v41 =	vpop (erf)  }
0x46f: {  	[tilespmem:v10+s17+$0x0] =	vst.idx.msk $0xffff, v41  }
0x470: {  	v41 =	vld.idx.msk [tilespmem:v11+s9+$0x0], $0xffff  }
0x471: {  	v47 =	vld.idx.msk [tilespmem:v12+s13+$0x0], $0xffff;
	_ =	sdelay $0x4  }
0x472: {  	v41 =	vadd.f32 v47, v41;
	_ =	sdelay $0x1  }
0x473: {  	v42 =	vmin.f32 v41, $0.0e+00  }
0x474: {  	v42 =	vmul.f32 $2.000000030e-01, v42  }
0x475: {  	v41 =	vmax.f32 v41, $0.0e+00  }
0x476: {  	v41 =	vadd.f32 v42, v41;
	_ =	sdelay $0x1  }
0x477: {  	v41 =	vmul.f32 $1.442695020e+00, v41;
	_ =	sdelay $0x1  }
0x478: {  	(erf) = vpow2.f32 v41;
	_ =	sdelay $0x8  }
0x479: {  	v41 =	vpop (erf)  }
0x47a: {  	[tilespmem:v12+s17+$0x0] =	vst.idx.msk $0xffff, v41  }
0x47b: {  	v41 =	vld.idx.msk [tilespmem:v13+s9+$0x0], $0xffff  }
0x47c: {  	v48 =	vld.idx.msk [tilespmem:v14+s13+$0x0], $0xffff;
	_ =	sdelay $0x4  }
0x47d: {  	v41 =	vadd.f32 v48, v41;
	_ =	sdelay $0x1  }
0x47e: {  	v42 =	vmin.f32 v41, $0.0e+00  }
0x47f: {  	v42 =	vmul.f32 $2.000000030e-01, v42  }
0x480: {  	v41 =	vmax.f32 v41, $0.0e+00  }
0x481: {  	v41 =	vadd.f32 v42, v41;
	_ =	sdelay $0x1  }
0x482: {  	v41 =	vmul.f32 $1.442695020e+00, v41;
	_ =	sdelay $0x1  }
0x483: {  	(erf) = vpow2.f32 v41;
	_ =	sdelay $0x8  }
0x484: {  	v41 =	vpop (erf)  }
0x485: {  	[tilespmem:v14+s17+$0x0] =	vst.idx.msk $0xffff, v41  }
0x486: {  	v41 =	vld.idx.msk [tilespmem:v15+s9+$0x0], $0xffff  }
0x487: {  	v49 =	vld.idx.msk [tilespmem:v16+s13+$0x0], $0xffff;
	_ =	sdelay $0x4  }
0x488: {  	v41 =	vadd.f32 v49, v41;
	_ =	sdelay $0x1  }
0x489: {  	v42 =	vmin.f32 v41, $0.0e+00  }
0x48a: {  	v42 =	vmul.f32 $2.000000030e-01, v42  }
0x48b: {  	v41 =	vmax.f32 v41, $0.0e+00  }
0x48c: {  	v41 =	vadd.f32 v42, v41;
	_ =	sdelay $0x1  }
0x48d: {  	v41 =	vmul.f32 $1.442695020e+00, v41;
	_ =	sdelay $0x1  }
0x48e: {  	(erf) = vpow2.f32 v41;
	_ =	sdelay $0x8  }
0x48f: {  	v41 =	vpop (erf)  }
0x490: {  	[tilespmem:v16+s17+$0x0] =	vst.idx.msk $0xffff, v41  }
0x491: {  	v41 =	vld.idx.msk [tilespmem:v17+s9+$0x0], $0xffff  }
0x492: {  	v50 =	vld.idx.msk [tilespmem:v18+s13+$0x0], $0xffff;
	_ =	sdelay $0x4  }
0x493: {  	v41 =	vadd.f32 v50, v41;
	_ =	sdelay $0x1  }
0x494: {  	v42 =	vmin.f32 v41, $0.0e+00  }
0x495: {  	v42 =	vmul.f32 $2.000000030e-01, v42  }
0x496: {  	v41 =	vmax.f32 v41, $0.0e+00  }
0x497: {  	v41 =	vadd.f32 v42, v41;
	_ =	sdelay $0x1  }
0x498: {  	v41 =	vmul.f32 $1.442695020e+00, v41;
	_ =	sdelay $0x1  }
0x499: {  	(erf) = vpow2.f32 v41;
	_ =	sdelay $0x8  }
0x49a: {  	v41 =	vpop (erf)  }
0x49b: {  	[tilespmem:v18+s17+$0x0] =	vst.idx.msk $0xffff, v41  }
0x49c: {  	v41 =	vld.idx.msk [tilespmem:v19+s9+$0x0], $0xffff  }
0x49d: {  	v51 =	vld.idx.msk [tilespmem:v20+s13+$0x0], $0xffff;
	_ =	sdelay $0x4  }
0x49e: {  	v41 =	vadd.f32 v51, v41;
	_ =	sdelay $0x1  }
0x49f: {  	v42 =	vmin.f32 v41, $0.0e+00  }
0x4a0: {  	v42 =	vmul.f32 $2.000000030e-01, v42  }
0x4a1: {  	v41 =	vmax.f32 v41, $0.0e+00  }
0x4a2: {  	v41 =	vadd.f32 v42, v41;
	_ =	sdelay $0x1  }
0x4a3: {  	v41 =	vmul.f32 $1.442695020e+00, v41;
	_ =	sdelay $0x1  }
0x4a4: {  	(erf) = vpow2.f32 v41;
	_ =	sdelay $0x8  }
0x4a5: {  	v41 =	vpop (erf)  }
0x4a6: {  	[tilespmem:v20+s17+$0x0] =	vst.idx.msk $0xffff, v41  }
0x4a7: {  	v41 =	vld.idx.msk [tilespmem:v21+s9+$0x0], $0xffff  }
0x4a8: {  	v52 =	vld.idx.msk [tilespmem:v22+s13+$0x0], $0xffff;
	_ =	sdelay $0x4  }
0x4a9: {  	v41 =	vadd.f32 v52, v41;
	_ =	sdelay $0x1  }
0x4aa: {  	v42 =	vmin.f32 v41, $0.0e+00  }
0x4ab: {  	v42 =	vmul.f32 $2.000000030e-01, v42  }
0x4ac: {  	v41 =	vmax.f32 v41, $0.0e+00  }
0x4ad: {  	v41 =	vadd.f32 v42, v41;
	_ =	sdelay $0x1  }
0x4ae: {  	v41 =	vmul.f32 $1.442695020e+00, v41;
	_ =	sdelay $0x1  }
0x4af: {  	(erf) = vpow2.f32 v41;
	_ =	sdelay $0x8  }
0x4b0: {  	v41 =	vpop (erf)  }
0x4b1: {  	[tilespmem:v22+s17+$0x0] =	vst.idx.msk $0xffff, v41  }
0x4b2: {  	v41 =	vld.idx.msk [tilespmem:v23+s9+$0x0], $0xffff  }
0x4b3: {  	v53 =	vld.idx.msk [tilespmem:v24+s13+$0x0], $0xffff;
	_ =	sdelay $0x4  }
0x4b4: {  	v41 =	vadd.f32 v53, v41;
	_ =	sdelay $0x1  }
0x4b5: {  	v42 =	vmin.f32 v41, $0.0e+00  }
0x4b6: {  	v42 =	vmul.f32 $2.000000030e-01, v42  }
0x4b7: {  	v41 =	vmax.f32 v41, $0.0e+00  }
0x4b8: {  	v41 =	vadd.f32 v42, v41;
	_ =	sdelay $0x1  }
0x4b9: {  	v41 =	vmul.f32 $1.442695020e+00, v41;
	_ =	sdelay $0x1  }
0x4ba: {  	(erf) = vpow2.f32 v41;
	_ =	sdelay $0x8  }
0x4bb: {  	v41 =	vpop (erf)  }
0x4bc: {  	[tilespmem:v24+s17+$0x0] =	vst.idx.msk $0xffff, v41  }
0x4bd: {  	v41 =	vld.idx.msk [tilespmem:v25+s9+$0x0], $0xffff  }
0x4be: {  	v54 =	vld.idx.msk [tilespmem:v26+s13+$0x0], $0xffff;
	_ =	sdelay $0x4  }
0x4bf: {  	v41 =	vadd.f32 v54, v41;
	_ =	sdelay $0x1  }
0x4c0: {  	v42 =	vmin.f32 v41, $0.0e+00  }
0x4c1: {  	v42 =	vmul.f32 $2.000000030e-01, v42  }
0x4c2: {  	v41 =	vmax.f32 v41, $0.0e+00  }
0x4c3: {  	v41 =	vadd.f32 v42, v41;
	_ =	sdelay $0x1  }
0x4c4: {  	v41 =	vmul.f32 $1.442695020e+00, v41;
	_ =	sdelay $0x1  }
0x4c5: {  	(erf) = vpow2.f32 v41;
	_ =	sdelay $0x8  }
0x4c6: {  	v41 =	vpop (erf)  }
0x4c7: {  	[tilespmem:v26+s17+$0x0] =	vst.idx.msk $0xffff, v41  }
0x4c8: {  	v41 =	vld.idx.msk [tilespmem:v27+s9+$0x0], $0xffff  }
0x4c9: {  	v55 =	vld.idx.msk [tilespmem:v28+s13+$0x0], $0xffff;
	_ =	sdelay $0x4  }
0x4ca: {  	v41 =	vadd.f32 v55, v41;
	_ =	sdelay $0x1  }
0x4cb: {  	v42 =	vmin.f32 v41, $0.0e+00  }
0x4cc: {  	v42 =	vmul.f32 $2.000000030e-01, v42  }
0x4cd: {  	v41 =	vmax.f32 v41, $0.0e+00  }
0x4ce: {  	v41 =	vadd.f32 v42, v41;
	_ =	sdelay $0x1  }
0x4cf: {  	v41 =	vmul.f32 $1.442695020e+00, v41;
	_ =	sdelay $0x1  }
0x4d0: {  	(erf) = vpow2.f32 v41;
	_ =	sdelay $0x8  }
0x4d1: {  	v41 =	vpop (erf)  }
0x4d2: {  	[tilespmem:v28+s17+$0x0] =	vst.idx.msk $0xffff, v41  }
0x4d3: {  	v41 =	vld.idx.msk [tilespmem:v29+s9+$0x0], $0xffff  }
0x4d4: {  	v56 =	vld.idx.msk [tilespmem:v30+s13+$0x0], $0xffff;
	_ =	sdelay $0x4  }
0x4d5: {  	v41 =	vadd.f32 v56, v41;
	_ =	sdelay $0x1  }
0x4d6: {  	v42 =	vmin.f32 v41, $0.0e+00  }
0x4d7: {  	v42 =	vmul.f32 $2.000000030e-01, v42  }
0x4d8: {  	v41 =	vmax.f32 v41, $0.0e+00  }
0x4d9: {  	v41 =	vadd.f32 v42, v41;
	_ =	sdelay $0x1  }
0x4da: {  	v41 =	vmul.f32 $1.442695020e+00, v41;
	_ =	sdelay $0x1  }
0x4db: {  	(erf) = vpow2.f32 v41;
	_ =	sdelay $0x8  }
0x4dc: {  	v41 =	vpop (erf)  }
0x4dd: {  	[tilespmem:v30+s17+$0x0] =	vst.idx.msk $0xffff, v41  }
0x4de: {  	v41 =	vld.idx.msk [tilespmem:v31+s9+$0x0], $0xffff  }
0x4df: {  	v57 =	vld.idx.msk [tilespmem:v32+s13+$0x0], $0xffff;
	_ =	sdelay $0x4  }
0x4e0: {  	v41 =	vadd.f32 v57, v41;
	_ =	sdelay $0x1  }
0x4e1: {  	v42 =	vmin.f32 v41, $0.0e+00  }
0x4e2: {  	v42 =	vmul.f32 $2.000000030e-01, v42  }
0x4e3: {  	v41 =	vmax.f32 v41, $0.0e+00  }
0x4e4: {  	v41 =	vadd.f32 v42, v41;
	_ =	sdelay $0x1  }
0x4e5: {  	v41 =	vmul.f32 $1.442695020e+00, v41;
	_ =	sdelay $0x1  }
0x4e6: {  	(erf) = vpow2.f32 v41;
	_ =	sdelay $0x8  }
0x4e7: {  	v41 =	vpop (erf)  }
0x4e8: {  	[tilespmem:v32+s17+$0x0] =	vst.idx.msk $0xffff, v41  }
0x4e9: {  	v41 =	vld.idx.msk [tilespmem:v33+s9+$0x0], $0xffff  }
0x4ea: {  	v58 =	vld.idx.msk [tilespmem:v34+s13+$0x0], $0xffff;
	_ =	sdelay $0x4  }
0x4eb: {  	v41 =	vadd.f32 v58, v41;
	_ =	sdelay $0x1  }
0x4ec: {  	v42 =	vmin.f32 v41, $0.0e+00  }
0x4ed: {  	v42 =	vmul.f32 $2.000000030e-01, v42  }
0x4ee: {  	v41 =	vmax.f32 v41, $0.0e+00  }
0x4ef: {  	v41 =	vadd.f32 v42, v41;
	_ =	sdelay $0x1  }
0x4f0: {  	v41 =	vmul.f32 $1.442695020e+00, v41;
	_ =	sdelay $0x1  }
0x4f1: {  	(erf) = vpow2.f32 v41;
	_ =	sdelay $0x8  }
0x4f2: {  	v41 =	vpop (erf)  }
0x4f3: {  	[tilespmem:v34+s17+$0x0] =	vst.idx.msk $0xffff, v41  }
0x4f4: {  	v41 =	vld.idx.msk [tilespmem:v35+s9+$0x0], $0xffff  }
0x4f5: {  	v59 =	vld.idx.msk [tilespmem:v36+s13+$0x0], $0xffff;
	_ =	sdelay $0x4  }
0x4f6: {  	v41 =	vadd.f32 v59, v41;
	_ =	sdelay $0x1  }
0x4f7: {  	v42 =	vmin.f32 v41, $0.0e+00  }
0x4f8: {  	v42 =	vmul.f32 $2.000000030e-01, v42  }
0x4f9: {  	v41 =	vmax.f32 v41, $0.0e+00  }
0x4fa: {  	v41 =	vadd.f32 v42, v41;
	_ =	sdelay $0x1  }
0x4fb: {  	v41 =	vmul.f32 $1.442695020e+00, v41;
	_ =	sdelay $0x1  }
0x4fc: {  	(erf) = vpow2.f32 v41;
	_ =	sdelay $0x8  }
0x4fd: {  	v41 =	vpop (erf)  }
0x4fe: {  	[tilespmem:v36+s17+$0x0] =	vst.idx.msk $0xffff, v41  }
0x4ff: {  	v41 =	vld.idx.msk [tilespmem:v37+s9+$0x0], $0xffff  }
0x500: {  	v60 =	vld.idx.msk [tilespmem:v38+s13+$0x0], $0xffff;
	_ =	sdelay $0x4  }
0x501: {  	v41 =	vadd.f32 v60, v41;
	_ =	sdelay $0x1  }
0x502: {  	v42 =	vmin.f32 v41, $0.0e+00  }
0x503: {  	v42 =	vmul.f32 $2.000000030e-01, v42  }
0x504: {  	v41 =	vmax.f32 v41, $0.0e+00  }
0x505: {  	v41 =	vadd.f32 v42, v41;
	_ =	sdelay $0x1  }
0x506: {  	v41 =	vmul.f32 $1.442695020e+00, v41;
	_ =	sdelay $0x1  }
0x507: {  	(erf) = vpow2.f32 v41;
	_ =	sdelay $0x8  }
0x508: {  	v41 =	vpop (erf)  }
0x509: {  	[tilespmem:v38+s17+$0x0] =	vst.idx.msk $0xffff, v41  }
0x50a: {  	v41 =	vld.idx.msk [tilespmem:v39+s9+$0x0], $0xffff  }
0x50b: {  	v61 =	vld.idx.msk [tilespmem:v40+s13+$0x0], $0xffff;
	_ =	sdelay $0x4  }
0x50c: {  	v41 =	vadd.f32 v61, v41;
	_ =	sdelay $0x1  }
0x50d: {  	v42 =	vmin.f32 v41, $0.0e+00  }
0x50e: {  	v42 =	vmul.f32 $2.000000030e-01, v42  }
0x50f: {  	v41 =	vmax.f32 v41, $0.0e+00  }
0x510: {  	v41 =	vadd.f32 v42, v41;
	_ =	sdelay $0x1  }
0x511: {  	v41 =	vmul.f32 $1.442695020e+00, v41;
	_ =	sdelay $0x1  }
0x512: {  	(erf) = vpow2.f32 v41;
	_ =	sdelay $0x8  }
0x513: {  	v41 =	vpop (erf)  }
0x514: {  	s2 =	simm.s32 $0x30;
	[tilespmem:v40+s17+$0x0] =	vst.idx.msk $0xffff, v41  }
0x515: {  	v41 =	vld [tilespmem:s2+$0x63D0]  }
0x516: {  	s0 =	simm.s32 $0x120  }
0x517: {  	v62 =	vld [tilespmem:s0+$0xFFFFFEE0]  }
0x518: {  	v43 =	vld [tilespmem:s0+$0xFFFFFF40]  }
0x519: {  	v44 =	vld [tilespmem:s0+$0xFFFFFF00]  }
0x51a: {  	v45 =	vld [tilespmem:s0+$0xFFFFFF50];
	v46 =	vbroadcast v41, $0x0  }
0x51b: {  	v47 =	vld [tilespmem:s0+$0xFFFFFEF0];
	v48 =	vbroadcast v41, $0x3  }
0x51c: {  	v49 =	vld [tilespmem:s0+$0xFFFFFF30];
	v50 =	vbroadcast v41, $0x1;
	v42 =	vmul.f32 v46, v62  }
0x51d: {  	v51 =	vld [tilespmem:s0+$0xFFFFFF10];
	v43 =	vmul.f32 v43, v48  }
0x51e: {  	v52 =	vld [tilespmem:s0+$0xFFFFFF20];
	v44 =	vmul.f32 v44, v50;
	[tilespmem:s0+$0xFFFFFEE0] =	vst v42  }
0x51f: {  	v41 =	vbroadcast v41, $0x2;
	v63 =	vmul.f32 v45, v48;
	[tilespmem:s0+$0xFFFFFF40] =	vst v43  }
0x520: {  	v48 =	vmul.f32 v47, v46;
	[tilespmem:s0+$0xFFFFFF00] =	vst v44  }
0x521: {  	v53 =	vmul.f32 v49, v41;
	[tilespmem:s0+$0xFFFFFF50] =	vst v63  }
0x522: {  	v54 =	vmul.f32 v51, v50;
	[tilespmem:s0+$0xFFFFFEF0] =	vst v48  }
0x523: {  	v41 =	vmul.f32 v52, v41;
	[tilespmem:s0+$0xFFFFFF30] =	vst v53  }
0x524: {  	[tilespmem:s0+$0xFFFFFF10] =	vst v54  }
0x525: {  	[tilespmem:s0+$0xFFFFFF20] =	vst v41  }
0x526: {  	v42 =	vld [tilespmem:s2+$0x63E0];
	_ =	sdelay $0x1  }
0x527: {  	v55 =	vld [tilespmem:s0+$0xFFFFFF90]  }
0x528: {  	v56 =	vld [tilespmem:s0+$0xFFFFFF80]  }
0x529: {  	v45 =	vld [tilespmem:s0+$0xFFFFFFE0]  }
0x52a: {  	v61 =	vld [tilespmem:s0+$0xFFFFFFA0];
	v60 =	vbroadcast v42, $0x1  }
0x52b: {  	v62 =	vld [tilespmem:s0+$0xFFFFFFB0];
	v63 =	vbroadcast v42, $0x0  }
0x52c: {  	v57 =	vld [tilespmem:s0+$0xFFFFFF70];
	v58 =	vbroadcast v42, $0x3;
	v59 =	vmul.f32 v55, v60  }
0x52d: {  	v43 =	vld [tilespmem:s0+$0xFFFFFFD0];
	v44 =	vmul.f32 v56, v63  }
0x52e: {  	v53 =	vld [tilespmem:s0+$0xFFFFFFC0];
	v54 =	vbroadcast v42, $0x2;
	v45 =	vmul.f32 v45, v58;
	[tilespmem:s0+$0xFFFFFF90] =	vst v59  }
0x52f: {  	v60 =	vmul.f32 v61, v60;
	[tilespmem:s0+$0xFFFFFF80] =	vst v44  }
0x530: {  	v61 =	vmul.f32 v62, v54;
	[tilespmem:s0+$0xFFFFFFE0] =	vst v45  }
0x531: {  	v49 =	vld [tilespmem:s0+$0x60];
	v62 =	vmul.f32 v63, v57;
	[tilespmem:s0+$0xFFFFFFA0] =	vst v60  }
0x532: {  	v46 =	vld [tilespmem:s0+$0x50];
	v43 =	vmul.f32 v43, v58;
	[tilespmem:s0+$0xFFFFFFB0] =	vst v61  }
0x533: {  	v41 =	vld [tilespmem:s0+$0x10];
	v63 =	vmul.f32 v53, v54;
	[tilespmem:s0+$0xFFFFFF70] =	vst v62  }
0x534: {  	v48 =	vld [tilespmem:s0+$0x40];
	[tilespmem:s0+$0xFFFFFFD0] =	vst v43  }
0x535: {  	v42 =	vld [tilespmem:s0+$0x0];
	[tilespmem:s0+$0xFFFFFFC0] =	vst v63  }
0x536: {  	v47 =	vld [tilespmem:s2+$0x63F0]  }
0x537: {  	v43 =	vld [tilespmem:s0+$0x70]  }
0x538: {  	v44 =	vld [tilespmem:s0+$0x20]  }
0x539: {  	s3 =	simm.s32 $0x1C0;
	s1 =	simm.s32 $0x120;
	v45 =	vld [tilespmem:s0+$0x30]  }
.LBB2_11:
0x53a: {  	p0 =	sne.s32 s3, $0x13C0  }
0x53b: {  	v50 =	vbroadcast v47, $0x0;
	v51 =	vbroadcast v47, $0x3;
	s0 =	sadd.s32 $0x240, s0;
	s4 =	smov.u32 s3;
	s3 =	sadd.s32 $0x100, s3  }
0x53c: {  	v52 =	vbroadcast v47, $0x1;
	v47 =	vbroadcast v47, $0x2  }
0x53d: {  	v49 =	vmul.f32 v49, v51;
	v43 =	vmul.f32 v43, v51  }
0x53e: {  	v44 =	vmul.f32 v44, v52;
	v48 =	vmul.f32 v48, v47  }
0x53f: {  	v45 =	vmul.f32 v45, v52;
	v46 =	vmul.f32 v46, v47;
	[tilespmem:s1+$0x70] =	vst v43  }
0x540: {  	v42 =	vmul.f32 v50, v42;
	v41 =	vmul.f32 v41, v50;
	[tilespmem:s1+$0x60] =	vst v49  }
0x541: {  	[tilespmem:s1+$0x20] =	vst v44  }
0x542: {  	[tilespmem:s1+$0x40] =	vst v48;
	v43 =	vld [tilespmem:s1+$0xC0]  }
0x543: {  	[tilespmem:s1+$0x30] =	vst v45;
	v44 =	vld [tilespmem:s1+$0x90]  }
0x544: {  	[tilespmem:s1+$0x10] =	vst v41;
	v45 =	vld [tilespmem:s1+$0xF0]  }
0x545: {  	v41 =	vld [tilespmem:s0+$0x10];
	[tilespmem:s1+$0x50] =	vst v46  }
0x546: {  	[tilespmem:s1+$0x0] =	vst v42;
	v46 =	vld [tilespmem:s1+$0x100]  }
0x547: {  	v47 =	vld [tilespmem:s2+$0x6400]  }
0x548: {  	v42 =	vld [tilespmem:s0+$0x0]  }
0x549: {  	v48 =	vld [tilespmem:s1+$0xA0]  }
0x54a: {  	v49 =	vld [tilespmem:s1+$0xB0]  }
0x54b: {  	v50 =	vld [tilespmem:s1+$0xD0]  }
0x54c: {  	v51 =	vbroadcast v47, $0x0;
	v52 =	vbroadcast v47, $0x1;
	v53 =	vld [tilespmem:s1+$0xE0]  }
0x54d: {  	v54 =	vbroadcast v47, $0x2;
	v47 =	vbroadcast v47, $0x3  }
0x54e: {  	v44 =	vmul.f32 v51, v44;
	v48 =	vmul.f32 v48, v51  }
0x54f: {  	v45 =	vmul.f32 v45, v47;
	v46 =	vmul.f32 v46, v47  }
0x550: {  	[tilespmem:s1+$0x90] =	vst v44;
	v44 =	vmul.f32 v49, v52;
	v47 =	vmul.f32 v50, v54  }
0x551: {  	v43 =	vmul.f32 v43, v52;
	v49 =	vmul.f32 v53, v54;
	[tilespmem:s1+$0xF0] =	vst v45  }
0x552: {  	[tilespmem:s1+$0x100] =	vst v46  }
0x553: {  	[tilespmem:s1+$0xC0] =	vst v43  }
0x554: {  	[tilespmem:s1+$0xE0] =	vst v49  }
0x555: {  	v43 =	vld [tilespmem:s0+$0xFFFFFF10];
	[tilespmem:s1+$0xB0] =	vst v44  }
0x556: {  	v44 =	vld [tilespmem:s0+$0xFFFFFF30];
	[tilespmem:s1+$0xA0] =	vst v48  }
0x557: {  	s2 =	sshra.s32 s4, $0x2;
	v45 =	vld [tilespmem:s0+$0xFFFFFF50];
	[tilespmem:s1+$0xD0] =	vst v47;
	s1 =	smov.u32 s0  }
0x558: {  	v46 =	vld [tilespmem:s2+$0x63D0]  }
0x559: {  	v47 =	vld [tilespmem:s0+$0xFFFFFF40]  }
0x55a: {  	v48 =	vld [tilespmem:s0+$0xFFFFFEE0]  }
0x55b: {  	v49 =	vld [tilespmem:s0+$0xFFFFFF00]  }
0x55c: {  	v50 =	vld [tilespmem:s0+$0xFFFFFF20]  }
0x55d: {  	v51 =	vbroadcast v46, $0x0;
	v52 =	vld [tilespmem:s0+$0xFFFFFEF0];
	v53 =	vbroadcast v46, $0x3  }
0x55e: {  	v54 =	vbroadcast v46, $0x1;
	v46 =	vbroadcast v46, $0x2  }
0x55f: {  	v48 =	vmul.f32 v51, v48;
	v47 =	vmul.f32 v47, v53  }
0x560: {  	v45 =	vmul.f32 v45, v53;
	v49 =	vmul.f32 v49, v54  }
0x561: {  	v44 =	vmul.f32 v44, v46;
	[tilespmem:s0+$0xFFFFFEE0] =	vst v48;
	v48 =	vmul.f32 v50, v46  }
0x562: {  	v43 =	vmul.f32 v43, v54;
	v46 =	vmul.f32 v52, v51;
	[tilespmem:s0+$0xFFFFFF40] =	vst v47  }
0x563: {  	[tilespmem:s0+$0xFFFFFF00] =	vst v49  }
0x564: {  	[tilespmem:s0+$0xFFFFFF50] =	vst v45  }
0x565: {  	[tilespmem:s0+$0xFFFFFEF0] =	vst v46  }
0x566: {  	[tilespmem:s0+$0xFFFFFF30] =	vst v44;
	v44 =	vld [tilespmem:s0+$0xFFFFFFD0]  }
0x567: {  	[tilespmem:s0+$0xFFFFFF10] =	vst v43;
	v43 =	vld [tilespmem:s0+$0xFFFFFFE0]  }
0x568: {  	[tilespmem:s0+$0xFFFFFF20] =	vst v48;
	v45 =	vld [tilespmem:s0+$0xFFFFFFB0]  }
0x569: {  	v46 =	vld [tilespmem:s2+$0x63E0]  }
0x56a: {  	v47 =	vld [tilespmem:s0+$0xFFFFFF90]  }
0x56b: {  	v48 =	vld [tilespmem:s0+$0xFFFFFF70]  }
0x56c: {  	v49 =	vld [tilespmem:s0+$0xFFFFFF80]  }
0x56d: {  	v50 =	vld [tilespmem:s0+$0xFFFFFFC0]  }
0x56e: {  	v51 =	vbroadcast v46, $0x0;
	v52 =	vbroadcast v46, $0x1;
	v53 =	vld [tilespmem:s0+$0xFFFFFFA0]  }
0x56f: {  	v54 =	vbroadcast v46, $0x2;
	v46 =	vbroadcast v46, $0x3  }
0x570: {  	v48 =	vmul.f32 v51, v48;
	v47 =	vmul.f32 v47, v52  }
0x571: {  	v45 =	vmul.f32 v45, v54;
	v49 =	vmul.f32 v49, v51  }
0x572: {  	v43 =	vmul.f32 v43, v46;
	[tilespmem:s0+$0xFFFFFF90] =	vst v47;
	v47 =	vmul.f32 v50, v54  }
0x573: {  	v44 =	vmul.f32 v44, v46;
	[tilespmem:s0+$0xFFFFFF80] =	vst v49;
	v49 =	vmul.f32 v53, v52  }
0x574: {  	[tilespmem:s0+$0xFFFFFFE0] =	vst v43  }
0x575: {  	[tilespmem:s0+$0xFFFFFFA0] =	vst v49  }
0x576: {  	[tilespmem:s0+$0xFFFFFFB0] =	vst v45  }
0x577: {  	[tilespmem:s0+$0xFFFFFF70] =	vst v48  }
0x578: {  	[tilespmem:s0+$0xFFFFFFD0] =	vst v44;
	v43 =	vld [tilespmem:s0+$0x70]  }
0x579: {  	[tilespmem:s0+$0xFFFFFFC0] =	vst v47;
	v44 =	vld [tilespmem:s0+$0x20]  }
.Ltmp5:
0x57a: {  	v47 =	vld [tilespmem:s2+$0x63F0];
	(pc) =	sbr.rel @p0 .LBB2_11-.Ltmp5, $4  }
0x57b: {  	v49 =	vld [tilespmem:s0+$0x60]  }
0x57c: {  	v45 =	vld [tilespmem:s0+$0x30]  }
0x57d: {  	v48 =	vld [tilespmem:s0+$0x40]  }
0x57e: {  	v46 =	vld [tilespmem:s0+$0x50]  }
0x57f: {  	v50 =	vbroadcast v47, $0x3;
	_ =	sdelay $0x1  }
0x580: {  	v51 =	vbroadcast v47, $0x1;
	v43 =	vmul.f32 v43, v50  }
0x581: {  	v49 =	vmul.f32 v49, v50  }
0x582: {  	v55 =	vbroadcast v47, $0x0;
	v44 =	vmul.f32 v44, v51;
	[tilespmem:s1+$0x70] =	vst v43  }
0x583: {  	v45 =	vmul.f32 v45, v51;
	[tilespmem:s1+$0x60] =	vst v49  }
0x584: {  	v52 =	vbroadcast v47, $0x2;
	v41 =	vmul.f32 v41, v55;
	[tilespmem:s1+$0x20] =	vst v44  }
0x585: {  	v42 =	vmul.f32 v55, v42;
	[tilespmem:s1+$0x30] =	vst v45  }
0x586: {  	v56 =	vmul.f32 v48, v52;
	[tilespmem:s1+$0x10] =	vst v41  }
0x587: {  	v57 =	vmul.f32 v46, v52;
	[tilespmem:s1+$0x0] =	vst v42  }
0x588: {  	[tilespmem:s1+$0x40] =	vst v56  }
0x589: {  	[tilespmem:s1+$0x50] =	vst v57  }
0x58a: {  	v41 =	vld [tilespmem:s2+$0x6400];
	_ =	sdelay $0x1  }
0x58b: {  	v58 =	vld [tilespmem:s1+$0x90]  }
0x58c: {  	v59 =	vld [tilespmem:s1+$0xF0]  }
0x58d: {  	v60 =	vld [tilespmem:s1+$0x100]  }
0x58e: {  	v57 =	vld [tilespmem:s1+$0xA0];
	v46 =	vbroadcast v41, $0x0  }
0x58f: {  	v61 =	vld [tilespmem:s1+$0xC0];
	v63 =	vbroadcast v41, $0x3  }
0x590: {  	v62 =	vld [tilespmem:s1+$0xE0];
	v42 =	vmul.f32 v46, v58  }
0x591: {  	v56 =	vld [tilespmem:s1+$0xB0];
	v43 =	vmul.f32 v59, v63  }
0x592: {  	v58 =	vbroadcast v41, $0x1;
	v59 =	vld [tilespmem:s1+$0xD0];
	v44 =	vmul.f32 v60, v63;
	[tilespmem:s1+$0x90] =	vst v42  }
0x593: {  	v41 =	vbroadcast v41, $0x2;
	v63 =	vmul.f32 v57, v46;
	[tilespmem:s1+$0xF0] =	vst v43  }
0x594: {  	v60 =	vmul.f32 v61, v58;
	[tilespmem:s1+$0x100] =	vst v44  }
0x595: {  	v61 =	vmul.f32 v62, v41;
	[tilespmem:s1+$0xA0] =	vst v63  }
0x596: {  	v62 =	vmul.f32 v56, v58;
	[tilespmem:s1+$0xC0] =	vst v60  }
0x597: {  	[tilespmem:s1+$0xE0] =	vst v61;
	v41 =	vmul.f32 v59, v41  }
0x598: {  	[tilespmem:s1+$0xB0] =	vst v62  }
0x599: {  	[tilespmem:s1+$0xD0] =	vst v41  }
0x59a: {  	[spmem:s16] =	stream.indirect.scatter.add.f32 [tilespmem:s9], [sflag:$0x3], $0x90, s10, s8, $0xb8;
	[tilespmem:$0x1FF40] =	vst v63  }
0x59b: {  	_ = 	snop  }
0x59c: {  	[spmem:s19] =	stream.indirect.scatter.add.f32 [tilespmem:s17], [sflag:$0x3], $0x10, s10, s8, $0xb8;
	[tilespmem:$0x1FF40] =	vst v63  }
0x59d: {  	_ =	swait.ge [sflag:s29], $0x2D00  }
0x59e: {  	[sflag:s29] =	ssyncset.done $0x0  }
0x59f: {  	[sflag:s29] =	ssyncadd.s32 $0xFFFFD300  }
0x5a0: {  	_ =	swait.ge [sflag:s29], $0x500  }
0x5a1: {  	[sflag:s29] =	ssyncset.done $0x0  }
0x5a2: {  	[sflag:s29] =	ssyncadd.s32 $0xFFFFFB00  }
0x5a3: {  	[bflag:$0x0] =	sbarrier.arrive $0xFFFF  }
0x5a4: {  	s0 =	rddreg [dreg:$0x15]  }
0x5a5: {  	[tilespmem:s9], [sflag:$0x4] =	stream.linear.gather [spmem:s0], $0x2D00, $0x38;
	[tilespmem:$0x1FF40] =	vst v63  }
0x5a6: {  	_ =	swait.ge [sflag:s15], $0x2D00  }
0x5a7: {  	[sflag:s15] =	ssyncset.done $0x0  }
0x5a8: {  	s6 =	rddreg [dreg:$0x5];
	[sflag:s15] =	ssyncadd.s32 $0xFFFFD300  }
0x5a9: {  	[hbm4b:s6+s9] =	stream.linear.scatter [tilespmem:s9], [sflag:$0x4], $0x2D00, $0x38;
	[tilespmem:$0x1FF40] =	vst v63  }
0x5aa: {  	_ =	swait.ge [sflag:s15], $0x2D00  }
0x5ab: {  	[sflag:s15] =	ssyncset.done $0x0  }
0x5ac: {  	s1 =	rddreg [dreg:$0x16];
	[sflag:s15] =	ssyncadd.s32 $0xFFFFD300  }
0x5ad: {  	[tilespmem:s17], [sflag:$0x4] =	stream.linear.gather [spmem:s1], $0x500, $0x38;
	[tilespmem:$0x1FF40] =	vst v63  }
0x5ae: {  	_ =	swait.ge [sflag:s15], $0x500  }
0x5af: {  	[sflag:s15] =	ssyncset.done $0x0  }
0x5b0: {  	s2 =	rddreg [dreg:$0xd];
	[sflag:s15] =	ssyncadd.s32 $0xFFFFFB00  }
0x5b1: {  	[hbm4b:s2+s9] =	stream.linear.scatter [tilespmem:s17], [sflag:$0x4], $0x500, $0x38;
	[tilespmem:$0x1FF40] =	vst v63  }
0x5b2: {  	_ =	swait.ge [sflag:s15], $0x500  }
0x5b3: {  	[sflag:s15] =	ssyncset.done $0x0  }
0x5b4: {  	s3 =	rddreg [dreg:$0x17];
	[sflag:s15] =	ssyncadd.s32 $0xFFFFFB00  }
0x5b5: {  	[tilespmem:s9], [sflag:$0x4] =	stream.linear.gather [spmem:s3], $0x2D00, $0x38;
	[tilespmem:$0x1FF40] =	vst v63  }
0x5b6: {  	_ =	swait.ge [sflag:s15], $0x2D00  }
0x5b7: {  	[sflag:s15] =	ssyncset.done $0x0  }
0x5b8: {  	s4 =	rddreg [dreg:$0x6];
	[sflag:s15] =	ssyncadd.s32 $0xFFFFD300  }
0x5b9: {  	[hbm4b:s4+s9] =	stream.linear.scatter [tilespmem:s9], [sflag:$0x4], $0x2D00, $0x38;
	[tilespmem:$0x1FF40] =	vst v63  }
0x5ba: {  	_ =	swait.ge [sflag:s15], $0x2D00  }
0x5bb: {  	[sflag:s15] =	ssyncset.done $0x0  }
0x5bc: {  	s5 =	rddreg [dreg:$0x18];
	[sflag:s15] =	ssyncadd.s32 $0xFFFFD300  }
0x5bd: {  	[tilespmem:s17], [sflag:$0x4] =	stream.linear.gather [spmem:s5], $0x500, $0x38;
	[tilespmem:$0x1FF40] =	vst v63  }
0x5be: {  	_ =	swait.ge [sflag:s15], $0x500  }
0x5bf: {  	[sflag:s15] =	ssyncset.done $0x0  }
0x5c0: {  	s6 =	rddreg [dreg:$0xe];
	[sflag:s15] =	ssyncadd.s32 $0xFFFFFB00  }
0x5c1: {  	[hbm4b:s6+s9] =	stream.linear.scatter [tilespmem:s17], [sflag:$0x4], $0x500, $0x38;
	[tilespmem:$0x1FF40] =	vst v63  }
0x5c2: {  	_ =	swait.ge [sflag:s15], $0x500  }
0x5c3: {  	[sflag:s15] =	ssyncset.done $0x0  }
0x5c4: {  	s1 =	rddreg [dreg:$0x19];
	[sflag:s15] =	ssyncadd.s32 $0xFFFFFB00  }
0x5c5: {  	[tilespmem:s9], [sflag:$0x4] =	stream.linear.gather [spmem:s1], $0x2D00, $0x38;
	[tilespmem:$0x1FF40] =	vst v63  }
0x5c6: {  	_ =	swait.ge [sflag:s15], $0x2D00  }
0x5c7: {  	[sflag:s15] =	ssyncset.done $0x0  }
0x5c8: {  	s2 =	rddreg [dreg:$0x7];
	[sflag:s15] =	ssyncadd.s32 $0xFFFFD300  }
0x5c9: {  	[hbm4b:s2+s9] =	stream.linear.scatter [tilespmem:s9], [sflag:$0x4], $0x2D00, $0x38;
	[tilespmem:$0x1FF40] =	vst v63  }
0x5ca: {  	_ =	swait.ge [sflag:s15], $0x2D00  }
0x5cb: {  	[sflag:s15] =	ssyncset.done $0x0  }
0x5cc: {  	s3 =	rddreg [dreg:$0x1a];
	[sflag:s15] =	ssyncadd.s32 $0xFFFFD300  }
0x5cd: {  	[tilespmem:s17], [sflag:$0x4] =	stream.linear.gather [spmem:s3], $0x500, $0x38;
	[tilespmem:$0x1FF40] =	vst v63  }
0x5ce: {  	_ =	swait.ge [sflag:s15], $0x500  }
0x5cf: {  	[sflag:s15] =	ssyncset.done $0x0  }
0x5d0: {  	s4 =	rddreg [dreg:$0xf];
	[sflag:s15] =	ssyncadd.s32 $0xFFFFFB00  }
0x5d1: {  	[hbm4b:s4+s9] =	stream.linear.scatter [tilespmem:s17], [sflag:$0x4], $0x500, $0x38;
	[tilespmem:$0x1FF40] =	vst v63  }
0x5d2: {  	_ =	swait.ge [sflag:s15], $0x500  }
0x5d3: {  	[sflag:s15] =	ssyncset.done $0x0  }
0x5d4: {  	s5 =	rddreg [dreg:$0x1b];
	[sflag:s15] =	ssyncadd.s32 $0xFFFFFB00  }
0x5d5: {  	[tilespmem:s9], [sflag:$0x4] =	stream.linear.gather [spmem:s5], $0x2D00, $0x38;
	[tilespmem:$0x1FF40] =	vst v63  }
0x5d6: {  	_ =	swait.ge [sflag:s15], $0x2D00  }
0x5d7: {  	[sflag:s15] =	ssyncset.done $0x0  }
0x5d8: {  	s6 =	rddreg [dreg:$0x8];
	[sflag:s15] =	ssyncadd.s32 $0xFFFFD300  }
0x5d9: {  	[hbm4b:s6+s9] =	stream.linear.scatter [tilespmem:s9], [sflag:$0x4], $0x2D00, $0x38;
	[tilespmem:$0x1FF40] =	vst v63  }
0x5da: {  	_ =	swait.ge [sflag:s15], $0x2D00  }
0x5db: {  	[sflag:s15] =	ssyncset.done $0x0  }
0x5dc: {  	s1 =	rddreg [dreg:$0x1c];
	[sflag:s15] =	ssyncadd.s32 $0xFFFFD300  }
0x5dd: {  	[tilespmem:s17], [sflag:$0x4] =	stream.linear.gather [spmem:s1], $0x500, $0x38;
	[tilespmem:$0x1FF40] =	vst v63  }
0x5de: {  	_ =	swait.ge [sflag:s15], $0x500  }
0x5df: {  	[sflag:s15] =	ssyncset.done $0x0  }
0x5e0: {  	s2 =	rddreg [dreg:$0x10];
	[sflag:s15] =	ssyncadd.s32 $0xFFFFFB00  }
0x5e1: {  	[hbm4b:s2+s9] =	stream.linear.scatter [tilespmem:s17], [sflag:$0x4], $0x500, $0x38;
	[tilespmem:$0x1FF40] =	vst v63  }
0x5e2: {  	_ =	swait.ge [sflag:s15], $0x500  }
0x5e3: {  	[sflag:s15] =	ssyncset.done $0x0  }
0x5e4: {  	s3 =	rddreg [dreg:$0x1d];
	[sflag:s15] =	ssyncadd.s32 $0xFFFFFB00  }
0x5e5: {  	[tilespmem:s9], [sflag:$0x4] =	stream.linear.gather [spmem:s3], $0x2D00, $0x38;
	[tilespmem:$0x1FF40] =	vst v63  }
0x5e6: {  	_ =	swait.ge [sflag:s15], $0x2D00  }
0x5e7: {  	[sflag:s15] =	ssyncset.done $0x0  }
0x5e8: {  	s4 =	rddreg [dreg:$0x9];
	[sflag:s15] =	ssyncadd.s32 $0xFFFFD300  }
0x5e9: {  	[hbm4b:s4+s9] =	stream.linear.scatter [tilespmem:s9], [sflag:$0x4], $0x2D00, $0x38;
	[tilespmem:$0x1FF40] =	vst v63  }
0x5ea: {  	_ =	swait.ge [sflag:s15], $0x2D00  }
0x5eb: {  	[sflag:s15] =	ssyncset.done $0x0  }
0x5ec: {  	s5 =	rddreg [dreg:$0x1e];
	[sflag:s15] =	ssyncadd.s32 $0xFFFFD300  }
0x5ed: {  	[tilespmem:s17], [sflag:$0x4] =	stream.linear.gather [spmem:s5], $0x500, $0x38;
	[tilespmem:$0x1FF40] =	vst v63  }
0x5ee: {  	_ =	swait.ge [sflag:s15], $0x500  }
0x5ef: {  	[sflag:s15] =	ssyncset.done $0x0  }
0x5f0: {  	s6 =	rddreg [dreg:$0x11];
	[sflag:s15] =	ssyncadd.s32 $0xFFFFFB00  }
0x5f1: {  	[hbm4b:s6+s9] =	stream.linear.scatter [tilespmem:s17], [sflag:$0x4], $0x500, $0x38;
	[tilespmem:$0x1FF40] =	vst v63  }
0x5f2: {  	_ =	swait.ge [sflag:s15], $0x500  }
0x5f3: {  	[sflag:s15] =	ssyncset.done $0x0  }
0x5f4: {  	s1 =	rddreg [dreg:$0x1f];
	[sflag:s15] =	ssyncadd.s32 $0xFFFFFB00  }
0x5f5: {  	[tilespmem:s9], [sflag:$0x4] =	stream.linear.gather [spmem:s1], $0x2D00, $0x38;
	[tilespmem:$0x1FF40] =	vst v63  }
0x5f6: {  	_ =	swait.ge [sflag:s15], $0x2D00  }
0x5f7: {  	[sflag:s15] =	ssyncset.done $0x0  }
0x5f8: {  	s2 =	rddreg [dreg:$0xa];
	[sflag:s15] =	ssyncadd.s32 $0xFFFFD300  }
0x5f9: {  	[hbm4b:s2+s9] =	stream.linear.scatter [tilespmem:s9], [sflag:$0x4], $0x2D00, $0x38;
	[tilespmem:$0x1FF40] =	vst v63  }
0x5fa: {  	_ =	swait.ge [sflag:s15], $0x2D00  }
0x5fb: {  	s3 =	sld [smem:$0x7F7]  }
0x5fc: {  	[sflag:s15] =	ssyncset.done $0x0  }
0x5fd: {  	[sflag:s15] =	ssyncadd.s32 $0xFFFFD300  }
0x5fe: {  	[tilespmem:s17], [sflag:$0x4] =	stream.linear.gather [spmem:s3], $0x500, $0x38;
	[tilespmem:$0x1FF40] =	vst v63  }
0x5ff: {  	_ =	swait.ge [sflag:s15], $0x500  }
0x600: {  	[sflag:s15] =	ssyncset.done $0x0  }
0x601: {  	s4 =	rddreg [dreg:$0x12];
	[sflag:s15] =	ssyncadd.s32 $0xFFFFFB00  }
0x602: {  	[hbm4b:s4+s9] =	stream.linear.scatter [tilespmem:s17], [sflag:$0x4], $0x500, $0x38;
	[tilespmem:$0x1FF40] =	vst v63  }
0x603: {  	_ =	swait.ge [sflag:s15], $0x500  }
0x604: {  	s5 =	sld [smem:$0x7F8]  }
0x605: {  	[sflag:s15] =	ssyncset.done $0x0  }
0x606: {  	[sflag:s15] =	ssyncadd.s32 $0xFFFFFB00  }
0x607: {  	[tilespmem:s9], [sflag:$0x4] =	stream.linear.gather [spmem:s5], $0x2D00, $0x38;
	[tilespmem:$0x1FF40] =	vst v63  }
0x608: {  	_ =	swait.ge [sflag:s15], $0x2D00  }
0x609: {  	[sflag:s15] =	ssyncset.done $0x0  }
0x60a: {  	s6 =	rddreg [dreg:$0xb];
	[sflag:s15] =	ssyncadd.s32 $0xFFFFD300  }
0x60b: {  	[hbm4b:s6+s9] =	stream.linear.scatter [tilespmem:s9], [sflag:$0x4], $0x2D00, $0x38;
	[tilespmem:$0x1FF40] =	vst v63  }
0x60c: {  	_ =	swait.ge [sflag:s15], $0x2D00  }
0x60d: {  	s1 =	sld [smem:$0x7F9]  }
0x60e: {  	[sflag:s15] =	ssyncset.done $0x0  }
0x60f: {  	[sflag:s15] =	ssyncadd.s32 $0xFFFFD300  }
0x610: {  	[tilespmem:s17], [sflag:$0x4] =	stream.linear.gather [spmem:s1], $0x500, $0x38;
	[tilespmem:$0x1FF40] =	vst v63  }
0x611: {  	_ =	swait.ge [sflag:s15], $0x500  }
0x612: {  	[sflag:s15] =	ssyncset.done $0x0  }
0x613: {  	s2 =	rddreg [dreg:$0x13];
	[sflag:s15] =	ssyncadd.s32 $0xFFFFFB00  }
0x614: {  	[hbm4b:s2+s9] =	stream.linear.scatter [tilespmem:s17], [sflag:$0x4], $0x500, $0x38;
	[tilespmem:$0x1FF40] =	vst v63  }
0x615: {  	_ =	swait.ge [sflag:s15], $0x500  }
0x616: {  	s3 =	sld [smem:$0x7FA]  }
0x617: {  	[sflag:s15] =	ssyncset.done $0x0  }
0x618: {  	[sflag:s15] =	ssyncadd.s32 $0xFFFFFB00  }
0x619: {  	[tilespmem:s9], [sflag:$0x4] =	stream.linear.gather [spmem:s3], $0x2D00, $0x38;
	[tilespmem:$0x1FF40] =	vst v63  }
0x61a: {  	_ =	swait.ge [sflag:s15], $0x2D00  }
0x61b: {  	[sflag:s15] =	ssyncset.done $0x0  }
0x61c: {  	s4 =	rddreg [dreg:$0xc];
	[sflag:s15] =	ssyncadd.s32 $0xFFFFD300  }
0x61d: {  	[hbm4b:s4+s9] =	stream.linear.scatter [tilespmem:s9], [sflag:$0x4], $0x2D00, $0x38;
	[tilespmem:$0x1FF40] =	vst v63  }
0x61e: {  	_ =	swait.ge [sflag:s15], $0x2D00  }
0x61f: {  	[sflag:s15] =	ssyncset.done $0x0  }
0x620: {  	[sflag:s15] =	ssyncadd.s32 $0xFFFFD300  }
0x621: {  	[tilespmem:s17], [sflag:$0x4] =	stream.linear.gather [spmem:s7], $0x500, $0x38;
	[tilespmem:$0x1FF40] =	vst v63  }
0x622: {  	_ =	swait.ge [sflag:s15], $0x500  }
0x623: {  	[sflag:s15] =	ssyncset.done $0x0  }
0x624: {  	s5 =	rddreg [dreg:$0x14];
	[sflag:s15] =	ssyncadd.s32 $0xFFFFFB00  }
0x625: {  	[hbm4b:s5+s9] =	stream.linear.scatter [tilespmem:s17], [sflag:$0x4], $0x500, $0x38;
	[tilespmem:$0x1FF40] =	vst v63  }
0x626: {  	_ =	swait.ge [sflag:s15], $0x500  }
0x627: {  	s6 =	sld [smem:$0x7FD];
	_ =	sdelay $0x1  }
0x628: {  	s18 =	sadd.s32 $0x1, s18  }
0x629: {  	p0 =	sne.s32 s18, s6  }
.Ltmp6:
0x62a: {  	_ = 	snop;
	(pc) =	sbr.rel @p0 .LBB2_1-.Ltmp6, $3  }
0x62b: {  	_ =	sdelay $0x1  }
0x62c: {  	[sflag:s15] =	ssyncset.done $0x0  }
0x62d: {  	[sflag:s15] =	ssyncadd.s32 $0xFFFFFB00  }
0x62e: {  	_ =	sfence.sel $0x180000  }
0x62f: {  	[bflag:$0x0] =	sbarrier.arrive $0xFFFF  }
0x630: {  	_ =	strace $0x90000047  }
0x631: {  	s0 =	stileid.u32;
	[bflag:$0x2] =	sbarrier.arrive $0xFFFF  }
0x632: {  	p0 =	sne.s32 s0, $0x0;
	s0 =	rddreg [dreg:$0x4]  }
0x633: {  	s0 =	sadd.s32 @!p0 $0x100000, s0  }
0x634: {  	[sflag:s0] =	ssyncadd.tile.s32 @!p0 $0x1;
	_ =	shalt  }
.Lfunc_end2:
_tile_overlayer_lowered:
.L_overlay_start_2:
0x635: {  	(tag) =	ssettag $0x2  }
0x636: {  	s0 =	rddreg [dreg:$0x0];
	s2 =	stileid.u32  }
0x637: {  	s1 =	rddreg [dreg:$0x1];
	p0 =	sne.s32 s2, $0x0  }
0x638: {  	s3 =	rddreg [dreg:$0x2];
	[bflag:$0x3] =	sbarrier.arrive $0xFFFF;
	s2 =	simm.s32 @!p0 $0x1C04  }
0x639: {  	[timem:s3], [sflag:s2] =	dma.local @!p0 [hbm:s0], s1  }
0x63a: {  	s0 =	simm.s32 @!p0 $0x4  }
0x63b: {  	_ =	swait.ge @!p0 [sflag:s0], s1  }
0x63c: {  	s1 =	ssub.s32 @!p0 $0x0, s1;
	[sflag:s0] =	ssyncset.done @!p0 $0x0  }
0x63d: {  	[sflag:s0] =	ssyncadd.s32 @!p0 s1  }
0x63e: {  	[bflag:$0x3] =	sbarrier.arrive $0xFFFF  }
0x63f: {  	_ =	shalt  }

</sc_bundles>
